<compile_context>
chip_gen: v7x
topology: tpu7x:2x2x1
jax: 0.10.2.dev20260603
libtpu: 0.0.44.dev20260713+nightly
codegen_flags: <defaults>
</compile_context>

<pallas_src>
import functools

import jax
import jax.numpy as jnp
from jax import lax
from jax.experimental import pallas as pl
from jax.experimental.pallas import tpu as pltpu
from jax.experimental.pallas import tpu_sc as plsc

N = 10000
H = 128
E = 320000
G = 64
L = 3

NC = 2
NS = 16
NTILES = NC * NS
CHUNK = 128
NCHUNK = 80
EPAD = NTILES * NCHUNK * CHUNK
NPAD = 10240
ZROWS = NPAD // NS
RCHUNK = 128



def _sc_aggregate_body(rh_hbm, idx_hbm, out_hbm,
                       idxb, rows, aggr, gsem0, gsem1,
                       isem0, isem1, isem2, isem3):
    c = lax.axis_index("c")
    s = lax.axis_index("s")

    z16 = jnp.zeros((16,), jnp.float32)

    def _zero_row(i, carry):
        for k in range(H // 16):
            rows[0, i, pl.ds(k * 16, 16)] = z16
        return carry

    with jax.named_scope("sc_zero"):
        lax.fori_loop(0, CHUNK, _zero_row, 0)

        def _zero_slab(k, carry):
            pltpu.sync_copy(rows.at[0],
                            aggr.at[pl.ds(s * ZROWS + k * CHUNK, CHUNK)])
            return carry

        lax.fori_loop(0, ZROWS // CHUNK, _zero_slab, 0)
        plsc.subcore_barrier()

    gsems = (gsem0, gsem1)
    isems = (isem0, isem1, isem2, isem3)

    def _idx_fetch(j, ib):
        pltpu.async_copy(idx_hbm.at[c, s, j], idxb.at[ib], isems[ib])

    def _idx_wait(ib):
        pltpu.make_async_copy(idx_hbm.at[c, s, 0], idxb.at[ib],
                              isems[ib]).wait()

    def _gather(ib, b):
        pltpu.async_copy(rh_hbm.at[idxb.at[ib, 0]], rows.at[b], gsems[b])

    def _gather_wait(b):
        pltpu.make_async_copy(rh_hbm.at[idxb.at[0, 0]], rows.at[b],
                              gsems[b]).wait()

    def _scatter(ib, b):
        pltpu.sync_copy(rows.at[b], aggr.at[idxb.at[ib, 1]], add=True)

    with jax.named_scope("sc_mainloop"):
        for j0 in range(4):
            _idx_fetch(j0, j0)
        for j0 in range(2):
            _idx_wait(j0)
            _gather(j0, j0)

        def _round(g, carry):
            for slot in range(4):
                j = 4 * g + slot
                b = slot % 2
                _gather_wait(b)
                _scatter(slot, b)

                @pl.when(j + 4 < NCHUNK)
                def _():
                    _idx_fetch(j + 4, slot)

                @pl.when(j + 2 < NCHUNK)
                def _():
                    _idx_wait((slot + 2) % 4)
                    _gather((slot + 2) % 4, b)

            return carry

        lax.fori_loop(0, NCHUNK // 4, _round, 0)
        plsc.subcore_barrier()

    with jax.named_scope("sc_writeback"):
        for k in range(ZROWS // RCHUNK):
            r0 = s * ZROWS + k * RCHUNK
            pltpu.sync_copy(aggr.at[pl.ds(r0, RCHUNK)],
                            out_hbm.at[c, pl.ds(r0, RCHUNK)])


@functools.cache
def _sc_aggregate():
    return pl.kernel(
        _sc_aggregate_body,
        out_type=jax.ShapeDtypeStruct((NC, NPAD, H), jnp.float32),
        mesh=plsc.VectorSubcoreMesh(core_axis_name="c", subcore_axis_name="s",
                                    num_cores=NC, num_subcores=NS),
        scratch_types=[
            pltpu.VMEM((4, 2, CHUNK), jnp.int32),
            pltpu.VMEM((2, CHUNK, H), jnp.float32),
            pltpu.VMEM_SHARED((NPAD, H), jnp.float32),
            pltpu.SemaphoreType.DMA,
            pltpu.SemaphoreType.DMA,
            pltpu.SemaphoreType.DMA,
            pltpu.SemaphoreType.DMA,
            pltpu.SemaphoreType.DMA,
            pltpu.SemaphoreType.DMA,
        ],
    )



BLK = 2000


def _inproj_body(x_ref, w_ref, b_ref, h_ref, rh_ref):
    z = jnp.dot(x_ref[...], w_ref[...], preferred_element_type=jnp.float32)
    z = z + b_ref[...]
    hz = z * jax.nn.sigmoid(z)
    h_ref[...] = hz
    rh_ref[...] = jnp.maximum(hz, 0.0)


_inproj = pl.pallas_call(
    _inproj_body,
    grid=(N // BLK,),
    in_specs=[
        pl.BlockSpec((BLK, H), lambda i: (i, 0)),
        pl.BlockSpec((H, H), lambda i: (0, 0)),
        pl.BlockSpec((1, H), lambda i: (0, 0)),
    ],
    out_specs=[pl.BlockSpec((BLK, H), lambda i: (i, 0))] * 2,
    out_shape=[jax.ShapeDtypeStruct((N, H), jnp.float32)] * 2,
)


def _layer_body(h_ref, p_ref, w_ref, b_ref, ga_ref, be_ref, out_ref, rh_ref):
    h0 = h_ref[...]
    p = p_ref[...]
    t = h0 + p[0] + p[1]
    z = jnp.dot(t, w_ref[...], preferred_element_type=jnp.float32)
    z = z + b_ref[...]
    mu = jnp.mean(z, axis=-1, keepdims=True)
    zc = z - mu
    var = jnp.mean(zc * zc, axis=-1, keepdims=True)
    zn = zc * lax.rsqrt(var + 1e-5) * ga_ref[...] + be_ref[...]
    zs = zn * jax.nn.sigmoid(zn)
    hn = zs + h0
    out_ref[...] = hn
    rh_ref[...] = jnp.maximum(hn, 0.0)


_layer = pl.pallas_call(
    _layer_body,
    grid=(N // BLK,),
    in_specs=[
        pl.BlockSpec((BLK, H), lambda i: (i, 0)),
        pl.BlockSpec((NC, BLK, H), lambda i: (0, i, 0)),
        pl.BlockSpec((H, H), lambda i: (0, 0)),
        pl.BlockSpec((1, H), lambda i: (0, 0)),
        pl.BlockSpec((1, H), lambda i: (0, 0)),
        pl.BlockSpec((1, H), lambda i: (0, 0)),
    ],
    out_specs=[pl.BlockSpec((BLK, H), lambda i: (i, 0))] * 2,
    out_shape=[jax.ShapeDtypeStruct((N, H), jnp.float32)] * 2,
)


def _layer_pool_body(h_ref, p_ref, w_ref, b_ref, ga_ref, be_ref, batch_ref,
                     out_ref, acc_s, acc_c):
    i = pl.program_id(0)
    h0 = h_ref[...]
    p = p_ref[...]
    t = h0 + p[0] + p[1]
    z = jnp.dot(t, w_ref[...], preferred_element_type=jnp.float32)
    z = z + b_ref[...]
    mu = jnp.mean(z, axis=-1, keepdims=True)
    zc = z - mu
    var = jnp.mean(zc * zc, axis=-1, keepdims=True)
    zn = zc * lax.rsqrt(var + 1e-5) * ga_ref[...] + be_ref[...]
    zs = zn * jax.nn.sigmoid(zn)
    hn = zs + h0
    gids = lax.broadcasted_iota(jnp.int32, (BLK, G), 1)
    m = (batch_ref[...] == gids).astype(jnp.float32)
    sums = lax.dot_general(m, hn, (((0,), (0,)), ((), ())),
                           preferred_element_type=jnp.float32)
    ones = jnp.ones((BLK, 1), jnp.float32)
    counts = lax.dot_general(m, ones, (((0,), (0,)), ((), ())),
                             preferred_element_type=jnp.float32)

    @pl.when(i == 0)
    def _():
        acc_s[...] = jnp.zeros_like(acc_s)
        acc_c[...] = jnp.zeros_like(acc_c)

    acc_s[...] += sums
    acc_c[...] += counts

    @pl.when(i == N // BLK - 1)
    def _():
        out_ref[...] = acc_s[...] / jnp.maximum(acc_c[...], 1.0)


_layer_pool = pl.pallas_call(
    _layer_pool_body,
    grid=(N // BLK,),
    in_specs=[
        pl.BlockSpec((BLK, H), lambda i: (i, 0)),
        pl.BlockSpec((NC, BLK, H), lambda i: (0, i, 0)),
        pl.BlockSpec((H, H), lambda i: (0, 0)),
        pl.BlockSpec((1, H), lambda i: (0, 0)),
        pl.BlockSpec((1, H), lambda i: (0, 0)),
        pl.BlockSpec((1, H), lambda i: (0, 0)),
        pl.BlockSpec((BLK, 1), lambda i: (i, 0)),
    ],
    out_specs=pl.BlockSpec((G, H), lambda i: (0, 0)),
    out_shape=jax.ShapeDtypeStruct((G, H), jnp.float32),
    scratch_shapes=[
        pltpu.VMEM((G, H), jnp.float32),
        pltpu.VMEM((G, 1), jnp.float32),
    ],
)


def kernel(x, edge_index, batch, W_in, b_in, W, b, gamma, beta):
    pad = EPAD - E
    ar = jnp.arange(pad, dtype=jnp.int32)
    pad_cols = jnp.stack([ar % N, N + ar % (NPAD - N)])
    ei_p = jnp.concatenate([edge_index, pad_cols], axis=1)
    v = ei_p.reshape(2, NC, NS, NCHUNK, CHUNK)
    idx = jnp.stack([v[0], v[1]], axis=3)

    h, rh = _inproj(x, W_in, b_in.reshape(1, H))
    for l in range(L - 1):
        parts = _sc_aggregate()(rh, idx)
        h, rh = _layer(h, parts, W[l], b[l].reshape(1, H),
                       gamma[l].reshape(1, H), beta[l].reshape(1, H))
    parts = _sc_aggregate()(rh, idx)
    return _layer_pool(h, parts, W[L - 1], b[L - 1].reshape(1, H),
                       gamma[L - 1].reshape(1, H), beta[L - 1].reshape(1, H),
                       batch.reshape(N, 1))

# --- scband reference (transcript-rebuilt; emitter-appended) ---
"""Pipeline reference for scband-drug-encoder-12025908429009 (READ-ONLY COPY).

The authoritative reference and input builder live on the scoring server;
editing this copy changes nothing except your own understanding.
"""

import jax, jax.numpy as jnp
import numpy as np

N = 10000
E = 320000
D_IN = 128
H = 128
L = 3
G = 64


def _layer_norm(h, g, b):
    mu = jnp.mean(h, axis=-1, keepdims=True)
    var = jnp.var(h, axis=-1, keepdims=True)
    return (h - mu) / jnp.sqrt(var + 1e-5) * g + b


def setup_inputs(seed: int = 0) -> dict:
    key = jax.random.key(seed)
    ks = jax.random.split(key, 12)
    inp = {}
    inp["x"] = jax.random.normal(ks[0], (N, D_IN), dtype=jnp.float32)
    inp["edge_index"] = jax.random.randint(ks[1], (2, E), 0, N, dtype=jnp.int32)
    inp["batch"] = jnp.sort(jax.random.randint(ks[2], (N,), 0, G, dtype=jnp.int32))
    # in_proj Linear(node_in_dim, hidden)
    inp["W_in"] = jax.random.normal(ks[3], (D_IN, H), dtype=jnp.float32) / np.sqrt(D_IN)
    inp["b_in"] = jax.random.normal(ks[4], (H,), dtype=jnp.float32) * 0.01
    # GINEConv nn = mlp([hidden, hidden]) -> single Linear(hidden, hidden) per layer
    inp["W"] = jax.random.normal(ks[5], (L, H, H), dtype=jnp.float32) / np.sqrt(H)
    inp["b"] = jax.random.normal(ks[6], (L, H), dtype=jnp.float32) * 0.01
    # LayerNorm params per layer
    inp["gamma"] = 1.0 + 0.1 * jax.random.normal(ks[7], (L, H), dtype=jnp.float32)
    inp["beta"] = 0.1 * jax.random.normal(ks[8], (L, H), dtype=jnp.float32)
    return inp


def reference(x, edge_index, batch, W_in, b_in, W, b, gamma, beta):
    # h = act(in_proj(x))
    h = jax.nn.silu(x @ W_in + b_in)
    src = edge_index[0]
    dst = edge_index[1]
    for l in range(L):
        h_res = h
        # GINEConv with no edge_attr, eps=0: out_i = nn(x_i + sum_{j->i} relu(x_j))
        msg = jax.nn.relu(jnp.take(h, src, axis=0))
        aggr = jax.ops.segment_sum(msg, dst, num_segments=N)
        h2 = (h + aggr) @ W[l] + b[l]
        h2 = _layer_norm(h2, gamma[l], beta[l])
        h2 = jax.nn.silu(h2)
        # dropout is identity in eval mode
        h = h2 + h_res
    # global_mean_pool over graph assignment
    sums = jax.ops.segment_sum(h, batch, num_segments=G)
    counts = jax.ops.segment_sum(jnp.ones((N, 1), dtype=h.dtype), batch, num_segments=G)
    g = sums / jnp.maximum(counts, 1.0)
    return g

if __name__ == "__main__":
    import jax
    _d = setup_inputs()
    print(jax.jit(kernel)(*tuple(_d.values())))

</pallas_src>

<mosaic_0001>
#map = affine_map<(d0, d1) -> (0, 0)>
#map1 = affine_map<(d0, d1) -> (0, 0, 0, 0, 0)>
#map2 = affine_map<(d0, d1) -> (0, 0, 0)>
module attributes {stable_mosaic.version = 14 : i64} {
  func.func @_sc_aggregate_body(%arg0: i32, %arg1: i32, %arg2: memref<10000x128xf32, #tpu.memory_space<hbm>>, %arg3: memref<2x16x80x2x128xi32, #tpu.memory_space<hbm>>, %arg4: memref<2x10240x128xf32, #tpu.memory_space<hbm>>, %arg5: memref<4x2x128xi32, #tpu.memory_space<vmem>>, %arg6: memref<2x128x128xf32, #tpu.memory_space<vmem>>, %arg7: memref<10240x128xf32, #tpu.memory_space<vmem_shared>>, %arg8: memref<!tpu.dma_semaphore, #tpu.memory_space<semaphore_mem>>, %arg9: memref<!tpu.dma_semaphore, #tpu.memory_space<semaphore_mem>>, %arg10: memref<!tpu.dma_semaphore, #tpu.memory_space<semaphore_mem>>, %arg11: memref<!tpu.dma_semaphore, #tpu.memory_space<semaphore_mem>>, %arg12: memref<!tpu.dma_semaphore, #tpu.memory_space<semaphore_mem>>, %arg13: memref<!tpu.dma_semaphore, #tpu.memory_space<semaphore_mem>>) attributes {dimension_semantics = [#tpu.dimension_semantics<core_parallel>, #tpu.dimension_semantics<subcore_parallel>], iteration_bounds = array<i64: 2, 16>, scalar_prefetch = 0 : i64, scratch_operands = 9 : i64, tpu.core_type = #tpu.core_type<sc_vector_subcore>, window_params = [{transform_indices = #map}, {transform_indices = #map1}, {transform_indices = #map2}]} {
    %broadcast_in_dim3A = arith.constant 0.000000e+00 : f32
    %broadcast_in_dim3A_0 = vector.broadcast %broadcast_in_dim3A : f32 to vector<16xf32>
    "tpu.trace_start"() <{level = 10 : i32, message = "sc_zero"}> : () -> ()
    %scan3A = arith.constant 0 : i32
    %scan3A_1 = arith.constant 0 : i32
    %scan3A_2 = arith.constant 128 : i32
    %scan3A_3 = arith.addi %scan3A_1, %scan3A_2 : i32
    %scan3A_4 = arith.constant 1 : i32
    scf.for %scan3A_169 = %scan3A_1 to %scan3A_3 step %scan3A_4  : i32 {
      %swap3A = arith.constant 0 : i32
      %swap3A_170 = arith.index_cast %swap3A : i32 to index
      %swap3A_171 = arith.index_cast %scan3A_169 : i32 to index
      %swap3A_172 = arith.constant 0 : index
      %swap3A_173 = tpu.vector_load %arg6[%swap3A_170, %swap3A_171, %swap3A_172] {strides = array<i32>} : memref<2x128x128xf32, #tpu.memory_space<vmem>>, vector<1x1x16xf32>,
      %swap3A_174 = vector.shape_cast %swap3A_173 : vector<1x1x16xf32> to vector<16xf32>
      %swap3A_175 = vector.shape_cast %broadcast_in_dim3A_0 : vector<16xf32> to vector<1x1x16xf32>
      tpu.vector_store %arg6[%swap3A_170, %swap3A_171, %swap3A_172], %swap3A_175 {strides = array<i32>} : memref<2x128x128xf32, #tpu.memory_space<vmem>>, vector<1x1x16xf32>,
      %swap3A_176 = arith.constant 0 : i32
      %swap3A_177 = arith.index_cast %swap3A_176 : i32 to index
      %swap3A_178 = arith.index_cast %scan3A_169 : i32 to index
      %swap3A_179 = arith.constant 16 : index
      %swap3A_180 = tpu.vector_load %arg6[%swap3A_177, %swap3A_178, %swap3A_179] {strides = array<i32>} : memref<2x128x128xf32, #tpu.memory_space<vmem>>, vector<1x1x16xf32>,
      %swap3A_181 = vector.shape_cast %swap3A_180 : vector<1x1x16xf32> to vector<16xf32>
      %swap3A_182 = vector.shape_cast %broadcast_in_dim3A_0 : vector<16xf32> to vector<1x1x16xf32>
      tpu.vector_store %arg6[%swap3A_177, %swap3A_178, %swap3A_179], %swap3A_182 {strides = array<i32>} : memref<2x128x128xf32, #tpu.memory_space<vmem>>, vector<1x1x16xf32>,
      %swap3A_183 = arith.constant 0 : i32
      %swap3A_184 = arith.index_cast %swap3A_183 : i32 to index
      %swap3A_185 = arith.index_cast %scan3A_169 : i32 to index
      %swap3A_186 = arith.constant 32 : index
      %swap3A_187 = tpu.vector_load %arg6[%swap3A_184, %swap3A_185, %swap3A_186] {strides = array<i32>} : memref<2x128x128xf32, #tpu.memory_space<vmem>>, vector<1x1x16xf32>,
      %swap3A_188 = vector.shape_cast %swap3A_187 : vector<1x1x16xf32> to vector<16xf32>
      %swap3A_189 = vector.shape_cast %broadcast_in_dim3A_0 : vector<16xf32> to vector<1x1x16xf32>
      tpu.vector_store %arg6[%swap3A_184, %swap3A_185, %swap3A_186], %swap3A_189 {strides = array<i32>} : memref<2x128x128xf32, #tpu.memory_space<vmem>>, vector<1x1x16xf32>,
      %swap3A_190 = arith.constant 0 : i32
      %swap3A_191 = arith.index_cast %swap3A_190 : i32 to index
      %swap3A_192 = arith.index_cast %scan3A_169 : i32 to index
      %swap3A_193 = arith.constant 48 : index
      %swap3A_194 = tpu.vector_load %arg6[%swap3A_191, %swap3A_192, %swap3A_193] {strides = array<i32>} : memref<2x128x128xf32, #tpu.memory_space<vmem>>, vector<1x1x16xf32>,
      %swap3A_195 = vector.shape_cast %swap3A_194 : vector<1x1x16xf32> to vector<16xf32>
      %swap3A_196 = vector.shape_cast %broadcast_in_dim3A_0 : vector<16xf32> to vector<1x1x16xf32>
      tpu.vector_store %arg6[%swap3A_191, %swap3A_192, %swap3A_193], %swap3A_196 {strides = array<i32>} : memref<2x128x128xf32, #tpu.memory_space<vmem>>, vector<1x1x16xf32>,
      %swap3A_197 = arith.constant 0 : i32
      %swap3A_198 = arith.index_cast %swap3A_197 : i32 to index
      %swap3A_199 = arith.index_cast %scan3A_169 : i32 to index
      %swap3A_200 = arith.constant 64 : index
      %swap3A_201 = tpu.vector_load %arg6[%swap3A_198, %swap3A_199, %swap3A_200] {strides = array<i32>} : memref<2x128x128xf32, #tpu.memory_space<vmem>>, vector<1x1x16xf32>,
      %swap3A_202 = vector.shape_cast %swap3A_201 : vector<1x1x16xf32> to vector<16xf32>
      %swap3A_203 = vector.shape_cast %broadcast_in_dim3A_0 : vector<16xf32> to vector<1x1x16xf32>
      tpu.vector_store %arg6[%swap3A_198, %swap3A_199, %swap3A_200], %swap3A_203 {strides = array<i32>} : memref<2x128x128xf32, #tpu.memory_space<vmem>>, vector<1x1x16xf32>,
      %swap3A_204 = arith.constant 0 : i32
      %swap3A_205 = arith.index_cast %swap3A_204 : i32 to index
      %swap3A_206 = arith.index_cast %scan3A_169 : i32 to index
      %swap3A_207 = arith.constant 80 : index
      %swap3A_208 = tpu.vector_load %arg6[%swap3A_205, %swap3A_206, %swap3A_207] {strides = array<i32>} : memref<2x128x128xf32, #tpu.memory_space<vmem>>, vector<1x1x16xf32>,
      %swap3A_209 = vector.shape_cast %swap3A_208 : vector<1x1x16xf32> to vector<16xf32>
      %swap3A_210 = vector.shape_cast %broadcast_in_dim3A_0 : vector<16xf32> to vector<1x1x16xf32>
      tpu.vector_store %arg6[%swap3A_205, %swap3A_206, %swap3A_207], %swap3A_210 {strides = array<i32>} : memref<2x128x128xf32, #tpu.memory_space<vmem>>, vector<1x1x16xf32>,
      %swap3A_211 = arith.constant 0 : i32
      %swap3A_212 = arith.index_cast %swap3A_211 : i32 to index
      %swap3A_213 = arith.index_cast %scan3A_169 : i32 to index
      %swap3A_214 = arith.constant 96 : index
      %swap3A_215 = tpu.vector_load %arg6[%swap3A_212, %swap3A_213, %swap3A_214] {strides = array<i32>} : memref<2x128x128xf32, #tpu.memory_space<vmem>>, vector<1x1x16xf32>,
      %swap3A_216 = vector.shape_cast %swap3A_215 : vector<1x1x16xf32> to vector<16xf32>
      %swap3A_217 = vector.shape_cast %broadcast_in_dim3A_0 : vector<16xf32> to vector<1x1x16xf32>
      tpu.vector_store %arg6[%swap3A_212, %swap3A_213, %swap3A_214], %swap3A_217 {strides = array<i32>} : memref<2x128x128xf32, #tpu.memory_space<vmem>>, vector<1x1x16xf32>,
      %swap3A_218 = arith.constant 0 : i32
      %swap3A_219 = arith.index_cast %swap3A_218 : i32 to index
      %swap3A_220 = arith.index_cast %scan3A_169 : i32 to index
      %swap3A_221 = arith.constant 112 : index
      %swap3A_222 = tpu.vector_load %arg6[%swap3A_219, %swap3A_220, %swap3A_221] {strides = array<i32>} : memref<2x128x128xf32, #tpu.memory_space<vmem>>, vector<1x1x16xf32>,
      %swap3A_223 = vector.shape_cast %swap3A_222 : vector<1x1x16xf32> to vector<16xf32>
      %swap3A_224 = vector.shape_cast %broadcast_in_dim3A_0 : vector<16xf32> to vector<1x1x16xf32>
      tpu.vector_store %arg6[%swap3A_219, %swap3A_220, %swap3A_221], %swap3A_224 {strides = array<i32>} : memref<2x128x128xf32, #tpu.memory_space<vmem>>, vector<1x1x16xf32>,
    }
    %scan3A_5 = arith.constant 128 : i32
    %scan3A_6 = arith.constant 0 : i32
    %scan3A_7 = arith.constant 0 : i32
    %scan3A_8 = arith.constant 5 : i32
    %scan3A_9 = arith.addi %scan3A_7, %scan3A_8 : i32
    %scan3A_10 = arith.constant 1 : i32
    scf.for %scan3A_169 = %scan3A_7 to %scan3A_9 step %scan3A_10  : i32 {
      %mul3A_170 = arith.constant 640 : i32
      %mul3A_171 = arith.muli %arg1, %mul3A_170 : i32
      %mul3A_172 = arith.constant 128 : i32
      %mul3A_173 = arith.muli %scan3A_169, %mul3A_172 : i32
      %add3A_174 = arith.addi %mul3A_171, %mul3A_173 : i32
      %run_scoped3A = arith.constant 0 : i32
      "tpu.region"() ({
        %run_scoped3A_175 = tpu.sem_alloc : memref<!tpu.dma_semaphore, #tpu.memory_space<semaphore_mem>>
        %dma_start3A_176 = arith.constant 0 : i32
        %dma_start3A_177 = arith.constant 0 : i32
        %dma_start3A_178 = tpu.memref_slice %arg6[%run_scoped3A, %dma_start3A_176, %dma_start3A_177] : memref<2x128x128xf32, #tpu.memory_space<vmem>> -> memref<1x128x128xf32, #tpu.memory_space<vmem>>
        %dma_start3A_179 = tpu.memref_squeeze %dma_start3A_178 : memref<1x128x128xf32, #tpu.memory_space<vmem>> -> memref<128x128xf32, #tpu.memory_space<vmem>>
        %dma_start3A_180 = arith.constant 0 : i32
        %dma_start3A_181 = tpu.memref_slice %arg7[%add3A_174, %dma_start3A_180] : memref<10240x128xf32, #tpu.memory_space<vmem_shared>> -> memref<128x128xf32, #tpu.memory_space<vmem_shared>>
        %dma_start3A_182 = arith.constant 0 : i32
        %dma_start3A_183 = tpu.memref_slice %arg7[%add3A_174, %dma_start3A_182] : memref<10240x128xf32, #tpu.memory_space<vmem_shared>> -> memref<128x128xf32, #tpu.memory_space<vmem_shared>>
        %dma_start3A_184 = arith.constant 0 : i32
        %dma_start3A_185 = arith.constant 0 : i32
        %dma_start3A_186 = tpu.memref_slice %arg6[%run_scoped3A, %dma_start3A_184, %dma_start3A_185] : memref<2x128x128xf32, #tpu.memory_space<vmem>> -> memref<1x128x128xf32, #tpu.memory_space<vmem>>
        %dma_start3A_187 = tpu.memref_squeeze %dma_start3A_186 : memref<1x128x128xf32, #tpu.memory_space<vmem>> -> memref<128x128xf32, #tpu.memory_space<vmem>>
        tpu.enqueue_dma source(%dma_start3A_187 : memref<128x128xf32, #tpu.memory_space<vmem>>) target(%dma_start3A_183 : memref<128x128xf32, #tpu.memory_space<vmem_shared>>) target_semaphore(%run_scoped3A_175 : memref<!tpu.dma_semaphore, #tpu.memory_space<semaphore_mem>>)
        %dma_wait3A_188 = arith.constant 0 : i32
        %dma_wait3A_189 = arith.constant 0 : i32
        %dma_wait3A_190 = tpu.memref_slice %arg6[%run_scoped3A, %dma_wait3A_188, %dma_wait3A_189] : memref<2x128x128xf32, #tpu.memory_space<vmem>> -> memref<1x128x128xf32, #tpu.memory_space<vmem>>
        %dma_wait3A_191 = tpu.memref_squeeze %dma_wait3A_190 : memref<1x128x128xf32, #tpu.memory_space<vmem>> -> memref<128x128xf32, #tpu.memory_space<vmem>>
        %dma_wait3A_192 = arith.constant 0 : i32
        %dma_wait3A_193 = tpu.memref_slice %arg7[%add3A_174, %dma_wait3A_192] : memref<10240x128xf32, #tpu.memory_space<vmem_shared>> -> memref<128x128xf32, #tpu.memory_space<vmem_shared>>
        %dma_wait3A_194 = arith.constant 0 : i32
        %dma_wait3A_195 = tpu.memref_slice %arg7[%add3A_174, %dma_wait3A_194] : memref<10240x128xf32, #tpu.memory_space<vmem_shared>> -> memref<128x128xf32, #tpu.memory_space<vmem_shared>>
        %dma_wait3A_196 = arith.constant 0 : i32
        %dma_wait3A_197 = arith.constant 0 : i32
        %dma_wait3A_198 = tpu.memref_slice %arg6[%run_scoped3A, %dma_wait3A_196, %dma_wait3A_197] : memref<2x128x128xf32, #tpu.memory_space<vmem>> -> memref<1x128x128xf32, #tpu.memory_space<vmem>>
        %dma_wait3A_199 = tpu.memref_squeeze %dma_wait3A_198 : memref<1x128x128xf32, #tpu.memory_space<vmem>> -> memref<128x128xf32, #tpu.memory_space<vmem>>
        tpu.wait_dma2 semaphore(%run_scoped3A_175 : memref<!tpu.dma_semaphore, #tpu.memory_space<semaphore_mem>>) src(%dma_wait3A_199 : memref<128x128xf32, #tpu.memory_space<vmem>>) dst(%dma_wait3A_195 : memref<128x128xf32, #tpu.memory_space<vmem_shared>>)
        tpu.yield
      }) : () -> ()
    }
    %scan3A_11 = arith.constant 5 : i32
    %barrier3A = arith.constant 0 : index
    tpu.barrier barrier_id(%barrier3A)
    %dma_start3A = arith.constant 0 : i32
    %dma_start3A_12 = arith.constant 0 : i32
    "tpu.trace_stop"() : () -> ()
    "tpu.trace_start"() <{level = 10 : i32, message = "sc_mainloop"}> : () -> ()
    %dma_start3A_13 = arith.constant 0 : i32
    %dma_start3A_14 = arith.constant 0 : i32
    %dma_start3A_15 = tpu.memref_slice %arg5[%dma_start3A_12, %dma_start3A_13, %dma_start3A_14] : memref<4x2x128xi32, #tpu.memory_space<vmem>> -> memref<1x2x128xi32, #tpu.memory_space<vmem>>
    %dma_start3A_16 = tpu.memref_squeeze %dma_start3A_15 : memref<1x2x128xi32, #tpu.memory_space<vmem>> -> memref<2x128xi32, #tpu.memory_space<vmem>>
    %dma_start3A_17 = arith.constant 0 : i32
    %dma_start3A_18 = arith.constant 0 : i32
    %dma_start3A_19 = tpu.memref_slice %arg3[%arg0, %arg1, %dma_start3A, %dma_start3A_17, %dma_start3A_18] : memref<2x16x80x2x128xi32, #tpu.memory_space<hbm>> -> memref<1x1x1x2x128xi32, #tpu.memory_space<hbm>>
    %dma_start3A_20 = tpu.memref_squeeze %dma_start3A_19 : memref<1x1x1x2x128xi32, #tpu.memory_space<hbm>> -> memref<2x128xi32, #tpu.memory_space<hbm>>
    %dma_start3A_21 = arith.constant 0 : i32
    %dma_start3A_22 = arith.constant 0 : i32
    %dma_start3A_23 = tpu.memref_slice %arg5[%dma_start3A_12, %dma_start3A_21, %dma_start3A_22] : memref<4x2x128xi32, #tpu.memory_space<vmem>> -> memref<1x2x128xi32, #tpu.memory_space<vmem>>
    %dma_start3A_24 = tpu.memref_squeeze %dma_start3A_23 : memref<1x2x128xi32, #tpu.memory_space<vmem>> -> memref<2x128xi32, #tpu.memory_space<vmem>>
    %dma_start3A_25 = arith.constant 0 : i32
    %dma_start3A_26 = arith.constant 0 : i32
    %dma_start3A_27 = tpu.memref_slice %arg3[%arg0, %arg1, %dma_start3A, %dma_start3A_25, %dma_start3A_26] : memref<2x16x80x2x128xi32, #tpu.memory_space<hbm>> -> memref<1x1x1x2x128xi32, #tpu.memory_space<hbm>>
    %dma_start3A_28 = tpu.memref_squeeze %dma_start3A_27 : memref<1x1x1x2x128xi32, #tpu.memory_space<hbm>> -> memref<2x128xi32, #tpu.memory_space<hbm>>
    tpu.enqueue_dma source(%dma_start3A_28 : memref<2x128xi32, #tpu.memory_space<hbm>>) target(%dma_start3A_24 : memref<2x128xi32, #tpu.memory_space<vmem>>) target_semaphore(%arg10 : memref<!tpu.dma_semaphore, #tpu.memory_space<semaphore_mem>>)
    %dma_start3A_29 = arith.constant 1 : i32
    %dma_start3A_30 = arith.constant 1 : i32
    %dma_start3A_31 = arith.constant 0 : i32
    %dma_start3A_32 = arith.constant 0 : i32
    %dma_start3A_33 = tpu.memref_slice %arg5[%dma_start3A_30, %dma_start3A_31, %dma_start3A_32] : memref<4x2x128xi32, #tpu.memory_space<vmem>> -> memref<1x2x128xi32, #tpu.memory_space<vmem>>
    %dma_start3A_34 = tpu.memref_squeeze %dma_start3A_33 : memref<1x2x128xi32, #tpu.memory_space<vmem>> -> memref<2x128xi32, #tpu.memory_space<vmem>>
    %dma_start3A_35 = arith.constant 0 : i32
    %dma_start3A_36 = arith.constant 0 : i32
    %dma_start3A_37 = tpu.memref_slice %arg3[%arg0, %arg1, %dma_start3A_29, %dma_start3A_35, %dma_start3A_36] : memref<2x16x80x2x128xi32, #tpu.memory_space<hbm>> -> memref<1x1x1x2x128xi32, #tpu.memory_space<hbm>>
    %dma_start3A_38 = tpu.memref_squeeze %dma_start3A_37 : memref<1x1x1x2x128xi32, #tpu.memory_space<hbm>> -> memref<2x128xi32, #tpu.memory_space<hbm>>
    %dma_start3A_39 = arith.constant 0 : i32
    %dma_start3A_40 = arith.constant 0 : i32
    %dma_start3A_41 = tpu.memref_slice %arg5[%dma_start3A_30, %dma_start3A_39, %dma_start3A_40] : memref<4x2x128xi32, #tpu.memory_space<vmem>> -> memref<1x2x128xi32, #tpu.memory_space<vmem>>
    %dma_start3A_42 = tpu.memref_squeeze %dma_start3A_41 : memref<1x2x128xi32, #tpu.memory_space<vmem>> -> memref<2x128xi32, #tpu.memory_space<vmem>>
    %dma_start3A_43 = arith.constant 0 : i32
    %dma_start3A_44 = arith.constant 0 : i32
    %dma_start3A_45 = tpu.memref_slice %arg3[%arg0, %arg1, %dma_start3A_29, %dma_start3A_43, %dma_start3A_44] : memref<2x16x80x2x128xi32, #tpu.memory_space<hbm>> -> memref<1x1x1x2x128xi32, #tpu.memory_space<hbm>>
    %dma_start3A_46 = tpu.memref_squeeze %dma_start3A_45 : memref<1x1x1x2x128xi32, #tpu.memory_space<hbm>> -> memref<2x128xi32, #tpu.memory_space<hbm>>
    tpu.enqueue_dma source(%dma_start3A_46 : memref<2x128xi32, #tpu.memory_space<hbm>>) target(%dma_start3A_42 : memref<2x128xi32, #tpu.memory_space<vmem>>) target_semaphore(%arg11 : memref<!tpu.dma_semaphore, #tpu.memory_space<semaphore_mem>>)
    %dma_start3A_47 = arith.constant 2 : i32
    %dma_start3A_48 = arith.constant 2 : i32
    %dma_start3A_49 = arith.constant 0 : i32
    %dma_start3A_50 = arith.constant 0 : i32
    %dma_start3A_51 = tpu.memref_slice %arg5[%dma_start3A_48, %dma_start3A_49, %dma_start3A_50] : memref<4x2x128xi32, #tpu.memory_space<vmem>> -> memref<1x2x128xi32, #tpu.memory_space<vmem>>
    %dma_start3A_52 = tpu.memref_squeeze %dma_start3A_51 : memref<1x2x128xi32, #tpu.memory_space<vmem>> -> memref<2x128xi32, #tpu.memory_space<vmem>>
    %dma_start3A_53 = arith.constant 0 : i32
    %dma_start3A_54 = arith.constant 0 : i32
    %dma_start3A_55 = tpu.memref_slice %arg3[%arg0, %arg1, %dma_start3A_47, %dma_start3A_53, %dma_start3A_54] : memref<2x16x80x2x128xi32, #tpu.memory_space<hbm>> -> memref<1x1x1x2x128xi32, #tpu.memory_space<hbm>>
    %dma_start3A_56 = tpu.memref_squeeze %dma_start3A_55 : memref<1x1x1x2x128xi32, #tpu.memory_space<hbm>> -> memref<2x128xi32, #tpu.memory_space<hbm>>
    %dma_start3A_57 = arith.constant 0 : i32
    %dma_start3A_58 = arith.constant 0 : i32
    %dma_start3A_59 = tpu.memref_slice %arg5[%dma_start3A_48, %dma_start3A_57, %dma_start3A_58] : memref<4x2x128xi32, #tpu.memory_space<vmem>> -> memref<1x2x128xi32, #tpu.memory_space<vmem>>
    %dma_start3A_60 = tpu.memref_squeeze %dma_start3A_59 : memref<1x2x128xi32, #tpu.memory_space<vmem>> -> memref<2x128xi32, #tpu.memory_space<vmem>>
    %dma_start3A_61 = arith.constant 0 : i32
    %dma_start3A_62 = arith.constant 0 : i32
    %dma_start3A_63 = tpu.memref_slice %arg3[%arg0, %arg1, %dma_start3A_47, %dma_start3A_61, %dma_start3A_62] : memref<2x16x80x2x128xi32, #tpu.memory_space<hbm>> -> memref<1x1x1x2x128xi32, #tpu.memory_space<hbm>>
    %dma_start3A_64 = tpu.memref_squeeze %dma_start3A_63 : memref<1x1x1x2x128xi32, #tpu.memory_space<hbm>> -> memref<2x128xi32, #tpu.memory_space<hbm>>
    tpu.enqueue_dma source(%dma_start3A_64 : memref<2x128xi32, #tpu.memory_space<hbm>>) target(%dma_start3A_60 : memref<2x128xi32, #tpu.memory_space<vmem>>) target_semaphore(%arg12 : memref<!tpu.dma_semaphore, #tpu.memory_space<semaphore_mem>>)
    %dma_start3A_65 = arith.constant 3 : i32
    %dma_start3A_66 = arith.constant 3 : i32
    %dma_start3A_67 = arith.constant 0 : i32
    %dma_start3A_68 = arith.constant 0 : i32
    %dma_start3A_69 = tpu.memref_slice %arg5[%dma_start3A_66, %dma_start3A_67, %dma_start3A_68] : memref<4x2x128xi32, #tpu.memory_space<vmem>> -> memref<1x2x128xi32, #tpu.memory_space<vmem>>
    %dma_start3A_70 = tpu.memref_squeeze %dma_start3A_69 : memref<1x2x128xi32, #tpu.memory_space<vmem>> -> memref<2x128xi32, #tpu.memory_space<vmem>>
    %dma_start3A_71 = arith.constant 0 : i32
    %dma_start3A_72 = arith.constant 0 : i32
    %dma_start3A_73 = tpu.memref_slice %arg3[%arg0, %arg1, %dma_start3A_65, %dma_start3A_71, %dma_start3A_72] : memref<2x16x80x2x128xi32, #tpu.memory_space<hbm>> -> memref<1x1x1x2x128xi32, #tpu.memory_space<hbm>>
    %dma_start3A_74 = tpu.memref_squeeze %dma_start3A_73 : memref<1x1x1x2x128xi32, #tpu.memory_space<hbm>> -> memref<2x128xi32, #tpu.memory_space<hbm>>
    %dma_start3A_75 = arith.constant 0 : i32
    %dma_start3A_76 = arith.constant 0 : i32
    %dma_start3A_77 = tpu.memref_slice %arg5[%dma_start3A_66, %dma_start3A_75, %dma_start3A_76] : memref<4x2x128xi32, #tpu.memory_space<vmem>> -> memref<1x2x128xi32, #tpu.memory_space<vmem>>
    %dma_start3A_78 = tpu.memref_squeeze %dma_start3A_77 : memref<1x2x128xi32, #tpu.memory_space<vmem>> -> memref<2x128xi32, #tpu.memory_space<vmem>>
    %dma_start3A_79 = arith.constant 0 : i32
    %dma_start3A_80 = arith.constant 0 : i32
    %dma_start3A_81 = tpu.memref_slice %arg3[%arg0, %arg1, %dma_start3A_65, %dma_start3A_79, %dma_start3A_80] : memref<2x16x80x2x128xi32, #tpu.memory_space<hbm>> -> memref<1x1x1x2x128xi32, #tpu.memory_space<hbm>>
    %dma_start3A_82 = tpu.memref_squeeze %dma_start3A_81 : memref<1x1x1x2x128xi32, #tpu.memory_space<hbm>> -> memref<2x128xi32, #tpu.memory_space<hbm>>
    tpu.enqueue_dma source(%dma_start3A_82 : memref<2x128xi32, #tpu.memory_space<hbm>>) target(%dma_start3A_78 : memref<2x128xi32, #tpu.memory_space<vmem>>) target_semaphore(%arg13 : memref<!tpu.dma_semaphore, #tpu.memory_space<semaphore_mem>>)
    %dma_wait3A = arith.constant 0 : i32
    %dma_wait3A_83 = arith.constant 0 : i32
    %dma_wait3A_84 = arith.constant 0 : i32
    %dma_wait3A_85 = arith.constant 0 : i32
    %dma_wait3A_86 = tpu.memref_slice %arg5[%dma_wait3A_83, %dma_wait3A_84, %dma_wait3A_85] : memref<4x2x128xi32, #tpu.memory_space<vmem>> -> memref<1x2x128xi32, #tpu.memory_space<vmem>>
    %dma_wait3A_87 = tpu.memref_squeeze %dma_wait3A_86 : memref<1x2x128xi32, #tpu.memory_space<vmem>> -> memref<2x128xi32, #tpu.memory_space<vmem>>
    %dma_wait3A_88 = arith.constant 0 : i32
    %dma_wait3A_89 = arith.constant 0 : i32
    %dma_wait3A_90 = tpu.memref_slice %arg3[%arg0, %arg1, %dma_wait3A, %dma_wait3A_88, %dma_wait3A_89] : memref<2x16x80x2x128xi32, #tpu.memory_space<hbm>> -> memref<1x1x1x2x128xi32, #tpu.memory_space<hbm>>
    %dma_wait3A_91 = tpu.memref_squeeze %dma_wait3A_90 : memref<1x1x1x2x128xi32, #tpu.memory_space<hbm>> -> memref<2x128xi32, #tpu.memory_space<hbm>>
    %dma_wait3A_92 = arith.constant 0 : i32
    %dma_wait3A_93 = arith.constant 0 : i32
    %dma_wait3A_94 = tpu.memref_slice %arg5[%dma_wait3A_83, %dma_wait3A_92, %dma_wait3A_93] : memref<4x2x128xi32, #tpu.memory_space<vmem>> -> memref<1x2x128xi32, #tpu.memory_space<vmem>>
    %dma_wait3A_95 = tpu.memref_squeeze %dma_wait3A_94 : memref<1x2x128xi32, #tpu.memory_space<vmem>> -> memref<2x128xi32, #tpu.memory_space<vmem>>
    %dma_wait3A_96 = arith.constant 0 : i32
    %dma_wait3A_97 = arith.constant 0 : i32
    %dma_wait3A_98 = tpu.memref_slice %arg3[%arg0, %arg1, %dma_wait3A, %dma_wait3A_96, %dma_wait3A_97] : memref<2x16x80x2x128xi32, #tpu.memory_space<hbm>> -> memref<1x1x1x2x128xi32, #tpu.memory_space<hbm>>
    %dma_wait3A_99 = tpu.memref_squeeze %dma_wait3A_98 : memref<1x1x1x2x128xi32, #tpu.memory_space<hbm>> -> memref<2x128xi32, #tpu.memory_space<hbm>>
    tpu.wait_dma2 semaphore(%arg10 : memref<!tpu.dma_semaphore, #tpu.memory_space<semaphore_mem>>) src(%dma_wait3A_99 : memref<2x128xi32, #tpu.memory_space<hbm>>) dst(%dma_wait3A_95 : memref<2x128xi32, #tpu.memory_space<vmem>>)
    %dma_start3A_100 = arith.constant 0 : i32
    %dma_start3A_101 = arith.constant 0 : i32
    %dma_start3A_102 = arith.constant 0 : i32
    %dma_start3A_103 = arith.constant 0 : i32
    %dma_start3A_104 = arith.constant 0 : i32
    %dma_start3A_105 = tpu.memref_slice %arg6[%dma_start3A_102, %dma_start3A_103, %dma_start3A_104] : memref<2x128x128xf32, #tpu.memory_space<vmem>> -> memref<1x128x128xf32, #tpu.memory_space<vmem>>
    %dma_start3A_106 = tpu.memref_squeeze %dma_start3A_105 : memref<1x128x128xf32, #tpu.memory_space<vmem>> -> memref<128x128xf32, #tpu.memory_space<vmem>>
    %dma_start3A_107 = arith.constant 0 : i32
    %dma_start3A_108 = tpu.memref_slice %arg5[%dma_start3A_100, %dma_start3A_101, %dma_start3A_107] : memref<4x2x128xi32, #tpu.memory_space<vmem>> -> memref<1x1x128xi32, #tpu.memory_space<vmem>>
    %dma_start3A_109 = tpu.memref_squeeze %dma_start3A_108 : memref<1x1x128xi32, #tpu.memory_space<vmem>> -> memref<128xi32, #tpu.memory_space<vmem>>
    %dma_start3A_110 = arith.constant 0 : i32
    %dma_start3A_111 = arith.constant 0 : i32
    %dma_start3A_112 = tpu.memref_slice %arg2[%dma_start3A_110, %dma_start3A_111] : memref<10000x128xf32, #tpu.memory_space<hbm>> -> memref<10000x128xf32, #tpu.memory_space<hbm>>
    tpu.enqueue_indirect_dma source(%dma_start3A_112 : memref<10000x128xf32, #tpu.memory_space<hbm>>) target(%dma_start3A_106 : memref<128x128xf32, #tpu.memory_space<vmem>>) offsets(%dma_start3A_109 : memref<128xi32, #tpu.memory_space<vmem>>) semaphore(%arg8 : memref<!tpu.dma_semaphore, #tpu.memory_space<semaphore_mem>>)
    %dma_wait3A_113 = arith.constant 0 : i32
    %dma_wait3A_114 = arith.constant 1 : i32
    %dma_wait3A_115 = arith.constant 0 : i32
    %dma_wait3A_116 = arith.constant 0 : i32
    %dma_wait3A_117 = tpu.memref_slice %arg5[%dma_wait3A_114, %dma_wait3A_115, %dma_wait3A_116] : memref<4x2x128xi32, #tpu.memory_space<vmem>> -> memref<1x2x128xi32, #tpu.memory_space<vmem>>
    %dma_wait3A_118 = tpu.memref_squeeze %dma_wait3A_117 : memref<1x2x128xi32, #tpu.memory_space<vmem>> -> memref<2x128xi32, #tpu.memory_space<vmem>>
    %dma_wait3A_119 = arith.constant 0 : i32
    %dma_wait3A_120 = arith.constant 0 : i32
    %dma_wait3A_121 = tpu.memref_slice %arg3[%arg0, %arg1, %dma_wait3A_113, %dma_wait3A_119, %dma_wait3A_120] : memref<2x16x80x2x128xi32, #tpu.memory_space<hbm>> -> memref<1x1x1x2x128xi32, #tpu.memory_space<hbm>>
    %dma_wait3A_122 = tpu.memref_squeeze %dma_wait3A_121 : memref<1x1x1x2x128xi32, #tpu.memory_space<hbm>> -> memref<2x128xi32, #tpu.memory_space<hbm>>
    %dma_wait3A_123 = arith.constant 0 : i32
    %dma_wait3A_124 = arith.constant 0 : i32
    %dma_wait3A_125 = tpu.memref_slice %arg5[%dma_wait3A_114, %dma_wait3A_123, %dma_wait3A_124] : memref<4x2x128xi32, #tpu.memory_space<vmem>> -> memref<1x2x128xi32, #tpu.memory_space<vmem>>
    %dma_wait3A_126 = tpu.memref_squeeze %dma_wait3A_125 : memref<1x2x128xi32, #tpu.memory_space<vmem>> -> memref<2x128xi32, #tpu.memory_space<vmem>>
    %dma_wait3A_127 = arith.constant 0 : i32
    %dma_wait3A_128 = arith.constant 0 : i32
    %dma_wait3A_129 = tpu.memref_slice %arg3[%arg0, %arg1, %dma_wait3A_113, %dma_wait3A_127, %dma_wait3A_128] : memref<2x16x80x2x128xi32, #tpu.memory_space<hbm>> -> memref<1x1x1x2x128xi32, #tpu.memory_space<hbm>>
    %dma_wait3A_130 = tpu.memref_squeeze %dma_wait3A_129 : memref<1x1x1x2x128xi32, #tpu.memory_space<hbm>> -> memref<2x128xi32, #tpu.memory_space<hbm>>
    tpu.wait_dma2 semaphore(%arg11 : memref<!tpu.dma_semaphore, #tpu.memory_space<semaphore_mem>>) src(%dma_wait3A_130 : memref<2x128xi32, #tpu.memory_space<hbm>>) dst(%dma_wait3A_126 : memref<2x128xi32, #tpu.memory_space<vmem>>)
    %dma_start3A_131 = arith.constant 1 : i32
    %dma_start3A_132 = arith.constant 0 : i32
    %dma_start3A_133 = arith.constant 1 : i32
    %dma_start3A_134 = arith.constant 0 : i32
    %dma_start3A_135 = arith.constant 0 : i32
    %dma_start3A_136 = tpu.memref_slice %arg6[%dma_start3A_133, %dma_start3A_134, %dma_start3A_135] : memref<2x128x128xf32, #tpu.memory_space<vmem>> -> memref<1x128x128xf32, #tpu.memory_space<vmem>>
    %dma_start3A_137 = tpu.memref_squeeze %dma_start3A_136 : memref<1x128x128xf32, #tpu.memory_space<vmem>> -> memref<128x128xf32, #tpu.memory_space<vmem>>
    %dma_start3A_138 = arith.constant 0 : i32
    %dma_start3A_139 = tpu.memref_slice %arg5[%dma_start3A_131, %dma_start3A_132, %dma_start3A_138] : memref<4x2x128xi32, #tpu.memory_space<vmem>> -> memref<1x1x128xi32, #tpu.memory_space<vmem>>
    %dma_start3A_140 = tpu.memref_squeeze %dma_start3A_139 : memref<1x1x128xi32, #tpu.memory_space<vmem>> -> memref<128xi32, #tpu.memory_space<vmem>>
    %dma_start3A_141 = arith.constant 0 : i32
    %dma_start3A_142 = arith.constant 0 : i32
    %dma_start3A_143 = tpu.memref_slice %arg2[%dma_start3A_141, %dma_start3A_142] : memref<10000x128xf32, #tpu.memory_space<hbm>> -> memref<10000x128xf32, #tpu.memory_space<hbm>>
    tpu.enqueue_indirect_dma source(%dma_start3A_143 : memref<10000x128xf32, #tpu.memory_space<hbm>>) target(%dma_start3A_137 : memref<128x128xf32, #tpu.memory_space<vmem>>) offsets(%dma_start3A_140 : memref<128xi32, #tpu.memory_space<vmem>>) semaphore(%arg9 : memref<!tpu.dma_semaphore, #tpu.memory_space<semaphore_mem>>)
    %scan3A_144 = arith.constant 0 : i32
    %scan3A_145 = arith.constant 0 : i32
    %scan3A_146 = arith.constant 20 : i32
    %scan3A_147 = arith.addi %scan3A_145, %scan3A_146 : i32
    %scan3A_148 = arith.constant 1 : i32
    scf.for %scan3A_169 = %scan3A_145 to %scan3A_147 step %scan3A_148  : i32 {
      %mul3A_170 = arith.constant 4 : i32
      %mul3A_171 = arith.muli %mul3A_170, %scan3A_169 : i32
      %add3A_172 = arith.constant 0 : i32
      %add3A_173 = arith.addi %mul3A_171, %add3A_172 : i32
      %dma_wait3A_174 = arith.constant 0 : i32
      %dma_wait3A_175 = arith.constant 0 : i32
      %dma_wait3A_176 = arith.constant 0 : i32
      %dma_wait3A_177 = arith.constant 0 : i32
      %dma_wait3A_178 = arith.constant 0 : i32
      %dma_wait3A_179 = tpu.memref_slice %arg6[%dma_wait3A_176, %dma_wait3A_177, %dma_wait3A_178] : memref<2x128x128xf32, #tpu.memory_space<vmem>> -> memref<1x128x128xf32, #tpu.memory_space<vmem>>
      %dma_wait3A_180 = tpu.memref_squeeze %dma_wait3A_179 : memref<1x128x128xf32, #tpu.memory_space<vmem>> -> memref<128x128xf32, #tpu.memory_space<vmem>>
      %dma_wait3A_181 = arith.constant 0 : i32
      %dma_wait3A_182 = tpu.memref_slice %arg5[%dma_wait3A_174, %dma_wait3A_175, %dma_wait3A_181] : memref<4x2x128xi32, #tpu.memory_space<vmem>> -> memref<1x1x128xi32, #tpu.memory_space<vmem>>
      %dma_wait3A_183 = tpu.memref_squeeze %dma_wait3A_182 : memref<1x1x128xi32, #tpu.memory_space<vmem>> -> memref<128xi32, #tpu.memory_space<vmem>>
      %dma_wait3A_184 = arith.constant 0 : i32
      %dma_wait3A_185 = arith.constant 0 : i32
      %dma_wait3A_186 = tpu.memref_slice %arg2[%dma_wait3A_184, %dma_wait3A_185] : memref<10000x128xf32, #tpu.memory_space<hbm>> -> memref<10000x128xf32, #tpu.memory_space<hbm>>
      tpu.wait_indirect_dma semaphore(%arg8 : memref<!tpu.dma_semaphore, #tpu.memory_space<semaphore_mem>>) src(%dma_wait3A_186 : memref<10000x128xf32, #tpu.memory_space<hbm>>) dst(%dma_wait3A_180 : memref<128x128xf32, #tpu.memory_space<vmem>>)
      %run_scoped3A = arith.constant 0 : i32
      %run_scoped3A_187 = arith.constant 0 : i32
      %run_scoped3A_188 = arith.constant 1 : i32
      "tpu.region"() ({
        %run_scoped3A_302 = tpu.sem_alloc : memref<!tpu.dma_semaphore, #tpu.memory_space<semaphore_mem>>
        %dma_start3A_303 = arith.constant 0 : i32
        %dma_start3A_304 = arith.constant 0 : i32
        %dma_start3A_305 = tpu.memref_slice %arg6[%run_scoped3A, %dma_start3A_303, %dma_start3A_304] : memref<2x128x128xf32, #tpu.memory_space<vmem>> -> memref<1x128x128xf32, #tpu.memory_space<vmem>>
        %dma_start3A_306 = tpu.memref_squeeze %dma_start3A_305 : memref<1x128x128xf32, #tpu.memory_space<vmem>> -> memref<128x128xf32, #tpu.memory_space<vmem>>
        %dma_start3A_307 = arith.constant 0 : i32
        %dma_start3A_308 = tpu.memref_slice %arg5[%run_scoped3A_187, %run_scoped3A_188, %dma_start3A_307] : memref<4x2x128xi32, #tpu.memory_space<vmem>> -> memref<1x1x128xi32, #tpu.memory_space<vmem>>
        %dma_start3A_309 = tpu.memref_squeeze %dma_start3A_308 : memref<1x1x128xi32, #tpu.memory_space<vmem>> -> memref<128xi32, #tpu.memory_space<vmem>>
        %dma_start3A_310 = arith.constant 0 : i32
        %dma_start3A_311 = arith.constant 0 : i32
        %dma_start3A_312 = tpu.memref_slice %arg7[%dma_start3A_310, %dma_start3A_311] : memref<10240x128xf32, #tpu.memory_space<vmem_shared>> -> memref<10240x128xf32, #tpu.memory_space<vmem_shared>>
        tpu.enqueue_indirect_dma source(%dma_start3A_306 : memref<128x128xf32, #tpu.memory_space<vmem>>) target(%dma_start3A_312 : memref<10240x128xf32, #tpu.memory_space<vmem_shared>>) offsets(%dma_start3A_309 : memref<128xi32, #tpu.memory_space<vmem>>) semaphore(%run_scoped3A_302 : memref<!tpu.dma_semaphore, #tpu.memory_space<semaphore_mem>>) {add = true}
        %dma_wait3A_313 = arith.constant 0 : i32
        %dma_wait3A_314 = arith.constant 0 : i32
        %dma_wait3A_315 = tpu.memref_slice %arg6[%run_scoped3A, %dma_wait3A_313, %dma_wait3A_314] : memref<2x128x128xf32, #tpu.memory_space<vmem>> -> memref<1x128x128xf32, #tpu.memory_space<vmem>>
        %dma_wait3A_316 = tpu.memref_squeeze %dma_wait3A_315 : memref<1x128x128xf32, #tpu.memory_space<vmem>> -> memref<128x128xf32, #tpu.memory_space<vmem>>
        %dma_wait3A_317 = arith.constant 0 : i32
        %dma_wait3A_318 = tpu.memref_slice %arg5[%run_scoped3A_187, %run_scoped3A_188, %dma_wait3A_317] : memref<4x2x128xi32, #tpu.memory_space<vmem>> -> memref<1x1x128xi32, #tpu.memory_space<vmem>>
        %dma_wait3A_319 = tpu.memref_squeeze %dma_wait3A_318 : memref<1x1x128xi32, #tpu.memory_space<vmem>> -> memref<128xi32, #tpu.memory_space<vmem>>
        %dma_wait3A_320 = arith.constant 0 : i32
        %dma_wait3A_321 = arith.constant 0 : i32
        %dma_wait3A_322 = tpu.memref_slice %arg7[%dma_wait3A_320, %dma_wait3A_321] : memref<10240x128xf32, #tpu.memory_space<vmem_shared>> -> memref<10240x128xf32, #tpu.memory_space<vmem_shared>>
        tpu.wait_indirect_dma semaphore(%run_scoped3A_302 : memref<!tpu.dma_semaphore, #tpu.memory_space<semaphore_mem>>) src(%dma_wait3A_316 : memref<128x128xf32, #tpu.memory_space<vmem>>) dst(%dma_wait3A_322 : memref<10240x128xf32, #tpu.memory_space<vmem_shared>>)
        tpu.yield
      }) : () -> ()
      %add3A_189 = arith.constant 4 : i32
      %add3A_190 = arith.addi %add3A_173, %add3A_189 : i32
      %lt3A = arith.constant 80 : i32
      %lt3A_191 = arith.cmpi slt, %add3A_190, %lt3A : i32
      %convert_element_type3A = arith.extui %lt3A_191 : i1 to i32
      %cond3A = arith.constant 0 : i32
      %cond3A_192 = arith.cmpi ne, %convert_element_type3A, %cond3A : i32
      scf.if %cond3A_192 {
        %add3A_302 = arith.constant 4 : i32
        %add3A_303 = arith.addi %add3A_173, %add3A_302 : i32
        %dma_start3A_304 = arith.constant 0 : i32
        %dma_start3A_305 = arith.constant 0 : i32
        %dma_start3A_306 = arith.constant 0 : i32
        %dma_start3A_307 = tpu.memref_slice %arg5[%dma_start3A_304, %dma_start3A_305, %dma_start3A_306] : memref<4x2x128xi32, #tpu.memory_space<vmem>> -> memref<1x2x128xi32, #tpu.memory_space<vmem>>
        %dma_start3A_308 = tpu.memref_squeeze %dma_start3A_307 : memref<1x2x128xi32, #tpu.memory_space<vmem>> -> memref<2x128xi32, #tpu.memory_space<vmem>>
        %dma_start3A_309 = arith.constant 0 : i32
        %dma_start3A_310 = arith.constant 0 : i32
        %dma_start3A_311 = tpu.memref_slice %arg3[%arg0, %arg1, %add3A_303, %dma_start3A_309, %dma_start3A_310] : memref<2x16x80x2x128xi32, #tpu.memory_space<hbm>> -> memref<1x1x1x2x128xi32, #tpu.memory_space<hbm>>
        %dma_start3A_312 = tpu.memref_squeeze %dma_start3A_311 : memref<1x1x1x2x128xi32, #tpu.memory_space<hbm>> -> memref<2x128xi32, #tpu.memory_space<hbm>>
        %dma_start3A_313 = arith.constant 0 : i32
        %dma_start3A_314 = arith.constant 0 : i32
        %dma_start3A_315 = tpu.memref_slice %arg5[%dma_start3A_304, %dma_start3A_313, %dma_start3A_314] : memref<4x2x128xi32, #tpu.memory_space<vmem>> -> memref<1x2x128xi32, #tpu.memory_space<vmem>>
        %dma_start3A_316 = tpu.memref_squeeze %dma_start3A_315 : memref<1x2x128xi32, #tpu.memory_space<vmem>> -> memref<2x128xi32, #tpu.memory_space<vmem>>
        %dma_start3A_317 = arith.constant 0 : i32
        %dma_start3A_318 = arith.constant 0 : i32
        %dma_start3A_319 = tpu.memref_slice %arg3[%arg0, %arg1, %add3A_303, %dma_start3A_317, %dma_start3A_318] : memref<2x16x80x2x128xi32, #tpu.memory_space<hbm>> -> memref<1x1x1x2x128xi32, #tpu.memory_space<hbm>>
        %dma_start3A_320 = tpu.memref_squeeze %dma_start3A_319 : memref<1x1x1x2x128xi32, #tpu.memory_space<hbm>> -> memref<2x128xi32, #tpu.memory_space<hbm>>
        tpu.enqueue_dma source(%dma_start3A_320 : memref<2x128xi32, #tpu.memory_space<hbm>>) target(%dma_start3A_316 : memref<2x128xi32, #tpu.memory_space<vmem>>) target_semaphore(%arg10 : memref<!tpu.dma_semaphore, #tpu.memory_space<semaphore_mem>>)
      } else {
      }
      %add3A_193 = arith.constant 2 : i32
      %add3A_194 = arith.addi %add3A_173, %add3A_193 : i32
      %lt3A_195 = arith.constant 80 : i32
      %lt3A_196 = arith.cmpi slt, %add3A_194, %lt3A_195 : i32
      %convert_element_type3A_197 = arith.extui %lt3A_196 : i1 to i32
      %cond3A_198 = arith.constant 0 : i32
      %cond3A_199 = arith.cmpi ne, %convert_element_type3A_197, %cond3A_198 : i32
      scf.if %cond3A_199 {
        %dma_wait3A_302 = arith.constant 0 : i32
        %dma_wait3A_303 = arith.constant 2 : i32
        %dma_wait3A_304 = arith.constant 0 : i32
        %dma_wait3A_305 = arith.constant 0 : i32
        %dma_wait3A_306 = tpu.memref_slice %arg5[%dma_wait3A_303, %dma_wait3A_304, %dma_wait3A_305] : memref<4x2x128xi32, #tpu.memory_space<vmem>> -> memref<1x2x128xi32, #tpu.memory_space<vmem>>
        %dma_wait3A_307 = tpu.memref_squeeze %dma_wait3A_306 : memref<1x2x128xi32, #tpu.memory_space<vmem>> -> memref<2x128xi32, #tpu.memory_space<vmem>>
        %dma_wait3A_308 = arith.constant 0 : i32
        %dma_wait3A_309 = arith.constant 0 : i32
        %dma_wait3A_310 = tpu.memref_slice %arg3[%arg0, %arg1, %dma_wait3A_302, %dma_wait3A_308, %dma_wait3A_309] : memref<2x16x80x2x128xi32, #tpu.memory_space<hbm>> -> memref<1x1x1x2x128xi32, #tpu.memory_space<hbm>>
        %dma_wait3A_311 = tpu.memref_squeeze %dma_wait3A_310 : memref<1x1x1x2x128xi32, #tpu.memory_space<hbm>> -> memref<2x128xi32, #tpu.memory_space<hbm>>
        %dma_wait3A_312 = arith.constant 0 : i32
        %dma_wait3A_313 = arith.constant 0 : i32
        %dma_wait3A_314 = tpu.memref_slice %arg5[%dma_wait3A_303, %dma_wait3A_312, %dma_wait3A_313] : memref<4x2x128xi32, #tpu.memory_space<vmem>> -> memref<1x2x128xi32, #tpu.memory_space<vmem>>
        %dma_wait3A_315 = tpu.memref_squeeze %dma_wait3A_314 : memref<1x2x128xi32, #tpu.memory_space<vmem>> -> memref<2x128xi32, #tpu.memory_space<vmem>>
        %dma_wait3A_316 = arith.constant 0 : i32
        %dma_wait3A_317 = arith.constant 0 : i32
        %dma_wait3A_318 = tpu.memref_slice %arg3[%arg0, %arg1, %dma_wait3A_302, %dma_wait3A_316, %dma_wait3A_317] : memref<2x16x80x2x128xi32, #tpu.memory_space<hbm>> -> memref<1x1x1x2x128xi32, #tpu.memory_space<hbm>>
        %dma_wait3A_319 = tpu.memref_squeeze %dma_wait3A_318 : memref<1x1x1x2x128xi32, #tpu.memory_space<hbm>> -> memref<2x128xi32, #tpu.memory_space<hbm>>
        tpu.wait_dma2 semaphore(%arg12 : memref<!tpu.dma_semaphore, #tpu.memory_space<semaphore_mem>>) src(%dma_wait3A_319 : memref<2x128xi32, #tpu.memory_space<hbm>>) dst(%dma_wait3A_315 : memref<2x128xi32, #tpu.memory_space<vmem>>)
        %dma_start3A_320 = arith.constant 2 : i32
        %dma_start3A_321 = arith.constant 0 : i32
        %dma_start3A_322 = arith.constant 0 : i32
        %dma_start3A_323 = arith.constant 0 : i32
        %dma_start3A_324 = arith.constant 0 : i32
        %dma_start3A_325 = tpu.memref_slice %arg6[%dma_start3A_322, %dma_start3A_323, %dma_start3A_324] : memref<2x128x128xf32, #tpu.memory_space<vmem>> -> memref<1x128x128xf32, #tpu.memory_space<vmem>>
        %dma_start3A_326 = tpu.memref_squeeze %dma_start3A_325 : memref<1x128x128xf32, #tpu.memory_space<vmem>> -> memref<128x128xf32, #tpu.memory_space<vmem>>
        %dma_start3A_327 = arith.constant 0 : i32
        %dma_start3A_328 = tpu.memref_slice %arg5[%dma_start3A_320, %dma_start3A_321, %dma_start3A_327] : memref<4x2x128xi32, #tpu.memory_space<vmem>> -> memref<1x1x128xi32, #tpu.memory_space<vmem>>
        %dma_start3A_329 = tpu.memref_squeeze %dma_start3A_328 : memref<1x1x128xi32, #tpu.memory_space<vmem>> -> memref<128xi32, #tpu.memory_space<vmem>>
        %dma_start3A_330 = arith.constant 0 : i32
        %dma_start3A_331 = arith.constant 0 : i32
        %dma_start3A_332 = tpu.memref_slice %arg2[%dma_start3A_330, %dma_start3A_331] : memref<10000x128xf32, #tpu.memory_space<hbm>> -> memref<10000x128xf32, #tpu.memory_space<hbm>>
        tpu.enqueue_indirect_dma source(%dma_start3A_332 : memref<10000x128xf32, #tpu.memory_space<hbm>>) target(%dma_start3A_326 : memref<128x128xf32, #tpu.memory_space<vmem>>) offsets(%dma_start3A_329 : memref<128xi32, #tpu.memory_space<vmem>>) semaphore(%arg8 : memref<!tpu.dma_semaphore, #tpu.memory_space<semaphore_mem>>)
      } else {
      }
      %mul3A_200 = arith.constant 4 : i32
      %mul3A_201 = arith.muli %mul3A_200, %scan3A_169 : i32
      %add3A_202 = arith.constant 1 : i32
      %add3A_203 = arith.addi %mul3A_201, %add3A_202 : i32
      %dma_wait3A_204 = arith.constant 0 : i32
      %dma_wait3A_205 = arith.constant 0 : i32
      %dma_wait3A_206 = arith.constant 1 : i32
      %dma_wait3A_207 = arith.constant 0 : i32
      %dma_wait3A_208 = arith.constant 0 : i32
      %dma_wait3A_209 = tpu.memref_slice %arg6[%dma_wait3A_206, %dma_wait3A_207, %dma_wait3A_208] : memref<2x128x128xf32, #tpu.memory_space<vmem>> -> memref<1x128x128xf32, #tpu.memory_space<vmem>>
      %dma_wait3A_210 = tpu.memref_squeeze %dma_wait3A_209 : memref<1x128x128xf32, #tpu.memory_space<vmem>> -> memref<128x128xf32, #tpu.memory_space<vmem>>
      %dma_wait3A_211 = arith.constant 0 : i32
      %dma_wait3A_212 = tpu.memref_slice %arg5[%dma_wait3A_204, %dma_wait3A_205, %dma_wait3A_211] : memref<4x2x128xi32, #tpu.memory_space<vmem>> -> memref<1x1x128xi32, #tpu.memory_space<vmem>>
      %dma_wait3A_213 = tpu.memref_squeeze %dma_wait3A_212 : memref<1x1x128xi32, #tpu.memory_space<vmem>> -> memref<128xi32, #tpu.memory_space<vmem>>
      %dma_wait3A_214 = arith.constant 0 : i32
      %dma_wait3A_215 = arith.constant 0 : i32
      %dma_wait3A_216 = tpu.memref_slice %arg2[%dma_wait3A_214, %dma_wait3A_215] : memref<10000x128xf32, #tpu.memory_space<hbm>> -> memref<10000x128xf32, #tpu.memory_space<hbm>>
      tpu.wait_indirect_dma semaphore(%arg9 : memref<!tpu.dma_semaphore, #tpu.memory_space<semaphore_mem>>) src(%dma_wait3A_216 : memref<10000x128xf32, #tpu.memory_space<hbm>>) dst(%dma_wait3A_210 : memref<128x128xf32, #tpu.memory_space<vmem>>)
      %run_scoped3A_217 = arith.constant 1 : i32
      %run_scoped3A_218 = arith.constant 1 : i32
      %run_scoped3A_219 = arith.constant 1 : i32
      "tpu.region"() ({
        %run_scoped3A_302 = tpu.sem_alloc : memref<!tpu.dma_semaphore, #tpu.memory_space<semaphore_mem>>
        %dma_start3A_303 = arith.constant 0 : i32
        %dma_start3A_304 = arith.constant 0 : i32
        %dma_start3A_305 = tpu.memref_slice %arg6[%run_scoped3A_217, %dma_start3A_303, %dma_start3A_304] : memref<2x128x128xf32, #tpu.memory_space<vmem>> -> memref<1x128x128xf32, #tpu.memory_space<vmem>>
        %dma_start3A_306 = tpu.memref_squeeze %dma_start3A_305 : memref<1x128x128xf32, #tpu.memory_space<vmem>> -> memref<128x128xf32, #tpu.memory_space<vmem>>
        %dma_start3A_307 = arith.constant 0 : i32
        %dma_start3A_308 = tpu.memref_slice %arg5[%run_scoped3A_218, %run_scoped3A_219, %dma_start3A_307] : memref<4x2x128xi32, #tpu.memory_space<vmem>> -> memref<1x1x128xi32, #tpu.memory_space<vmem>>
        %dma_start3A_309 = tpu.memref_squeeze %dma_start3A_308 : memref<1x1x128xi32, #tpu.memory_space<vmem>> -> memref<128xi32, #tpu.memory_space<vmem>>
        %dma_start3A_310 = arith.constant 0 : i32
        %dma_start3A_311 = arith.constant 0 : i32
        %dma_start3A_312 = tpu.memref_slice %arg7[%dma_start3A_310, %dma_start3A_311] : memref<10240x128xf32, #tpu.memory_space<vmem_shared>> -> memref<10240x128xf32, #tpu.memory_space<vmem_shared>>
        tpu.enqueue_indirect_dma source(%dma_start3A_306 : memref<128x128xf32, #tpu.memory_space<vmem>>) target(%dma_start3A_312 : memref<10240x128xf32, #tpu.memory_space<vmem_shared>>) offsets(%dma_start3A_309 : memref<128xi32, #tpu.memory_space<vmem>>) semaphore(%run_scoped3A_302 : memref<!tpu.dma_semaphore, #tpu.memory_space<semaphore_mem>>) {add = true}
        %dma_wait3A_313 = arith.constant 0 : i32
        %dma_wait3A_314 = arith.constant 0 : i32
        %dma_wait3A_315 = tpu.memref_slice %arg6[%run_scoped3A_217, %dma_wait3A_313, %dma_wait3A_314] : memref<2x128x128xf32, #tpu.memory_space<vmem>> -> memref<1x128x128xf32, #tpu.memory_space<vmem>>
        %dma_wait3A_316 = tpu.memref_squeeze %dma_wait3A_315 : memref<1x128x128xf32, #tpu.memory_space<vmem>> -> memref<128x128xf32, #tpu.memory_space<vmem>>
        %dma_wait3A_317 = arith.constant 0 : i32
        %dma_wait3A_318 = tpu.memref_slice %arg5[%run_scoped3A_218, %run_scoped3A_219, %dma_wait3A_317] : memref<4x2x128xi32, #tpu.memory_space<vmem>> -> memref<1x1x128xi32, #tpu.memory_space<vmem>>
        %dma_wait3A_319 = tpu.memref_squeeze %dma_wait3A_318 : memref<1x1x128xi32, #tpu.memory_space<vmem>> -> memref<128xi32, #tpu.memory_space<vmem>>
        %dma_wait3A_320 = arith.constant 0 : i32
        %dma_wait3A_321 = arith.constant 0 : i32
        %dma_wait3A_322 = tpu.memref_slice %arg7[%dma_wait3A_320, %dma_wait3A_321] : memref<10240x128xf32, #tpu.memory_space<vmem_shared>> -> memref<10240x128xf32, #tpu.memory_space<vmem_shared>>
        tpu.wait_indirect_dma semaphore(%run_scoped3A_302 : memref<!tpu.dma_semaphore, #tpu.memory_space<semaphore_mem>>) src(%dma_wait3A_316 : memref<128x128xf32, #tpu.memory_space<vmem>>) dst(%dma_wait3A_322 : memref<10240x128xf32, #tpu.memory_space<vmem_shared>>)
        tpu.yield
      }) : () -> ()
      %add3A_220 = arith.constant 4 : i32
      %add3A_221 = arith.addi %add3A_203, %add3A_220 : i32
      %lt3A_222 = arith.constant 80 : i32
      %lt3A_223 = arith.cmpi slt, %add3A_221, %lt3A_222 : i32
      %convert_element_type3A_224 = arith.extui %lt3A_223 : i1 to i32
      %cond3A_225 = arith.constant 0 : i32
      %cond3A_226 = arith.cmpi ne, %convert_element_type3A_224, %cond3A_225 : i32
      scf.if %cond3A_226 {
        %add3A_302 = arith.constant 4 : i32
        %add3A_303 = arith.addi %add3A_203, %add3A_302 : i32
        %dma_start3A_304 = arith.constant 1 : i32
        %dma_start3A_305 = arith.constant 0 : i32
        %dma_start3A_306 = arith.constant 0 : i32
        %dma_start3A_307 = tpu.memref_slice %arg5[%dma_start3A_304, %dma_start3A_305, %dma_start3A_306] : memref<4x2x128xi32, #tpu.memory_space<vmem>> -> memref<1x2x128xi32, #tpu.memory_space<vmem>>
        %dma_start3A_308 = tpu.memref_squeeze %dma_start3A_307 : memref<1x2x128xi32, #tpu.memory_space<vmem>> -> memref<2x128xi32, #tpu.memory_space<vmem>>
        %dma_start3A_309 = arith.constant 0 : i32
        %dma_start3A_310 = arith.constant 0 : i32
        %dma_start3A_311 = tpu.memref_slice %arg3[%arg0, %arg1, %add3A_303, %dma_start3A_309, %dma_start3A_310] : memref<2x16x80x2x128xi32, #tpu.memory_space<hbm>> -> memref<1x1x1x2x128xi32, #tpu.memory_space<hbm>>
        %dma_start3A_312 = tpu.memref_squeeze %dma_start3A_311 : memref<1x1x1x2x128xi32, #tpu.memory_space<hbm>> -> memref<2x128xi32, #tpu.memory_space<hbm>>
        %dma_start3A_313 = arith.constant 0 : i32
        %dma_start3A_314 = arith.constant 0 : i32
        %dma_start3A_315 = tpu.memref_slice %arg5[%dma_start3A_304, %dma_start3A_313, %dma_start3A_314] : memref<4x2x128xi32, #tpu.memory_space<vmem>> -> memref<1x2x128xi32, #tpu.memory_space<vmem>>
        %dma_start3A_316 = tpu.memref_squeeze %dma_start3A_315 : memref<1x2x128xi32, #tpu.memory_space<vmem>> -> memref<2x128xi32, #tpu.memory_space<vmem>>
        %dma_start3A_317 = arith.constant 0 : i32
        %dma_start3A_318 = arith.constant 0 : i32
        %dma_start3A_319 = tpu.memref_slice %arg3[%arg0, %arg1, %add3A_303, %dma_start3A_317, %dma_start3A_318] : memref<2x16x80x2x128xi32, #tpu.memory_space<hbm>> -> memref<1x1x1x2x128xi32, #tpu.memory_space<hbm>>
        %dma_start3A_320 = tpu.memref_squeeze %dma_start3A_319 : memref<1x1x1x2x128xi32, #tpu.memory_space<hbm>> -> memref<2x128xi32, #tpu.memory_space<hbm>>
        tpu.enqueue_dma source(%dma_start3A_320 : memref<2x128xi32, #tpu.memory_space<hbm>>) target(%dma_start3A_316 : memref<2x128xi32, #tpu.memory_space<vmem>>) target_semaphore(%arg11 : memref<!tpu.dma_semaphore, #tpu.memory_space<semaphore_mem>>)
      } else {
      }
      %add3A_227 = arith.constant 2 : i32
      %add3A_228 = arith.addi %add3A_203, %add3A_227 : i32
      %lt3A_229 = arith.constant 80 : i32
      %lt3A_230 = arith.cmpi slt, %add3A_228, %lt3A_229 : i32
      %convert_element_type3A_231 = arith.extui %lt3A_230 : i1 to i32
      %cond3A_232 = arith.constant 0 : i32
      %cond3A_233 = arith.cmpi ne, %convert_element_type3A_231, %cond3A_232 : i32
      scf.if %cond3A_233 {
        %dma_wait3A_302 = arith.constant 0 : i32
        %dma_wait3A_303 = arith.constant 3 : i32
        %dma_wait3A_304 = arith.constant 0 : i32
        %dma_wait3A_305 = arith.constant 0 : i32
        %dma_wait3A_306 = tpu.memref_slice %arg5[%dma_wait3A_303, %dma_wait3A_304, %dma_wait3A_305] : memref<4x2x128xi32, #tpu.memory_space<vmem>> -> memref<1x2x128xi32, #tpu.memory_space<vmem>>
        %dma_wait3A_307 = tpu.memref_squeeze %dma_wait3A_306 : memref<1x2x128xi32, #tpu.memory_space<vmem>> -> memref<2x128xi32, #tpu.memory_space<vmem>>
        %dma_wait3A_308 = arith.constant 0 : i32
        %dma_wait3A_309 = arith.constant 0 : i32
        %dma_wait3A_310 = tpu.memref_slice %arg3[%arg0, %arg1, %dma_wait3A_302, %dma_wait3A_308, %dma_wait3A_309] : memref<2x16x80x2x128xi32, #tpu.memory_space<hbm>> -> memref<1x1x1x2x128xi32, #tpu.memory_space<hbm>>
        %dma_wait3A_311 = tpu.memref_squeeze %dma_wait3A_310 : memref<1x1x1x2x128xi32, #tpu.memory_space<hbm>> -> memref<2x128xi32, #tpu.memory_space<hbm>>
        %dma_wait3A_312 = arith.constant 0 : i32
        %dma_wait3A_313 = arith.constant 0 : i32
        %dma_wait3A_314 = tpu.memref_slice %arg5[%dma_wait3A_303, %dma_wait3A_312, %dma_wait3A_313] : memref<4x2x128xi32, #tpu.memory_space<vmem>> -> memref<1x2x128xi32, #tpu.memory_space<vmem>>
        %dma_wait3A_315 = tpu.memref_squeeze %dma_wait3A_314 : memref<1x2x128xi32, #tpu.memory_space<vmem>> -> memref<2x128xi32, #tpu.memory_space<vmem>>
        %dma_wait3A_316 = arith.constant 0 : i32
        %dma_wait3A_317 = arith.constant 0 : i32
        %dma_wait3A_318 = tpu.memref_slice %arg3[%arg0, %arg1, %dma_wait3A_302, %dma_wait3A_316, %dma_wait3A_317] : memref<2x16x80x2x128xi32, #tpu.memory_space<hbm>> -> memref<1x1x1x2x128xi32, #tpu.memory_space<hbm>>
        %dma_wait3A_319 = tpu.memref_squeeze %dma_wait3A_318 : memref<1x1x1x2x128xi32, #tpu.memory_space<hbm>> -> memref<2x128xi32, #tpu.memory_space<hbm>>
        tpu.wait_dma2 semaphore(%arg13 : memref<!tpu.dma_semaphore, #tpu.memory_space<semaphore_mem>>) src(%dma_wait3A_319 : memref<2x128xi32, #tpu.memory_space<hbm>>) dst(%dma_wait3A_315 : memref<2x128xi32, #tpu.memory_space<vmem>>)
        %dma_start3A_320 = arith.constant 3 : i32
        %dma_start3A_321 = arith.constant 0 : i32
        %dma_start3A_322 = arith.constant 1 : i32
        %dma_start3A_323 = arith.constant 0 : i32
        %dma_start3A_324 = arith.constant 0 : i32
        %dma_start3A_325 = tpu.memref_slice %arg6[%dma_start3A_322, %dma_start3A_323, %dma_start3A_324] : memref<2x128x128xf32, #tpu.memory_space<vmem>> -> memref<1x128x128xf32, #tpu.memory_space<vmem>>
        %dma_start3A_326 = tpu.memref_squeeze %dma_start3A_325 : memref<1x128x128xf32, #tpu.memory_space<vmem>> -> memref<128x128xf32, #tpu.memory_space<vmem>>
        %dma_start3A_327 = arith.constant 0 : i32
        %dma_start3A_328 = tpu.memref_slice %arg5[%dma_start3A_320, %dma_start3A_321, %dma_start3A_327] : memref<4x2x128xi32, #tpu.memory_space<vmem>> -> memref<1x1x128xi32, #tpu.memory_space<vmem>>
        %dma_start3A_329 = tpu.memref_squeeze %dma_start3A_328 : memref<1x1x128xi32, #tpu.memory_space<vmem>> -> memref<128xi32, #tpu.memory_space<vmem>>
        %dma_start3A_330 = arith.constant 0 : i32
        %dma_start3A_331 = arith.constant 0 : i32
        %dma_start3A_332 = tpu.memref_slice %arg2[%dma_start3A_330, %dma_start3A_331] : memref<10000x128xf32, #tpu.memory_space<hbm>> -> memref<10000x128xf32, #tpu.memory_space<hbm>>
        tpu.enqueue_indirect_dma source(%dma_start3A_332 : memref<10000x128xf32, #tpu.memory_space<hbm>>) target(%dma_start3A_326 : memref<128x128xf32, #tpu.memory_space<vmem>>) offsets(%dma_start3A_329 : memref<128xi32, #tpu.memory_space<vmem>>) semaphore(%arg9 : memref<!tpu.dma_semaphore, #tpu.memory_space<semaphore_mem>>)
      } else {
      }
      %mul3A_234 = arith.constant 4 : i32
      %mul3A_235 = arith.muli %mul3A_234, %scan3A_169 : i32
      %add3A_236 = arith.constant 2 : i32
      %add3A_237 = arith.addi %mul3A_235, %add3A_236 : i32
      %dma_wait3A_238 = arith.constant 0 : i32
      %dma_wait3A_239 = arith.constant 0 : i32
      %dma_wait3A_240 = arith.constant 0 : i32
      %dma_wait3A_241 = arith.constant 0 : i32
      %dma_wait3A_242 = arith.constant 0 : i32
      %dma_wait3A_243 = tpu.memref_slice %arg6[%dma_wait3A_240, %dma_wait3A_241, %dma_wait3A_242] : memref<2x128x128xf32, #tpu.memory_space<vmem>> -> memref<1x128x128xf32, #tpu.memory_space<vmem>>
      %dma_wait3A_244 = tpu.memref_squeeze %dma_wait3A_243 : memref<1x128x128xf32, #tpu.memory_space<vmem>> -> memref<128x128xf32, #tpu.memory_space<vmem>>
      %dma_wait3A_245 = arith.constant 0 : i32
      %dma_wait3A_246 = tpu.memref_slice %arg5[%dma_wait3A_238, %dma_wait3A_239, %dma_wait3A_245] : memref<4x2x128xi32, #tpu.memory_space<vmem>> -> memref<1x1x128xi32, #tpu.memory_space<vmem>>
      %dma_wait3A_247 = tpu.memref_squeeze %dma_wait3A_246 : memref<1x1x128xi32, #tpu.memory_space<vmem>> -> memref<128xi32, #tpu.memory_space<vmem>>
      %dma_wait3A_248 = arith.constant 0 : i32
      %dma_wait3A_249 = arith.constant 0 : i32
      %dma_wait3A_250 = tpu.memref_slice %arg2[%dma_wait3A_248, %dma_wait3A_249] : memref<10000x128xf32, #tpu.memory_space<hbm>> -> memref<10000x128xf32, #tpu.memory_space<hbm>>
      tpu.wait_indirect_dma semaphore(%arg8 : memref<!tpu.dma_semaphore, #tpu.memory_space<semaphore_mem>>) src(%dma_wait3A_250 : memref<10000x128xf32, #tpu.memory_space<hbm>>) dst(%dma_wait3A_244 : memref<128x128xf32, #tpu.memory_space<vmem>>)
      %run_scoped3A_251 = arith.constant 0 : i32
      %run_scoped3A_252 = arith.constant 2 : i32
      %run_scoped3A_253 = arith.constant 1 : i32
      "tpu.region"() ({
        %run_scoped3A_302 = tpu.sem_alloc : memref<!tpu.dma_semaphore, #tpu.memory_space<semaphore_mem>>
        %dma_start3A_303 = arith.constant 0 : i32
        %dma_start3A_304 = arith.constant 0 : i32
        %dma_start3A_305 = tpu.memref_slice %arg6[%run_scoped3A_251, %dma_start3A_303, %dma_start3A_304] : memref<2x128x128xf32, #tpu.memory_space<vmem>> -> memref<1x128x128xf32, #tpu.memory_space<vmem>>
        %dma_start3A_306 = tpu.memref_squeeze %dma_start3A_305 : memref<1x128x128xf32, #tpu.memory_space<vmem>> -> memref<128x128xf32, #tpu.memory_space<vmem>>
        %dma_start3A_307 = arith.constant 0 : i32
        %dma_start3A_308 = tpu.memref_slice %arg5[%run_scoped3A_252, %run_scoped3A_253, %dma_start3A_307] : memref<4x2x128xi32, #tpu.memory_space<vmem>> -> memref<1x1x128xi32, #tpu.memory_space<vmem>>
        %dma_start3A_309 = tpu.memref_squeeze %dma_start3A_308 : memref<1x1x128xi32, #tpu.memory_space<vmem>> -> memref<128xi32, #tpu.memory_space<vmem>>
        %dma_start3A_310 = arith.constant 0 : i32
        %dma_start3A_311 = arith.constant 0 : i32
        %dma_start3A_312 = tpu.memref_slice %arg7[%dma_start3A_310, %dma_start3A_311] : memref<10240x128xf32, #tpu.memory_space<vmem_shared>> -> memref<10240x128xf32, #tpu.memory_space<vmem_shared>>
        tpu.enqueue_indirect_dma source(%dma_start3A_306 : memref<128x128xf32, #tpu.memory_space<vmem>>) target(%dma_start3A_312 : memref<10240x128xf32, #tpu.memory_space<vmem_shared>>) offsets(%dma_start3A_309 : memref<128xi32, #tpu.memory_space<vmem>>) semaphore(%run_scoped3A_302 : memref<!tpu.dma_semaphore, #tpu.memory_space<semaphore_mem>>) {add = true}
        %dma_wait3A_313 = arith.constant 0 : i32
        %dma_wait3A_314 = arith.constant 0 : i32
        %dma_wait3A_315 = tpu.memref_slice %arg6[%run_scoped3A_251, %dma_wait3A_313, %dma_wait3A_314] : memref<2x128x128xf32, #tpu.memory_space<vmem>> -> memref<1x128x128xf32, #tpu.memory_space<vmem>>
        %dma_wait3A_316 = tpu.memref_squeeze %dma_wait3A_315 : memref<1x128x128xf32, #tpu.memory_space<vmem>> -> memref<128x128xf32, #tpu.memory_space<vmem>>
        %dma_wait3A_317 = arith.constant 0 : i32
        %dma_wait3A_318 = tpu.memref_slice %arg5[%run_scoped3A_252, %run_scoped3A_253, %dma_wait3A_317] : memref<4x2x128xi32, #tpu.memory_space<vmem>> -> memref<1x1x128xi32, #tpu.memory_space<vmem>>
        %dma_wait3A_319 = tpu.memref_squeeze %dma_wait3A_318 : memref<1x1x128xi32, #tpu.memory_space<vmem>> -> memref<128xi32, #tpu.memory_space<vmem>>
        %dma_wait3A_320 = arith.constant 0 : i32
        %dma_wait3A_321 = arith.constant 0 : i32
        %dma_wait3A_322 = tpu.memref_slice %arg7[%dma_wait3A_320, %dma_wait3A_321] : memref<10240x128xf32, #tpu.memory_space<vmem_shared>> -> memref<10240x128xf32, #tpu.memory_space<vmem_shared>>
        tpu.wait_indirect_dma semaphore(%run_scoped3A_302 : memref<!tpu.dma_semaphore, #tpu.memory_space<semaphore_mem>>) src(%dma_wait3A_316 : memref<128x128xf32, #tpu.memory_space<vmem>>) dst(%dma_wait3A_322 : memref<10240x128xf32, #tpu.memory_space<vmem_shared>>)
        tpu.yield
      }) : () -> ()
      %add3A_254 = arith.constant 4 : i32
      %add3A_255 = arith.addi %add3A_237, %add3A_254 : i32
      %lt3A_256 = arith.constant 80 : i32
      %lt3A_257 = arith.cmpi slt, %add3A_255, %lt3A_256 : i32
      %convert_element_type3A_258 = arith.extui %lt3A_257 : i1 to i32
      %cond3A_259 = arith.constant 0 : i32
      %cond3A_260 = arith.cmpi ne, %convert_element_type3A_258, %cond3A_259 : i32
      scf.if %cond3A_260 {
        %add3A_302 = arith.constant 4 : i32
        %add3A_303 = arith.addi %add3A_237, %add3A_302 : i32
        %dma_start3A_304 = arith.constant 2 : i32
        %dma_start3A_305 = arith.constant 0 : i32
        %dma_start3A_306 = arith.constant 0 : i32
        %dma_start3A_307 = tpu.memref_slice %arg5[%dma_start3A_304, %dma_start3A_305, %dma_start3A_306] : memref<4x2x128xi32, #tpu.memory_space<vmem>> -> memref<1x2x128xi32, #tpu.memory_space<vmem>>
        %dma_start3A_308 = tpu.memref_squeeze %dma_start3A_307 : memref<1x2x128xi32, #tpu.memory_space<vmem>> -> memref<2x128xi32, #tpu.memory_space<vmem>>
        %dma_start3A_309 = arith.constant 0 : i32
        %dma_start3A_310 = arith.constant 0 : i32
        %dma_start3A_311 = tpu.memref_slice %arg3[%arg0, %arg1, %add3A_303, %dma_start3A_309, %dma_start3A_310] : memref<2x16x80x2x128xi32, #tpu.memory_space<hbm>> -> memref<1x1x1x2x128xi32, #tpu.memory_space<hbm>>
        %dma_start3A_312 = tpu.memref_squeeze %dma_start3A_311 : memref<1x1x1x2x128xi32, #tpu.memory_space<hbm>> -> memref<2x128xi32, #tpu.memory_space<hbm>>
        %dma_start3A_313 = arith.constant 0 : i32
        %dma_start3A_314 = arith.constant 0 : i32
        %dma_start3A_315 = tpu.memref_slice %arg5[%dma_start3A_304, %dma_start3A_313, %dma_start3A_314] : memref<4x2x128xi32, #tpu.memory_space<vmem>> -> memref<1x2x128xi32, #tpu.memory_space<vmem>>
        %dma_start3A_316 = tpu.memref_squeeze %dma_start3A_315 : memref<1x2x128xi32, #tpu.memory_space<vmem>> -> memref<2x128xi32, #tpu.memory_space<vmem>>
        %dma_start3A_317 = arith.constant 0 : i32
        %dma_start3A_318 = arith.constant 0 : i32
        %dma_start3A_319 = tpu.memref_slice %arg3[%arg0, %arg1, %add3A_303, %dma_start3A_317, %dma_start3A_318] : memref<2x16x80x2x128xi32, #tpu.memory_space<hbm>> -> memref<1x1x1x2x128xi32, #tpu.memory_space<hbm>>
        %dma_start3A_320 = tpu.memref_squeeze %dma_start3A_319 : memref<1x1x1x2x128xi32, #tpu.memory_space<hbm>> -> memref<2x128xi32, #tpu.memory_space<hbm>>
        tpu.enqueue_dma source(%dma_start3A_320 : memref<2x128xi32, #tpu.memory_space<hbm>>) target(%dma_start3A_316 : memref<2x128xi32, #tpu.memory_space<vmem>>) target_semaphore(%arg12 : memref<!tpu.dma_semaphore, #tpu.memory_space<semaphore_mem>>)
      } else {
      }
      %add3A_261 = arith.constant 2 : i32
      %add3A_262 = arith.addi %add3A_237, %add3A_261 : i32
      %lt3A_263 = arith.constant 80 : i32
      %lt3A_264 = arith.cmpi slt, %add3A_262, %lt3A_263 : i32
      %convert_element_type3A_265 = arith.extui %lt3A_264 : i1 to i32
      %cond3A_266 = arith.constant 0 : i32
      %cond3A_267 = arith.cmpi ne, %convert_element_type3A_265, %cond3A_266 : i32
      scf.if %cond3A_267 {
        %dma_wait3A_302 = arith.constant 0 : i32
        %dma_wait3A_303 = arith.constant 0 : i32
        %dma_wait3A_304 = arith.constant 0 : i32
        %dma_wait3A_305 = arith.constant 0 : i32
        %dma_wait3A_306 = tpu.memref_slice %arg5[%dma_wait3A_303, %dma_wait3A_304, %dma_wait3A_305] : memref<4x2x128xi32, #tpu.memory_space<vmem>> -> memref<1x2x128xi32, #tpu.memory_space<vmem>>
        %dma_wait3A_307 = tpu.memref_squeeze %dma_wait3A_306 : memref<1x2x128xi32, #tpu.memory_space<vmem>> -> memref<2x128xi32, #tpu.memory_space<vmem>>
        %dma_wait3A_308 = arith.constant 0 : i32
        %dma_wait3A_309 = arith.constant 0 : i32
        %dma_wait3A_310 = tpu.memref_slice %arg3[%arg0, %arg1, %dma_wait3A_302, %dma_wait3A_308, %dma_wait3A_309] : memref<2x16x80x2x128xi32, #tpu.memory_space<hbm>> -> memref<1x1x1x2x128xi32, #tpu.memory_space<hbm>>
        %dma_wait3A_311 = tpu.memref_squeeze %dma_wait3A_310 : memref<1x1x1x2x128xi32, #tpu.memory_space<hbm>> -> memref<2x128xi32, #tpu.memory_space<hbm>>
        %dma_wait3A_312 = arith.constant 0 : i32
        %dma_wait3A_313 = arith.constant 0 : i32
        %dma_wait3A_314 = tpu.memref_slice %arg5[%dma_wait3A_303, %dma_wait3A_312, %dma_wait3A_313] : memref<4x2x128xi32, #tpu.memory_space<vmem>> -> memref<1x2x128xi32, #tpu.memory_space<vmem>>
        %dma_wait3A_315 = tpu.memref_squeeze %dma_wait3A_314 : memref<1x2x128xi32, #tpu.memory_space<vmem>> -> memref<2x128xi32, #tpu.memory_space<vmem>>
        %dma_wait3A_316 = arith.constant 0 : i32
        %dma_wait3A_317 = arith.constant 0 : i32
        %dma_wait3A_318 = tpu.memref_slice %arg3[%arg0, %arg1, %dma_wait3A_302, %dma_wait3A_316, %dma_wait3A_317] : memref<2x16x80x2x128xi32, #tpu.memory_space<hbm>> -> memref<1x1x1x2x128xi32, #tpu.memory_space<hbm>>
        %dma_wait3A_319 = tpu.memref_squeeze %dma_wait3A_318 : memref<1x1x1x2x128xi32, #tpu.memory_space<hbm>> -> memref<2x128xi32, #tpu.memory_space<hbm>>
        tpu.wait_dma2 semaphore(%arg10 : memref<!tpu.dma_semaphore, #tpu.memory_space<semaphore_mem>>) src(%dma_wait3A_319 : memref<2x128xi32, #tpu.memory_space<hbm>>) dst(%dma_wait3A_315 : memref<2x128xi32, #tpu.memory_space<vmem>>)
        %dma_start3A_320 = arith.constant 0 : i32
        %dma_start3A_321 = arith.constant 0 : i32
        %dma_start3A_322 = arith.constant 0 : i32
        %dma_start3A_323 = arith.constant 0 : i32
        %dma_start3A_324 = arith.constant 0 : i32
        %dma_start3A_325 = tpu.memref_slice %arg6[%dma_start3A_322, %dma_start3A_323, %dma_start3A_324] : memref<2x128x128xf32, #tpu.memory_space<vmem>> -> memref<1x128x128xf32, #tpu.memory_space<vmem>>
        %dma_start3A_326 = tpu.memref_squeeze %dma_start3A_325 : memref<1x128x128xf32, #tpu.memory_space<vmem>> -> memref<128x128xf32, #tpu.memory_space<vmem>>
        %dma_start3A_327 = arith.constant 0 : i32
        %dma_start3A_328 = tpu.memref_slice %arg5[%dma_start3A_320, %dma_start3A_321, %dma_start3A_327] : memref<4x2x128xi32, #tpu.memory_space<vmem>> -> memref<1x1x128xi32, #tpu.memory_space<vmem>>
        %dma_start3A_329 = tpu.memref_squeeze %dma_start3A_328 : memref<1x1x128xi32, #tpu.memory_space<vmem>> -> memref<128xi32, #tpu.memory_space<vmem>>
        %dma_start3A_330 = arith.constant 0 : i32
        %dma_start3A_331 = arith.constant 0 : i32
        %dma_start3A_332 = tpu.memref_slice %arg2[%dma_start3A_330, %dma_start3A_331] : memref<10000x128xf32, #tpu.memory_space<hbm>> -> memref<10000x128xf32, #tpu.memory_space<hbm>>
        tpu.enqueue_indirect_dma source(%dma_start3A_332 : memref<10000x128xf32, #tpu.memory_space<hbm>>) target(%dma_start3A_326 : memref<128x128xf32, #tpu.memory_space<vmem>>) offsets(%dma_start3A_329 : memref<128xi32, #tpu.memory_space<vmem>>) semaphore(%arg8 : memref<!tpu.dma_semaphore, #tpu.memory_space<semaphore_mem>>)
      } else {
      }
      %mul3A_268 = arith.constant 4 : i32
      %mul3A_269 = arith.muli %mul3A_268, %scan3A_169 : i32
      %add3A_270 = arith.constant 3 : i32
      %add3A_271 = arith.addi %mul3A_269, %add3A_270 : i32
      %dma_wait3A_272 = arith.constant 0 : i32
      %dma_wait3A_273 = arith.constant 0 : i32
      %dma_wait3A_274 = arith.constant 1 : i32
      %dma_wait3A_275 = arith.constant 0 : i32
      %dma_wait3A_276 = arith.constant 0 : i32
      %dma_wait3A_277 = tpu.memref_slice %arg6[%dma_wait3A_274, %dma_wait3A_275, %dma_wait3A_276] : memref<2x128x128xf32, #tpu.memory_space<vmem>> -> memref<1x128x128xf32, #tpu.memory_space<vmem>>
      %dma_wait3A_278 = tpu.memref_squeeze %dma_wait3A_277 : memref<1x128x128xf32, #tpu.memory_space<vmem>> -> memref<128x128xf32, #tpu.memory_space<vmem>>
      %dma_wait3A_279 = arith.constant 0 : i32
      %dma_wait3A_280 = tpu.memref_slice %arg5[%dma_wait3A_272, %dma_wait3A_273, %dma_wait3A_279] : memref<4x2x128xi32, #tpu.memory_space<vmem>> -> memref<1x1x128xi32, #tpu.memory_space<vmem>>
      %dma_wait3A_281 = tpu.memref_squeeze %dma_wait3A_280 : memref<1x1x128xi32, #tpu.memory_space<vmem>> -> memref<128xi32, #tpu.memory_space<vmem>>
      %dma_wait3A_282 = arith.constant 0 : i32
      %dma_wait3A_283 = arith.constant 0 : i32
      %dma_wait3A_284 = tpu.memref_slice %arg2[%dma_wait3A_282, %dma_wait3A_283] : memref<10000x128xf32, #tpu.memory_space<hbm>> -> memref<10000x128xf32, #tpu.memory_space<hbm>>
      tpu.wait_indirect_dma semaphore(%arg9 : memref<!tpu.dma_semaphore, #tpu.memory_space<semaphore_mem>>) src(%dma_wait3A_284 : memref<10000x128xf32, #tpu.memory_space<hbm>>) dst(%dma_wait3A_278 : memref<128x128xf32, #tpu.memory_space<vmem>>)
      %run_scoped3A_285 = arith.constant 1 : i32
      %run_scoped3A_286 = arith.constant 3 : i32
      %run_scoped3A_287 = arith.constant 1 : i32
      "tpu.region"() ({
        %run_scoped3A_302 = tpu.sem_alloc : memref<!tpu.dma_semaphore, #tpu.memory_space<semaphore_mem>>
        %dma_start3A_303 = arith.constant 0 : i32
        %dma_start3A_304 = arith.constant 0 : i32
        %dma_start3A_305 = tpu.memref_slice %arg6[%run_scoped3A_285, %dma_start3A_303, %dma_start3A_304] : memref<2x128x128xf32, #tpu.memory_space<vmem>> -> memref<1x128x128xf32, #tpu.memory_space<vmem>>
        %dma_start3A_306 = tpu.memref_squeeze %dma_start3A_305 : memref<1x128x128xf32, #tpu.memory_space<vmem>> -> memref<128x128xf32, #tpu.memory_space<vmem>>
        %dma_start3A_307 = arith.constant 0 : i32
        %dma_start3A_308 = tpu.memref_slice %arg5[%run_scoped3A_286, %run_scoped3A_287, %dma_start3A_307] : memref<4x2x128xi32, #tpu.memory_space<vmem>> -> memref<1x1x128xi32, #tpu.memory_space<vmem>>
        %dma_start3A_309 = tpu.memref_squeeze %dma_start3A_308 : memref<1x1x128xi32, #tpu.memory_space<vmem>> -> memref<128xi32, #tpu.memory_space<vmem>>
        %dma_start3A_310 = arith.constant 0 : i32
        %dma_start3A_311 = arith.constant 0 : i32
        %dma_start3A_312 = tpu.memref_slice %arg7[%dma_start3A_310, %dma_start3A_311] : memref<10240x128xf32, #tpu.memory_space<vmem_shared>> -> memref<10240x128xf32, #tpu.memory_space<vmem_shared>>
        tpu.enqueue_indirect_dma source(%dma_start3A_306 : memref<128x128xf32, #tpu.memory_space<vmem>>) target(%dma_start3A_312 : memref<10240x128xf32, #tpu.memory_space<vmem_shared>>) offsets(%dma_start3A_309 : memref<128xi32, #tpu.memory_space<vmem>>) semaphore(%run_scoped3A_302 : memref<!tpu.dma_semaphore, #tpu.memory_space<semaphore_mem>>) {add = true}
        %dma_wait3A_313 = arith.constant 0 : i32
        %dma_wait3A_314 = arith.constant 0 : i32
        %dma_wait3A_315 = tpu.memref_slice %arg6[%run_scoped3A_285, %dma_wait3A_313, %dma_wait3A_314] : memref<2x128x128xf32, #tpu.memory_space<vmem>> -> memref<1x128x128xf32, #tpu.memory_space<vmem>>
        %dma_wait3A_316 = tpu.memref_squeeze %dma_wait3A_315 : memref<1x128x128xf32, #tpu.memory_space<vmem>> -> memref<128x128xf32, #tpu.memory_space<vmem>>
        %dma_wait3A_317 = arith.constant 0 : i32
        %dma_wait3A_318 = tpu.memref_slice %arg5[%run_scoped3A_286, %run_scoped3A_287, %dma_wait3A_317] : memref<4x2x128xi32, #tpu.memory_space<vmem>> -> memref<1x1x128xi32, #tpu.memory_space<vmem>>
        %dma_wait3A_319 = tpu.memref_squeeze %dma_wait3A_318 : memref<1x1x128xi32, #tpu.memory_space<vmem>> -> memref<128xi32, #tpu.memory_space<vmem>>
        %dma_wait3A_320 = arith.constant 0 : i32
        %dma_wait3A_321 = arith.constant 0 : i32
        %dma_wait3A_322 = tpu.memref_slice %arg7[%dma_wait3A_320, %dma_wait3A_321] : memref<10240x128xf32, #tpu.memory_space<vmem_shared>> -> memref<10240x128xf32, #tpu.memory_space<vmem_shared>>
        tpu.wait_indirect_dma semaphore(%run_scoped3A_302 : memref<!tpu.dma_semaphore, #tpu.memory_space<semaphore_mem>>) src(%dma_wait3A_316 : memref<128x128xf32, #tpu.memory_space<vmem>>) dst(%dma_wait3A_322 : memref<10240x128xf32, #tpu.memory_space<vmem_shared>>)
        tpu.yield
      }) : () -> ()
      %add3A_288 = arith.constant 4 : i32
      %add3A_289 = arith.addi %add3A_271, %add3A_288 : i32
      %lt3A_290 = arith.constant 80 : i32
      %lt3A_291 = arith.cmpi slt, %add3A_289, %lt3A_290 : i32
      %convert_element_type3A_292 = arith.extui %lt3A_291 : i1 to i32
      %cond3A_293 = arith.constant 0 : i32
      %cond3A_294 = arith.cmpi ne, %convert_element_type3A_292, %cond3A_293 : i32
      scf.if %cond3A_294 {
        %add3A_302 = arith.constant 4 : i32
        %add3A_303 = arith.addi %add3A_271, %add3A_302 : i32
        %dma_start3A_304 = arith.constant 3 : i32
        %dma_start3A_305 = arith.constant 0 : i32
        %dma_start3A_306 = arith.constant 0 : i32
        %dma_start3A_307 = tpu.memref_slice %arg5[%dma_start3A_304, %dma_start3A_305, %dma_start3A_306] : memref<4x2x128xi32, #tpu.memory_space<vmem>> -> memref<1x2x128xi32, #tpu.memory_space<vmem>>
        %dma_start3A_308 = tpu.memref_squeeze %dma_start3A_307 : memref<1x2x128xi32, #tpu.memory_space<vmem>> -> memref<2x128xi32, #tpu.memory_space<vmem>>
        %dma_start3A_309 = arith.constant 0 : i32
        %dma_start3A_310 = arith.constant 0 : i32
        %dma_start3A_311 = tpu.memref_slice %arg3[%arg0, %arg1, %add3A_303, %dma_start3A_309, %dma_start3A_310] : memref<2x16x80x2x128xi32, #tpu.memory_space<hbm>> -> memref<1x1x1x2x128xi32, #tpu.memory_space<hbm>>
        %dma_start3A_312 = tpu.memref_squeeze %dma_start3A_311 : memref<1x1x1x2x128xi32, #tpu.memory_space<hbm>> -> memref<2x128xi32, #tpu.memory_space<hbm>>
        %dma_start3A_313 = arith.constant 0 : i32
        %dma_start3A_314 = arith.constant 0 : i32
        %dma_start3A_315 = tpu.memref_slice %arg5[%dma_start3A_304, %dma_start3A_313, %dma_start3A_314] : memref<4x2x128xi32, #tpu.memory_space<vmem>> -> memref<1x2x128xi32, #tpu.memory_space<vmem>>
        %dma_start3A_316 = tpu.memref_squeeze %dma_start3A_315 : memref<1x2x128xi32, #tpu.memory_space<vmem>> -> memref<2x128xi32, #tpu.memory_space<vmem>>
        %dma_start3A_317 = arith.constant 0 : i32
        %dma_start3A_318 = arith.constant 0 : i32
        %dma_start3A_319 = tpu.memref_slice %arg3[%arg0, %arg1, %add3A_303, %dma_start3A_317, %dma_start3A_318] : memref<2x16x80x2x128xi32, #tpu.memory_space<hbm>> -> memref<1x1x1x2x128xi32, #tpu.memory_space<hbm>>
        %dma_start3A_320 = tpu.memref_squeeze %dma_start3A_319 : memref<1x1x1x2x128xi32, #tpu.memory_space<hbm>> -> memref<2x128xi32, #tpu.memory_space<hbm>>
        tpu.enqueue_dma source(%dma_start3A_320 : memref<2x128xi32, #tpu.memory_space<hbm>>) target(%dma_start3A_316 : memref<2x128xi32, #tpu.memory_space<vmem>>) target_semaphore(%arg13 : memref<!tpu.dma_semaphore, #tpu.memory_space<semaphore_mem>>)
      } else {
      }
      %add3A_295 = arith.constant 2 : i32
      %add3A_296 = arith.addi %add3A_271, %add3A_295 : i32
      %lt3A_297 = arith.constant 80 : i32
      %lt3A_298 = arith.cmpi slt, %add3A_296, %lt3A_297 : i32
      %convert_element_type3A_299 = arith.extui %lt3A_298 : i1 to i32
      %cond3A_300 = arith.constant 0 : i32
      %cond3A_301 = arith.cmpi ne, %convert_element_type3A_299, %cond3A_300 : i32
      scf.if %cond3A_301 {
        %dma_wait3A_302 = arith.constant 0 : i32
        %dma_wait3A_303 = arith.constant 1 : i32
        %dma_wait3A_304 = arith.constant 0 : i32
        %dma_wait3A_305 = arith.constant 0 : i32
        %dma_wait3A_306 = tpu.memref_slice %arg5[%dma_wait3A_303, %dma_wait3A_304, %dma_wait3A_305] : memref<4x2x128xi32, #tpu.memory_space<vmem>> -> memref<1x2x128xi32, #tpu.memory_space<vmem>>
        %dma_wait3A_307 = tpu.memref_squeeze %dma_wait3A_306 : memref<1x2x128xi32, #tpu.memory_space<vmem>> -> memref<2x128xi32, #tpu.memory_space<vmem>>
        %dma_wait3A_308 = arith.constant 0 : i32
        %dma_wait3A_309 = arith.constant 0 : i32
        %dma_wait3A_310 = tpu.memref_slice %arg3[%arg0, %arg1, %dma_wait3A_302, %dma_wait3A_308, %dma_wait3A_309] : memref<2x16x80x2x128xi32, #tpu.memory_space<hbm>> -> memref<1x1x1x2x128xi32, #tpu.memory_space<hbm>>
        %dma_wait3A_311 = tpu.memref_squeeze %dma_wait3A_310 : memref<1x1x1x2x128xi32, #tpu.memory_space<hbm>> -> memref<2x128xi32, #tpu.memory_space<hbm>>
        %dma_wait3A_312 = arith.constant 0 : i32
        %dma_wait3A_313 = arith.constant 0 : i32
        %dma_wait3A_314 = tpu.memref_slice %arg5[%dma_wait3A_303, %dma_wait3A_312, %dma_wait3A_313] : memref<4x2x128xi32, #tpu.memory_space<vmem>> -> memref<1x2x128xi32, #tpu.memory_space<vmem>>
        %dma_wait3A_315 = tpu.memref_squeeze %dma_wait3A_314 : memref<1x2x128xi32, #tpu.memory_space<vmem>> -> memref<2x128xi32, #tpu.memory_space<vmem>>
        %dma_wait3A_316 = arith.constant 0 : i32
        %dma_wait3A_317 = arith.constant 0 : i32
        %dma_wait3A_318 = tpu.memref_slice %arg3[%arg0, %arg1, %dma_wait3A_302, %dma_wait3A_316, %dma_wait3A_317] : memref<2x16x80x2x128xi32, #tpu.memory_space<hbm>> -> memref<1x1x1x2x128xi32, #tpu.memory_space<hbm>>
        %dma_wait3A_319 = tpu.memref_squeeze %dma_wait3A_318 : memref<1x1x1x2x128xi32, #tpu.memory_space<hbm>> -> memref<2x128xi32, #tpu.memory_space<hbm>>
        tpu.wait_dma2 semaphore(%arg11 : memref<!tpu.dma_semaphore, #tpu.memory_space<semaphore_mem>>) src(%dma_wait3A_319 : memref<2x128xi32, #tpu.memory_space<hbm>>) dst(%dma_wait3A_315 : memref<2x128xi32, #tpu.memory_space<vmem>>)
        %dma_start3A_320 = arith.constant 1 : i32
        %dma_start3A_321 = arith.constant 0 : i32
        %dma_start3A_322 = arith.constant 1 : i32
        %dma_start3A_323 = arith.constant 0 : i32
        %dma_start3A_324 = arith.constant 0 : i32
        %dma_start3A_325 = tpu.memref_slice %arg6[%dma_start3A_322, %dma_start3A_323, %dma_start3A_324] : memref<2x128x128xf32, #tpu.memory_space<vmem>> -> memref<1x128x128xf32, #tpu.memory_space<vmem>>
        %dma_start3A_326 = tpu.memref_squeeze %dma_start3A_325 : memref<1x128x128xf32, #tpu.memory_space<vmem>> -> memref<128x128xf32, #tpu.memory_space<vmem>>
        %dma_start3A_327 = arith.constant 0 : i32
        %dma_start3A_328 = tpu.memref_slice %arg5[%dma_start3A_320, %dma_start3A_321, %dma_start3A_327] : memref<4x2x128xi32, #tpu.memory_space<vmem>> -> memref<1x1x128xi32, #tpu.memory_space<vmem>>
        %dma_start3A_329 = tpu.memref_squeeze %dma_start3A_328 : memref<1x1x128xi32, #tpu.memory_space<vmem>> -> memref<128xi32, #tpu.memory_space<vmem>>
        %dma_start3A_330 = arith.constant 0 : i32
        %dma_start3A_331 = arith.constant 0 : i32
        %dma_start3A_332 = tpu.memref_slice %arg2[%dma_start3A_330, %dma_start3A_331] : memref<10000x128xf32, #tpu.memory_space<hbm>> -> memref<10000x128xf32, #tpu.memory_space<hbm>>
        tpu.enqueue_indirect_dma source(%dma_start3A_332 : memref<10000x128xf32, #tpu.memory_space<hbm>>) target(%dma_start3A_326 : memref<128x128xf32, #tpu.memory_space<vmem>>) offsets(%dma_start3A_329 : memref<128xi32, #tpu.memory_space<vmem>>) semaphore(%arg9 : memref<!tpu.dma_semaphore, #tpu.memory_space<semaphore_mem>>)
      } else {
      }
    }
    %scan3A_149 = arith.constant 20 : i32
    %barrier3A_150 = arith.constant 0 : index
    tpu.barrier barrier_id(%barrier3A_150)
    "tpu.trace_stop"() : () -> ()
    "tpu.trace_start"() <{level = 10 : i32, message = "sc_writeback"}> : () -> ()
    %mul3A = arith.constant 640 : i32
    %mul3A_151 = arith.muli %arg1, %mul3A : i32
    %add3A = arith.constant 0 : i32
    %add3A_152 = arith.addi %mul3A_151, %add3A : i32
    "tpu.region"() ({
      %run_scoped3A = tpu.sem_alloc : memref<!tpu.dma_semaphore, #tpu.memory_space<semaphore_mem>>
      %dma_start3A_169 = arith.constant 0 : i32
      %dma_start3A_170 = tpu.memref_slice %arg4[%arg0, %add3A_152, %dma_start3A_169] : memref<2x10240x128xf32, #tpu.memory_space<hbm>> -> memref<1x128x128xf32, #tpu.memory_space<hbm>>
      %dma_start3A_171 = tpu.memref_squeeze %dma_start3A_170 : memref<1x128x128xf32, #tpu.memory_space<hbm>> -> memref<128x128xf32, #tpu.memory_space<hbm>>
      %dma_start3A_172 = arith.constant 0 : i32
      %dma_start3A_173 = tpu.memref_slice %arg7[%add3A_152, %dma_start3A_172] : memref<10240x128xf32, #tpu.memory_space<vmem_shared>> -> memref<128x128xf32, #tpu.memory_space<vmem_shared>>
      tpu.enqueue_dma source(%dma_start3A_173 : memref<128x128xf32, #tpu.memory_space<vmem_shared>>) target(%dma_start3A_171 : memref<128x128xf32, #tpu.memory_space<hbm>>) target_semaphore(%run_scoped3A : memref<!tpu.dma_semaphore, #tpu.memory_space<semaphore_mem>>)
      %dma_wait3A_174 = arith.constant 0 : i32
      %dma_wait3A_175 = tpu.memref_slice %arg4[%arg0, %add3A_152, %dma_wait3A_174] : memref<2x10240x128xf32, #tpu.memory_space<hbm>> -> memref<1x128x128xf32, #tpu.memory_space<hbm>>
      %dma_wait3A_176 = tpu.memref_squeeze %dma_wait3A_175 : memref<1x128x128xf32, #tpu.memory_space<hbm>> -> memref<128x128xf32, #tpu.memory_space<hbm>>
      %dma_wait3A_177 = arith.constant 0 : i32
      %dma_wait3A_178 = tpu.memref_slice %arg7[%add3A_152, %dma_wait3A_177] : memref<10240x128xf32, #tpu.memory_space<vmem_shared>> -> memref<128x128xf32, #tpu.memory_space<vmem_shared>>
      tpu.wait_dma2 semaphore(%run_scoped3A : memref<!tpu.dma_semaphore, #tpu.memory_space<semaphore_mem>>) src(%dma_wait3A_178 : memref<128x128xf32, #tpu.memory_space<vmem_shared>>) dst(%dma_wait3A_176 : memref<128x128xf32, #tpu.memory_space<hbm>>)
      tpu.yield
    }) : () -> ()
    %mul3A_153 = arith.constant 640 : i32
    %mul3A_154 = arith.muli %arg1, %mul3A_153 : i32
    %add3A_155 = arith.constant 128 : i32
    %add3A_156 = arith.addi %mul3A_154, %add3A_155 : i32
    "tpu.region"() ({
      %run_scoped3A = tpu.sem_alloc : memref<!tpu.dma_semaphore, #tpu.memory_space<semaphore_mem>>
      %dma_start3A_169 = arith.constant 0 : i32
      %dma_start3A_170 = tpu.memref_slice %arg4[%arg0, %add3A_156, %dma_start3A_169] : memref<2x10240x128xf32, #tpu.memory_space<hbm>> -> memref<1x128x128xf32, #tpu.memory_space<hbm>>
      %dma_start3A_171 = tpu.memref_squeeze %dma_start3A_170 : memref<1x128x128xf32, #tpu.memory_space<hbm>> -> memref<128x128xf32, #tpu.memory_space<hbm>>
      %dma_start3A_172 = arith.constant 0 : i32
      %dma_start3A_173 = tpu.memref_slice %arg7[%add3A_156, %dma_start3A_172] : memref<10240x128xf32, #tpu.memory_space<vmem_shared>> -> memref<128x128xf32, #tpu.memory_space<vmem_shared>>
      tpu.enqueue_dma source(%dma_start3A_173 : memref<128x128xf32, #tpu.memory_space<vmem_shared>>) target(%dma_start3A_171 : memref<128x128xf32, #tpu.memory_space<hbm>>) target_semaphore(%run_scoped3A : memref<!tpu.dma_semaphore, #tpu.memory_space<semaphore_mem>>)
      %dma_wait3A_174 = arith.constant 0 : i32
      %dma_wait3A_175 = tpu.memref_slice %arg4[%arg0, %add3A_156, %dma_wait3A_174] : memref<2x10240x128xf32, #tpu.memory_space<hbm>> -> memref<1x128x128xf32, #tpu.memory_space<hbm>>
      %dma_wait3A_176 = tpu.memref_squeeze %dma_wait3A_175 : memref<1x128x128xf32, #tpu.memory_space<hbm>> -> memref<128x128xf32, #tpu.memory_space<hbm>>
      %dma_wait3A_177 = arith.constant 0 : i32
      %dma_wait3A_178 = tpu.memref_slice %arg7[%add3A_156, %dma_wait3A_177] : memref<10240x128xf32, #tpu.memory_space<vmem_shared>> -> memref<128x128xf32, #tpu.memory_space<vmem_shared>>
      tpu.wait_dma2 semaphore(%run_scoped3A : memref<!tpu.dma_semaphore, #tpu.memory_space<semaphore_mem>>) src(%dma_wait3A_178 : memref<128x128xf32, #tpu.memory_space<vmem_shared>>) dst(%dma_wait3A_176 : memref<128x128xf32, #tpu.memory_space<hbm>>)
      tpu.yield
    }) : () -> ()
    %mul3A_157 = arith.constant 640 : i32
    %mul3A_158 = arith.muli %arg1, %mul3A_157 : i32
    %add3A_159 = arith.constant 256 : i32
    %add3A_160 = arith.addi %mul3A_158, %add3A_159 : i32
    "tpu.region"() ({
      %run_scoped3A = tpu.sem_alloc : memref<!tpu.dma_semaphore, #tpu.memory_space<semaphore_mem>>
      %dma_start3A_169 = arith.constant 0 : i32
      %dma_start3A_170 = tpu.memref_slice %arg4[%arg0, %add3A_160, %dma_start3A_169] : memref<2x10240x128xf32, #tpu.memory_space<hbm>> -> memref<1x128x128xf32, #tpu.memory_space<hbm>>
      %dma_start3A_171 = tpu.memref_squeeze %dma_start3A_170 : memref<1x128x128xf32, #tpu.memory_space<hbm>> -> memref<128x128xf32, #tpu.memory_space<hbm>>
      %dma_start3A_172 = arith.constant 0 : i32
      %dma_start3A_173 = tpu.memref_slice %arg7[%add3A_160, %dma_start3A_172] : memref<10240x128xf32, #tpu.memory_space<vmem_shared>> -> memref<128x128xf32, #tpu.memory_space<vmem_shared>>
      tpu.enqueue_dma source(%dma_start3A_173 : memref<128x128xf32, #tpu.memory_space<vmem_shared>>) target(%dma_start3A_171 : memref<128x128xf32, #tpu.memory_space<hbm>>) target_semaphore(%run_scoped3A : memref<!tpu.dma_semaphore, #tpu.memory_space<semaphore_mem>>)
      %dma_wait3A_174 = arith.constant 0 : i32
      %dma_wait3A_175 = tpu.memref_slice %arg4[%arg0, %add3A_160, %dma_wait3A_174] : memref<2x10240x128xf32, #tpu.memory_space<hbm>> -> memref<1x128x128xf32, #tpu.memory_space<hbm>>
      %dma_wait3A_176 = tpu.memref_squeeze %dma_wait3A_175 : memref<1x128x128xf32, #tpu.memory_space<hbm>> -> memref<128x128xf32, #tpu.memory_space<hbm>>
      %dma_wait3A_177 = arith.constant 0 : i32
      %dma_wait3A_178 = tpu.memref_slice %arg7[%add3A_160, %dma_wait3A_177] : memref<10240x128xf32, #tpu.memory_space<vmem_shared>> -> memref<128x128xf32, #tpu.memory_space<vmem_shared>>
      tpu.wait_dma2 semaphore(%run_scoped3A : memref<!tpu.dma_semaphore, #tpu.memory_space<semaphore_mem>>) src(%dma_wait3A_178 : memref<128x128xf32, #tpu.memory_space<vmem_shared>>) dst(%dma_wait3A_176 : memref<128x128xf32, #tpu.memory_space<hbm>>)
      tpu.yield
    }) : () -> ()
    %mul3A_161 = arith.constant 640 : i32
    %mul3A_162 = arith.muli %arg1, %mul3A_161 : i32
    %add3A_163 = arith.constant 384 : i32
    %add3A_164 = arith.addi %mul3A_162, %add3A_163 : i32
    "tpu.region"() ({
      %run_scoped3A = tpu.sem_alloc : memref<!tpu.dma_semaphore, #tpu.memory_space<semaphore_mem>>
      %dma_start3A_169 = arith.constant 0 : i32
      %dma_start3A_170 = tpu.memref_slice %arg4[%arg0, %add3A_164, %dma_start3A_169] : memref<2x10240x128xf32, #tpu.memory_space<hbm>> -> memref<1x128x128xf32, #tpu.memory_space<hbm>>
      %dma_start3A_171 = tpu.memref_squeeze %dma_start3A_170 : memref<1x128x128xf32, #tpu.memory_space<hbm>> -> memref<128x128xf32, #tpu.memory_space<hbm>>
      %dma_start3A_172 = arith.constant 0 : i32
      %dma_start3A_173 = tpu.memref_slice %arg7[%add3A_164, %dma_start3A_172] : memref<10240x128xf32, #tpu.memory_space<vmem_shared>> -> memref<128x128xf32, #tpu.memory_space<vmem_shared>>
      tpu.enqueue_dma source(%dma_start3A_173 : memref<128x128xf32, #tpu.memory_space<vmem_shared>>) target(%dma_start3A_171 : memref<128x128xf32, #tpu.memory_space<hbm>>) target_semaphore(%run_scoped3A : memref<!tpu.dma_semaphore, #tpu.memory_space<semaphore_mem>>)
      %dma_wait3A_174 = arith.constant 0 : i32
      %dma_wait3A_175 = tpu.memref_slice %arg4[%arg0, %add3A_164, %dma_wait3A_174] : memref<2x10240x128xf32, #tpu.memory_space<hbm>> -> memref<1x128x128xf32, #tpu.memory_space<hbm>>
      %dma_wait3A_176 = tpu.memref_squeeze %dma_wait3A_175 : memref<1x128x128xf32, #tpu.memory_space<hbm>> -> memref<128x128xf32, #tpu.memory_space<hbm>>
      %dma_wait3A_177 = arith.constant 0 : i32
      %dma_wait3A_178 = tpu.memref_slice %arg7[%add3A_164, %dma_wait3A_177] : memref<10240x128xf32, #tpu.memory_space<vmem_shared>> -> memref<128x128xf32, #tpu.memory_space<vmem_shared>>
      tpu.wait_dma2 semaphore(%run_scoped3A : memref<!tpu.dma_semaphore, #tpu.memory_space<semaphore_mem>>) src(%dma_wait3A_178 : memref<128x128xf32, #tpu.memory_space<vmem_shared>>) dst(%dma_wait3A_176 : memref<128x128xf32, #tpu.memory_space<hbm>>)
      tpu.yield
    }) : () -> ()
    %mul3A_165 = arith.constant 640 : i32
    %mul3A_166 = arith.muli %arg1, %mul3A_165 : i32
    %add3A_167 = arith.constant 512 : i32
    %add3A_168 = arith.addi %mul3A_166, %add3A_167 : i32
    "tpu.region"() ({
      %run_scoped3A = tpu.sem_alloc : memref<!tpu.dma_semaphore, #tpu.memory_space<semaphore_mem>>
      %dma_start3A_169 = arith.constant 0 : i32
      %dma_start3A_170 = tpu.memref_slice %arg4[%arg0, %add3A_168, %dma_start3A_169] : memref<2x10240x128xf32, #tpu.memory_space<hbm>> -> memref<1x128x128xf32, #tpu.memory_space<hbm>>
      %dma_start3A_171 = tpu.memref_squeeze %dma_start3A_170 : memref<1x128x128xf32, #tpu.memory_space<hbm>> -> memref<128x128xf32, #tpu.memory_space<hbm>>
      %dma_start3A_172 = arith.constant 0 : i32
      %dma_start3A_173 = tpu.memref_slice %arg7[%add3A_168, %dma_start3A_172] : memref<10240x128xf32, #tpu.memory_space<vmem_shared>> -> memref<128x128xf32, #tpu.memory_space<vmem_shared>>
      tpu.enqueue_dma source(%dma_start3A_173 : memref<128x128xf32, #tpu.memory_space<vmem_shared>>) target(%dma_start3A_171 : memref<128x128xf32, #tpu.memory_space<hbm>>) target_semaphore(%run_scoped3A : memref<!tpu.dma_semaphore, #tpu.memory_space<semaphore_mem>>)
      %dma_wait3A_174 = arith.constant 0 : i32
      %dma_wait3A_175 = tpu.memref_slice %arg4[%arg0, %add3A_168, %dma_wait3A_174] : memref<2x10240x128xf32, #tpu.memory_space<hbm>> -> memref<1x128x128xf32, #tpu.memory_space<hbm>>
      %dma_wait3A_176 = tpu.memref_squeeze %dma_wait3A_175 : memref<1x128x128xf32, #tpu.memory_space<hbm>> -> memref<128x128xf32, #tpu.memory_space<hbm>>
      %dma_wait3A_177 = arith.constant 0 : i32
      %dma_wait3A_178 = tpu.memref_slice %arg7[%add3A_168, %dma_wait3A_177] : memref<10240x128xf32, #tpu.memory_space<vmem_shared>> -> memref<128x128xf32, #tpu.memory_space<vmem_shared>>
      tpu.wait_dma2 semaphore(%run_scoped3A : memref<!tpu.dma_semaphore, #tpu.memory_space<semaphore_mem>>) src(%dma_wait3A_178 : memref<128x128xf32, #tpu.memory_space<vmem_shared>>) dst(%dma_wait3A_176 : memref<128x128xf32, #tpu.memory_space<hbm>>)
      tpu.yield
    }) : () -> ()
    "tpu.trace_stop"() : () -> ()
    return
  }
}

#map = affine_map<(d0, d1) -> (0, 0)>
#map1 = affine_map<(d0, d1) -> (0, 0, 0, 0, 0)>
#map2 = affine_map<(d0, d1) -> (0, 0, 0)>
module attributes {stable_mosaic.version = 14 : i64} {
  func.func @_sc_aggregate_body(%arg0: i32, %arg1: i32, %arg2: memref<10000x128xf32, #tpu.memory_space<hbm>>, %arg3: memref<2x16x80x2x128xi32, #tpu.memory_space<hbm>>, %arg4: memref<2x10240x128xf32, #tpu.memory_space<hbm>>, %arg5: memref<4x2x128xi32, #tpu.memory_space<vmem>>, %arg6: memref<2x128x128xf32, #tpu.memory_space<vmem>>, %arg7: memref<10240x128xf32, #tpu.memory_space<vmem_shared>>, %arg8: memref<!tpu.dma_semaphore, #tpu.memory_space<semaphore_mem>>, %arg9: memref<!tpu.dma_semaphore, #tpu.memory_space<semaphore_mem>>, %arg10: memref<!tpu.dma_semaphore, #tpu.memory_space<semaphore_mem>>, %arg11: memref<!tpu.dma_semaphore, #tpu.memory_space<semaphore_mem>>, %arg12: memref<!tpu.dma_semaphore, #tpu.memory_space<semaphore_mem>>, %arg13: memref<!tpu.dma_semaphore, #tpu.memory_space<semaphore_mem>>) attributes {dimension_semantics = [#tpu.dimension_semantics<core_parallel>, #tpu.dimension_semantics<subcore_parallel>], iteration_bounds = array<i64: 2, 16>, scalar_prefetch = 0 : i64, scratch_operands = 9 : i64, tpu.core_type = #tpu.core_type<sc_vector_subcore>, window_params = [{transform_indices = #map}, {transform_indices = #map1}, {transform_indices = #map2}]} {
    %broadcast_in_dim3A = arith.constant 0.000000e+00 : f32
    %broadcast_in_dim3A_0 = vector.broadcast %broadcast_in_dim3A : f32 to vector<16xf32>
    "tpu.trace_start"() <{level = 10 : i32, message = "sc_zero"}> : () -> ()
    %scan3A = arith.constant 0 : i32
    %scan3A_1 = arith.constant 0 : i32
    %scan3A_2 = arith.constant 128 : i32
    %scan3A_3 = arith.addi %scan3A_1, %scan3A_2 : i32
    %scan3A_4 = arith.constant 1 : i32
    scf.for %scan3A_169 = %scan3A_1 to %scan3A_3 step %scan3A_4  : i32 {
      %swap3A = arith.constant 0 : i32
      %swap3A_170 = arith.index_cast %swap3A : i32 to index
      %swap3A_171 = arith.index_cast %scan3A_169 : i32 to index
      %swap3A_172 = arith.constant 0 : index
      %swap3A_173 = tpu.vector_load %arg6[%swap3A_170, %swap3A_171, %swap3A_172] {strides = array<i32>} : memref<2x128x128xf32, #tpu.memory_space<vmem>>, vector<1x1x16xf32>,
      %swap3A_174 = vector.shape_cast %swap3A_173 : vector<1x1x16xf32> to vector<16xf32>
      %swap3A_175 = vector.shape_cast %broadcast_in_dim3A_0 : vector<16xf32> to vector<1x1x16xf32>
      tpu.vector_store %arg6[%swap3A_170, %swap3A_171, %swap3A_172], %swap3A_175 {strides = array<i32>} : memref<2x128x128xf32, #tpu.memory_space<vmem>>, vector<1x1x16xf32>,
      %swap3A_176 = arith.constant 0 : i32
      %swap3A_177 = arith.index_cast %swap3A_176 : i32 to index
      %swap3A_178 = arith.index_cast %scan3A_169 : i32 to index
      %swap3A_179 = arith.constant 16 : index
      %swap3A_180 = tpu.vector_load %arg6[%swap3A_177, %swap3A_178, %swap3A_179] {strides = array<i32>} : memref<2x128x128xf32, #tpu.memory_space<vmem>>, vector<1x1x16xf32>,
      %swap3A_181 = vector.shape_cast %swap3A_180 : vector<1x1x16xf32> to vector<16xf32>
      %swap3A_182 = vector.shape_cast %broadcast_in_dim3A_0 : vector<16xf32> to vector<1x1x16xf32>
      tpu.vector_store %arg6[%swap3A_177, %swap3A_178, %swap3A_179], %swap3A_182 {strides = array<i32>} : memref<2x128x128xf32, #tpu.memory_space<vmem>>, vector<1x1x16xf32>,
      %swap3A_183 = arith.constant 0 : i32
      %swap3A_184 = arith.index_cast %swap3A_183 : i32 to index
      %swap3A_185 = arith.index_cast %scan3A_169 : i32 to index
      %swap3A_186 = arith.constant 32 : index
      %swap3A_187 = tpu.vector_load %arg6[%swap3A_184, %swap3A_185, %swap3A_186] {strides = array<i32>} : memref<2x128x128xf32, #tpu.memory_space<vmem>>, vector<1x1x16xf32>,
      %swap3A_188 = vector.shape_cast %swap3A_187 : vector<1x1x16xf32> to vector<16xf32>
      %swap3A_189 = vector.shape_cast %broadcast_in_dim3A_0 : vector<16xf32> to vector<1x1x16xf32>
      tpu.vector_store %arg6[%swap3A_184, %swap3A_185, %swap3A_186], %swap3A_189 {strides = array<i32>} : memref<2x128x128xf32, #tpu.memory_space<vmem>>, vector<1x1x16xf32>,
      %swap3A_190 = arith.constant 0 : i32
      %swap3A_191 = arith.index_cast %swap3A_190 : i32 to index
      %swap3A_192 = arith.index_cast %scan3A_169 : i32 to index
      %swap3A_193 = arith.constant 48 : index
      %swap3A_194 = tpu.vector_load %arg6[%swap3A_191, %swap3A_192, %swap3A_193] {strides = array<i32>} : memref<2x128x128xf32, #tpu.memory_space<vmem>>, vector<1x1x16xf32>,
      %swap3A_195 = vector.shape_cast %swap3A_194 : vector<1x1x16xf32> to vector<16xf32>
      %swap3A_196 = vector.shape_cast %broadcast_in_dim3A_0 : vector<16xf32> to vector<1x1x16xf32>
      tpu.vector_store %arg6[%swap3A_191, %swap3A_192, %swap3A_193], %swap3A_196 {strides = array<i32>} : memref<2x128x128xf32, #tpu.memory_space<vmem>>, vector<1x1x16xf32>,
      %swap3A_197 = arith.constant 0 : i32
      %swap3A_198 = arith.index_cast %swap3A_197 : i32 to index
      %swap3A_199 = arith.index_cast %scan3A_169 : i32 to index
      %swap3A_200 = arith.constant 64 : index
      %swap3A_201 = tpu.vector_load %arg6[%swap3A_198, %swap3A_199, %swap3A_200] {strides = array<i32>} : memref<2x128x128xf32, #tpu.memory_space<vmem>>, vector<1x1x16xf32>,
      %swap3A_202 = vector.shape_cast %swap3A_201 : vector<1x1x16xf32> to vector<16xf32>
      %swap3A_203 = vector.shape_cast %broadcast_in_dim3A_0 : vector<16xf32> to vector<1x1x16xf32>
      tpu.vector_store %arg6[%swap3A_198, %swap3A_199, %swap3A_200], %swap3A_203 {strides = array<i32>} : memref<2x128x128xf32, #tpu.memory_space<vmem>>, vector<1x1x16xf32>,
      %swap3A_204 = arith.constant 0 : i32
      %swap3A_205 = arith.index_cast %swap3A_204 : i32 to index
      %swap3A_206 = arith.index_cast %scan3A_169 : i32 to index
      %swap3A_207 = arith.constant 80 : index
      %swap3A_208 = tpu.vector_load %arg6[%swap3A_205, %swap3A_206, %swap3A_207] {strides = array<i32>} : memref<2x128x128xf32, #tpu.memory_space<vmem>>, vector<1x1x16xf32>,
      %swap3A_209 = vector.shape_cast %swap3A_208 : vector<1x1x16xf32> to vector<16xf32>
      %swap3A_210 = vector.shape_cast %broadcast_in_dim3A_0 : vector<16xf32> to vector<1x1x16xf32>
      tpu.vector_store %arg6[%swap3A_205, %swap3A_206, %swap3A_207], %swap3A_210 {strides = array<i32>} : memref<2x128x128xf32, #tpu.memory_space<vmem>>, vector<1x1x16xf32>,
      %swap3A_211 = arith.constant 0 : i32
      %swap3A_212 = arith.index_cast %swap3A_211 : i32 to index
      %swap3A_213 = arith.index_cast %scan3A_169 : i32 to index
      %swap3A_214 = arith.constant 96 : index
      %swap3A_215 = tpu.vector_load %arg6[%swap3A_212, %swap3A_213, %swap3A_214] {strides = array<i32>} : memref<2x128x128xf32, #tpu.memory_space<vmem>>, vector<1x1x16xf32>,
      %swap3A_216 = vector.shape_cast %swap3A_215 : vector<1x1x16xf32> to vector<16xf32>
      %swap3A_217 = vector.shape_cast %broadcast_in_dim3A_0 : vector<16xf32> to vector<1x1x16xf32>
      tpu.vector_store %arg6[%swap3A_212, %swap3A_213, %swap3A_214], %swap3A_217 {strides = array<i32>} : memref<2x128x128xf32, #tpu.memory_space<vmem>>, vector<1x1x16xf32>,
      %swap3A_218 = arith.constant 0 : i32
      %swap3A_219 = arith.index_cast %swap3A_218 : i32 to index
      %swap3A_220 = arith.index_cast %scan3A_169 : i32 to index
      %swap3A_221 = arith.constant 112 : index
      %swap3A_222 = tpu.vector_load %arg6[%swap3A_219, %swap3A_220, %swap3A_221] {strides = array<i32>} : memref<2x128x128xf32, #tpu.memory_space<vmem>>, vector<1x1x16xf32>,
      %swap3A_223 = vector.shape_cast %swap3A_222 : vector<1x1x16xf32> to vector<16xf32>
      %swap3A_224 = vector.shape_cast %broadcast_in_dim3A_0 : vector<16xf32> to vector<1x1x16xf32>
      tpu.vector_store %arg6[%swap3A_219, %swap3A_220, %swap3A_221], %swap3A_224 {strides = array<i32>} : memref<2x128x128xf32, #tpu.memory_space<vmem>>, vector<1x1x16xf32>,
    }
    %scan3A_5 = arith.constant 128 : i32
    %scan3A_6 = arith.constant 0 : i32
    %scan3A_7 = arith.constant 0 : i32
    %scan3A_8 = arith.constant 5 : i32
    %scan3A_9 = arith.addi %scan3A_7, %scan3A_8 : i32
    %scan3A_10 = arith.constant 1 : i32
    scf.for %scan3A_169 = %scan3A_7 to %scan3A_9 step %scan3A_10  : i32 {
      %mul3A_170 = arith.constant 640 : i32
      %mul3A_171 = arith.muli %arg1, %mul3A_170 : i32
      %mul3A_172 = arith.constant 128 : i32
      %mul3A_173 = arith.muli %scan3A_169, %mul3A_172 : i32
      %add3A_174 = arith.addi %mul3A_171, %mul3A_173 : i32
      %run_scoped3A = arith.constant 0 : i32
      "tpu.region"() ({
        %run_scoped3A_175 = tpu.sem_alloc : memref<!tpu.dma_semaphore, #tpu.memory_space<semaphore_mem>>
        %dma_start3A_176 = arith.constant 0 : i32
        %dma_start3A_177 = arith.constant 0 : i32
        %dma_start3A_178 = tpu.memref_slice %arg6[%run_scoped3A, %dma_start3A_176, %dma_start3A_177] : memref<2x128x128xf32, #tpu.memory_space<vmem>> -> memref<1x128x128xf32, #tpu.memory_space<vmem>>
        %dma_start3A_179 = tpu.memref_squeeze %dma_start3A_178 : memref<1x128x128xf32, #tpu.memory_space<vmem>> -> memref<128x128xf32, #tpu.memory_space<vmem>>
        %dma_start3A_180 = arith.constant 0 : i32
        %dma_start3A_181 = tpu.memref_slice %arg7[%add3A_174, %dma_start3A_180] : memref<10240x128xf32, #tpu.memory_space<vmem_shared>> -> memref<128x128xf32, #tpu.memory_space<vmem_shared>>
        %dma_start3A_182 = arith.constant 0 : i32
        %dma_start3A_183 = tpu.memref_slice %arg7[%add3A_174, %dma_start3A_182] : memref<10240x128xf32, #tpu.memory_space<vmem_shared>> -> memref<128x128xf32, #tpu.memory_space<vmem_shared>>
        %dma_start3A_184 = arith.constant 0 : i32
        %dma_start3A_185 = arith.constant 0 : i32
        %dma_start3A_186 = tpu.memref_slice %arg6[%run_scoped3A, %dma_start3A_184, %dma_start3A_185] : memref<2x128x128xf32, #tpu.memory_space<vmem>> -> memref<1x128x128xf32, #tpu.memory_space<vmem>>
        %dma_start3A_187 = tpu.memref_squeeze %dma_start3A_186 : memref<1x128x128xf32, #tpu.memory_space<vmem>> -> memref<128x128xf32, #tpu.memory_space<vmem>>
        tpu.enqueue_dma source(%dma_start3A_187 : memref<128x128xf32, #tpu.memory_space<vmem>>) target(%dma_start3A_183 : memref<128x128xf32, #tpu.memory_space<vmem_shared>>) target_semaphore(%run_scoped3A_175 : memref<!tpu.dma_semaphore, #tpu.memory_space<semaphore_mem>>)
        %dma_wait3A_188 = arith.constant 0 : i32
        %dma_wait3A_189 = arith.constant 0 : i32
        %dma_wait3A_190 = tpu.memref_slice %arg6[%run_scoped3A, %dma_wait3A_188, %dma_wait3A_189] : memref<2x128x128xf32, #tpu.memory_space<vmem>> -> memref<1x128x128xf32, #tpu.memory_space<vmem>>
        %dma_wait3A_191 = tpu.memref_squeeze %dma_wait3A_190 : memref<1x128x128xf32, #tpu.memory_space<vmem>> -> memref<128x128xf32, #tpu.memory_space<vmem>>
        %dma_wait3A_192 = arith.constant 0 : i32
        %dma_wait3A_193 = tpu.memref_slice %arg7[%add3A_174, %dma_wait3A_192] : memref<10240x128xf32, #tpu.memory_space<vmem_shared>> -> memref<128x128xf32, #tpu.memory_space<vmem_shared>>
        %dma_wait3A_194 = arith.constant 0 : i32
        %dma_wait3A_195 = tpu.memref_slice %arg7[%add3A_174, %dma_wait3A_194] : memref<10240x128xf32, #tpu.memory_space<vmem_shared>> -> memref<128x128xf32, #tpu.memory_space<vmem_shared>>
        %dma_wait3A_196 = arith.constant 0 : i32
        %dma_wait3A_197 = arith.constant 0 : i32
        %dma_wait3A_198 = tpu.memref_slice %arg6[%run_scoped3A, %dma_wait3A_196, %dma_wait3A_197] : memref<2x128x128xf32, #tpu.memory_space<vmem>> -> memref<1x128x128xf32, #tpu.memory_space<vmem>>
        %dma_wait3A_199 = tpu.memref_squeeze %dma_wait3A_198 : memref<1x128x128xf32, #tpu.memory_space<vmem>> -> memref<128x128xf32, #tpu.memory_space<vmem>>
        tpu.wait_dma2 semaphore(%run_scoped3A_175 : memref<!tpu.dma_semaphore, #tpu.memory_space<semaphore_mem>>) src(%dma_wait3A_199 : memref<128x128xf32, #tpu.memory_space<vmem>>) dst(%dma_wait3A_195 : memref<128x128xf32, #tpu.memory_space<vmem_shared>>)
        tpu.yield
      }) : () -> ()
    }
    %scan3A_11 = arith.constant 5 : i32
    %barrier3A = arith.constant 0 : index
    tpu.barrier barrier_id(%barrier3A)
    %dma_start3A = arith.constant 0 : i32
    %dma_start3A_12 = arith.constant 0 : i32
    "tpu.trace_stop"() : () -> ()
    "tpu.trace_start"() <{level = 10 : i32, message = "sc_mainloop"}> : () -> ()
    %dma_start3A_13 = arith.constant 0 : i32
    %dma_start3A_14 = arith.constant 0 : i32
    %dma_start3A_15 = tpu.memref_slice %arg5[%dma_start3A_12, %dma_start3A_13, %dma_start3A_14] : memref<4x2x128xi32, #tpu.memory_space<vmem>> -> memref<1x2x128xi32, #tpu.memory_space<vmem>>
    %dma_start3A_16 = tpu.memref_squeeze %dma_start3A_15 : memref<1x2x128xi32, #tpu.memory_space<vmem>> -> memref<2x128xi32, #tpu.memory_space<vmem>>
    %dma_start3A_17 = arith.constant 0 : i32
    %dma_start3A_18 = arith.constant 0 : i32
    %dma_start3A_19 = tpu.memref_slice %arg3[%arg0, %arg1, %dma_start3A, %dma_start3A_17, %dma_start3A_18] : memref<2x16x80x2x128xi32, #tpu.memory_space<hbm>> -> memref<1x1x1x2x128xi32, #tpu.memory_space<hbm>>
    %dma_start3A_20 = tpu.memref_squeeze %dma_start3A_19 : memref<1x1x1x2x128xi32, #tpu.memory_space<hbm>> -> memref<2x128xi32, #tpu.memory_space<hbm>>
    %dma_start3A_21 = arith.constant 0 : i32
    %dma_start3A_22 = arith.constant 0 : i32
    %dma_start3A_23 = tpu.memref_slice %arg5[%dma_start3A_12, %dma_start3A_21, %dma_start3A_22] : memref<4x2x128xi32, #tpu.memory_space<vmem>> -> memref<1x2x128xi32, #tpu.memory_space<vmem>>
    %dma_start3A_24 = tpu.memref_squeeze %dma_start3A_23 : memref<1x2x128xi32, #tpu.memory_space<vmem>> -> memref<2x128xi32, #tpu.memory_space<vmem>>
    %dma_start3A_25 = arith.constant 0 : i32
    %dma_start3A_26 = arith.constant 0 : i32
    %dma_start3A_27 = tpu.memref_slice %arg3[%arg0, %arg1, %dma_start3A, %dma_start3A_25, %dma_start3A_26] : memref<2x16x80x2x128xi32, #tpu.memory_space<hbm>> -> memref<1x1x1x2x128xi32, #tpu.memory_space<hbm>>
    %dma_start3A_28 = tpu.memref_squeeze %dma_start3A_27 : memref<1x1x1x2x128xi32, #tpu.memory_space<hbm>> -> memref<2x128xi32, #tpu.memory_space<hbm>>
    tpu.enqueue_dma source(%dma_start3A_28 : memref<2x128xi32, #tpu.memory_space<hbm>>) target(%dma_start3A_24 : memref<2x128xi32, #tpu.memory_space<vmem>>) target_semaphore(%arg10 : memref<!tpu.dma_semaphore, #tpu.memory_space<semaphore_mem>>)
    %dma_start3A_29 = arith.constant 1 : i32
    %dma_start3A_30 = arith.constant 1 : i32
    %dma_start3A_31 = arith.constant 0 : i32
    %dma_start3A_32 = arith.constant 0 : i32
    %dma_start3A_33 = tpu.memref_slice %arg5[%dma_start3A_30, %dma_start3A_31, %dma_start3A_32] : memref<4x2x128xi32, #tpu.memory_space<vmem>> -> memref<1x2x128xi32, #tpu.memory_space<vmem>>
    %dma_start3A_34 = tpu.memref_squeeze %dma_start3A_33 : memref<1x2x128xi32, #tpu.memory_space<vmem>> -> memref<2x128xi32, #tpu.memory_space<vmem>>
    %dma_start3A_35 = arith.constant 0 : i32
    %dma_start3A_36 = arith.constant 0 : i32
    %dma_start3A_37 = tpu.memref_slice %arg3[%arg0, %arg1, %dma_start3A_29, %dma_start3A_35, %dma_start3A_36] : memref<2x16x80x2x128xi32, #tpu.memory_space<hbm>> -> memref<1x1x1x2x128xi32, #tpu.memory_space<hbm>>
    %dma_start3A_38 = tpu.memref_squeeze %dma_start3A_37 : memref<1x1x1x2x128xi32, #tpu.memory_space<hbm>> -> memref<2x128xi32, #tpu.memory_space<hbm>>
    %dma_start3A_39 = arith.constant 0 : i32
    %dma_start3A_40 = arith.constant 0 : i32
    %dma_start3A_41 = tpu.memref_slice %arg5[%dma_start3A_30, %dma_start3A_39, %dma_start3A_40] : memref<4x2x128xi32, #tpu.memory_space<vmem>> -> memref<1x2x128xi32, #tpu.memory_space<vmem>>
    %dma_start3A_42 = tpu.memref_squeeze %dma_start3A_41 : memref<1x2x128xi32, #tpu.memory_space<vmem>> -> memref<2x128xi32, #tpu.memory_space<vmem>>
    %dma_start3A_43 = arith.constant 0 : i32
    %dma_start3A_44 = arith.constant 0 : i32
    %dma_start3A_45 = tpu.memref_slice %arg3[%arg0, %arg1, %dma_start3A_29, %dma_start3A_43, %dma_start3A_44] : memref<2x16x80x2x128xi32, #tpu.memory_space<hbm>> -> memref<1x1x1x2x128xi32, #tpu.memory_space<hbm>>
    %dma_start3A_46 = tpu.memref_squeeze %dma_start3A_45 : memref<1x1x1x2x128xi32, #tpu.memory_space<hbm>> -> memref<2x128xi32, #tpu.memory_space<hbm>>
    tpu.enqueue_dma source(%dma_start3A_46 : memref<2x128xi32, #tpu.memory_space<hbm>>) target(%dma_start3A_42 : memref<2x128xi32, #tpu.memory_space<vmem>>) target_semaphore(%arg11 : memref<!tpu.dma_semaphore, #tpu.memory_space<semaphore_mem>>)
    %dma_start3A_47 = arith.constant 2 : i32
    %dma_start3A_48 = arith.constant 2 : i32
    %dma_start3A_49 = arith.constant 0 : i32
    %dma_start3A_50 = arith.constant 0 : i32
    %dma_start3A_51 = tpu.memref_slice %arg5[%dma_start3A_48, %dma_start3A_49, %dma_start3A_50] : memref<4x2x128xi32, #tpu.memory_space<vmem>> -> memref<1x2x128xi32, #tpu.memory_space<vmem>>
    %dma_start3A_52 = tpu.memref_squeeze %dma_start3A_51 : memref<1x2x128xi32, #tpu.memory_space<vmem>> -> memref<2x128xi32, #tpu.memory_space<vmem>>
    %dma_start3A_53 = arith.constant 0 : i32
    %dma_start3A_54 = arith.constant 0 : i32
    %dma_start3A_55 = tpu.memref_slice %arg3[%arg0, %arg1, %dma_start3A_47, %dma_start3A_53, %dma_start3A_54] : memref<2x16x80x2x128xi32, #tpu.memory_space<hbm>> -> memref<1x1x1x2x128xi32, #tpu.memory_space<hbm>>
    %dma_start3A_56 = tpu.memref_squeeze %dma_start3A_55 : memref<1x1x1x2x128xi32, #tpu.memory_space<hbm>> -> memref<2x128xi32, #tpu.memory_space<hbm>>
    %dma_start3A_57 = arith.constant 0 : i32
    %dma_start3A_58 = arith.constant 0 : i32
    %dma_start3A_59 = tpu.memref_slice %arg5[%dma_start3A_48, %dma_start3A_57, %dma_start3A_58] : memref<4x2x128xi32, #tpu.memory_space<vmem>> -> memref<1x2x128xi32, #tpu.memory_space<vmem>>
    %dma_start3A_60 = tpu.memref_squeeze %dma_start3A_59 : memref<1x2x128xi32, #tpu.memory_space<vmem>> -> memref<2x128xi32, #tpu.memory_space<vmem>>
    %dma_start3A_61 = arith.constant 0 : i32
    %dma_start3A_62 = arith.constant 0 : i32
    %dma_start3A_63 = tpu.memref_slice %arg3[%arg0, %arg1, %dma_start3A_47, %dma_start3A_61, %dma_start3A_62] : memref<2x16x80x2x128xi32, #tpu.memory_space<hbm>> -> memref<1x1x1x2x128xi32, #tpu.memory_space<hbm>>
    %dma_start3A_64 = tpu.memref_squeeze %dma_start3A_63 : memref<1x1x1x2x128xi32, #tpu.memory_space<hbm>> -> memref<2x128xi32, #tpu.memory_space<hbm>>
    tpu.enqueue_dma source(%dma_start3A_64 : memref<2x128xi32, #tpu.memory_space<hbm>>) target(%dma_start3A_60 : memref<2x128xi32, #tpu.memory_space<vmem>>) target_semaphore(%arg12 : memref<!tpu.dma_semaphore, #tpu.memory_space<semaphore_mem>>)
    %dma_start3A_65 = arith.constant 3 : i32
    %dma_start3A_66 = arith.constant 3 : i32
    %dma_start3A_67 = arith.constant 0 : i32
    %dma_start3A_68 = arith.constant 0 : i32
    %dma_start3A_69 = tpu.memref_slice %arg5[%dma_start3A_66, %dma_start3A_67, %dma_start3A_68] : memref<4x2x128xi32, #tpu.memory_space<vmem>> -> memref<1x2x128xi32, #tpu.memory_space<vmem>>
    %dma_start3A_70 = tpu.memref_squeeze %dma_start3A_69 : memref<1x2x128xi32, #tpu.memory_space<vmem>> -> memref<2x128xi32, #tpu.memory_space<vmem>>
    %dma_start3A_71 = arith.constant 0 : i32
    %dma_start3A_72 = arith.constant 0 : i32
    %dma_start3A_73 = tpu.memref_slice %arg3[%arg0, %arg1, %dma_start3A_65, %dma_start3A_71, %dma_start3A_72] : memref<2x16x80x2x128xi32, #tpu.memory_space<hbm>> -> memref<1x1x1x2x128xi32, #tpu.memory_space<hbm>>
    %dma_start3A_74 = tpu.memref_squeeze %dma_start3A_73 : memref<1x1x1x2x128xi32, #tpu.memory_space<hbm>> -> memref<2x128xi32, #tpu.memory_space<hbm>>
    %dma_start3A_75 = arith.constant 0 : i32
    %dma_start3A_76 = arith.constant 0 : i32
    %dma_start3A_77 = tpu.memref_slice %arg5[%dma_start3A_66, %dma_start3A_75, %dma_start3A_76] : memref<4x2x128xi32, #tpu.memory_space<vmem>> -> memref<1x2x128xi32, #tpu.memory_space<vmem>>
    %dma_start3A_78 = tpu.memref_squeeze %dma_start3A_77 : memref<1x2x128xi32, #tpu.memory_space<vmem>> -> memref<2x128xi32, #tpu.memory_space<vmem>>
    %dma_start3A_79 = arith.constant 0 : i32
    %dma_start3A_80 = arith.constant 0 : i32
    %dma_start3A_81 = tpu.memref_slice %arg3[%arg0, %arg1, %dma_start3A_65, %dma_start3A_79, %dma_start3A_80] : memref<2x16x80x2x128xi32, #tpu.memory_space<hbm>> -> memref<1x1x1x2x128xi32, #tpu.memory_space<hbm>>
    %dma_start3A_82 = tpu.memref_squeeze %dma_start3A_81 : memref<1x1x1x2x128xi32, #tpu.memory_space<hbm>> -> memref<2x128xi32, #tpu.memory_space<hbm>>
    tpu.enqueue_dma source(%dma_start3A_82 : memref<2x128xi32, #tpu.memory_space<hbm>>) target(%dma_start3A_78 : memref<2x128xi32, #tpu.memory_space<vmem>>) target_semaphore(%arg13 : memref<!tpu.dma_semaphore, #tpu.memory_space<semaphore_mem>>)
    %dma_wait3A = arith.constant 0 : i32
    %dma_wait3A_83 = arith.constant 0 : i32
    %dma_wait3A_84 = arith.constant 0 : i32
    %dma_wait3A_85 = arith.constant 0 : i32
    %dma_wait3A_86 = tpu.memref_slice %arg5[%dma_wait3A_83, %dma_wait3A_84, %dma_wait3A_85] : memref<4x2x128xi32, #tpu.memory_space<vmem>> -> memref<1x2x128xi32, #tpu.memory_space<vmem>>
    %dma_wait3A_87 = tpu.memref_squeeze %dma_wait3A_86 : memref<1x2x128xi32, #tpu.memory_space<vmem>> -> memref<2x128xi32, #tpu.memory_space<vmem>>
    %dma_wait3A_88 = arith.constant 0 : i32
    %dma_wait3A_89 = arith.constant 0 : i32
    %dma_wait3A_90 = tpu.memref_slice %arg3[%arg0, %arg1, %dma_wait3A, %dma_wait3A_88, %dma_wait3A_89] : memref<2x16x80x2x128xi32, #tpu.memory_space<hbm>> -> memref<1x1x1x2x128xi32, #tpu.memory_space<hbm>>
    %dma_wait3A_91 = tpu.memref_squeeze %dma_wait3A_90 : memref<1x1x1x2x128xi32, #tpu.memory_space<hbm>> -> memref<2x128xi32, #tpu.memory_space<hbm>>
    %dma_wait3A_92 = arith.constant 0 : i32
    %dma_wait3A_93 = arith.constant 0 : i32
    %dma_wait3A_94 = tpu.memref_slice %arg5[%dma_wait3A_83, %dma_wait3A_92, %dma_wait3A_93] : memref<4x2x128xi32, #tpu.memory_space<vmem>> -> memref<1x2x128xi32, #tpu.memory_space<vmem>>
    %dma_wait3A_95 = tpu.memref_squeeze %dma_wait3A_94 : memref<1x2x128xi32, #tpu.memory_space<vmem>> -> memref<2x128xi32, #tpu.memory_space<vmem>>
    %dma_wait3A_96 = arith.constant 0 : i32
    %dma_wait3A_97 = arith.constant 0 : i32
    %dma_wait3A_98 = tpu.memref_slice %arg3[%arg0, %arg1, %dma_wait3A, %dma_wait3A_96, %dma_wait3A_97] : memref<2x16x80x2x128xi32, #tpu.memory_space<hbm>> -> memref<1x1x1x2x128xi32, #tpu.memory_space<hbm>>
    %dma_wait3A_99 = tpu.memref_squeeze %dma_wait3A_98 : memref<1x1x1x2x128xi32, #tpu.memory_space<hbm>> -> memref<2x128xi32, #tpu.memory_space<hbm>>
    tpu.wait_dma2 semaphore(%arg10 : memref<!tpu.dma_semaphore, #tpu.memory_space<semaphore_mem>>) src(%dma_wait3A_99 : memref<2x128xi32, #tpu.memory_space<hbm>>) dst(%dma_wait3A_95 : memref<2x128xi32, #tpu.memory_space<vmem>>)
    %dma_start3A_100 = arith.constant 0 : i32
    %dma_start3A_101 = arith.constant 0 : i32
    %dma_start3A_102 = arith.constant 0 : i32
    %dma_start3A_103 = arith.constant 0 : i32
    %dma_start3A_104 = arith.constant 0 : i32
    %dma_start3A_105 = tpu.memref_slice %arg6[%dma_start3A_102, %dma_start3A_103, %dma_start3A_104] : memref<2x128x128xf32, #tpu.memory_space<vmem>> -> memref<1x128x128xf32, #tpu.memory_space<vmem>>
    %dma_start3A_106 = tpu.memref_squeeze %dma_start3A_105 : memref<1x128x128xf32, #tpu.memory_space<vmem>> -> memref<128x128xf32, #tpu.memory_space<vmem>>
    %dma_start3A_107 = arith.constant 0 : i32
    %dma_start3A_108 = tpu.memref_slice %arg5[%dma_start3A_100, %dma_start3A_101, %dma_start3A_107] : memref<4x2x128xi32, #tpu.memory_space<vmem>> -> memref<1x1x128xi32, #tpu.memory_space<vmem>>
    %dma_start3A_109 = tpu.memref_squeeze %dma_start3A_108 : memref<1x1x128xi32, #tpu.memory_space<vmem>> -> memref<128xi32, #tpu.memory_space<vmem>>
    %dma_start3A_110 = arith.constant 0 : i32
    %dma_start3A_111 = arith.constant 0 : i32
    %dma_start3A_112 = tpu.memref_slice %arg2[%dma_start3A_110, %dma_start3A_111] : memref<10000x128xf32, #tpu.memory_space<hbm>> -> memref<10000x128xf32, #tpu.memory_space<hbm>>
    tpu.enqueue_indirect_dma source(%dma_start3A_112 : memref<10000x128xf32, #tpu.memory_space<hbm>>) target(%dma_start3A_106 : memref<128x128xf32, #tpu.memory_space<vmem>>) offsets(%dma_start3A_109 : memref<128xi32, #tpu.memory_space<vmem>>) semaphore(%arg8 : memref<!tpu.dma_semaphore, #tpu.memory_space<semaphore_mem>>)
    %dma_wait3A_113 = arith.constant 0 : i32
    %dma_wait3A_114 = arith.constant 1 : i32
    %dma_wait3A_115 = arith.constant 0 : i32
    %dma_wait3A_116 = arith.constant 0 : i32
    %dma_wait3A_117 = tpu.memref_slice %arg5[%dma_wait3A_114, %dma_wait3A_115, %dma_wait3A_116] : memref<4x2x128xi32, #tpu.memory_space<vmem>> -> memref<1x2x128xi32, #tpu.memory_space<vmem>>
    %dma_wait3A_118 = tpu.memref_squeeze %dma_wait3A_117 : memref<1x2x128xi32, #tpu.memory_space<vmem>> -> memref<2x128xi32, #tpu.memory_space<vmem>>
    %dma_wait3A_119 = arith.constant 0 : i32
    %dma_wait3A_120 = arith.constant 0 : i32
    %dma_wait3A_121 = tpu.memref_slice %arg3[%arg0, %arg1, %dma_wait3A_113, %dma_wait3A_119, %dma_wait3A_120] : memref<2x16x80x2x128xi32, #tpu.memory_space<hbm>> -> memref<1x1x1x2x128xi32, #tpu.memory_space<hbm>>
    %dma_wait3A_122 = tpu.memref_squeeze %dma_wait3A_121 : memref<1x1x1x2x128xi32, #tpu.memory_space<hbm>> -> memref<2x128xi32, #tpu.memory_space<hbm>>
    %dma_wait3A_123 = arith.constant 0 : i32
    %dma_wait3A_124 = arith.constant 0 : i32
    %dma_wait3A_125 = tpu.memref_slice %arg5[%dma_wait3A_114, %dma_wait3A_123, %dma_wait3A_124] : memref<4x2x128xi32, #tpu.memory_space<vmem>> -> memref<1x2x128xi32, #tpu.memory_space<vmem>>
    %dma_wait3A_126 = tpu.memref_squeeze %dma_wait3A_125 : memref<1x2x128xi32, #tpu.memory_space<vmem>> -> memref<2x128xi32, #tpu.memory_space<vmem>>
    %dma_wait3A_127 = arith.constant 0 : i32
    %dma_wait3A_128 = arith.constant 0 : i32
    %dma_wait3A_129 = tpu.memref_slice %arg3[%arg0, %arg1, %dma_wait3A_113, %dma_wait3A_127, %dma_wait3A_128] : memref<2x16x80x2x128xi32, #tpu.memory_space<hbm>> -> memref<1x1x1x2x128xi32, #tpu.memory_space<hbm>>
    %dma_wait3A_130 = tpu.memref_squeeze %dma_wait3A_129 : memref<1x1x1x2x128xi32, #tpu.memory_space<hbm>> -> memref<2x128xi32, #tpu.memory_space<hbm>>
    tpu.wait_dma2 semaphore(%arg11 : memref<!tpu.dma_semaphore, #tpu.memory_space<semaphore_mem>>) src(%dma_wait3A_130 : memref<2x128xi32, #tpu.memory_space<hbm>>) dst(%dma_wait3A_126 : memref<2x128xi32, #tpu.memory_space<vmem>>)
    %dma_start3A_131 = arith.constant 1 : i32
    %dma_start3A_132 = arith.constant 0 : i32
    %dma_start3A_133 = arith.constant 1 : i32
    %dma_start3A_134 = arith.constant 0 : i32
    %dma_start3A_135 = arith.constant 0 : i32
    %dma_start3A_136 = tpu.memref_slice %arg6[%dma_start3A_133, %dma_start3A_134, %dma_start3A_135] : memref<2x128x128xf32, #tpu.memory_space<vmem>> -> memref<1x128x128xf32, #tpu.memory_space<vmem>>
    %dma_start3A_137 = tpu.memref_squeeze %dma_start3A_136 : memref<1x128x128xf32, #tpu.memory_space<vmem>> -> memref<128x128xf32, #tpu.memory_space<vmem>>
    %dma_start3A_138 = arith.constant 0 : i32
    %dma_start3A_139 = tpu.memref_slice %arg5[%dma_start3A_131, %dma_start3A_132, %dma_start3A_138] : memref<4x2x128xi32, #tpu.memory_space<vmem>> -> memref<1x1x128xi32, #tpu.memory_space<vmem>>
    %dma_start3A_140 = tpu.memref_squeeze %dma_start3A_139 : memref<1x1x128xi32, #tpu.memory_space<vmem>> -> memref<128xi32, #tpu.memory_space<vmem>>
    %dma_start3A_141 = arith.constant 0 : i32
    %dma_start3A_142 = arith.constant 0 : i32
    %dma_start3A_143 = tpu.memref_slice %arg2[%dma_start3A_141, %dma_start3A_142] : memref<10000x128xf32, #tpu.memory_space<hbm>> -> memref<10000x128xf32, #tpu.memory_space<hbm>>
    tpu.enqueue_indirect_dma source(%dma_start3A_143 : memref<10000x128xf32, #tpu.memory_space<hbm>>) target(%dma_start3A_137 : memref<128x128xf32, #tpu.memory_space<vmem>>) offsets(%dma_start3A_140 : memref<128xi32, #tpu.memory_space<vmem>>) semaphore(%arg9 : memref<!tpu.dma_semaphore, #tpu.memory_space<semaphore_mem>>)
    %scan3A_144 = arith.constant 0 : i32
    %scan3A_145 = arith.constant 0 : i32
    %scan3A_146 = arith.constant 20 : i32
    %scan3A_147 = arith.addi %scan3A_145, %scan3A_146 : i32
    %scan3A_148 = arith.constant 1 : i32
    scf.for %scan3A_169 = %scan3A_145 to %scan3A_147 step %scan3A_148  : i32 {
      %mul3A_170 = arith.constant 4 : i32
      %mul3A_171 = arith.muli %mul3A_170, %scan3A_169 : i32
      %add3A_172 = arith.constant 0 : i32
      %add3A_173 = arith.addi %mul3A_171, %add3A_172 : i32
      %dma_wait3A_174 = arith.constant 0 : i32
      %dma_wait3A_175 = arith.constant 0 : i32
      %dma_wait3A_176 = arith.constant 0 : i32
      %dma_wait3A_177 = arith.constant 0 : i32
      %dma_wait3A_178 = arith.constant 0 : i32
      %dma_wait3A_179 = tpu.memref_slice %arg6[%dma_wait3A_176, %dma_wait3A_177, %dma_wait3A_178] : memref<2x128x128xf32, #tpu.memory_space<vmem>> -> memref<1x128x128xf32, #tpu.memory_space<vmem>>
      %dma_wait3A_180 = tpu.memref_squeeze %dma_wait3A_179 : memref<1x128x128xf32, #tpu.memory_space<vmem>> -> memref<128x128xf32, #tpu.memory_space<vmem>>
      %dma_wait3A_181 = arith.constant 0 : i32
      %dma_wait3A_182 = tpu.memref_slice %arg5[%dma_wait3A_174, %dma_wait3A_175, %dma_wait3A_181] : memref<4x2x128xi32, #tpu.memory_space<vmem>> -> memref<1x1x128xi32, #tpu.memory_space<vmem>>
      %dma_wait3A_183 = tpu.memref_squeeze %dma_wait3A_182 : memref<1x1x128xi32, #tpu.memory_space<vmem>> -> memref<128xi32, #tpu.memory_space<vmem>>
      %dma_wait3A_184 = arith.constant 0 : i32
      %dma_wait3A_185 = arith.constant 0 : i32
      %dma_wait3A_186 = tpu.memref_slice %arg2[%dma_wait3A_184, %dma_wait3A_185] : memref<10000x128xf32, #tpu.memory_space<hbm>> -> memref<10000x128xf32, #tpu.memory_space<hbm>>
      tpu.wait_indirect_dma semaphore(%arg8 : memref<!tpu.dma_semaphore, #tpu.memory_space<semaphore_mem>>) src(%dma_wait3A_186 : memref<10000x128xf32, #tpu.memory_space<hbm>>) dst(%dma_wait3A_180 : memref<128x128xf32, #tpu.memory_space<vmem>>)
      %run_scoped3A = arith.constant 0 : i32
      %run_scoped3A_187 = arith.constant 0 : i32
      %run_scoped3A_188 = arith.constant 1 : i32
      "tpu.region"() ({
        %run_scoped3A_302 = tpu.sem_alloc : memref<!tpu.dma_semaphore, #tpu.memory_space<semaphore_mem>>
        %dma_start3A_303 = arith.constant 0 : i32
        %dma_start3A_304 = arith.constant 0 : i32
        %dma_start3A_305 = tpu.memref_slice %arg6[%run_scoped3A, %dma_start3A_303, %dma_start3A_304] : memref<2x128x128xf32, #tpu.memory_space<vmem>> -> memref<1x128x128xf32, #tpu.memory_space<vmem>>
        %dma_start3A_306 = tpu.memref_squeeze %dma_start3A_305 : memref<1x128x128xf32, #tpu.memory_space<vmem>> -> memref<128x128xf32, #tpu.memory_space<vmem>>
        %dma_start3A_307 = arith.constant 0 : i32
        %dma_start3A_308 = tpu.memref_slice %arg5[%run_scoped3A_187, %run_scoped3A_188, %dma_start3A_307] : memref<4x2x128xi32, #tpu.memory_space<vmem>> -> memref<1x1x128xi32, #tpu.memory_space<vmem>>
        %dma_start3A_309 = tpu.memref_squeeze %dma_start3A_308 : memref<1x1x128xi32, #tpu.memory_space<vmem>> -> memref<128xi32, #tpu.memory_space<vmem>>
        %dma_start3A_310 = arith.constant 0 : i32
        %dma_start3A_311 = arith.constant 0 : i32
        %dma_start3A_312 = tpu.memref_slice %arg7[%dma_start3A_310, %dma_start3A_311] : memref<10240x128xf32, #tpu.memory_space<vmem_shared>> -> memref<10240x128xf32, #tpu.memory_space<vmem_shared>>
        tpu.enqueue_indirect_dma source(%dma_start3A_306 : memref<128x128xf32, #tpu.memory_space<vmem>>) target(%dma_start3A_312 : memref<10240x128xf32, #tpu.memory_space<vmem_shared>>) offsets(%dma_start3A_309 : memref<128xi32, #tpu.memory_space<vmem>>) semaphore(%run_scoped3A_302 : memref<!tpu.dma_semaphore, #tpu.memory_space<semaphore_mem>>) {add = true}
        %dma_wait3A_313 = arith.constant 0 : i32
        %dma_wait3A_314 = arith.constant 0 : i32
        %dma_wait3A_315 = tpu.memref_slice %arg6[%run_scoped3A, %dma_wait3A_313, %dma_wait3A_314] : memref<2x128x128xf32, #tpu.memory_space<vmem>> -> memref<1x128x128xf32, #tpu.memory_space<vmem>>
        %dma_wait3A_316 = tpu.memref_squeeze %dma_wait3A_315 : memref<1x128x128xf32, #tpu.memory_space<vmem>> -> memref<128x128xf32, #tpu.memory_space<vmem>>
        %dma_wait3A_317 = arith.constant 0 : i32
        %dma_wait3A_318 = tpu.memref_slice %arg5[%run_scoped3A_187, %run_scoped3A_188, %dma_wait3A_317] : memref<4x2x128xi32, #tpu.memory_space<vmem>> -> memref<1x1x128xi32, #tpu.memory_space<vmem>>
        %dma_wait3A_319 = tpu.memref_squeeze %dma_wait3A_318 : memref<1x1x128xi32, #tpu.memory_space<vmem>> -> memref<128xi32, #tpu.memory_space<vmem>>
        %dma_wait3A_320 = arith.constant 0 : i32
        %dma_wait3A_321 = arith.constant 0 : i32
        %dma_wait3A_322 = tpu.memref_slice %arg7[%dma_wait3A_320, %dma_wait3A_321] : memref<10240x128xf32, #tpu.memory_space<vmem_shared>> -> memref<10240x128xf32, #tpu.memory_space<vmem_shared>>
        tpu.wait_indirect_dma semaphore(%run_scoped3A_302 : memref<!tpu.dma_semaphore, #tpu.memory_space<semaphore_mem>>) src(%dma_wait3A_316 : memref<128x128xf32, #tpu.memory_space<vmem>>) dst(%dma_wait3A_322 : memref<10240x128xf32, #tpu.memory_space<vmem_shared>>)
        tpu.yield
      }) : () -> ()
      %add3A_189 = arith.constant 4 : i32
      %add3A_190 = arith.addi %add3A_173, %add3A_189 : i32
      %lt3A = arith.constant 80 : i32
      %lt3A_191 = arith.cmpi slt, %add3A_190, %lt3A : i32
      %convert_element_type3A = arith.extui %lt3A_191 : i1 to i32
      %cond3A = arith.constant 0 : i32
      %cond3A_192 = arith.cmpi ne, %convert_element_type3A, %cond3A : i32
      scf.if %cond3A_192 {
        %add3A_302 = arith.constant 4 : i32
        %add3A_303 = arith.addi %add3A_173, %add3A_302 : i32
        %dma_start3A_304 = arith.constant 0 : i32
        %dma_start3A_305 = arith.constant 0 : i32
        %dma_start3A_306 = arith.constant 0 : i32
        %dma_start3A_307 = tpu.memref_slice %arg5[%dma_start3A_304, %dma_start3A_305, %dma_start3A_306] : memref<4x2x128xi32, #tpu.memory_space<vmem>> -> memref<1x2x128xi32, #tpu.memory_space<vmem>>
        %dma_start3A_308 = tpu.memref_squeeze %dma_start3A_307 : memref<1x2x128xi32, #tpu.memory_space<vmem>> -> memref<2x128xi32, #tpu.memory_space<vmem>>
        %dma_start3A_309 = arith.constant 0 : i32
        %dma_start3A_310 = arith.constant 0 : i32
        %dma_start3A_311 = tpu.memref_slice %arg3[%arg0, %arg1, %add3A_303, %dma_start3A_309, %dma_start3A_310] : memref<2x16x80x2x128xi32, #tpu.memory_space<hbm>> -> memref<1x1x1x2x128xi32, #tpu.memory_space<hbm>>
        %dma_start3A_312 = tpu.memref_squeeze %dma_start3A_311 : memref<1x1x1x2x128xi32, #tpu.memory_space<hbm>> -> memref<2x128xi32, #tpu.memory_space<hbm>>
        %dma_start3A_313 = arith.constant 0 : i32
        %dma_start3A_314 = arith.constant 0 : i32
        %dma_start3A_315 = tpu.memref_slice %arg5[%dma_start3A_304, %dma_start3A_313, %dma_start3A_314] : memref<4x2x128xi32, #tpu.memory_space<vmem>> -> memref<1x2x128xi32, #tpu.memory_space<vmem>>
        %dma_start3A_316 = tpu.memref_squeeze %dma_start3A_315 : memref<1x2x128xi32, #tpu.memory_space<vmem>> -> memref<2x128xi32, #tpu.memory_space<vmem>>
        %dma_start3A_317 = arith.constant 0 : i32
        %dma_start3A_318 = arith.constant 0 : i32
        %dma_start3A_319 = tpu.memref_slice %arg3[%arg0, %arg1, %add3A_303, %dma_start3A_317, %dma_start3A_318] : memref<2x16x80x2x128xi32, #tpu.memory_space<hbm>> -> memref<1x1x1x2x128xi32, #tpu.memory_space<hbm>>
        %dma_start3A_320 = tpu.memref_squeeze %dma_start3A_319 : memref<1x1x1x2x128xi32, #tpu.memory_space<hbm>> -> memref<2x128xi32, #tpu.memory_space<hbm>>
        tpu.enqueue_dma source(%dma_start3A_320 : memref<2x128xi32, #tpu.memory_space<hbm>>) target(%dma_start3A_316 : memref<2x128xi32, #tpu.memory_space<vmem>>) target_semaphore(%arg10 : memref<!tpu.dma_semaphore, #tpu.memory_space<semaphore_mem>>)
      } else {
      }
      %add3A_193 = arith.constant 2 : i32
      %add3A_194 = arith.addi %add3A_173, %add3A_193 : i32
      %lt3A_195 = arith.constant 80 : i32
      %lt3A_196 = arith.cmpi slt, %add3A_194, %lt3A_195 : i32
      %convert_element_type3A_197 = arith.extui %lt3A_196 : i1 to i32
      %cond3A_198 = arith.constant 0 : i32
      %cond3A_199 = arith.cmpi ne, %convert_element_type3A_197, %cond3A_198 : i32
      scf.if %cond3A_199 {
        %dma_wait3A_302 = arith.constant 0 : i32
        %dma_wait3A_303 = arith.constant 2 : i32
        %dma_wait3A_304 = arith.constant 0 : i32
        %dma_wait3A_305 = arith.constant 0 : i32
        %dma_wait3A_306 = tpu.memref_slice %arg5[%dma_wait3A_303, %dma_wait3A_304, %dma_wait3A_305] : memref<4x2x128xi32, #tpu.memory_space<vmem>> -> memref<1x2x128xi32, #tpu.memory_space<vmem>>
        %dma_wait3A_307 = tpu.memref_squeeze %dma_wait3A_306 : memref<1x2x128xi32, #tpu.memory_space<vmem>> -> memref<2x128xi32, #tpu.memory_space<vmem>>
        %dma_wait3A_308 = arith.constant 0 : i32
        %dma_wait3A_309 = arith.constant 0 : i32
        %dma_wait3A_310 = tpu.memref_slice %arg3[%arg0, %arg1, %dma_wait3A_302, %dma_wait3A_308, %dma_wait3A_309] : memref<2x16x80x2x128xi32, #tpu.memory_space<hbm>> -> memref<1x1x1x2x128xi32, #tpu.memory_space<hbm>>
        %dma_wait3A_311 = tpu.memref_squeeze %dma_wait3A_310 : memref<1x1x1x2x128xi32, #tpu.memory_space<hbm>> -> memref<2x128xi32, #tpu.memory_space<hbm>>
        %dma_wait3A_312 = arith.constant 0 : i32
        %dma_wait3A_313 = arith.constant 0 : i32
        %dma_wait3A_314 = tpu.memref_slice %arg5[%dma_wait3A_303, %dma_wait3A_312, %dma_wait3A_313] : memref<4x2x128xi32, #tpu.memory_space<vmem>> -> memref<1x2x128xi32, #tpu.memory_space<vmem>>
        %dma_wait3A_315 = tpu.memref_squeeze %dma_wait3A_314 : memref<1x2x128xi32, #tpu.memory_space<vmem>> -> memref<2x128xi32, #tpu.memory_space<vmem>>
        %dma_wait3A_316 = arith.constant 0 : i32
        %dma_wait3A_317 = arith.constant 0 : i32
        %dma_wait3A_318 = tpu.memref_slice %arg3[%arg0, %arg1, %dma_wait3A_302, %dma_wait3A_316, %dma_wait3A_317] : memref<2x16x80x2x128xi32, #tpu.memory_space<hbm>> -> memref<1x1x1x2x128xi32, #tpu.memory_space<hbm>>
        %dma_wait3A_319 = tpu.memref_squeeze %dma_wait3A_318 : memref<1x1x1x2x128xi32, #tpu.memory_space<hbm>> -> memref<2x128xi32, #tpu.memory_space<hbm>>
        tpu.wait_dma2 semaphore(%arg12 : memref<!tpu.dma_semaphore, #tpu.memory_space<semaphore_mem>>) src(%dma_wait3A_319 : memref<2x128xi32, #tpu.memory_space<hbm>>) dst(%dma_wait3A_315 : memref<2x128xi32, #tpu.memory_space<vmem>>)
        %dma_start3A_320 = arith.constant 2 : i32
        %dma_start3A_321 = arith.constant 0 : i32
        %dma_start3A_322 = arith.constant 0 : i32
        %dma_start3A_323 = arith.constant 0 : i32
        %dma_start3A_324 = arith.constant 0 : i32
        %dma_start3A_325 = tpu.memref_slice %arg6[%dma_start3A_322, %dma_start3A_323, %dma_start3A_324] : memref<2x128x128xf32, #tpu.memory_space<vmem>> -> memref<1x128x128xf32, #tpu.memory_space<vmem>>
        %dma_start3A_326 = tpu.memref_squeeze %dma_start3A_325 : memref<1x128x128xf32, #tpu.memory_space<vmem>> -> memref<128x128xf32, #tpu.memory_space<vmem>>
        %dma_start3A_327 = arith.constant 0 : i32
        %dma_start3A_328 = tpu.memref_slice %arg5[%dma_start3A_320, %dma_start3A_321, %dma_start3A_327] : memref<4x2x128xi32, #tpu.memory_space<vmem>> -> memref<1x1x128xi32, #tpu.memory_space<vmem>>
        %dma_start3A_329 = tpu.memref_squeeze %dma_start3A_328 : memref<1x1x128xi32, #tpu.memory_space<vmem>> -> memref<128xi32, #tpu.memory_space<vmem>>
        %dma_start3A_330 = arith.constant 0 : i32
        %dma_start3A_331 = arith.constant 0 : i32
        %dma_start3A_332 = tpu.memref_slice %arg2[%dma_start3A_330, %dma_start3A_331] : memref<10000x128xf32, #tpu.memory_space<hbm>> -> memref<10000x128xf32, #tpu.memory_space<hbm>>
        tpu.enqueue_indirect_dma source(%dma_start3A_332 : memref<10000x128xf32, #tpu.memory_space<hbm>>) target(%dma_start3A_326 : memref<128x128xf32, #tpu.memory_space<vmem>>) offsets(%dma_start3A_329 : memref<128xi32, #tpu.memory_space<vmem>>) semaphore(%arg8 : memref<!tpu.dma_semaphore, #tpu.memory_space<semaphore_mem>>)
      } else {
      }
      %mul3A_200 = arith.constant 4 : i32
      %mul3A_201 = arith.muli %mul3A_200, %scan3A_169 : i32
      %add3A_202 = arith.constant 1 : i32
      %add3A_203 = arith.addi %mul3A_201, %add3A_202 : i32
      %dma_wait3A_204 = arith.constant 0 : i32
      %dma_wait3A_205 = arith.constant 0 : i32
      %dma_wait3A_206 = arith.constant 1 : i32
      %dma_wait3A_207 = arith.constant 0 : i32
      %dma_wait3A_208 = arith.constant 0 : i32
      %dma_wait3A_209 = tpu.memref_slice %arg6[%dma_wait3A_206, %dma_wait3A_207, %dma_wait3A_208] : memref<2x128x128xf32, #tpu.memory_space<vmem>> -> memref<1x128x128xf32, #tpu.memory_space<vmem>>
      %dma_wait3A_210 = tpu.memref_squeeze %dma_wait3A_209 : memref<1x128x128xf32, #tpu.memory_space<vmem>> -> memref<128x128xf32, #tpu.memory_space<vmem>>
      %dma_wait3A_211 = arith.constant 0 : i32
      %dma_wait3A_212 = tpu.memref_slice %arg5[%dma_wait3A_204, %dma_wait3A_205, %dma_wait3A_211] : memref<4x2x128xi32, #tpu.memory_space<vmem>> -> memref<1x1x128xi32, #tpu.memory_space<vmem>>
      %dma_wait3A_213 = tpu.memref_squeeze %dma_wait3A_212 : memref<1x1x128xi32, #tpu.memory_space<vmem>> -> memref<128xi32, #tpu.memory_space<vmem>>
      %dma_wait3A_214 = arith.constant 0 : i32
      %dma_wait3A_215 = arith.constant 0 : i32
      %dma_wait3A_216 = tpu.memref_slice %arg2[%dma_wait3A_214, %dma_wait3A_215] : memref<10000x128xf32, #tpu.memory_space<hbm>> -> memref<10000x128xf32, #tpu.memory_space<hbm>>
      tpu.wait_indirect_dma semaphore(%arg9 : memref<!tpu.dma_semaphore, #tpu.memory_space<semaphore_mem>>) src(%dma_wait3A_216 : memref<10000x128xf32, #tpu.memory_space<hbm>>) dst(%dma_wait3A_210 : memref<128x128xf32, #tpu.memory_space<vmem>>)
      %run_scoped3A_217 = arith.constant 1 : i32
      %run_scoped3A_218 = arith.constant 1 : i32
      %run_scoped3A_219 = arith.constant 1 : i32
      "tpu.region"() ({
        %run_scoped3A_302 = tpu.sem_alloc : memref<!tpu.dma_semaphore, #tpu.memory_space<semaphore_mem>>
        %dma_start3A_303 = arith.constant 0 : i32
        %dma_start3A_304 = arith.constant 0 : i32
        %dma_start3A_305 = tpu.memref_slice %arg6[%run_scoped3A_217, %dma_start3A_303, %dma_start3A_304] : memref<2x128x128xf32, #tpu.memory_space<vmem>> -> memref<1x128x128xf32, #tpu.memory_space<vmem>>
        %dma_start3A_306 = tpu.memref_squeeze %dma_start3A_305 : memref<1x128x128xf32, #tpu.memory_space<vmem>> -> memref<128x128xf32, #tpu.memory_space<vmem>>
        %dma_start3A_307 = arith.constant 0 : i32
        %dma_start3A_308 = tpu.memref_slice %arg5[%run_scoped3A_218, %run_scoped3A_219, %dma_start3A_307] : memref<4x2x128xi32, #tpu.memory_space<vmem>> -> memref<1x1x128xi32, #tpu.memory_space<vmem>>
        %dma_start3A_309 = tpu.memref_squeeze %dma_start3A_308 : memref<1x1x128xi32, #tpu.memory_space<vmem>> -> memref<128xi32, #tpu.memory_space<vmem>>
        %dma_start3A_310 = arith.constant 0 : i32
        %dma_start3A_311 = arith.constant 0 : i32
        %dma_start3A_312 = tpu.memref_slice %arg7[%dma_start3A_310, %dma_start3A_311] : memref<10240x128xf32, #tpu.memory_space<vmem_shared>> -> memref<10240x128xf32, #tpu.memory_space<vmem_shared>>
        tpu.enqueue_indirect_dma source(%dma_start3A_306 : memref<128x128xf32, #tpu.memory_space<vmem>>) target(%dma_start3A_312 : memref<10240x128xf32, #tpu.memory_space<vmem_shared>>) offsets(%dma_start3A_309 : memref<128xi32, #tpu.memory_space<vmem>>) semaphore(%run_scoped3A_302 : memref<!tpu.dma_semaphore, #tpu.memory_space<semaphore_mem>>) {add = true}
        %dma_wait3A_313 = arith.constant 0 : i32
        %dma_wait3A_314 = arith.constant 0 : i32
        %dma_wait3A_315 = tpu.memref_slice %arg6[%run_scoped3A_217, %dma_wait3A_313, %dma_wait3A_314] : memref<2x128x128xf32, #tpu.memory_space<vmem>> -> memref<1x128x128xf32, #tpu.memory_space<vmem>>
        %dma_wait3A_316 = tpu.memref_squeeze %dma_wait3A_315 : memref<1x128x128xf32, #tpu.memory_space<vmem>> -> memref<128x128xf32, #tpu.memory_space<vmem>>
        %dma_wait3A_317 = arith.constant 0 : i32
        %dma_wait3A_318 = tpu.memref_slice %arg5[%run_scoped3A_218, %run_scoped3A_219, %dma_wait3A_317] : memref<4x2x128xi32, #tpu.memory_space<vmem>> -> memref<1x1x128xi32, #tpu.memory_space<vmem>>
        %dma_wait3A_319 = tpu.memref_squeeze %dma_wait3A_318 : memref<1x1x128xi32, #tpu.memory_space<vmem>> -> memref<128xi32, #tpu.memory_space<vmem>>
        %dma_wait3A_320 = arith.constant 0 : i32
        %dma_wait3A_321 = arith.constant 0 : i32
        %dma_wait3A_322 = tpu.memref_slice %arg7[%dma_wait3A_320, %dma_wait3A_321] : memref<10240x128xf32, #tpu.memory_space<vmem_shared>> -> memref<10240x128xf32, #tpu.memory_space<vmem_shared>>
        tpu.wait_indirect_dma semaphore(%run_scoped3A_302 : memref<!tpu.dma_semaphore, #tpu.memory_space<semaphore_mem>>) src(%dma_wait3A_316 : memref<128x128xf32, #tpu.memory_space<vmem>>) dst(%dma_wait3A_322 : memref<10240x128xf32, #tpu.memory_space<vmem_shared>>)
        tpu.yield
      }) : () -> ()
      %add3A_220 = arith.constant 4 : i32
      %add3A_221 = arith.addi %add3A_203, %add3A_220 : i32
      %lt3A_222 = arith.constant 80 : i32
      %lt3A_223 = arith.cmpi slt, %add3A_221, %lt3A_222 : i32
      %convert_element_type3A_224 = arith.extui %lt3A_223 : i1 to i32
      %cond3A_225 = arith.constant 0 : i32
      %cond3A_226 = arith.cmpi ne, %convert_element_type3A_224, %cond3A_225 : i32
      scf.if %cond3A_226 {
        %add3A_302 = arith.constant 4 : i32
        %add3A_303 = arith.addi %add3A_203, %add3A_302 : i32
        %dma_start3A_304 = arith.constant 1 : i32
        %dma_start3A_305 = arith.constant 0 : i32
        %dma_start3A_306 = arith.constant 0 : i32
        %dma_start3A_307 = tpu.memref_slice %arg5[%dma_start3A_304, %dma_start3A_305, %dma_start3A_306] : memref<4x2x128xi32, #tpu.memory_space<vmem>> -> memref<1x2x128xi32, #tpu.memory_space<vmem>>
        %dma_start3A_308 = tpu.memref_squeeze %dma_start3A_307 : memref<1x2x128xi32, #tpu.memory_space<vmem>> -> memref<2x128xi32, #tpu.memory_space<vmem>>
        %dma_start3A_309 = arith.constant 0 : i32
        %dma_start3A_310 = arith.constant 0 : i32
        %dma_start3A_311 = tpu.memref_slice %arg3[%arg0, %arg1, %add3A_303, %dma_start3A_309, %dma_start3A_310] : memref<2x16x80x2x128xi32, #tpu.memory_space<hbm>> -> memref<1x1x1x2x128xi32, #tpu.memory_space<hbm>>
        %dma_start3A_312 = tpu.memref_squeeze %dma_start3A_311 : memref<1x1x1x2x128xi32, #tpu.memory_space<hbm>> -> memref<2x128xi32, #tpu.memory_space<hbm>>
        %dma_start3A_313 = arith.constant 0 : i32
        %dma_start3A_314 = arith.constant 0 : i32
        %dma_start3A_315 = tpu.memref_slice %arg5[%dma_start3A_304, %dma_start3A_313, %dma_start3A_314] : memref<4x2x128xi32, #tpu.memory_space<vmem>> -> memref<1x2x128xi32, #tpu.memory_space<vmem>>
        %dma_start3A_316 = tpu.memref_squeeze %dma_start3A_315 : memref<1x2x128xi32, #tpu.memory_space<vmem>> -> memref<2x128xi32, #tpu.memory_space<vmem>>
        %dma_start3A_317 = arith.constant 0 : i32
        %dma_start3A_318 = arith.constant 0 : i32
        %dma_start3A_319 = tpu.memref_slice %arg3[%arg0, %arg1, %add3A_303, %dma_start3A_317, %dma_start3A_318] : memref<2x16x80x2x128xi32, #tpu.memory_space<hbm>> -> memref<1x1x1x2x128xi32, #tpu.memory_space<hbm>>
        %dma_start3A_320 = tpu.memref_squeeze %dma_start3A_319 : memref<1x1x1x2x128xi32, #tpu.memory_space<hbm>> -> memref<2x128xi32, #tpu.memory_space<hbm>>
        tpu.enqueue_dma source(%dma_start3A_320 : memref<2x128xi32, #tpu.memory_space<hbm>>) target(%dma_start3A_316 : memref<2x128xi32, #tpu.memory_space<vmem>>) target_semaphore(%arg11 : memref<!tpu.dma_semaphore, #tpu.memory_space<semaphore_mem>>)
      } else {
      }
      %add3A_227 = arith.constant 2 : i32
      %add3A_228 = arith.addi %add3A_203, %add3A_227 : i32
      %lt3A_229 = arith.constant 80 : i32
      %lt3A_230 = arith.cmpi slt, %add3A_228, %lt3A_229 : i32
      %convert_element_type3A_231 = arith.extui %lt3A_230 : i1 to i32
      %cond3A_232 = arith.constant 0 : i32
      %cond3A_233 = arith.cmpi ne, %convert_element_type3A_231, %cond3A_232 : i32
      scf.if %cond3A_233 {
        %dma_wait3A_302 = arith.constant 0 : i32
        %dma_wait3A_303 = arith.constant 3 : i32
        %dma_wait3A_304 = arith.constant 0 : i32
        %dma_wait3A_305 = arith.constant 0 : i32
        %dma_wait3A_306 = tpu.memref_slice %arg5[%dma_wait3A_303, %dma_wait3A_304, %dma_wait3A_305] : memref<4x2x128xi32, #tpu.memory_space<vmem>> -> memref<1x2x128xi32, #tpu.memory_space<vmem>>
        %dma_wait3A_307 = tpu.memref_squeeze %dma_wait3A_306 : memref<1x2x128xi32, #tpu.memory_space<vmem>> -> memref<2x128xi32, #tpu.memory_space<vmem>>
        %dma_wait3A_308 = arith.constant 0 : i32
        %dma_wait3A_309 = arith.constant 0 : i32
        %dma_wait3A_310 = tpu.memref_slice %arg3[%arg0, %arg1, %dma_wait3A_302, %dma_wait3A_308, %dma_wait3A_309] : memref<2x16x80x2x128xi32, #tpu.memory_space<hbm>> -> memref<1x1x1x2x128xi32, #tpu.memory_space<hbm>>
        %dma_wait3A_311 = tpu.memref_squeeze %dma_wait3A_310 : memref<1x1x1x2x128xi32, #tpu.memory_space<hbm>> -> memref<2x128xi32, #tpu.memory_space<hbm>>
        %dma_wait3A_312 = arith.constant 0 : i32
        %dma_wait3A_313 = arith.constant 0 : i32
        %dma_wait3A_314 = tpu.memref_slice %arg5[%dma_wait3A_303, %dma_wait3A_312, %dma_wait3A_313] : memref<4x2x128xi32, #tpu.memory_space<vmem>> -> memref<1x2x128xi32, #tpu.memory_space<vmem>>
        %dma_wait3A_315 = tpu.memref_squeeze %dma_wait3A_314 : memref<1x2x128xi32, #tpu.memory_space<vmem>> -> memref<2x128xi32, #tpu.memory_space<vmem>>
        %dma_wait3A_316 = arith.constant 0 : i32
        %dma_wait3A_317 = arith.constant 0 : i32
        %dma_wait3A_318 = tpu.memref_slice %arg3[%arg0, %arg1, %dma_wait3A_302, %dma_wait3A_316, %dma_wait3A_317] : memref<2x16x80x2x128xi32, #tpu.memory_space<hbm>> -> memref<1x1x1x2x128xi32, #tpu.memory_space<hbm>>
        %dma_wait3A_319 = tpu.memref_squeeze %dma_wait3A_318 : memref<1x1x1x2x128xi32, #tpu.memory_space<hbm>> -> memref<2x128xi32, #tpu.memory_space<hbm>>
        tpu.wait_dma2 semaphore(%arg13 : memref<!tpu.dma_semaphore, #tpu.memory_space<semaphore_mem>>) src(%dma_wait3A_319 : memref<2x128xi32, #tpu.memory_space<hbm>>) dst(%dma_wait3A_315 : memref<2x128xi32, #tpu.memory_space<vmem>>)
        %dma_start3A_320 = arith.constant 3 : i32
        %dma_start3A_321 = arith.constant 0 : i32
        %dma_start3A_322 = arith.constant 1 : i32
        %dma_start3A_323 = arith.constant 0 : i32
        %dma_start3A_324 = arith.constant 0 : i32
        %dma_start3A_325 = tpu.memref_slice %arg6[%dma_start3A_322, %dma_start3A_323, %dma_start3A_324] : memref<2x128x128xf32, #tpu.memory_space<vmem>> -> memref<1x128x128xf32, #tpu.memory_space<vmem>>
        %dma_start3A_326 = tpu.memref_squeeze %dma_start3A_325 : memref<1x128x128xf32, #tpu.memory_space<vmem>> -> memref<128x128xf32, #tpu.memory_space<vmem>>
        %dma_start3A_327 = arith.constant 0 : i32
        %dma_start3A_328 = tpu.memref_slice %arg5[%dma_start3A_320, %dma_start3A_321, %dma_start3A_327] : memref<4x2x128xi32, #tpu.memory_space<vmem>> -> memref<1x1x128xi32, #tpu.memory_space<vmem>>
        %dma_start3A_329 = tpu.memref_squeeze %dma_start3A_328 : memref<1x1x128xi32, #tpu.memory_space<vmem>> -> memref<128xi32, #tpu.memory_space<vmem>>
        %dma_start3A_330 = arith.constant 0 : i32
        %dma_start3A_331 = arith.constant 0 : i32
        %dma_start3A_332 = tpu.memref_slice %arg2[%dma_start3A_330, %dma_start3A_331] : memref<10000x128xf32, #tpu.memory_space<hbm>> -> memref<10000x128xf32, #tpu.memory_space<hbm>>
        tpu.enqueue_indirect_dma source(%dma_start3A_332 : memref<10000x128xf32, #tpu.memory_space<hbm>>) target(%dma_start3A_326 : memref<128x128xf32, #tpu.memory_space<vmem>>) offsets(%dma_start3A_329 : memref<128xi32, #tpu.memory_space<vmem>>) semaphore(%arg9 : memref<!tpu.dma_semaphore, #tpu.memory_space<semaphore_mem>>)
      } else {
      }
      %mul3A_234 = arith.constant 4 : i32
      %mul3A_235 = arith.muli %mul3A_234, %scan3A_169 : i32
      %add3A_236 = arith.constant 2 : i32
      %add3A_237 = arith.addi %mul3A_235, %add3A_236 : i32
      %dma_wait3A_238 = arith.constant 0 : i32
      %dma_wait3A_239 = arith.constant 0 : i32
      %dma_wait3A_240 = arith.constant 0 : i32
      %dma_wait3A_241 = arith.constant 0 : i32
      %dma_wait3A_242 = arith.constant 0 : i32
      %dma_wait3A_243 = tpu.memref_slice %arg6[%dma_wait3A_240, %dma_wait3A_241, %dma_wait3A_242] : memref<2x128x128xf32, #tpu.memory_space<vmem>> -> memref<1x128x128xf32, #tpu.memory_space<vmem>>
      %dma_wait3A_244 = tpu.memref_squeeze %dma_wait3A_243 : memref<1x128x128xf32, #tpu.memory_space<vmem>> -> memref<128x128xf32, #tpu.memory_space<vmem>>
      %dma_wait3A_245 = arith.constant 0 : i32
      %dma_wait3A_246 = tpu.memref_slice %arg5[%dma_wait3A_238, %dma_wait3A_239, %dma_wait3A_245] : memref<4x2x128xi32, #tpu.memory_space<vmem>> -> memref<1x1x128xi32, #tpu.memory_space<vmem>>
      %dma_wait3A_247 = tpu.memref_squeeze %dma_wait3A_246 : memref<1x1x128xi32, #tpu.memory_space<vmem>> -> memref<128xi32, #tpu.memory_space<vmem>>
      %dma_wait3A_248 = arith.constant 0 : i32
      %dma_wait3A_249 = arith.constant 0 : i32
      %dma_wait3A_250 = tpu.memref_slice %arg2[%dma_wait3A_248, %dma_wait3A_249] : memref<10000x128xf32, #tpu.memory_space<hbm>> -> memref<10000x128xf32, #tpu.memory_space<hbm>>
      tpu.wait_indirect_dma semaphore(%arg8 : memref<!tpu.dma_semaphore, #tpu.memory_space<semaphore_mem>>) src(%dma_wait3A_250 : memref<10000x128xf32, #tpu.memory_space<hbm>>) dst(%dma_wait3A_244 : memref<128x128xf32, #tpu.memory_space<vmem>>)
      %run_scoped3A_251 = arith.constant 0 : i32
      %run_scoped3A_252 = arith.constant 2 : i32
      %run_scoped3A_253 = arith.constant 1 : i32
      "tpu.region"() ({
        %run_scoped3A_302 = tpu.sem_alloc : memref<!tpu.dma_semaphore, #tpu.memory_space<semaphore_mem>>
        %dma_start3A_303 = arith.constant 0 : i32
        %dma_start3A_304 = arith.constant 0 : i32
        %dma_start3A_305 = tpu.memref_slice %arg6[%run_scoped3A_251, %dma_start3A_303, %dma_start3A_304] : memref<2x128x128xf32, #tpu.memory_space<vmem>> -> memref<1x128x128xf32, #tpu.memory_space<vmem>>
        %dma_start3A_306 = tpu.memref_squeeze %dma_start3A_305 : memref<1x128x128xf32, #tpu.memory_space<vmem>> -> memref<128x128xf32, #tpu.memory_space<vmem>>
        %dma_start3A_307 = arith.constant 0 : i32
        %dma_start3A_308 = tpu.memref_slice %arg5[%run_scoped3A_252, %run_scoped3A_253, %dma_start3A_307] : memref<4x2x128xi32, #tpu.memory_space<vmem>> -> memref<1x1x128xi32, #tpu.memory_space<vmem>>
        %dma_start3A_309 = tpu.memref_squeeze %dma_start3A_308 : memref<1x1x128xi32, #tpu.memory_space<vmem>> -> memref<128xi32, #tpu.memory_space<vmem>>
        %dma_start3A_310 = arith.constant 0 : i32
        %dma_start3A_311 = arith.constant 0 : i32
        %dma_start3A_312 = tpu.memref_slice %arg7[%dma_start3A_310, %dma_start3A_311] : memref<10240x128xf32, #tpu.memory_space<vmem_shared>> -> memref<10240x128xf32, #tpu.memory_space<vmem_shared>>
        tpu.enqueue_indirect_dma source(%dma_start3A_306 : memref<128x128xf32, #tpu.memory_space<vmem>>) target(%dma_start3A_312 : memref<10240x128xf32, #tpu.memory_space<vmem_shared>>) offsets(%dma_start3A_309 : memref<128xi32, #tpu.memory_space<vmem>>) semaphore(%run_scoped3A_302 : memref<!tpu.dma_semaphore, #tpu.memory_space<semaphore_mem>>) {add = true}
        %dma_wait3A_313 = arith.constant 0 : i32
        %dma_wait3A_314 = arith.constant 0 : i32
        %dma_wait3A_315 = tpu.memref_slice %arg6[%run_scoped3A_251, %dma_wait3A_313, %dma_wait3A_314] : memref<2x128x128xf32, #tpu.memory_space<vmem>> -> memref<1x128x128xf32, #tpu.memory_space<vmem>>
        %dma_wait3A_316 = tpu.memref_squeeze %dma_wait3A_315 : memref<1x128x128xf32, #tpu.memory_space<vmem>> -> memref<128x128xf32, #tpu.memory_space<vmem>>
        %dma_wait3A_317 = arith.constant 0 : i32
        %dma_wait3A_318 = tpu.memref_slice %arg5[%run_scoped3A_252, %run_scoped3A_253, %dma_wait3A_317] : memref<4x2x128xi32, #tpu.memory_space<vmem>> -> memref<1x1x128xi32, #tpu.memory_space<vmem>>
        %dma_wait3A_319 = tpu.memref_squeeze %dma_wait3A_318 : memref<1x1x128xi32, #tpu.memory_space<vmem>> -> memref<128xi32, #tpu.memory_space<vmem>>
        %dma_wait3A_320 = arith.constant 0 : i32
        %dma_wait3A_321 = arith.constant 0 : i32
        %dma_wait3A_322 = tpu.memref_slice %arg7[%dma_wait3A_320, %dma_wait3A_321] : memref<10240x128xf32, #tpu.memory_space<vmem_shared>> -> memref<10240x128xf32, #tpu.memory_space<vmem_shared>>
        tpu.wait_indirect_dma semaphore(%run_scoped3A_302 : memref<!tpu.dma_semaphore, #tpu.memory_space<semaphore_mem>>) src(%dma_wait3A_316 : memref<128x128xf32, #tpu.memory_space<vmem>>) dst(%dma_wait3A_322 : memref<10240x128xf32, #tpu.memory_space<vmem_shared>>)
        tpu.yield
      }) : () -> ()
      %add3A_254 = arith.constant 4 : i32
      %add3A_255 = arith.addi %add3A_237, %add3A_254 : i32
      %lt3A_256 = arith.constant 80 : i32
      %lt3A_257 = arith.cmpi slt, %add3A_255, %lt3A_256 : i32
      %convert_element_type3A_258 = arith.extui %lt3A_257 : i1 to i32
      %cond3A_259 = arith.constant 0 : i32
      %cond3A_260 = arith.cmpi ne, %convert_element_type3A_258, %cond3A_259 : i32
      scf.if %cond3A_260 {
        %add3A_302 = arith.constant 4 : i32
        %add3A_303 = arith.addi %add3A_237, %add3A_302 : i32
        %dma_start3A_304 = arith.constant 2 : i32
        %dma_start3A_305 = arith.constant 0 : i32
        %dma_start3A_306 = arith.constant 0 : i32
        %dma_start3A_307 = tpu.memref_slice %arg5[%dma_start3A_304, %dma_start3A_305, %dma_start3A_306] : memref<4x2x128xi32, #tpu.memory_space<vmem>> -> memref<1x2x128xi32, #tpu.memory_space<vmem>>
        %dma_start3A_308 = tpu.memref_squeeze %dma_start3A_307 : memref<1x2x128xi32, #tpu.memory_space<vmem>> -> memref<2x128xi32, #tpu.memory_space<vmem>>
        %dma_start3A_309 = arith.constant 0 : i32
        %dma_start3A_310 = arith.constant 0 : i32
        %dma_start3A_311 = tpu.memref_slice %arg3[%arg0, %arg1, %add3A_303, %dma_start3A_309, %dma_start3A_310] : memref<2x16x80x2x128xi32, #tpu.memory_space<hbm>> -> memref<1x1x1x2x128xi32, #tpu.memory_space<hbm>>
        %dma_start3A_312 = tpu.memref_squeeze %dma_start3A_311 : memref<1x1x1x2x128xi32, #tpu.memory_space<hbm>> -> memref<2x128xi32, #tpu.memory_space<hbm>>
        %dma_start3A_313 = arith.constant 0 : i32
        %dma_start3A_314 = arith.constant 0 : i32
        %dma_start3A_315 = tpu.memref_slice %arg5[%dma_start3A_304, %dma_start3A_313, %dma_start3A_314] : memref<4x2x128xi32, #tpu.memory_space<vmem>> -> memref<1x2x128xi32, #tpu.memory_space<vmem>>
        %dma_start3A_316 = tpu.memref_squeeze %dma_start3A_315 : memref<1x2x128xi32, #tpu.memory_space<vmem>> -> memref<2x128xi32, #tpu.memory_space<vmem>>
        %dma_start3A_317 = arith.constant 0 : i32
        %dma_start3A_318 = arith.constant 0 : i32
        %dma_start3A_319 = tpu.memref_slice %arg3[%arg0, %arg1, %add3A_303, %dma_start3A_317, %dma_start3A_318] : memref<2x16x80x2x128xi32, #tpu.memory_space<hbm>> -> memref<1x1x1x2x128xi32, #tpu.memory_space<hbm>>
        %dma_start3A_320 = tpu.memref_squeeze %dma_start3A_319 : memref<1x1x1x2x128xi32, #tpu.memory_space<hbm>> -> memref<2x128xi32, #tpu.memory_space<hbm>>
        tpu.enqueue_dma source(%dma_start3A_320 : memref<2x128xi32, #tpu.memory_space<hbm>>) target(%dma_start3A_316 : memref<2x128xi32, #tpu.memory_space<vmem>>) target_semaphore(%arg12 : memref<!tpu.dma_semaphore, #tpu.memory_space<semaphore_mem>>)
      } else {
      }
      %add3A_261 = arith.constant 2 : i32
      %add3A_262 = arith.addi %add3A_237, %add3A_261 : i32
      %lt3A_263 = arith.constant 80 : i32
      %lt3A_264 = arith.cmpi slt, %add3A_262, %lt3A_263 : i32
      %convert_element_type3A_265 = arith.extui %lt3A_264 : i1 to i32
      %cond3A_266 = arith.constant 0 : i32
      %cond3A_267 = arith.cmpi ne, %convert_element_type3A_265, %cond3A_266 : i32
      scf.if %cond3A_267 {
        %dma_wait3A_302 = arith.constant 0 : i32
        %dma_wait3A_303 = arith.constant 0 : i32
        %dma_wait3A_304 = arith.constant 0 : i32
        %dma_wait3A_305 = arith.constant 0 : i32
        %dma_wait3A_306 = tpu.memref_slice %arg5[%dma_wait3A_303, %dma_wait3A_304, %dma_wait3A_305] : memref<4x2x128xi32, #tpu.memory_space<vmem>> -> memref<1x2x128xi32, #tpu.memory_space<vmem>>
        %dma_wait3A_307 = tpu.memref_squeeze %dma_wait3A_306 : memref<1x2x128xi32, #tpu.memory_space<vmem>> -> memref<2x128xi32, #tpu.memory_space<vmem>>
        %dma_wait3A_308 = arith.constant 0 : i32
        %dma_wait3A_309 = arith.constant 0 : i32
        %dma_wait3A_310 = tpu.memref_slice %arg3[%arg0, %arg1, %dma_wait3A_302, %dma_wait3A_308, %dma_wait3A_309] : memref<2x16x80x2x128xi32, #tpu.memory_space<hbm>> -> memref<1x1x1x2x128xi32, #tpu.memory_space<hbm>>
        %dma_wait3A_311 = tpu.memref_squeeze %dma_wait3A_310 : memref<1x1x1x2x128xi32, #tpu.memory_space<hbm>> -> memref<2x128xi32, #tpu.memory_space<hbm>>
        %dma_wait3A_312 = arith.constant 0 : i32
        %dma_wait3A_313 = arith.constant 0 : i32
        %dma_wait3A_314 = tpu.memref_slice %arg5[%dma_wait3A_303, %dma_wait3A_312, %dma_wait3A_313] : memref<4x2x128xi32, #tpu.memory_space<vmem>> -> memref<1x2x128xi32, #tpu.memory_space<vmem>>
        %dma_wait3A_315 = tpu.memref_squeeze %dma_wait3A_314 : memref<1x2x128xi32, #tpu.memory_space<vmem>> -> memref<2x128xi32, #tpu.memory_space<vmem>>
        %dma_wait3A_316 = arith.constant 0 : i32
        %dma_wait3A_317 = arith.constant 0 : i32
        %dma_wait3A_318 = tpu.memref_slice %arg3[%arg0, %arg1, %dma_wait3A_302, %dma_wait3A_316, %dma_wait3A_317] : memref<2x16x80x2x128xi32, #tpu.memory_space<hbm>> -> memref<1x1x1x2x128xi32, #tpu.memory_space<hbm>>
        %dma_wait3A_319 = tpu.memref_squeeze %dma_wait3A_318 : memref<1x1x1x2x128xi32, #tpu.memory_space<hbm>> -> memref<2x128xi32, #tpu.memory_space<hbm>>
        tpu.wait_dma2 semaphore(%arg10 : memref<!tpu.dma_semaphore, #tpu.memory_space<semaphore_mem>>) src(%dma_wait3A_319 : memref<2x128xi32, #tpu.memory_space<hbm>>) dst(%dma_wait3A_315 : memref<2x128xi32, #tpu.memory_space<vmem>>)
        %dma_start3A_320 = arith.constant 0 : i32
        %dma_start3A_321 = arith.constant 0 : i32
        %dma_start3A_322 = arith.constant 0 : i32
        %dma_start3A_323 = arith.constant 0 : i32
        %dma_start3A_324 = arith.constant 0 : i32
        %dma_start3A_325 = tpu.memref_slice %arg6[%dma_start3A_322, %dma_start3A_323, %dma_start3A_324] : memref<2x128x128xf32, #tpu.memory_space<vmem>> -> memref<1x128x128xf32, #tpu.memory_space<vmem>>
        %dma_start3A_326 = tpu.memref_squeeze %dma_start3A_325 : memref<1x128x128xf32, #tpu.memory_space<vmem>> -> memref<128x128xf32, #tpu.memory_space<vmem>>
        %dma_start3A_327 = arith.constant 0 : i32
        %dma_start3A_328 = tpu.memref_slice %arg5[%dma_start3A_320, %dma_start3A_321, %dma_start3A_327] : memref<4x2x128xi32, #tpu.memory_space<vmem>> -> memref<1x1x128xi32, #tpu.memory_space<vmem>>
        %dma_start3A_329 = tpu.memref_squeeze %dma_start3A_328 : memref<1x1x128xi32, #tpu.memory_space<vmem>> -> memref<128xi32, #tpu.memory_space<vmem>>
        %dma_start3A_330 = arith.constant 0 : i32
        %dma_start3A_331 = arith.constant 0 : i32
        %dma_start3A_332 = tpu.memref_slice %arg2[%dma_start3A_330, %dma_start3A_331] : memref<10000x128xf32, #tpu.memory_space<hbm>> -> memref<10000x128xf32, #tpu.memory_space<hbm>>
        tpu.enqueue_indirect_dma source(%dma_start3A_332 : memref<10000x128xf32, #tpu.memory_space<hbm>>) target(%dma_start3A_326 : memref<128x128xf32, #tpu.memory_space<vmem>>) offsets(%dma_start3A_329 : memref<128xi32, #tpu.memory_space<vmem>>) semaphore(%arg8 : memref<!tpu.dma_semaphore, #tpu.memory_space<semaphore_mem>>)
      } else {
      }
      %mul3A_268 = arith.constant 4 : i32
      %mul3A_269 = arith.muli %mul3A_268, %scan3A_169 : i32
      %add3A_270 = arith.constant 3 : i32
      %add3A_271 = arith.addi %mul3A_269, %add3A_270 : i32
      %dma_wait3A_272 = arith.constant 0 : i32
      %dma_wait3A_273 = arith.constant 0 : i32
      %dma_wait3A_274 = arith.constant 1 : i32
      %dma_wait3A_275 = arith.constant 0 : i32
      %dma_wait3A_276 = arith.constant 0 : i32
      %dma_wait3A_277 = tpu.memref_slice %arg6[%dma_wait3A_274, %dma_wait3A_275, %dma_wait3A_276] : memref<2x128x128xf32, #tpu.memory_space<vmem>> -> memref<1x128x128xf32, #tpu.memory_space<vmem>>
      %dma_wait3A_278 = tpu.memref_squeeze %dma_wait3A_277 : memref<1x128x128xf32, #tpu.memory_space<vmem>> -> memref<128x128xf32, #tpu.memory_space<vmem>>
      %dma_wait3A_279 = arith.constant 0 : i32
      %dma_wait3A_280 = tpu.memref_slice %arg5[%dma_wait3A_272, %dma_wait3A_273, %dma_wait3A_279] : memref<4x2x128xi32, #tpu.memory_space<vmem>> -> memref<1x1x128xi32, #tpu.memory_space<vmem>>
      %dma_wait3A_281 = tpu.memref_squeeze %dma_wait3A_280 : memref<1x1x128xi32, #tpu.memory_space<vmem>> -> memref<128xi32, #tpu.memory_space<vmem>>
      %dma_wait3A_282 = arith.constant 0 : i32
      %dma_wait3A_283 = arith.constant 0 : i32
      %dma_wait3A_284 = tpu.memref_slice %arg2[%dma_wait3A_282, %dma_wait3A_283] : memref<10000x128xf32, #tpu.memory_space<hbm>> -> memref<10000x128xf32, #tpu.memory_space<hbm>>
      tpu.wait_indirect_dma semaphore(%arg9 : memref<!tpu.dma_semaphore, #tpu.memory_space<semaphore_mem>>) src(%dma_wait3A_284 : memref<10000x128xf32, #tpu.memory_space<hbm>>) dst(%dma_wait3A_278 : memref<128x128xf32, #tpu.memory_space<vmem>>)
      %run_scoped3A_285 = arith.constant 1 : i32
      %run_scoped3A_286 = arith.constant 3 : i32
      %run_scoped3A_287 = arith.constant 1 : i32
      "tpu.region"() ({
        %run_scoped3A_302 = tpu.sem_alloc : memref<!tpu.dma_semaphore, #tpu.memory_space<semaphore_mem>>
        %dma_start3A_303 = arith.constant 0 : i32
        %dma_start3A_304 = arith.constant 0 : i32
        %dma_start3A_305 = tpu.memref_slice %arg6[%run_scoped3A_285, %dma_start3A_303, %dma_start3A_304] : memref<2x128x128xf32, #tpu.memory_space<vmem>> -> memref<1x128x128xf32, #tpu.memory_space<vmem>>
        %dma_start3A_306 = tpu.memref_squeeze %dma_start3A_305 : memref<1x128x128xf32, #tpu.memory_space<vmem>> -> memref<128x128xf32, #tpu.memory_space<vmem>>
        %dma_start3A_307 = arith.constant 0 : i32
        %dma_start3A_308 = tpu.memref_slice %arg5[%run_scoped3A_286, %run_scoped3A_287, %dma_start3A_307] : memref<4x2x128xi32, #tpu.memory_space<vmem>> -> memref<1x1x128xi32, #tpu.memory_space<vmem>>
        %dma_start3A_309 = tpu.memref_squeeze %dma_start3A_308 : memref<1x1x128xi32, #tpu.memory_space<vmem>> -> memref<128xi32, #tpu.memory_space<vmem>>
        %dma_start3A_310 = arith.constant 0 : i32
        %dma_start3A_311 = arith.constant 0 : i32
        %dma_start3A_312 = tpu.memref_slice %arg7[%dma_start3A_310, %dma_start3A_311] : memref<10240x128xf32, #tpu.memory_space<vmem_shared>> -> memref<10240x128xf32, #tpu.memory_space<vmem_shared>>
        tpu.enqueue_indirect_dma source(%dma_start3A_306 : memref<128x128xf32, #tpu.memory_space<vmem>>) target(%dma_start3A_312 : memref<10240x128xf32, #tpu.memory_space<vmem_shared>>) offsets(%dma_start3A_309 : memref<128xi32, #tpu.memory_space<vmem>>) semaphore(%run_scoped3A_302 : memref<!tpu.dma_semaphore, #tpu.memory_space<semaphore_mem>>) {add = true}
        %dma_wait3A_313 = arith.constant 0 : i32
        %dma_wait3A_314 = arith.constant 0 : i32
        %dma_wait3A_315 = tpu.memref_slice %arg6[%run_scoped3A_285, %dma_wait3A_313, %dma_wait3A_314] : memref<2x128x128xf32, #tpu.memory_space<vmem>> -> memref<1x128x128xf32, #tpu.memory_space<vmem>>
        %dma_wait3A_316 = tpu.memref_squeeze %dma_wait3A_315 : memref<1x128x128xf32, #tpu.memory_space<vmem>> -> memref<128x128xf32, #tpu.memory_space<vmem>>
        %dma_wait3A_317 = arith.constant 0 : i32
        %dma_wait3A_318 = tpu.memref_slice %arg5[%run_scoped3A_286, %run_scoped3A_287, %dma_wait3A_317] : memref<4x2x128xi32, #tpu.memory_space<vmem>> -> memref<1x1x128xi32, #tpu.memory_space<vmem>>
        %dma_wait3A_319 = tpu.memref_squeeze %dma_wait3A_318 : memref<1x1x128xi32, #tpu.memory_space<vmem>> -> memref<128xi32, #tpu.memory_space<vmem>>
        %dma_wait3A_320 = arith.constant 0 : i32
        %dma_wait3A_321 = arith.constant 0 : i32
        %dma_wait3A_322 = tpu.memref_slice %arg7[%dma_wait3A_320, %dma_wait3A_321] : memref<10240x128xf32, #tpu.memory_space<vmem_shared>> -> memref<10240x128xf32, #tpu.memory_space<vmem_shared>>
        tpu.wait_indirect_dma semaphore(%run_scoped3A_302 : memref<!tpu.dma_semaphore, #tpu.memory_space<semaphore_mem>>) src(%dma_wait3A_316 : memref<128x128xf32, #tpu.memory_space<vmem>>) dst(%dma_wait3A_322 : memref<10240x128xf32, #tpu.memory_space<vmem_shared>>)
        tpu.yield
      }) : () -> ()
      %add3A_288 = arith.constant 4 : i32
      %add3A_289 = arith.addi %add3A_271, %add3A_288 : i32
      %lt3A_290 = arith.constant 80 : i32
      %lt3A_291 = arith.cmpi slt, %add3A_289, %lt3A_290 : i32
      %convert_element_type3A_292 = arith.extui %lt3A_291 : i1 to i32
      %cond3A_293 = arith.constant 0 : i32
      %cond3A_294 = arith.cmpi ne, %convert_element_type3A_292, %cond3A_293 : i32
      scf.if %cond3A_294 {
        %add3A_302 = arith.constant 4 : i32
        %add3A_303 = arith.addi %add3A_271, %add3A_302 : i32
        %dma_start3A_304 = arith.constant 3 : i32
        %dma_start3A_305 = arith.constant 0 : i32
        %dma_start3A_306 = arith.constant 0 : i32
        %dma_start3A_307 = tpu.memref_slice %arg5[%dma_start3A_304, %dma_start3A_305, %dma_start3A_306] : memref<4x2x128xi32, #tpu.memory_space<vmem>> -> memref<1x2x128xi32, #tpu.memory_space<vmem>>
        %dma_start3A_308 = tpu.memref_squeeze %dma_start3A_307 : memref<1x2x128xi32, #tpu.memory_space<vmem>> -> memref<2x128xi32, #tpu.memory_space<vmem>>
        %dma_start3A_309 = arith.constant 0 : i32
        %dma_start3A_310 = arith.constant 0 : i32
        %dma_start3A_311 = tpu.memref_slice %arg3[%arg0, %arg1, %add3A_303, %dma_start3A_309, %dma_start3A_310] : memref<2x16x80x2x128xi32, #tpu.memory_space<hbm>> -> memref<1x1x1x2x128xi32, #tpu.memory_space<hbm>>
        %dma_start3A_312 = tpu.memref_squeeze %dma_start3A_311 : memref<1x1x1x2x128xi32, #tpu.memory_space<hbm>> -> memref<2x128xi32, #tpu.memory_space<hbm>>
        %dma_start3A_313 = arith.constant 0 : i32
        %dma_start3A_314 = arith.constant 0 : i32
        %dma_start3A_315 = tpu.memref_slice %arg5[%dma_start3A_304, %dma_start3A_313, %dma_start3A_314] : memref<4x2x128xi32, #tpu.memory_space<vmem>> -> memref<1x2x128xi32, #tpu.memory_space<vmem>>
        %dma_start3A_316 = tpu.memref_squeeze %dma_start3A_315 : memref<1x2x128xi32, #tpu.memory_space<vmem>> -> memref<2x128xi32, #tpu.memory_space<vmem>>
        %dma_start3A_317 = arith.constant 0 : i32
        %dma_start3A_318 = arith.constant 0 : i32
        %dma_start3A_319 = tpu.memref_slice %arg3[%arg0, %arg1, %add3A_303, %dma_start3A_317, %dma_start3A_318] : memref<2x16x80x2x128xi32, #tpu.memory_space<hbm>> -> memref<1x1x1x2x128xi32, #tpu.memory_space<hbm>>
        %dma_start3A_320 = tpu.memref_squeeze %dma_start3A_319 : memref<1x1x1x2x128xi32, #tpu.memory_space<hbm>> -> memref<2x128xi32, #tpu.memory_space<hbm>>
        tpu.enqueue_dma source(%dma_start3A_320 : memref<2x128xi32, #tpu.memory_space<hbm>>) target(%dma_start3A_316 : memref<2x128xi32, #tpu.memory_space<vmem>>) target_semaphore(%arg13 : memref<!tpu.dma_semaphore, #tpu.memory_space<semaphore_mem>>)
      } else {
      }
      %add3A_295 = arith.constant 2 : i32
      %add3A_296 = arith.addi %add3A_271, %add3A_295 : i32
      %lt3A_297 = arith.constant 80 : i32
      %lt3A_298 = arith.cmpi slt, %add3A_296, %lt3A_297 : i32
      %convert_element_type3A_299 = arith.extui %lt3A_298 : i1 to i32
      %cond3A_300 = arith.constant 0 : i32
      %cond3A_301 = arith.cmpi ne, %convert_element_type3A_299, %cond3A_300 : i32
      scf.if %cond3A_301 {
        %dma_wait3A_302 = arith.constant 0 : i32
        %dma_wait3A_303 = arith.constant 1 : i32
        %dma_wait3A_304 = arith.constant 0 : i32
        %dma_wait3A_305 = arith.constant 0 : i32
        %dma_wait3A_306 = tpu.memref_slice %arg5[%dma_wait3A_303, %dma_wait3A_304, %dma_wait3A_305] : memref<4x2x128xi32, #tpu.memory_space<vmem>> -> memref<1x2x128xi32, #tpu.memory_space<vmem>>
        %dma_wait3A_307 = tpu.memref_squeeze %dma_wait3A_306 : memref<1x2x128xi32, #tpu.memory_space<vmem>> -> memref<2x128xi32, #tpu.memory_space<vmem>>
        %dma_wait3A_308 = arith.constant 0 : i32
        %dma_wait3A_309 = arith.constant 0 : i32
        %dma_wait3A_310 = tpu.memref_slice %arg3[%arg0, %arg1, %dma_wait3A_302, %dma_wait3A_308, %dma_wait3A_309] : memref<2x16x80x2x128xi32, #tpu.memory_space<hbm>> -> memref<1x1x1x2x128xi32, #tpu.memory_space<hbm>>
        %dma_wait3A_311 = tpu.memref_squeeze %dma_wait3A_310 : memref<1x1x1x2x128xi32, #tpu.memory_space<hbm>> -> memref<2x128xi32, #tpu.memory_space<hbm>>
        %dma_wait3A_312 = arith.constant 0 : i32
        %dma_wait3A_313 = arith.constant 0 : i32
        %dma_wait3A_314 = tpu.memref_slice %arg5[%dma_wait3A_303, %dma_wait3A_312, %dma_wait3A_313] : memref<4x2x128xi32, #tpu.memory_space<vmem>> -> memref<1x2x128xi32, #tpu.memory_space<vmem>>
        %dma_wait3A_315 = tpu.memref_squeeze %dma_wait3A_314 : memref<1x2x128xi32, #tpu.memory_space<vmem>> -> memref<2x128xi32, #tpu.memory_space<vmem>>
        %dma_wait3A_316 = arith.constant 0 : i32
        %dma_wait3A_317 = arith.constant 0 : i32
        %dma_wait3A_318 = tpu.memref_slice %arg3[%arg0, %arg1, %dma_wait3A_302, %dma_wait3A_316, %dma_wait3A_317] : memref<2x16x80x2x128xi32, #tpu.memory_space<hbm>> -> memref<1x1x1x2x128xi32, #tpu.memory_space<hbm>>
        %dma_wait3A_319 = tpu.memref_squeeze %dma_wait3A_318 : memref<1x1x1x2x128xi32, #tpu.memory_space<hbm>> -> memref<2x128xi32, #tpu.memory_space<hbm>>
        tpu.wait_dma2 semaphore(%arg11 : memref<!tpu.dma_semaphore, #tpu.memory_space<semaphore_mem>>) src(%dma_wait3A_319 : memref<2x128xi32, #tpu.memory_space<hbm>>) dst(%dma_wait3A_315 : memref<2x128xi32, #tpu.memory_space<vmem>>)
        %dma_start3A_320 = arith.constant 1 : i32
        %dma_start3A_321 = arith.constant 0 : i32
        %dma_start3A_322 = arith.constant 1 : i32
        %dma_start3A_323 = arith.constant 0 : i32
        %dma_start3A_324 = arith.constant 0 : i32
        %dma_start3A_325 = tpu.memref_slice %arg6[%dma_start3A_322, %dma_start3A_323, %dma_start3A_324] : memref<2x128x128xf32, #tpu.memory_space<vmem>> -> memref<1x128x128xf32, #tpu.memory_space<vmem>>
        %dma_start3A_326 = tpu.memref_squeeze %dma_start3A_325 : memref<1x128x128xf32, #tpu.memory_space<vmem>> -> memref<128x128xf32, #tpu.memory_space<vmem>>
        %dma_start3A_327 = arith.constant 0 : i32
        %dma_start3A_328 = tpu.memref_slice %arg5[%dma_start3A_320, %dma_start3A_321, %dma_start3A_327] : memref<4x2x128xi32, #tpu.memory_space<vmem>> -> memref<1x1x128xi32, #tpu.memory_space<vmem>>
        %dma_start3A_329 = tpu.memref_squeeze %dma_start3A_328 : memref<1x1x128xi32, #tpu.memory_space<vmem>> -> memref<128xi32, #tpu.memory_space<vmem>>
        %dma_start3A_330 = arith.constant 0 : i32
        %dma_start3A_331 = arith.constant 0 : i32
        %dma_start3A_332 = tpu.memref_slice %arg2[%dma_start3A_330, %dma_start3A_331] : memref<10000x128xf32, #tpu.memory_space<hbm>> -> memref<10000x128xf32, #tpu.memory_space<hbm>>
        tpu.enqueue_indirect_dma source(%dma_start3A_332 : memref<10000x128xf32, #tpu.memory_space<hbm>>) target(%dma_start3A_326 : memref<128x128xf32, #tpu.memory_space<vmem>>) offsets(%dma_start3A_329 : memref<128xi32, #tpu.memory_space<vmem>>) semaphore(%arg9 : memref<!tpu.dma_semaphore, #tpu.memory_space<semaphore_mem>>)
      } else {
      }
    }
    %scan3A_149 = arith.constant 20 : i32
    %barrier3A_150 = arith.constant 0 : index
    tpu.barrier barrier_id(%barrier3A_150)
    "tpu.trace_stop"() : () -> ()
    "tpu.trace_start"() <{level = 10 : i32, message = "sc_writeback"}> : () -> ()
    %mul3A = arith.constant 640 : i32
    %mul3A_151 = arith.muli %arg1, %mul3A : i32
    %add3A = arith.constant 0 : i32
    %add3A_152 = arith.addi %mul3A_151, %add3A : i32
    "tpu.region"() ({
      %run_scoped3A = tpu.sem_alloc : memref<!tpu.dma_semaphore, #tpu.memory_space<semaphore_mem>>
      %dma_start3A_169 = arith.constant 0 : i32
      %dma_start3A_170 = tpu.memref_slice %arg4[%arg0, %add3A_152, %dma_start3A_169] : memref<2x10240x128xf32, #tpu.memory_space<hbm>> -> memref<1x128x128xf32, #tpu.memory_space<hbm>>
      %dma_start3A_171 = tpu.memref_squeeze %dma_start3A_170 : memref<1x128x128xf32, #tpu.memory_space<hbm>> -> memref<128x128xf32, #tpu.memory_space<hbm>>
      %dma_start3A_172 = arith.constant 0 : i32
      %dma_start3A_173 = tpu.memref_slice %arg7[%add3A_152, %dma_start3A_172] : memref<10240x128xf32, #tpu.memory_space<vmem_shared>> -> memref<128x128xf32, #tpu.memory_space<vmem_shared>>
      tpu.enqueue_dma source(%dma_start3A_173 : memref<128x128xf32, #tpu.memory_space<vmem_shared>>) target(%dma_start3A_171 : memref<128x128xf32, #tpu.memory_space<hbm>>) target_semaphore(%run_scoped3A : memref<!tpu.dma_semaphore, #tpu.memory_space<semaphore_mem>>)
      %dma_wait3A_174 = arith.constant 0 : i32
      %dma_wait3A_175 = tpu.memref_slice %arg4[%arg0, %add3A_152, %dma_wait3A_174] : memref<2x10240x128xf32, #tpu.memory_space<hbm>> -> memref<1x128x128xf32, #tpu.memory_space<hbm>>
      %dma_wait3A_176 = tpu.memref_squeeze %dma_wait3A_175 : memref<1x128x128xf32, #tpu.memory_space<hbm>> -> memref<128x128xf32, #tpu.memory_space<hbm>>
      %dma_wait3A_177 = arith.constant 0 : i32
      %dma_wait3A_178 = tpu.memref_slice %arg7[%add3A_152, %dma_wait3A_177] : memref<10240x128xf32, #tpu.memory_space<vmem_shared>> -> memref<128x128xf32, #tpu.memory_space<vmem_shared>>
      tpu.wait_dma2 semaphore(%run_scoped3A : memref<!tpu.dma_semaphore, #tpu.memory_space<semaphore_mem>>) src(%dma_wait3A_178 : memref<128x128xf32, #tpu.memory_space<vmem_shared>>) dst(%dma_wait3A_176 : memref<128x128xf32, #tpu.memory_space<hbm>>)
      tpu.yield
    }) : () -> ()
    %mul3A_153 = arith.constant 640 : i32
    %mul3A_154 = arith.muli %arg1, %mul3A_153 : i32
    %add3A_155 = arith.constant 128 : i32
    %add3A_156 = arith.addi %mul3A_154, %add3A_155 : i32
    "tpu.region"() ({
      %run_scoped3A = tpu.sem_alloc : memref<!tpu.dma_semaphore, #tpu.memory_space<semaphore_mem>>
      %dma_start3A_169 = arith.constant 0 : i32
      %dma_start3A_170 = tpu.memref_slice %arg4[%arg0, %add3A_156, %dma_start3A_169] : memref<2x10240x128xf32, #tpu.memory_space<hbm>> -> memref<1x128x128xf32, #tpu.memory_space<hbm>>
      %dma_start3A_171 = tpu.memref_squeeze %dma_start3A_170 : memref<1x128x128xf32, #tpu.memory_space<hbm>> -> memref<128x128xf32, #tpu.memory_space<hbm>>
      %dma_start3A_172 = arith.constant 0 : i32
      %dma_start3A_173 = tpu.memref_slice %arg7[%add3A_156, %dma_start3A_172] : memref<10240x128xf32, #tpu.memory_space<vmem_shared>> -> memref<128x128xf32, #tpu.memory_space<vmem_shared>>
      tpu.enqueue_dma source(%dma_start3A_173 : memref<128x128xf32, #tpu.memory_space<vmem_shared>>) target(%dma_start3A_171 : memref<128x128xf32, #tpu.memory_space<hbm>>) target_semaphore(%run_scoped3A : memref<!tpu.dma_semaphore, #tpu.memory_space<semaphore_mem>>)
      %dma_wait3A_174 = arith.constant 0 : i32
      %dma_wait3A_175 = tpu.memref_slice %arg4[%arg0, %add3A_156, %dma_wait3A_174] : memref<2x10240x128xf32, #tpu.memory_space<hbm>> -> memref<1x128x128xf32, #tpu.memory_space<hbm>>
      %dma_wait3A_176 = tpu.memref_squeeze %dma_wait3A_175 : memref<1x128x128xf32, #tpu.memory_space<hbm>> -> memref<128x128xf32, #tpu.memory_space<hbm>>
      %dma_wait3A_177 = arith.constant 0 : i32
      %dma_wait3A_178 = tpu.memref_slice %arg7[%add3A_156, %dma_wait3A_177] : memref<10240x128xf32, #tpu.memory_space<vmem_shared>> -> memref<128x128xf32, #tpu.memory_space<vmem_shared>>
      tpu.wait_dma2 semaphore(%run_scoped3A : memref<!tpu.dma_semaphore, #tpu.memory_space<semaphore_mem>>) src(%dma_wait3A_178 : memref<128x128xf32, #tpu.memory_space<vmem_shared>>) dst(%dma_wait3A_176 : memref<128x128xf32, #tpu.memory_space<hbm>>)
      tpu.yield
    }) : () -> ()
    %mul3A_157 = arith.constant 640 : i32
    %mul3A_158 = arith.muli %arg1, %mul3A_157 : i32
    %add3A_159 = arith.constant 256 : i32
    %add3A_160 = arith.addi %mul3A_158, %add3A_159 : i32
    "tpu.region"() ({
      %run_scoped3A = tpu.sem_alloc : memref<!tpu.dma_semaphore, #tpu.memory_space<semaphore_mem>>
      %dma_start3A_169 = arith.constant 0 : i32
      %dma_start3A_170 = tpu.memref_slice %arg4[%arg0, %add3A_160, %dma_start3A_169] : memref<2x10240x128xf32, #tpu.memory_space<hbm>> -> memref<1x128x128xf32, #tpu.memory_space<hbm>>
      %dma_start3A_171 = tpu.memref_squeeze %dma_start3A_170 : memref<1x128x128xf32, #tpu.memory_space<hbm>> -> memref<128x128xf32, #tpu.memory_space<hbm>>
      %dma_start3A_172 = arith.constant 0 : i32
      %dma_start3A_173 = tpu.memref_slice %arg7[%add3A_160, %dma_start3A_172] : memref<10240x128xf32, #tpu.memory_space<vmem_shared>> -> memref<128x128xf32, #tpu.memory_space<vmem_shared>>
      tpu.enqueue_dma source(%dma_start3A_173 : memref<128x128xf32, #tpu.memory_space<vmem_shared>>) target(%dma_start3A_171 : memref<128x128xf32, #tpu.memory_space<hbm>>) target_semaphore(%run_scoped3A : memref<!tpu.dma_semaphore, #tpu.memory_space<semaphore_mem>>)
      %dma_wait3A_174 = arith.constant 0 : i32
      %dma_wait3A_175 = tpu.memref_slice %arg4[%arg0, %add3A_160, %dma_wait3A_174] : memref<2x10240x128xf32, #tpu.memory_space<hbm>> -> memref<1x128x128xf32, #tpu.memory_space<hbm>>
      %dma_wait3A_176 = tpu.memref_squeeze %dma_wait3A_175 : memref<1x128x128xf32, #tpu.memory_space<hbm>> -> memref<128x128xf32, #tpu.memory_space<hbm>>
      %dma_wait3A_177 = arith.constant 0 : i32
      %dma_wait3A_178 = tpu.memref_slice %arg7[%add3A_160, %dma_wait3A_177] : memref<10240x128xf32, #tpu.memory_space<vmem_shared>> -> memref<128x128xf32, #tpu.memory_space<vmem_shared>>
      tpu.wait_dma2 semaphore(%run_scoped3A : memref<!tpu.dma_semaphore, #tpu.memory_space<semaphore_mem>>) src(%dma_wait3A_178 : memref<128x128xf32, #tpu.memory_space<vmem_shared>>) dst(%dma_wait3A_176 : memref<128x128xf32, #tpu.memory_space<hbm>>)
      tpu.yield
    }) : () -> ()
    %mul3A_161 = arith.constant 640 : i32
    %mul3A_162 = arith.muli %arg1, %mul3A_161 : i32
    %add3A_163 = arith.constant 384 : i32
    %add3A_164 = arith.addi %mul3A_162, %add3A_163 : i32
    "tpu.region"() ({
      %run_scoped3A = tpu.sem_alloc : memref<!tpu.dma_semaphore, #tpu.memory_space<semaphore_mem>>
      %dma_start3A_169 = arith.constant 0 : i32
      %dma_start3A_170 = tpu.memref_slice %arg4[%arg0, %add3A_164, %dma_start3A_169] : memref<2x10240x128xf32, #tpu.memory_space<hbm>> -> memref<1x128x128xf32, #tpu.memory_space<hbm>>
      %dma_start3A_171 = tpu.memref_squeeze %dma_start3A_170 : memref<1x128x128xf32, #tpu.memory_space<hbm>> -> memref<128x128xf32, #tpu.memory_space<hbm>>
      %dma_start3A_172 = arith.constant 0 : i32
      %dma_start3A_173 = tpu.memref_slice %arg7[%add3A_164, %dma_start3A_172] : memref<10240x128xf32, #tpu.memory_space<vmem_shared>> -> memref<128x128xf32, #tpu.memory_space<vmem_shared>>
      tpu.enqueue_dma source(%dma_start3A_173 : memref<128x128xf32, #tpu.memory_space<vmem_shared>>) target(%dma_start3A_171 : memref<128x128xf32, #tpu.memory_space<hbm>>) target_semaphore(%run_scoped3A : memref<!tpu.dma_semaphore, #tpu.memory_space<semaphore_mem>>)
      %dma_wait3A_174 = arith.constant 0 : i32
      %dma_wait3A_175 = tpu.memref_slice %arg4[%arg0, %add3A_164, %dma_wait3A_174] : memref<2x10240x128xf32, #tpu.memory_space<hbm>> -> memref<1x128x128xf32, #tpu.memory_space<hbm>>
      %dma_wait3A_176 = tpu.memref_squeeze %dma_wait3A_175 : memref<1x128x128xf32, #tpu.memory_space<hbm>> -> memref<128x128xf32, #tpu.memory_space<hbm>>
      %dma_wait3A_177 = arith.constant 0 : i32
      %dma_wait3A_178 = tpu.memref_slice %arg7[%add3A_164, %dma_wait3A_177] : memref<10240x128xf32, #tpu.memory_space<vmem_shared>> -> memref<128x128xf32, #tpu.memory_space<vmem_shared>>
      tpu.wait_dma2 semaphore(%run_scoped3A : memref<!tpu.dma_semaphore, #tpu.memory_space<semaphore_mem>>) src(%dma_wait3A_178 : memref<128x128xf32, #tpu.memory_space<vmem_shared>>) dst(%dma_wait3A_176 : memref<128x128xf32, #tpu.memory_space<hbm>>)
      tpu.yield
    }) : () -> ()
    %mul3A_165 = arith.constant 640 : i32
    %mul3A_166 = arith.muli %arg1, %mul3A_165 : i32
    %add3A_167 = arith.constant 512 : i32
    %add3A_168 = arith.addi %mul3A_166, %add3A_167 : i32
    "tpu.region"() ({
      %run_scoped3A = tpu.sem_alloc : memref<!tpu.dma_semaphore, #tpu.memory_space<semaphore_mem>>
      %dma_start3A_169 = arith.constant 0 : i32
      %dma_start3A_170 = tpu.memref_slice %arg4[%arg0, %add3A_168, %dma_start3A_169] : memref<2x10240x128xf32, #tpu.memory_space<hbm>> -> memref<1x128x128xf32, #tpu.memory_space<hbm>>
      %dma_start3A_171 = tpu.memref_squeeze %dma_start3A_170 : memref<1x128x128xf32, #tpu.memory_space<hbm>> -> memref<128x128xf32, #tpu.memory_space<hbm>>
      %dma_start3A_172 = arith.constant 0 : i32
      %dma_start3A_173 = tpu.memref_slice %arg7[%add3A_168, %dma_start3A_172] : memref<10240x128xf32, #tpu.memory_space<vmem_shared>> -> memref<128x128xf32, #tpu.memory_space<vmem_shared>>
      tpu.enqueue_dma source(%dma_start3A_173 : memref<128x128xf32, #tpu.memory_space<vmem_shared>>) target(%dma_start3A_171 : memref<128x128xf32, #tpu.memory_space<hbm>>) target_semaphore(%run_scoped3A : memref<!tpu.dma_semaphore, #tpu.memory_space<semaphore_mem>>)
      %dma_wait3A_174 = arith.constant 0 : i32
      %dma_wait3A_175 = tpu.memref_slice %arg4[%arg0, %add3A_168, %dma_wait3A_174] : memref<2x10240x128xf32, #tpu.memory_space<hbm>> -> memref<1x128x128xf32, #tpu.memory_space<hbm>>
      %dma_wait3A_176 = tpu.memref_squeeze %dma_wait3A_175 : memref<1x128x128xf32, #tpu.memory_space<hbm>> -> memref<128x128xf32, #tpu.memory_space<hbm>>
      %dma_wait3A_177 = arith.constant 0 : i32
      %dma_wait3A_178 = tpu.memref_slice %arg7[%add3A_168, %dma_wait3A_177] : memref<10240x128xf32, #tpu.memory_space<vmem_shared>> -> memref<128x128xf32, #tpu.memory_space<vmem_shared>>
      tpu.wait_dma2 semaphore(%run_scoped3A : memref<!tpu.dma_semaphore, #tpu.memory_space<semaphore_mem>>) src(%dma_wait3A_178 : memref<128x128xf32, #tpu.memory_space<vmem_shared>>) dst(%dma_wait3A_176 : memref<128x128xf32, #tpu.memory_space<hbm>>)
      tpu.yield
    }) : () -> ()
    "tpu.trace_stop"() : () -> ()
    return
  }
}

#map = affine_map<(d0, d1) -> (0, 0)>
#map1 = affine_map<(d0, d1) -> (0, 0, 0, 0, 0)>
#map2 = affine_map<(d0, d1) -> (0, 0, 0)>
module attributes {stable_mosaic.version = 14 : i64} {
  func.func @_sc_aggregate_body(%arg0: i32, %arg1: i32, %arg2: memref<10000x128xf32, #tpu.memory_space<hbm>>, %arg3: memref<2x16x80x2x128xi32, #tpu.memory_space<hbm>>, %arg4: memref<2x10240x128xf32, #tpu.memory_space<hbm>>, %arg5: memref<4x2x128xi32, #tpu.memory_space<vmem>>, %arg6: memref<2x128x128xf32, #tpu.memory_space<vmem>>, %arg7: memref<10240x128xf32, #tpu.memory_space<vmem_shared>>, %arg8: memref<!tpu.dma_semaphore, #tpu.memory_space<semaphore_mem>>, %arg9: memref<!tpu.dma_semaphore, #tpu.memory_space<semaphore_mem>>, %arg10: memref<!tpu.dma_semaphore, #tpu.memory_space<semaphore_mem>>, %arg11: memref<!tpu.dma_semaphore, #tpu.memory_space<semaphore_mem>>, %arg12: memref<!tpu.dma_semaphore, #tpu.memory_space<semaphore_mem>>, %arg13: memref<!tpu.dma_semaphore, #tpu.memory_space<semaphore_mem>>) attributes {dimension_semantics = [#tpu.dimension_semantics<core_parallel>, #tpu.dimension_semantics<subcore_parallel>], iteration_bounds = array<i64: 2, 16>, scalar_prefetch = 0 : i64, scratch_operands = 9 : i64, tpu.core_type = #tpu.core_type<sc_vector_subcore>, window_params = [{transform_indices = #map}, {transform_indices = #map1}, {transform_indices = #map2}]} {
    %broadcast_in_dim3A = arith.constant 0.000000e+00 : f32
    %broadcast_in_dim3A_0 = vector.broadcast %broadcast_in_dim3A : f32 to vector<16xf32>
    "tpu.trace_start"() <{level = 10 : i32, message = "sc_zero"}> : () -> ()
    %scan3A = arith.constant 0 : i32
    %scan3A_1 = arith.constant 0 : i32
    %scan3A_2 = arith.constant 128 : i32
    %scan3A_3 = arith.addi %scan3A_1, %scan3A_2 : i32
    %scan3A_4 = arith.constant 1 : i32
    scf.for %scan3A_169 = %scan3A_1 to %scan3A_3 step %scan3A_4  : i32 {
      %swap3A = arith.constant 0 : i32
      %swap3A_170 = arith.index_cast %swap3A : i32 to index
      %swap3A_171 = arith.index_cast %scan3A_169 : i32 to index
      %swap3A_172 = arith.constant 0 : index
      %swap3A_173 = tpu.vector_load %arg6[%swap3A_170, %swap3A_171, %swap3A_172] {strides = array<i32>} : memref<2x128x128xf32, #tpu.memory_space<vmem>>, vector<1x1x16xf32>,
      %swap3A_174 = vector.shape_cast %swap3A_173 : vector<1x1x16xf32> to vector<16xf32>
      %swap3A_175 = vector.shape_cast %broadcast_in_dim3A_0 : vector<16xf32> to vector<1x1x16xf32>
      tpu.vector_store %arg6[%swap3A_170, %swap3A_171, %swap3A_172], %swap3A_175 {strides = array<i32>} : memref<2x128x128xf32, #tpu.memory_space<vmem>>, vector<1x1x16xf32>,
      %swap3A_176 = arith.constant 0 : i32
      %swap3A_177 = arith.index_cast %swap3A_176 : i32 to index
      %swap3A_178 = arith.index_cast %scan3A_169 : i32 to index
      %swap3A_179 = arith.constant 16 : index
      %swap3A_180 = tpu.vector_load %arg6[%swap3A_177, %swap3A_178, %swap3A_179] {strides = array<i32>} : memref<2x128x128xf32, #tpu.memory_space<vmem>>, vector<1x1x16xf32>,
      %swap3A_181 = vector.shape_cast %swap3A_180 : vector<1x1x16xf32> to vector<16xf32>
      %swap3A_182 = vector.shape_cast %broadcast_in_dim3A_0 : vector<16xf32> to vector<1x1x16xf32>
      tpu.vector_store %arg6[%swap3A_177, %swap3A_178, %swap3A_179], %swap3A_182 {strides = array<i32>} : memref<2x128x128xf32, #tpu.memory_space<vmem>>, vector<1x1x16xf32>,
      %swap3A_183 = arith.constant 0 : i32
      %swap3A_184 = arith.index_cast %swap3A_183 : i32 to index
      %swap3A_185 = arith.index_cast %scan3A_169 : i32 to index
      %swap3A_186 = arith.constant 32 : index
      %swap3A_187 = tpu.vector_load %arg6[%swap3A_184, %swap3A_185, %swap3A_186] {strides = array<i32>} : memref<2x128x128xf32, #tpu.memory_space<vmem>>, vector<1x1x16xf32>,
      %swap3A_188 = vector.shape_cast %swap3A_187 : vector<1x1x16xf32> to vector<16xf32>
      %swap3A_189 = vector.shape_cast %broadcast_in_dim3A_0 : vector<16xf32> to vector<1x1x16xf32>
      tpu.vector_store %arg6[%swap3A_184, %swap3A_185, %swap3A_186], %swap3A_189 {strides = array<i32>} : memref<2x128x128xf32, #tpu.memory_space<vmem>>, vector<1x1x16xf32>,
      %swap3A_190 = arith.constant 0 : i32
      %swap3A_191 = arith.index_cast %swap3A_190 : i32 to index
      %swap3A_192 = arith.index_cast %scan3A_169 : i32 to index
      %swap3A_193 = arith.constant 48 : index
      %swap3A_194 = tpu.vector_load %arg6[%swap3A_191, %swap3A_192, %swap3A_193] {strides = array<i32>} : memref<2x128x128xf32, #tpu.memory_space<vmem>>, vector<1x1x16xf32>,
      %swap3A_195 = vector.shape_cast %swap3A_194 : vector<1x1x16xf32> to vector<16xf32>
      %swap3A_196 = vector.shape_cast %broadcast_in_dim3A_0 : vector<16xf32> to vector<1x1x16xf32>
      tpu.vector_store %arg6[%swap3A_191, %swap3A_192, %swap3A_193], %swap3A_196 {strides = array<i32>} : memref<2x128x128xf32, #tpu.memory_space<vmem>>, vector<1x1x16xf32>,
      %swap3A_197 = arith.constant 0 : i32
      %swap3A_198 = arith.index_cast %swap3A_197 : i32 to index
      %swap3A_199 = arith.index_cast %scan3A_169 : i32 to index
      %swap3A_200 = arith.constant 64 : index
      %swap3A_201 = tpu.vector_load %arg6[%swap3A_198, %swap3A_199, %swap3A_200] {strides = array<i32>} : memref<2x128x128xf32, #tpu.memory_space<vmem>>, vector<1x1x16xf32>,
      %swap3A_202 = vector.shape_cast %swap3A_201 : vector<1x1x16xf32> to vector<16xf32>
      %swap3A_203 = vector.shape_cast %broadcast_in_dim3A_0 : vector<16xf32> to vector<1x1x16xf32>
      tpu.vector_store %arg6[%swap3A_198, %swap3A_199, %swap3A_200], %swap3A_203 {strides = array<i32>} : memref<2x128x128xf32, #tpu.memory_space<vmem>>, vector<1x1x16xf32>,
      %swap3A_204 = arith.constant 0 : i32
      %swap3A_205 = arith.index_cast %swap3A_204 : i32 to index
      %swap3A_206 = arith.index_cast %scan3A_169 : i32 to index
      %swap3A_207 = arith.constant 80 : index
      %swap3A_208 = tpu.vector_load %arg6[%swap3A_205, %swap3A_206, %swap3A_207] {strides = array<i32>} : memref<2x128x128xf32, #tpu.memory_space<vmem>>, vector<1x1x16xf32>,
      %swap3A_209 = vector.shape_cast %swap3A_208 : vector<1x1x16xf32> to vector<16xf32>
      %swap3A_210 = vector.shape_cast %broadcast_in_dim3A_0 : vector<16xf32> to vector<1x1x16xf32>
      tpu.vector_store %arg6[%swap3A_205, %swap3A_206, %swap3A_207], %swap3A_210 {strides = array<i32>} : memref<2x128x128xf32, #tpu.memory_space<vmem>>, vector<1x1x16xf32>,
      %swap3A_211 = arith.constant 0 : i32
      %swap3A_212 = arith.index_cast %swap3A_211 : i32 to index
      %swap3A_213 = arith.index_cast %scan3A_169 : i32 to index
      %swap3A_214 = arith.constant 96 : index
      %swap3A_215 = tpu.vector_load %arg6[%swap3A_212, %swap3A_213, %swap3A_214] {strides = array<i32>} : memref<2x128x128xf32, #tpu.memory_space<vmem>>, vector<1x1x16xf32>,
      %swap3A_216 = vector.shape_cast %swap3A_215 : vector<1x1x16xf32> to vector<16xf32>
      %swap3A_217 = vector.shape_cast %broadcast_in_dim3A_0 : vector<16xf32> to vector<1x1x16xf32>
      tpu.vector_store %arg6[%swap3A_212, %swap3A_213, %swap3A_214], %swap3A_217 {strides = array<i32>} : memref<2x128x128xf32, #tpu.memory_space<vmem>>, vector<1x1x16xf32>,
      %swap3A_218 = arith.constant 0 : i32
      %swap3A_219 = arith.index_cast %swap3A_218 : i32 to index
      %swap3A_220 = arith.index_cast %scan3A_169 : i32 to index
      %swap3A_221 = arith.constant 112 : index
      %swap3A_222 = tpu.vector_load %arg6[%swap3A_219, %swap3A_220, %swap3A_221] {strides = array<i32>} : memref<2x128x128xf32, #tpu.memory_space<vmem>>, vector<1x1x16xf32>,
      %swap3A_223 = vector.shape_cast %swap3A_222 : vector<1x1x16xf32> to vector<16xf32>
      %swap3A_224 = vector.shape_cast %broadcast_in_dim3A_0 : vector<16xf32> to vector<1x1x16xf32>
      tpu.vector_store %arg6[%swap3A_219, %swap3A_220, %swap3A_221], %swap3A_224 {strides = array<i32>} : memref<2x128x128xf32, #tpu.memory_space<vmem>>, vector<1x1x16xf32>,
    }
    %scan3A_5 = arith.constant 128 : i32
    %scan3A_6 = arith.constant 0 : i32
    %scan3A_7 = arith.constant 0 : i32
    %scan3A_8 = arith.constant 5 : i32
    %scan3A_9 = arith.addi %scan3A_7, %scan3A_8 : i32
    %scan3A_10 = arith.constant 1 : i32
    scf.for %scan3A_169 = %scan3A_7 to %scan3A_9 step %scan3A_10  : i32 {
      %mul3A_170 = arith.constant 640 : i32
      %mul3A_171 = arith.muli %arg1, %mul3A_170 : i32
      %mul3A_172 = arith.constant 128 : i32
      %mul3A_173 = arith.muli %scan3A_169, %mul3A_172 : i32
      %add3A_174 = arith.addi %mul3A_171, %mul3A_173 : i32
      %run_scoped3A = arith.constant 0 : i32
      "tpu.region"() ({
        %run_scoped3A_175 = tpu.sem_alloc : memref<!tpu.dma_semaphore, #tpu.memory_space<semaphore_mem>>
        %dma_start3A_176 = arith.constant 0 : i32
        %dma_start3A_177 = arith.constant 0 : i32
        %dma_start3A_178 = tpu.memref_slice %arg6[%run_scoped3A, %dma_start3A_176, %dma_start3A_177] : memref<2x128x128xf32, #tpu.memory_space<vmem>> -> memref<1x128x128xf32, #tpu.memory_space<vmem>>
        %dma_start3A_179 = tpu.memref_squeeze %dma_start3A_178 : memref<1x128x128xf32, #tpu.memory_space<vmem>> -> memref<128x128xf32, #tpu.memory_space<vmem>>
        %dma_start3A_180 = arith.constant 0 : i32
        %dma_start3A_181 = tpu.memref_slice %arg7[%add3A_174, %dma_start3A_180] : memref<10240x128xf32, #tpu.memory_space<vmem_shared>> -> memref<128x128xf32, #tpu.memory_space<vmem_shared>>
        %dma_start3A_182 = arith.constant 0 : i32
        %dma_start3A_183 = tpu.memref_slice %arg7[%add3A_174, %dma_start3A_182] : memref<10240x128xf32, #tpu.memory_space<vmem_shared>> -> memref<128x128xf32, #tpu.memory_space<vmem_shared>>
        %dma_start3A_184 = arith.constant 0 : i32
        %dma_start3A_185 = arith.constant 0 : i32
        %dma_start3A_186 = tpu.memref_slice %arg6[%run_scoped3A, %dma_start3A_184, %dma_start3A_185] : memref<2x128x128xf32, #tpu.memory_space<vmem>> -> memref<1x128x128xf32, #tpu.memory_space<vmem>>
        %dma_start3A_187 = tpu.memref_squeeze %dma_start3A_186 : memref<1x128x128xf32, #tpu.memory_space<vmem>> -> memref<128x128xf32, #tpu.memory_space<vmem>>
        tpu.enqueue_dma source(%dma_start3A_187 : memref<128x128xf32, #tpu.memory_space<vmem>>) target(%dma_start3A_183 : memref<128x128xf32, #tpu.memory_space<vmem_shared>>) target_semaphore(%run_scoped3A_175 : memref<!tpu.dma_semaphore, #tpu.memory_space<semaphore_mem>>)
        %dma_wait3A_188 = arith.constant 0 : i32
        %dma_wait3A_189 = arith.constant 0 : i32
        %dma_wait3A_190 = tpu.memref_slice %arg6[%run_scoped3A, %dma_wait3A_188, %dma_wait3A_189] : memref<2x128x128xf32, #tpu.memory_space<vmem>> -> memref<1x128x128xf32, #tpu.memory_space<vmem>>
        %dma_wait3A_191 = tpu.memref_squeeze %dma_wait3A_190 : memref<1x128x128xf32, #tpu.memory_space<vmem>> -> memref<128x128xf32, #tpu.memory_space<vmem>>
        %dma_wait3A_192 = arith.constant 0 : i32
        %dma_wait3A_193 = tpu.memref_slice %arg7[%add3A_174, %dma_wait3A_192] : memref<10240x128xf32, #tpu.memory_space<vmem_shared>> -> memref<128x128xf32, #tpu.memory_space<vmem_shared>>
        %dma_wait3A_194 = arith.constant 0 : i32
        %dma_wait3A_195 = tpu.memref_slice %arg7[%add3A_174, %dma_wait3A_194] : memref<10240x128xf32, #tpu.memory_space<vmem_shared>> -> memref<128x128xf32, #tpu.memory_space<vmem_shared>>
        %dma_wait3A_196 = arith.constant 0 : i32
        %dma_wait3A_197 = arith.constant 0 : i32
        %dma_wait3A_198 = tpu.memref_slice %arg6[%run_scoped3A, %dma_wait3A_196, %dma_wait3A_197] : memref<2x128x128xf32, #tpu.memory_space<vmem>> -> memref<1x128x128xf32, #tpu.memory_space<vmem>>
        %dma_wait3A_199 = tpu.memref_squeeze %dma_wait3A_198 : memref<1x128x128xf32, #tpu.memory_space<vmem>> -> memref<128x128xf32, #tpu.memory_space<vmem>>
        tpu.wait_dma2 semaphore(%run_scoped3A_175 : memref<!tpu.dma_semaphore, #tpu.memory_space<semaphore_mem>>) src(%dma_wait3A_199 : memref<128x128xf32, #tpu.memory_space<vmem>>) dst(%dma_wait3A_195 : memref<128x128xf32, #tpu.memory_space<vmem_shared>>)
        tpu.yield
      }) : () -> ()
    }
    %scan3A_11 = arith.constant 5 : i32
    %barrier3A = arith.constant 0 : index
    tpu.barrier barrier_id(%barrier3A)
    %dma_start3A = arith.constant 0 : i32
    %dma_start3A_12 = arith.constant 0 : i32
    "tpu.trace_stop"() : () -> ()
    "tpu.trace_start"() <{level = 10 : i32, message = "sc_mainloop"}> : () -> ()
    %dma_start3A_13 = arith.constant 0 : i32
    %dma_start3A_14 = arith.constant 0 : i32
    %dma_start3A_15 = tpu.memref_slice %arg5[%dma_start3A_12, %dma_start3A_13, %dma_start3A_14] : memref<4x2x128xi32, #tpu.memory_space<vmem>> -> memref<1x2x128xi32, #tpu.memory_space<vmem>>
    %dma_start3A_16 = tpu.memref_squeeze %dma_start3A_15 : memref<1x2x128xi32, #tpu.memory_space<vmem>> -> memref<2x128xi32, #tpu.memory_space<vmem>>
    %dma_start3A_17 = arith.constant 0 : i32
    %dma_start3A_18 = arith.constant 0 : i32
    %dma_start3A_19 = tpu.memref_slice %arg3[%arg0, %arg1, %dma_start3A, %dma_start3A_17, %dma_start3A_18] : memref<2x16x80x2x128xi32, #tpu.memory_space<hbm>> -> memref<1x1x1x2x128xi32, #tpu.memory_space<hbm>>
    %dma_start3A_20 = tpu.memref_squeeze %dma_start3A_19 : memref<1x1x1x2x128xi32, #tpu.memory_space<hbm>> -> memref<2x128xi32, #tpu.memory_space<hbm>>
    %dma_start3A_21 = arith.constant 0 : i32
    %dma_start3A_22 = arith.constant 0 : i32
    %dma_start3A_23 = tpu.memref_slice %arg5[%dma_start3A_12, %dma_start3A_21, %dma_start3A_22] : memref<4x2x128xi32, #tpu.memory_space<vmem>> -> memref<1x2x128xi32, #tpu.memory_space<vmem>>
    %dma_start3A_24 = tpu.memref_squeeze %dma_start3A_23 : memref<1x2x128xi32, #tpu.memory_space<vmem>> -> memref<2x128xi32, #tpu.memory_space<vmem>>
    %dma_start3A_25 = arith.constant 0 : i32
    %dma_start3A_26 = arith.constant 0 : i32
    %dma_start3A_27 = tpu.memref_slice %arg3[%arg0, %arg1, %dma_start3A, %dma_start3A_25, %dma_start3A_26] : memref<2x16x80x2x128xi32, #tpu.memory_space<hbm>> -> memref<1x1x1x2x128xi32, #tpu.memory_space<hbm>>
    %dma_start3A_28 = tpu.memref_squeeze %dma_start3A_27 : memref<1x1x1x2x128xi32, #tpu.memory_space<hbm>> -> memref<2x128xi32, #tpu.memory_space<hbm>>
    tpu.enqueue_dma source(%dma_start3A_28 : memref<2x128xi32, #tpu.memory_space<hbm>>) target(%dma_start3A_24 : memref<2x128xi32, #tpu.memory_space<vmem>>) target_semaphore(%arg10 : memref<!tpu.dma_semaphore, #tpu.memory_space<semaphore_mem>>)
    %dma_start3A_29 = arith.constant 1 : i32
    %dma_start3A_30 = arith.constant 1 : i32
    %dma_start3A_31 = arith.constant 0 : i32
    %dma_start3A_32 = arith.constant 0 : i32
    %dma_start3A_33 = tpu.memref_slice %arg5[%dma_start3A_30, %dma_start3A_31, %dma_start3A_32] : memref<4x2x128xi32, #tpu.memory_space<vmem>> -> memref<1x2x128xi32, #tpu.memory_space<vmem>>
    %dma_start3A_34 = tpu.memref_squeeze %dma_start3A_33 : memref<1x2x128xi32, #tpu.memory_space<vmem>> -> memref<2x128xi32, #tpu.memory_space<vmem>>
    %dma_start3A_35 = arith.constant 0 : i32
    %dma_start3A_36 = arith.constant 0 : i32
    %dma_start3A_37 = tpu.memref_slice %arg3[%arg0, %arg1, %dma_start3A_29, %dma_start3A_35, %dma_start3A_36] : memref<2x16x80x2x128xi32, #tpu.memory_space<hbm>> -> memref<1x1x1x2x128xi32, #tpu.memory_space<hbm>>
    %dma_start3A_38 = tpu.memref_squeeze %dma_start3A_37 : memref<1x1x1x2x128xi32, #tpu.memory_space<hbm>> -> memref<2x128xi32, #tpu.memory_space<hbm>>
    %dma_start3A_39 = arith.constant 0 : i32
    %dma_start3A_40 = arith.constant 0 : i32
    %dma_start3A_41 = tpu.memref_slice %arg5[%dma_start3A_30, %dma_start3A_39, %dma_start3A_40] : memref<4x2x128xi32, #tpu.memory_space<vmem>> -> memref<1x2x128xi32, #tpu.memory_space<vmem>>
    %dma_start3A_42 = tpu.memref_squeeze %dma_start3A_41 : memref<1x2x128xi32, #tpu.memory_space<vmem>> -> memref<2x128xi32, #tpu.memory_space<vmem>>
    %dma_start3A_43 = arith.constant 0 : i32
    %dma_start3A_44 = arith.constant 0 : i32
    %dma_start3A_45 = tpu.memref_slice %arg3[%arg0, %arg1, %dma_start3A_29, %dma_start3A_43, %dma_start3A_44] : memref<2x16x80x2x128xi32, #tpu.memory_space<hbm>> -> memref<1x1x1x2x128xi32, #tpu.memory_space<hbm>>
    %dma_start3A_46 = tpu.memref_squeeze %dma_start3A_45 : memref<1x1x1x2x128xi32, #tpu.memory_space<hbm>> -> memref<2x128xi32, #tpu.memory_space<hbm>>
    tpu.enqueue_dma source(%dma_start3A_46 : memref<2x128xi32, #tpu.memory_space<hbm>>) target(%dma_start3A_42 : memref<2x128xi32, #tpu.memory_space<vmem>>) target_semaphore(%arg11 : memref<!tpu.dma_semaphore, #tpu.memory_space<semaphore_mem>>)
    %dma_start3A_47 = arith.constant 2 : i32
    %dma_start3A_48 = arith.constant 2 : i32
    %dma_start3A_49 = arith.constant 0 : i32
    %dma_start3A_50 = arith.constant 0 : i32
    %dma_start3A_51 = tpu.memref_slice %arg5[%dma_start3A_48, %dma_start3A_49, %dma_start3A_50] : memref<4x2x128xi32, #tpu.memory_space<vmem>> -> memref<1x2x128xi32, #tpu.memory_space<vmem>>
    %dma_start3A_52 = tpu.memref_squeeze %dma_start3A_51 : memref<1x2x128xi32, #tpu.memory_space<vmem>> -> memref<2x128xi32, #tpu.memory_space<vmem>>
    %dma_start3A_53 = arith.constant 0 : i32
    %dma_start3A_54 = arith.constant 0 : i32
    %dma_start3A_55 = tpu.memref_slice %arg3[%arg0, %arg1, %dma_start3A_47, %dma_start3A_53, %dma_start3A_54] : memref<2x16x80x2x128xi32, #tpu.memory_space<hbm>> -> memref<1x1x1x2x128xi32, #tpu.memory_space<hbm>>
    %dma_start3A_56 = tpu.memref_squeeze %dma_start3A_55 : memref<1x1x1x2x128xi32, #tpu.memory_space<hbm>> -> memref<2x128xi32, #tpu.memory_space<hbm>>
    %dma_start3A_57 = arith.constant 0 : i32
    %dma_start3A_58 = arith.constant 0 : i32
    %dma_start3A_59 = tpu.memref_slice %arg5[%dma_start3A_48, %dma_start3A_57, %dma_start3A_58] : memref<4x2x128xi32, #tpu.memory_space<vmem>> -> memref<1x2x128xi32, #tpu.memory_space<vmem>>
    %dma_start3A_60 = tpu.memref_squeeze %dma_start3A_59 : memref<1x2x128xi32, #tpu.memory_space<vmem>> -> memref<2x128xi32, #tpu.memory_space<vmem>>
    %dma_start3A_61 = arith.constant 0 : i32
    %dma_start3A_62 = arith.constant 0 : i32
    %dma_start3A_63 = tpu.memref_slice %arg3[%arg0, %arg1, %dma_start3A_47, %dma_start3A_61, %dma_start3A_62] : memref<2x16x80x2x128xi32, #tpu.memory_space<hbm>> -> memref<1x1x1x2x128xi32, #tpu.memory_space<hbm>>
    %dma_start3A_64 = tpu.memref_squeeze %dma_start3A_63 : memref<1x1x1x2x128xi32, #tpu.memory_space<hbm>> -> memref<2x128xi32, #tpu.memory_space<hbm>>
    tpu.enqueue_dma source(%dma_start3A_64 : memref<2x128xi32, #tpu.memory_space<hbm>>) target(%dma_start3A_60 : memref<2x128xi32, #tpu.memory_space<vmem>>) target_semaphore(%arg12 : memref<!tpu.dma_semaphore, #tpu.memory_space<semaphore_mem>>)
    %dma_start3A_65 = arith.constant 3 : i32
    %dma_start3A_66 = arith.constant 3 : i32
    %dma_start3A_67 = arith.constant 0 : i32
    %dma_start3A_68 = arith.constant 0 : i32
    %dma_start3A_69 = tpu.memref_slice %arg5[%dma_start3A_66, %dma_start3A_67, %dma_start3A_68] : memref<4x2x128xi32, #tpu.memory_space<vmem>> -> memref<1x2x128xi32, #tpu.memory_space<vmem>>
    %dma_start3A_70 = tpu.memref_squeeze %dma_start3A_69 : memref<1x2x128xi32, #tpu.memory_space<vmem>> -> memref<2x128xi32, #tpu.memory_space<vmem>>
    %dma_start3A_71 = arith.constant 0 : i32
    %dma_start3A_72 = arith.constant 0 : i32
    %dma_start3A_73 = tpu.memref_slice %arg3[%arg0, %arg1, %dma_start3A_65, %dma_start3A_71, %dma_start3A_72] : memref<2x16x80x2x128xi32, #tpu.memory_space<hbm>> -> memref<1x1x1x2x128xi32, #tpu.memory_space<hbm>>
    %dma_start3A_74 = tpu.memref_squeeze %dma_start3A_73 : memref<1x1x1x2x128xi32, #tpu.memory_space<hbm>> -> memref<2x128xi32, #tpu.memory_space<hbm>>
    %dma_start3A_75 = arith.constant 0 : i32
    %dma_start3A_76 = arith.constant 0 : i32
    %dma_start3A_77 = tpu.memref_slice %arg5[%dma_start3A_66, %dma_start3A_75, %dma_start3A_76] : memref<4x2x128xi32, #tpu.memory_space<vmem>> -> memref<1x2x128xi32, #tpu.memory_space<vmem>>
    %dma_start3A_78 = tpu.memref_squeeze %dma_start3A_77 : memref<1x2x128xi32, #tpu.memory_space<vmem>> -> memref<2x128xi32, #tpu.memory_space<vmem>>
    %dma_start3A_79 = arith.constant 0 : i32
    %dma_start3A_80 = arith.constant 0 : i32
    %dma_start3A_81 = tpu.memref_slice %arg3[%arg0, %arg1, %dma_start3A_65, %dma_start3A_79, %dma_start3A_80] : memref<2x16x80x2x128xi32, #tpu.memory_space<hbm>> -> memref<1x1x1x2x128xi32, #tpu.memory_space<hbm>>
    %dma_start3A_82 = tpu.memref_squeeze %dma_start3A_81 : memref<1x1x1x2x128xi32, #tpu.memory_space<hbm>> -> memref<2x128xi32, #tpu.memory_space<hbm>>
    tpu.enqueue_dma source(%dma_start3A_82 : memref<2x128xi32, #tpu.memory_space<hbm>>) target(%dma_start3A_78 : memref<2x128xi32, #tpu.memory_space<vmem>>) target_semaphore(%arg13 : memref<!tpu.dma_semaphore, #tpu.memory_space<semaphore_mem>>)
    %dma_wait3A = arith.constant 0 : i32
    %dma_wait3A_83 = arith.constant 0 : i32
    %dma_wait3A_84 = arith.constant 0 : i32
    %dma_wait3A_85 = arith.constant 0 : i32
    %dma_wait3A_86 = tpu.memref_slice %arg5[%dma_wait3A_83, %dma_wait3A_84, %dma_wait3A_85] : memref<4x2x128xi32, #tpu.memory_space<vmem>> -> memref<1x2x128xi32, #tpu.memory_space<vmem>>
    %dma_wait3A_87 = tpu.memref_squeeze %dma_wait3A_86 : memref<1x2x128xi32, #tpu.memory_space<vmem>> -> memref<2x128xi32, #tpu.memory_space<vmem>>
    %dma_wait3A_88 = arith.constant 0 : i32
    %dma_wait3A_89 = arith.constant 0 : i32
    %dma_wait3A_90 = tpu.memref_slice %arg3[%arg0, %arg1, %dma_wait3A, %dma_wait3A_88, %dma_wait3A_89] : memref<2x16x80x2x128xi32, #tpu.memory_space<hbm>> -> memref<1x1x1x2x128xi32, #tpu.memory_space<hbm>>
    %dma_wait3A_91 = tpu.memref_squeeze %dma_wait3A_90 : memref<1x1x1x2x128xi32, #tpu.memory_space<hbm>> -> memref<2x128xi32, #tpu.memory_space<hbm>>
    %dma_wait3A_92 = arith.constant 0 : i32
    %dma_wait3A_93 = arith.constant 0 : i32
    %dma_wait3A_94 = tpu.memref_slice %arg5[%dma_wait3A_83, %dma_wait3A_92, %dma_wait3A_93] : memref<4x2x128xi32, #tpu.memory_space<vmem>> -> memref<1x2x128xi32, #tpu.memory_space<vmem>>
    %dma_wait3A_95 = tpu.memref_squeeze %dma_wait3A_94 : memref<1x2x128xi32, #tpu.memory_space<vmem>> -> memref<2x128xi32, #tpu.memory_space<vmem>>
    %dma_wait3A_96 = arith.constant 0 : i32
    %dma_wait3A_97 = arith.constant 0 : i32
    %dma_wait3A_98 = tpu.memref_slice %arg3[%arg0, %arg1, %dma_wait3A, %dma_wait3A_96, %dma_wait3A_97] : memref<2x16x80x2x128xi32, #tpu.memory_space<hbm>> -> memref<1x1x1x2x128xi32, #tpu.memory_space<hbm>>
    %dma_wait3A_99 = tpu.memref_squeeze %dma_wait3A_98 : memref<1x1x1x2x128xi32, #tpu.memory_space<hbm>> -> memref<2x128xi32, #tpu.memory_space<hbm>>
    tpu.wait_dma2 semaphore(%arg10 : memref<!tpu.dma_semaphore, #tpu.memory_space<semaphore_mem>>) src(%dma_wait3A_99 : memref<2x128xi32, #tpu.memory_space<hbm>>) dst(%dma_wait3A_95 : memref<2x128xi32, #tpu.memory_space<vmem>>)
    %dma_start3A_100 = arith.constant 0 : i32
    %dma_start3A_101 = arith.constant 0 : i32
    %dma_start3A_102 = arith.constant 0 : i32
    %dma_start3A_103 = arith.constant 0 : i32
    %dma_start3A_104 = arith.constant 0 : i32
    %dma_start3A_105 = tpu.memref_slice %arg6[%dma_start3A_102, %dma_start3A_103, %dma_start3A_104] : memref<2x128x128xf32, #tpu.memory_space<vmem>> -> memref<1x128x128xf32, #tpu.memory_space<vmem>>
    %dma_start3A_106 = tpu.memref_squeeze %dma_start3A_105 : memref<1x128x128xf32, #tpu.memory_space<vmem>> -> memref<128x128xf32, #tpu.memory_space<vmem>>
    %dma_start3A_107 = arith.constant 0 : i32
    %dma_start3A_108 = tpu.memref_slice %arg5[%dma_start3A_100, %dma_start3A_101, %dma_start3A_107] : memref<4x2x128xi32, #tpu.memory_space<vmem>> -> memref<1x1x128xi32, #tpu.memory_space<vmem>>
    %dma_start3A_109 = tpu.memref_squeeze %dma_start3A_108 : memref<1x1x128xi32, #tpu.memory_space<vmem>> -> memref<128xi32, #tpu.memory_space<vmem>>
    %dma_start3A_110 = arith.constant 0 : i32
    %dma_start3A_111 = arith.constant 0 : i32
    %dma_start3A_112 = tpu.memref_slice %arg2[%dma_start3A_110, %dma_start3A_111] : memref<10000x128xf32, #tpu.memory_space<hbm>> -> memref<10000x128xf32, #tpu.memory_space<hbm>>
    tpu.enqueue_indirect_dma source(%dma_start3A_112 : memref<10000x128xf32, #tpu.memory_space<hbm>>) target(%dma_start3A_106 : memref<128x128xf32, #tpu.memory_space<vmem>>) offsets(%dma_start3A_109 : memref<128xi32, #tpu.memory_space<vmem>>) semaphore(%arg8 : memref<!tpu.dma_semaphore, #tpu.memory_space<semaphore_mem>>)
    %dma_wait3A_113 = arith.constant 0 : i32
    %dma_wait3A_114 = arith.constant 1 : i32
    %dma_wait3A_115 = arith.constant 0 : i32
    %dma_wait3A_116 = arith.constant 0 : i32
    %dma_wait3A_117 = tpu.memref_slice %arg5[%dma_wait3A_114, %dma_wait3A_115, %dma_wait3A_116] : memref<4x2x128xi32, #tpu.memory_space<vmem>> -> memref<1x2x128xi32, #tpu.memory_space<vmem>>
    %dma_wait3A_118 = tpu.memref_squeeze %dma_wait3A_117 : memref<1x2x128xi32, #tpu.memory_space<vmem>> -> memref<2x128xi32, #tpu.memory_space<vmem>>
    %dma_wait3A_119 = arith.constant 0 : i32
    %dma_wait3A_120 = arith.constant 0 : i32
    %dma_wait3A_121 = tpu.memref_slice %arg3[%arg0, %arg1, %dma_wait3A_113, %dma_wait3A_119, %dma_wait3A_120] : memref<2x16x80x2x128xi32, #tpu.memory_space<hbm>> -> memref<1x1x1x2x128xi32, #tpu.memory_space<hbm>>
    %dma_wait3A_122 = tpu.memref_squeeze %dma_wait3A_121 : memref<1x1x1x2x128xi32, #tpu.memory_space<hbm>> -> memref<2x128xi32, #tpu.memory_space<hbm>>
    %dma_wait3A_123 = arith.constant 0 : i32
    %dma_wait3A_124 = arith.constant 0 : i32
    %dma_wait3A_125 = tpu.memref_slice %arg5[%dma_wait3A_114, %dma_wait3A_123, %dma_wait3A_124] : memref<4x2x128xi32, #tpu.memory_space<vmem>> -> memref<1x2x128xi32, #tpu.memory_space<vmem>>
    %dma_wait3A_126 = tpu.memref_squeeze %dma_wait3A_125 : memref<1x2x128xi32, #tpu.memory_space<vmem>> -> memref<2x128xi32, #tpu.memory_space<vmem>>
    %dma_wait3A_127 = arith.constant 0 : i32
    %dma_wait3A_128 = arith.constant 0 : i32
    %dma_wait3A_129 = tpu.memref_slice %arg3[%arg0, %arg1, %dma_wait3A_113, %dma_wait3A_127, %dma_wait3A_128] : memref<2x16x80x2x128xi32, #tpu.memory_space<hbm>> -> memref<1x1x1x2x128xi32, #tpu.memory_space<hbm>>
    %dma_wait3A_130 = tpu.memref_squeeze %dma_wait3A_129 : memref<1x1x1x2x128xi32, #tpu.memory_space<hbm>> -> memref<2x128xi32, #tpu.memory_space<hbm>>
    tpu.wait_dma2 semaphore(%arg11 : memref<!tpu.dma_semaphore, #tpu.memory_space<semaphore_mem>>) src(%dma_wait3A_130 : memref<2x128xi32, #tpu.memory_space<hbm>>) dst(%dma_wait3A_126 : memref<2x128xi32, #tpu.memory_space<vmem>>)
    %dma_start3A_131 = arith.constant 1 : i32
    %dma_start3A_132 = arith.constant 0 : i32
    %dma_start3A_133 = arith.constant 1 : i32
    %dma_start3A_134 = arith.constant 0 : i32
    %dma_start3A_135 = arith.constant 0 : i32
    %dma_start3A_136 = tpu.memref_slice %arg6[%dma_start3A_133, %dma_start3A_134, %dma_start3A_135] : memref<2x128x128xf32, #tpu.memory_space<vmem>> -> memref<1x128x128xf32, #tpu.memory_space<vmem>>
    %dma_start3A_137 = tpu.memref_squeeze %dma_start3A_136 : memref<1x128x128xf32, #tpu.memory_space<vmem>> -> memref<128x128xf32, #tpu.memory_space<vmem>>
    %dma_start3A_138 = arith.constant 0 : i32
    %dma_start3A_139 = tpu.memref_slice %arg5[%dma_start3A_131, %dma_start3A_132, %dma_start3A_138] : memref<4x2x128xi32, #tpu.memory_space<vmem>> -> memref<1x1x128xi32, #tpu.memory_space<vmem>>
    %dma_start3A_140 = tpu.memref_squeeze %dma_start3A_139 : memref<1x1x128xi32, #tpu.memory_space<vmem>> -> memref<128xi32, #tpu.memory_space<vmem>>
    %dma_start3A_141 = arith.constant 0 : i32
    %dma_start3A_142 = arith.constant 0 : i32
    %dma_start3A_143 = tpu.memref_slice %arg2[%dma_start3A_141, %dma_start3A_142] : memref<10000x128xf32, #tpu.memory_space<hbm>> -> memref<10000x128xf32, #tpu.memory_space<hbm>>
    tpu.enqueue_indirect_dma source(%dma_start3A_143 : memref<10000x128xf32, #tpu.memory_space<hbm>>) target(%dma_start3A_137 : memref<128x128xf32, #tpu.memory_space<vmem>>) offsets(%dma_start3A_140 : memref<128xi32, #tpu.memory_space<vmem>>) semaphore(%arg9 : memref<!tpu.dma_semaphore, #tpu.memory_space<semaphore_mem>>)
    %scan3A_144 = arith.constant 0 : i32
    %scan3A_145 = arith.constant 0 : i32
    %scan3A_146 = arith.constant 20 : i32
    %scan3A_147 = arith.addi %scan3A_145, %scan3A_146 : i32
    %scan3A_148 = arith.constant 1 : i32
    scf.for %scan3A_169 = %scan3A_145 to %scan3A_147 step %scan3A_148  : i32 {
      %mul3A_170 = arith.constant 4 : i32
      %mul3A_171 = arith.muli %mul3A_170, %scan3A_169 : i32
      %add3A_172 = arith.constant 0 : i32
      %add3A_173 = arith.addi %mul3A_171, %add3A_172 : i32
      %dma_wait3A_174 = arith.constant 0 : i32
      %dma_wait3A_175 = arith.constant 0 : i32
      %dma_wait3A_176 = arith.constant 0 : i32
      %dma_wait3A_177 = arith.constant 0 : i32
      %dma_wait3A_178 = arith.constant 0 : i32
      %dma_wait3A_179 = tpu.memref_slice %arg6[%dma_wait3A_176, %dma_wait3A_177, %dma_wait3A_178] : memref<2x128x128xf32, #tpu.memory_space<vmem>> -> memref<1x128x128xf32, #tpu.memory_space<vmem>>
      %dma_wait3A_180 = tpu.memref_squeeze %dma_wait3A_179 : memref<1x128x128xf32, #tpu.memory_space<vmem>> -> memref<128x128xf32, #tpu.memory_space<vmem>>
      %dma_wait3A_181 = arith.constant 0 : i32
      %dma_wait3A_182 = tpu.memref_slice %arg5[%dma_wait3A_174, %dma_wait3A_175, %dma_wait3A_181] : memref<4x2x128xi32, #tpu.memory_space<vmem>> -> memref<1x1x128xi32, #tpu.memory_space<vmem>>
      %dma_wait3A_183 = tpu.memref_squeeze %dma_wait3A_182 : memref<1x1x128xi32, #tpu.memory_space<vmem>> -> memref<128xi32, #tpu.memory_space<vmem>>
      %dma_wait3A_184 = arith.constant 0 : i32
      %dma_wait3A_185 = arith.constant 0 : i32
      %dma_wait3A_186 = tpu.memref_slice %arg2[%dma_wait3A_184, %dma_wait3A_185] : memref<10000x128xf32, #tpu.memory_space<hbm>> -> memref<10000x128xf32, #tpu.memory_space<hbm>>
      tpu.wait_indirect_dma semaphore(%arg8 : memref<!tpu.dma_semaphore, #tpu.memory_space<semaphore_mem>>) src(%dma_wait3A_186 : memref<10000x128xf32, #tpu.memory_space<hbm>>) dst(%dma_wait3A_180 : memref<128x128xf32, #tpu.memory_space<vmem>>)
      %run_scoped3A = arith.constant 0 : i32
      %run_scoped3A_187 = arith.constant 0 : i32
      %run_scoped3A_188 = arith.constant 1 : i32
      "tpu.region"() ({
        %run_scoped3A_302 = tpu.sem_alloc : memref<!tpu.dma_semaphore, #tpu.memory_space<semaphore_mem>>
        %dma_start3A_303 = arith.constant 0 : i32
        %dma_start3A_304 = arith.constant 0 : i32
        %dma_start3A_305 = tpu.memref_slice %arg6[%run_scoped3A, %dma_start3A_303, %dma_start3A_304] : memref<2x128x128xf32, #tpu.memory_space<vmem>> -> memref<1x128x128xf32, #tpu.memory_space<vmem>>
        %dma_start3A_306 = tpu.memref_squeeze %dma_start3A_305 : memref<1x128x128xf32, #tpu.memory_space<vmem>> -> memref<128x128xf32, #tpu.memory_space<vmem>>
        %dma_start3A_307 = arith.constant 0 : i32
        %dma_start3A_308 = tpu.memref_slice %arg5[%run_scoped3A_187, %run_scoped3A_188, %dma_start3A_307] : memref<4x2x128xi32, #tpu.memory_space<vmem>> -> memref<1x1x128xi32, #tpu.memory_space<vmem>>
        %dma_start3A_309 = tpu.memref_squeeze %dma_start3A_308 : memref<1x1x128xi32, #tpu.memory_space<vmem>> -> memref<128xi32, #tpu.memory_space<vmem>>
        %dma_start3A_310 = arith.constant 0 : i32
        %dma_start3A_311 = arith.constant 0 : i32
        %dma_start3A_312 = tpu.memref_slice %arg7[%dma_start3A_310, %dma_start3A_311] : memref<10240x128xf32, #tpu.memory_space<vmem_shared>> -> memref<10240x128xf32, #tpu.memory_space<vmem_shared>>
        tpu.enqueue_indirect_dma source(%dma_start3A_306 : memref<128x128xf32, #tpu.memory_space<vmem>>) target(%dma_start3A_312 : memref<10240x128xf32, #tpu.memory_space<vmem_shared>>) offsets(%dma_start3A_309 : memref<128xi32, #tpu.memory_space<vmem>>) semaphore(%run_scoped3A_302 : memref<!tpu.dma_semaphore, #tpu.memory_space<semaphore_mem>>) {add = true}
        %dma_wait3A_313 = arith.constant 0 : i32
        %dma_wait3A_314 = arith.constant 0 : i32
        %dma_wait3A_315 = tpu.memref_slice %arg6[%run_scoped3A, %dma_wait3A_313, %dma_wait3A_314] : memref<2x128x128xf32, #tpu.memory_space<vmem>> -> memref<1x128x128xf32, #tpu.memory_space<vmem>>
        %dma_wait3A_316 = tpu.memref_squeeze %dma_wait3A_315 : memref<1x128x128xf32, #tpu.memory_space<vmem>> -> memref<128x128xf32, #tpu.memory_space<vmem>>
        %dma_wait3A_317 = arith.constant 0 : i32
        %dma_wait3A_318 = tpu.memref_slice %arg5[%run_scoped3A_187, %run_scoped3A_188, %dma_wait3A_317] : memref<4x2x128xi32, #tpu.memory_space<vmem>> -> memref<1x1x128xi32, #tpu.memory_space<vmem>>
        %dma_wait3A_319 = tpu.memref_squeeze %dma_wait3A_318 : memref<1x1x128xi32, #tpu.memory_space<vmem>> -> memref<128xi32, #tpu.memory_space<vmem>>
        %dma_wait3A_320 = arith.constant 0 : i32
        %dma_wait3A_321 = arith.constant 0 : i32
        %dma_wait3A_322 = tpu.memref_slice %arg7[%dma_wait3A_320, %dma_wait3A_321] : memref<10240x128xf32, #tpu.memory_space<vmem_shared>> -> memref<10240x128xf32, #tpu.memory_space<vmem_shared>>
        tpu.wait_indirect_dma semaphore(%run_scoped3A_302 : memref<!tpu.dma_semaphore, #tpu.memory_space<semaphore_mem>>) src(%dma_wait3A_316 : memref<128x128xf32, #tpu.memory_space<vmem>>) dst(%dma_wait3A_322 : memref<10240x128xf32, #tpu.memory_space<vmem_shared>>)
        tpu.yield
      }) : () -> ()
      %add3A_189 = arith.constant 4 : i32
      %add3A_190 = arith.addi %add3A_173, %add3A_189 : i32
      %lt3A = arith.constant 80 : i32
      %lt3A_191 = arith.cmpi slt, %add3A_190, %lt3A : i32
      %convert_element_type3A = arith.extui %lt3A_191 : i1 to i32
      %cond3A = arith.constant 0 : i32
      %cond3A_192 = arith.cmpi ne, %convert_element_type3A, %cond3A : i32
      scf.if %cond3A_192 {
        %add3A_302 = arith.constant 4 : i32
        %add3A_303 = arith.addi %add3A_173, %add3A_302 : i32
        %dma_start3A_304 = arith.constant 0 : i32
        %dma_start3A_305 = arith.constant 0 : i32
        %dma_start3A_306 = arith.constant 0 : i32
        %dma_start3A_307 = tpu.memref_slice %arg5[%dma_start3A_304, %dma_start3A_305, %dma_start3A_306] : memref<4x2x128xi32, #tpu.memory_space<vmem>> -> memref<1x2x128xi32, #tpu.memory_space<vmem>>
        %dma_start3A_308 = tpu.memref_squeeze %dma_start3A_307 : memref<1x2x128xi32, #tpu.memory_space<vmem>> -> memref<2x128xi32, #tpu.memory_space<vmem>>
        %dma_start3A_309 = arith.constant 0 : i32
        %dma_start3A_310 = arith.constant 0 : i32
        %dma_start3A_311 = tpu.memref_slice %arg3[%arg0, %arg1, %add3A_303, %dma_start3A_309, %dma_start3A_310] : memref<2x16x80x2x128xi32, #tpu.memory_space<hbm>> -> memref<1x1x1x2x128xi32, #tpu.memory_space<hbm>>
        %dma_start3A_312 = tpu.memref_squeeze %dma_start3A_311 : memref<1x1x1x2x128xi32, #tpu.memory_space<hbm>> -> memref<2x128xi32, #tpu.memory_space<hbm>>
        %dma_start3A_313 = arith.constant 0 : i32
        %dma_start3A_314 = arith.constant 0 : i32
        %dma_start3A_315 = tpu.memref_slice %arg5[%dma_start3A_304, %dma_start3A_313, %dma_start3A_314] : memref<4x2x128xi32, #tpu.memory_space<vmem>> -> memref<1x2x128xi32, #tpu.memory_space<vmem>>
        %dma_start3A_316 = tpu.memref_squeeze %dma_start3A_315 : memref<1x2x128xi32, #tpu.memory_space<vmem>> -> memref<2x128xi32, #tpu.memory_space<vmem>>
        %dma_start3A_317 = arith.constant 0 : i32
        %dma_start3A_318 = arith.constant 0 : i32
        %dma_start3A_319 = tpu.memref_slice %arg3[%arg0, %arg1, %add3A_303, %dma_start3A_317, %dma_start3A_318] : memref<2x16x80x2x128xi32, #tpu.memory_space<hbm>> -> memref<1x1x1x2x128xi32, #tpu.memory_space<hbm>>
        %dma_start3A_320 = tpu.memref_squeeze %dma_start3A_319 : memref<1x1x1x2x128xi32, #tpu.memory_space<hbm>> -> memref<2x128xi32, #tpu.memory_space<hbm>>
        tpu.enqueue_dma source(%dma_start3A_320 : memref<2x128xi32, #tpu.memory_space<hbm>>) target(%dma_start3A_316 : memref<2x128xi32, #tpu.memory_space<vmem>>) target_semaphore(%arg10 : memref<!tpu.dma_semaphore, #tpu.memory_space<semaphore_mem>>)
      } else {
      }
      %add3A_193 = arith.constant 2 : i32
      %add3A_194 = arith.addi %add3A_173, %add3A_193 : i32
      %lt3A_195 = arith.constant 80 : i32
      %lt3A_196 = arith.cmpi slt, %add3A_194, %lt3A_195 : i32
      %convert_element_type3A_197 = arith.extui %lt3A_196 : i1 to i32
      %cond3A_198 = arith.constant 0 : i32
      %cond3A_199 = arith.cmpi ne, %convert_element_type3A_197, %cond3A_198 : i32
      scf.if %cond3A_199 {
        %dma_wait3A_302 = arith.constant 0 : i32
        %dma_wait3A_303 = arith.constant 2 : i32
        %dma_wait3A_304 = arith.constant 0 : i32
        %dma_wait3A_305 = arith.constant 0 : i32
        %dma_wait3A_306 = tpu.memref_slice %arg5[%dma_wait3A_303, %dma_wait3A_304, %dma_wait3A_305] : memref<4x2x128xi32, #tpu.memory_space<vmem>> -> memref<1x2x128xi32, #tpu.memory_space<vmem>>
        %dma_wait3A_307 = tpu.memref_squeeze %dma_wait3A_306 : memref<1x2x128xi32, #tpu.memory_space<vmem>> -> memref<2x128xi32, #tpu.memory_space<vmem>>
        %dma_wait3A_308 = arith.constant 0 : i32
        %dma_wait3A_309 = arith.constant 0 : i32
        %dma_wait3A_310 = tpu.memref_slice %arg3[%arg0, %arg1, %dma_wait3A_302, %dma_wait3A_308, %dma_wait3A_309] : memref<2x16x80x2x128xi32, #tpu.memory_space<hbm>> -> memref<1x1x1x2x128xi32, #tpu.memory_space<hbm>>
        %dma_wait3A_311 = tpu.memref_squeeze %dma_wait3A_310 : memref<1x1x1x2x128xi32, #tpu.memory_space<hbm>> -> memref<2x128xi32, #tpu.memory_space<hbm>>
        %dma_wait3A_312 = arith.constant 0 : i32
        %dma_wait3A_313 = arith.constant 0 : i32
        %dma_wait3A_314 = tpu.memref_slice %arg5[%dma_wait3A_303, %dma_wait3A_312, %dma_wait3A_313] : memref<4x2x128xi32, #tpu.memory_space<vmem>> -> memref<1x2x128xi32, #tpu.memory_space<vmem>>
        %dma_wait3A_315 = tpu.memref_squeeze %dma_wait3A_314 : memref<1x2x128xi32, #tpu.memory_space<vmem>> -> memref<2x128xi32, #tpu.memory_space<vmem>>
        %dma_wait3A_316 = arith.constant 0 : i32
        %dma_wait3A_317 = arith.constant 0 : i32
        %dma_wait3A_318 = tpu.memref_slice %arg3[%arg0, %arg1, %dma_wait3A_302, %dma_wait3A_316, %dma_wait3A_317] : memref<2x16x80x2x128xi32, #tpu.memory_space<hbm>> -> memref<1x1x1x2x128xi32, #tpu.memory_space<hbm>>
        %dma_wait3A_319 = tpu.memref_squeeze %dma_wait3A_318 : memref<1x1x1x2x128xi32, #tpu.memory_space<hbm>> -> memref<2x128xi32, #tpu.memory_space<hbm>>
        tpu.wait_dma2 semaphore(%arg12 : memref<!tpu.dma_semaphore, #tpu.memory_space<semaphore_mem>>) src(%dma_wait3A_319 : memref<2x128xi32, #tpu.memory_space<hbm>>) dst(%dma_wait3A_315 : memref<2x128xi32, #tpu.memory_space<vmem>>)
        %dma_start3A_320 = arith.constant 2 : i32
        %dma_start3A_321 = arith.constant 0 : i32
        %dma_start3A_322 = arith.constant 0 : i32
        %dma_start3A_323 = arith.constant 0 : i32
        %dma_start3A_324 = arith.constant 0 : i32
        %dma_start3A_325 = tpu.memref_slice %arg6[%dma_start3A_322, %dma_start3A_323, %dma_start3A_324] : memref<2x128x128xf32, #tpu.memory_space<vmem>> -> memref<1x128x128xf32, #tpu.memory_space<vmem>>
        %dma_start3A_326 = tpu.memref_squeeze %dma_start3A_325 : memref<1x128x128xf32, #tpu.memory_space<vmem>> -> memref<128x128xf32, #tpu.memory_space<vmem>>
        %dma_start3A_327 = arith.constant 0 : i32
        %dma_start3A_328 = tpu.memref_slice %arg5[%dma_start3A_320, %dma_start3A_321, %dma_start3A_327] : memref<4x2x128xi32, #tpu.memory_space<vmem>> -> memref<1x1x128xi32, #tpu.memory_space<vmem>>
        %dma_start3A_329 = tpu.memref_squeeze %dma_start3A_328 : memref<1x1x128xi32, #tpu.memory_space<vmem>> -> memref<128xi32, #tpu.memory_space<vmem>>
        %dma_start3A_330 = arith.constant 0 : i32
        %dma_start3A_331 = arith.constant 0 : i32
        %dma_start3A_332 = tpu.memref_slice %arg2[%dma_start3A_330, %dma_start3A_331] : memref<10000x128xf32, #tpu.memory_space<hbm>> -> memref<10000x128xf32, #tpu.memory_space<hbm>>
        tpu.enqueue_indirect_dma source(%dma_start3A_332 : memref<10000x128xf32, #tpu.memory_space<hbm>>) target(%dma_start3A_326 : memref<128x128xf32, #tpu.memory_space<vmem>>) offsets(%dma_start3A_329 : memref<128xi32, #tpu.memory_space<vmem>>) semaphore(%arg8 : memref<!tpu.dma_semaphore, #tpu.memory_space<semaphore_mem>>)
      } else {
      }
      %mul3A_200 = arith.constant 4 : i32
      %mul3A_201 = arith.muli %mul3A_200, %scan3A_169 : i32
      %add3A_202 = arith.constant 1 : i32
      %add3A_203 = arith.addi %mul3A_201, %add3A_202 : i32
      %dma_wait3A_204 = arith.constant 0 : i32
      %dma_wait3A_205 = arith.constant 0 : i32
      %dma_wait3A_206 = arith.constant 1 : i32
      %dma_wait3A_207 = arith.constant 0 : i32
      %dma_wait3A_208 = arith.constant 0 : i32
      %dma_wait3A_209 = tpu.memref_slice %arg6[%dma_wait3A_206, %dma_wait3A_207, %dma_wait3A_208] : memref<2x128x128xf32, #tpu.memory_space<vmem>> -> memref<1x128x128xf32, #tpu.memory_space<vmem>>
      %dma_wait3A_210 = tpu.memref_squeeze %dma_wait3A_209 : memref<1x128x128xf32, #tpu.memory_space<vmem>> -> memref<128x128xf32, #tpu.memory_space<vmem>>
      %dma_wait3A_211 = arith.constant 0 : i32
      %dma_wait3A_212 = tpu.memref_slice %arg5[%dma_wait3A_204, %dma_wait3A_205, %dma_wait3A_211] : memref<4x2x128xi32, #tpu.memory_space<vmem>> -> memref<1x1x128xi32, #tpu.memory_space<vmem>>
      %dma_wait3A_213 = tpu.memref_squeeze %dma_wait3A_212 : memref<1x1x128xi32, #tpu.memory_space<vmem>> -> memref<128xi32, #tpu.memory_space<vmem>>
      %dma_wait3A_214 = arith.constant 0 : i32
      %dma_wait3A_215 = arith.constant 0 : i32
      %dma_wait3A_216 = tpu.memref_slice %arg2[%dma_wait3A_214, %dma_wait3A_215] : memref<10000x128xf32, #tpu.memory_space<hbm>> -> memref<10000x128xf32, #tpu.memory_space<hbm>>
      tpu.wait_indirect_dma semaphore(%arg9 : memref<!tpu.dma_semaphore, #tpu.memory_space<semaphore_mem>>) src(%dma_wait3A_216 : memref<10000x128xf32, #tpu.memory_space<hbm>>) dst(%dma_wait3A_210 : memref<128x128xf32, #tpu.memory_space<vmem>>)
      %run_scoped3A_217 = arith.constant 1 : i32
      %run_scoped3A_218 = arith.constant 1 : i32
      %run_scoped3A_219 = arith.constant 1 : i32
      "tpu.region"() ({
        %run_scoped3A_302 = tpu.sem_alloc : memref<!tpu.dma_semaphore, #tpu.memory_space<semaphore_mem>>
        %dma_start3A_303 = arith.constant 0 : i32
        %dma_start3A_304 = arith.constant 0 : i32
        %dma_start3A_305 = tpu.memref_slice %arg6[%run_scoped3A_217, %dma_start3A_303, %dma_start3A_304] : memref<2x128x128xf32, #tpu.memory_space<vmem>> -> memref<1x128x128xf32, #tpu.memory_space<vmem>>
        %dma_start3A_306 = tpu.memref_squeeze %dma_start3A_305 : memref<1x128x128xf32, #tpu.memory_space<vmem>> -> memref<128x128xf32, #tpu.memory_space<vmem>>
        %dma_start3A_307 = arith.constant 0 : i32
        %dma_start3A_308 = tpu.memref_slice %arg5[%run_scoped3A_218, %run_scoped3A_219, %dma_start3A_307] : memref<4x2x128xi32, #tpu.memory_space<vmem>> -> memref<1x1x128xi32, #tpu.memory_space<vmem>>
        %dma_start3A_309 = tpu.memref_squeeze %dma_start3A_308 : memref<1x1x128xi32, #tpu.memory_space<vmem>> -> memref<128xi32, #tpu.memory_space<vmem>>
        %dma_start3A_310 = arith.constant 0 : i32
        %dma_start3A_311 = arith.constant 0 : i32
        %dma_start3A_312 = tpu.memref_slice %arg7[%dma_start3A_310, %dma_start3A_311] : memref<10240x128xf32, #tpu.memory_space<vmem_shared>> -> memref<10240x128xf32, #tpu.memory_space<vmem_shared>>
        tpu.enqueue_indirect_dma source(%dma_start3A_306 : memref<128x128xf32, #tpu.memory_space<vmem>>) target(%dma_start3A_312 : memref<10240x128xf32, #tpu.memory_space<vmem_shared>>) offsets(%dma_start3A_309 : memref<128xi32, #tpu.memory_space<vmem>>) semaphore(%run_scoped3A_302 : memref<!tpu.dma_semaphore, #tpu.memory_space<semaphore_mem>>) {add = true}
        %dma_wait3A_313 = arith.constant 0 : i32
        %dma_wait3A_314 = arith.constant 0 : i32
        %dma_wait3A_315 = tpu.memref_slice %arg6[%run_scoped3A_217, %dma_wait3A_313, %dma_wait3A_314] : memref<2x128x128xf32, #tpu.memory_space<vmem>> -> memref<1x128x128xf32, #tpu.memory_space<vmem>>
        %dma_wait3A_316 = tpu.memref_squeeze %dma_wait3A_315 : memref<1x128x128xf32, #tpu.memory_space<vmem>> -> memref<128x128xf32, #tpu.memory_space<vmem>>
        %dma_wait3A_317 = arith.constant 0 : i32
        %dma_wait3A_318 = tpu.memref_slice %arg5[%run_scoped3A_218, %run_scoped3A_219, %dma_wait3A_317] : memref<4x2x128xi32, #tpu.memory_space<vmem>> -> memref<1x1x128xi32, #tpu.memory_space<vmem>>
        %dma_wait3A_319 = tpu.memref_squeeze %dma_wait3A_318 : memref<1x1x128xi32, #tpu.memory_space<vmem>> -> memref<128xi32, #tpu.memory_space<vmem>>
        %dma_wait3A_320 = arith.constant 0 : i32
        %dma_wait3A_321 = arith.constant 0 : i32
        %dma_wait3A_322 = tpu.memref_slice %arg7[%dma_wait3A_320, %dma_wait3A_321] : memref<10240x128xf32, #tpu.memory_space<vmem_shared>> -> memref<10240x128xf32, #tpu.memory_space<vmem_shared>>
        tpu.wait_indirect_dma semaphore(%run_scoped3A_302 : memref<!tpu.dma_semaphore, #tpu.memory_space<semaphore_mem>>) src(%dma_wait3A_316 : memref<128x128xf32, #tpu.memory_space<vmem>>) dst(%dma_wait3A_322 : memref<10240x128xf32, #tpu.memory_space<vmem_shared>>)
        tpu.yield
      }) : () -> ()
      %add3A_220 = arith.constant 4 : i32
      %add3A_221 = arith.addi %add3A_203, %add3A_220 : i32
      %lt3A_222 = arith.constant 80 : i32
      %lt3A_223 = arith.cmpi slt, %add3A_221, %lt3A_222 : i32
      %convert_element_type3A_224 = arith.extui %lt3A_223 : i1 to i32
      %cond3A_225 = arith.constant 0 : i32
      %cond3A_226 = arith.cmpi ne, %convert_element_type3A_224, %cond3A_225 : i32
      scf.if %cond3A_226 {
        %add3A_302 = arith.constant 4 : i32
        %add3A_303 = arith.addi %add3A_203, %add3A_302 : i32
        %dma_start3A_304 = arith.constant 1 : i32
        %dma_start3A_305 = arith.constant 0 : i32
        %dma_start3A_306 = arith.constant 0 : i32
        %dma_start3A_307 = tpu.memref_slice %arg5[%dma_start3A_304, %dma_start3A_305, %dma_start3A_306] : memref<4x2x128xi32, #tpu.memory_space<vmem>> -> memref<1x2x128xi32, #tpu.memory_space<vmem>>
        %dma_start3A_308 = tpu.memref_squeeze %dma_start3A_307 : memref<1x2x128xi32, #tpu.memory_space<vmem>> -> memref<2x128xi32, #tpu.memory_space<vmem>>
        %dma_start3A_309 = arith.constant 0 : i32
        %dma_start3A_310 = arith.constant 0 : i32
        %dma_start3A_311 = tpu.memref_slice %arg3[%arg0, %arg1, %add3A_303, %dma_start3A_309, %dma_start3A_310] : memref<2x16x80x2x128xi32, #tpu.memory_space<hbm>> -> memref<1x1x1x2x128xi32, #tpu.memory_space<hbm>>
        %dma_start3A_312 = tpu.memref_squeeze %dma_start3A_311 : memref<1x1x1x2x128xi32, #tpu.memory_space<hbm>> -> memref<2x128xi32, #tpu.memory_space<hbm>>
        %dma_start3A_313 = arith.constant 0 : i32
        %dma_start3A_314 = arith.constant 0 : i32
        %dma_start3A_315 = tpu.memref_slice %arg5[%dma_start3A_304, %dma_start3A_313, %dma_start3A_314] : memref<4x2x128xi32, #tpu.memory_space<vmem>> -> memref<1x2x128xi32, #tpu.memory_space<vmem>>
        %dma_start3A_316 = tpu.memref_squeeze %dma_start3A_315 : memref<1x2x128xi32, #tpu.memory_space<vmem>> -> memref<2x128xi32, #tpu.memory_space<vmem>>
        %dma_start3A_317 = arith.constant 0 : i32
        %dma_start3A_318 = arith.constant 0 : i32
        %dma_start3A_319 = tpu.memref_slice %arg3[%arg0, %arg1, %add3A_303, %dma_start3A_317, %dma_start3A_318] : memref<2x16x80x2x128xi32, #tpu.memory_space<hbm>> -> memref<1x1x1x2x128xi32, #tpu.memory_space<hbm>>
        %dma_start3A_320 = tpu.memref_squeeze %dma_start3A_319 : memref<1x1x1x2x128xi32, #tpu.memory_space<hbm>> -> memref<2x128xi32, #tpu.memory_space<hbm>>
        tpu.enqueue_dma source(%dma_start3A_320 : memref<2x128xi32, #tpu.memory_space<hbm>>) target(%dma_start3A_316 : memref<2x128xi32, #tpu.memory_space<vmem>>) target_semaphore(%arg11 : memref<!tpu.dma_semaphore, #tpu.memory_space<semaphore_mem>>)
      } else {
      }
      %add3A_227 = arith.constant 2 : i32
      %add3A_228 = arith.addi %add3A_203, %add3A_227 : i32
      %lt3A_229 = arith.constant 80 : i32
      %lt3A_230 = arith.cmpi slt, %add3A_228, %lt3A_229 : i32
      %convert_element_type3A_231 = arith.extui %lt3A_230 : i1 to i32
      %cond3A_232 = arith.constant 0 : i32
      %cond3A_233 = arith.cmpi ne, %convert_element_type3A_231, %cond3A_232 : i32
      scf.if %cond3A_233 {
        %dma_wait3A_302 = arith.constant 0 : i32
        %dma_wait3A_303 = arith.constant 3 : i32
        %dma_wait3A_304 = arith.constant 0 : i32
        %dma_wait3A_305 = arith.constant 0 : i32
        %dma_wait3A_306 = tpu.memref_slice %arg5[%dma_wait3A_303, %dma_wait3A_304, %dma_wait3A_305] : memref<4x2x128xi32, #tpu.memory_space<vmem>> -> memref<1x2x128xi32, #tpu.memory_space<vmem>>
        %dma_wait3A_307 = tpu.memref_squeeze %dma_wait3A_306 : memref<1x2x128xi32, #tpu.memory_space<vmem>> -> memref<2x128xi32, #tpu.memory_space<vmem>>
        %dma_wait3A_308 = arith.constant 0 : i32
        %dma_wait3A_309 = arith.constant 0 : i32
        %dma_wait3A_310 = tpu.memref_slice %arg3[%arg0, %arg1, %dma_wait3A_302, %dma_wait3A_308, %dma_wait3A_309] : memref<2x16x80x2x128xi32, #tpu.memory_space<hbm>> -> memref<1x1x1x2x128xi32, #tpu.memory_space<hbm>>
        %dma_wait3A_311 = tpu.memref_squeeze %dma_wait3A_310 : memref<1x1x1x2x128xi32, #tpu.memory_space<hbm>> -> memref<2x128xi32, #tpu.memory_space<hbm>>
        %dma_wait3A_312 = arith.constant 0 : i32
        %dma_wait3A_313 = arith.constant 0 : i32
        %dma_wait3A_314 = tpu.memref_slice %arg5[%dma_wait3A_303, %dma_wait3A_312, %dma_wait3A_313] : memref<4x2x128xi32, #tpu.memory_space<vmem>> -> memref<1x2x128xi32, #tpu.memory_space<vmem>>
        %dma_wait3A_315 = tpu.memref_squeeze %dma_wait3A_314 : memref<1x2x128xi32, #tpu.memory_space<vmem>> -> memref<2x128xi32, #tpu.memory_space<vmem>>
        %dma_wait3A_316 = arith.constant 0 : i32
        %dma_wait3A_317 = arith.constant 0 : i32
        %dma_wait3A_318 = tpu.memref_slice %arg3[%arg0, %arg1, %dma_wait3A_302, %dma_wait3A_316, %dma_wait3A_317] : memref<2x16x80x2x128xi32, #tpu.memory_space<hbm>> -> memref<1x1x1x2x128xi32, #tpu.memory_space<hbm>>
        %dma_wait3A_319 = tpu.memref_squeeze %dma_wait3A_318 : memref<1x1x1x2x128xi32, #tpu.memory_space<hbm>> -> memref<2x128xi32, #tpu.memory_space<hbm>>
        tpu.wait_dma2 semaphore(%arg13 : memref<!tpu.dma_semaphore, #tpu.memory_space<semaphore_mem>>) src(%dma_wait3A_319 : memref<2x128xi32, #tpu.memory_space<hbm>>) dst(%dma_wait3A_315 : memref<2x128xi32, #tpu.memory_space<vmem>>)
        %dma_start3A_320 = arith.constant 3 : i32
        %dma_start3A_321 = arith.constant 0 : i32
        %dma_start3A_322 = arith.constant 1 : i32
        %dma_start3A_323 = arith.constant 0 : i32
        %dma_start3A_324 = arith.constant 0 : i32
        %dma_start3A_325 = tpu.memref_slice %arg6[%dma_start3A_322, %dma_start3A_323, %dma_start3A_324] : memref<2x128x128xf32, #tpu.memory_space<vmem>> -> memref<1x128x128xf32, #tpu.memory_space<vmem>>
        %dma_start3A_326 = tpu.memref_squeeze %dma_start3A_325 : memref<1x128x128xf32, #tpu.memory_space<vmem>> -> memref<128x128xf32, #tpu.memory_space<vmem>>
        %dma_start3A_327 = arith.constant 0 : i32
        %dma_start3A_328 = tpu.memref_slice %arg5[%dma_start3A_320, %dma_start3A_321, %dma_start3A_327] : memref<4x2x128xi32, #tpu.memory_space<vmem>> -> memref<1x1x128xi32, #tpu.memory_space<vmem>>
        %dma_start3A_329 = tpu.memref_squeeze %dma_start3A_328 : memref<1x1x128xi32, #tpu.memory_space<vmem>> -> memref<128xi32, #tpu.memory_space<vmem>>
        %dma_start3A_330 = arith.constant 0 : i32
        %dma_start3A_331 = arith.constant 0 : i32
        %dma_start3A_332 = tpu.memref_slice %arg2[%dma_start3A_330, %dma_start3A_331] : memref<10000x128xf32, #tpu.memory_space<hbm>> -> memref<10000x128xf32, #tpu.memory_space<hbm>>
        tpu.enqueue_indirect_dma source(%dma_start3A_332 : memref<10000x128xf32, #tpu.memory_space<hbm>>) target(%dma_start3A_326 : memref<128x128xf32, #tpu.memory_space<vmem>>) offsets(%dma_start3A_329 : memref<128xi32, #tpu.memory_space<vmem>>) semaphore(%arg9 : memref<!tpu.dma_semaphore, #tpu.memory_space<semaphore_mem>>)
      } else {
      }
      %mul3A_234 = arith.constant 4 : i32
      %mul3A_235 = arith.muli %mul3A_234, %scan3A_169 : i32
      %add3A_236 = arith.constant 2 : i32
      %add3A_237 = arith.addi %mul3A_235, %add3A_236 : i32
      %dma_wait3A_238 = arith.constant 0 : i32
      %dma_wait3A_239 = arith.constant 0 : i32
      %dma_wait3A_240 = arith.constant 0 : i32
      %dma_wait3A_241 = arith.constant 0 : i32
      %dma_wait3A_242 = arith.constant 0 : i32
      %dma_wait3A_243 = tpu.memref_slice %arg6[%dma_wait3A_240, %dma_wait3A_241, %dma_wait3A_242] : memref<2x128x128xf32, #tpu.memory_space<vmem>> -> memref<1x128x128xf32, #tpu.memory_space<vmem>>
      %dma_wait3A_244 = tpu.memref_squeeze %dma_wait3A_243 : memref<1x128x128xf32, #tpu.memory_space<vmem>> -> memref<128x128xf32, #tpu.memory_space<vmem>>
      %dma_wait3A_245 = arith.constant 0 : i32
      %dma_wait3A_246 = tpu.memref_slice %arg5[%dma_wait3A_238, %dma_wait3A_239, %dma_wait3A_245] : memref<4x2x128xi32, #tpu.memory_space<vmem>> -> memref<1x1x128xi32, #tpu.memory_space<vmem>>
      %dma_wait3A_247 = tpu.memref_squeeze %dma_wait3A_246 : memref<1x1x128xi32, #tpu.memory_space<vmem>> -> memref<128xi32, #tpu.memory_space<vmem>>
      %dma_wait3A_248 = arith.constant 0 : i32
      %dma_wait3A_249 = arith.constant 0 : i32
      %dma_wait3A_250 = tpu.memref_slice %arg2[%dma_wait3A_248, %dma_wait3A_249] : memref<10000x128xf32, #tpu.memory_space<hbm>> -> memref<10000x128xf32, #tpu.memory_space<hbm>>
      tpu.wait_indirect_dma semaphore(%arg8 : memref<!tpu.dma_semaphore, #tpu.memory_space<semaphore_mem>>) src(%dma_wait3A_250 : memref<10000x128xf32, #tpu.memory_space<hbm>>) dst(%dma_wait3A_244 : memref<128x128xf32, #tpu.memory_space<vmem>>)
      %run_scoped3A_251 = arith.constant 0 : i32
      %run_scoped3A_252 = arith.constant 2 : i32
      %run_scoped3A_253 = arith.constant 1 : i32
      "tpu.region"() ({
        %run_scoped3A_302 = tpu.sem_alloc : memref<!tpu.dma_semaphore, #tpu.memory_space<semaphore_mem>>
        %dma_start3A_303 = arith.constant 0 : i32
        %dma_start3A_304 = arith.constant 0 : i32
        %dma_start3A_305 = tpu.memref_slice %arg6[%run_scoped3A_251, %dma_start3A_303, %dma_start3A_304] : memref<2x128x128xf32, #tpu.memory_space<vmem>> -> memref<1x128x128xf32, #tpu.memory_space<vmem>>
        %dma_start3A_306 = tpu.memref_squeeze %dma_start3A_305 : memref<1x128x128xf32, #tpu.memory_space<vmem>> -> memref<128x128xf32, #tpu.memory_space<vmem>>
        %dma_start3A_307 = arith.constant 0 : i32
        %dma_start3A_308 = tpu.memref_slice %arg5[%run_scoped3A_252, %run_scoped3A_253, %dma_start3A_307] : memref<4x2x128xi32, #tpu.memory_space<vmem>> -> memref<1x1x128xi32, #tpu.memory_space<vmem>>
        %dma_start3A_309 = tpu.memref_squeeze %dma_start3A_308 : memref<1x1x128xi32, #tpu.memory_space<vmem>> -> memref<128xi32, #tpu.memory_space<vmem>>
        %dma_start3A_310 = arith.constant 0 : i32
        %dma_start3A_311 = arith.constant 0 : i32
        %dma_start3A_312 = tpu.memref_slice %arg7[%dma_start3A_310, %dma_start3A_311] : memref<10240x128xf32, #tpu.memory_space<vmem_shared>> -> memref<10240x128xf32, #tpu.memory_space<vmem_shared>>
        tpu.enqueue_indirect_dma source(%dma_start3A_306 : memref<128x128xf32, #tpu.memory_space<vmem>>) target(%dma_start3A_312 : memref<10240x128xf32, #tpu.memory_space<vmem_shared>>) offsets(%dma_start3A_309 : memref<128xi32, #tpu.memory_space<vmem>>) semaphore(%run_scoped3A_302 : memref<!tpu.dma_semaphore, #tpu.memory_space<semaphore_mem>>) {add = true}
        %dma_wait3A_313 = arith.constant 0 : i32
        %dma_wait3A_314 = arith.constant 0 : i32
        %dma_wait3A_315 = tpu.memref_slice %arg6[%run_scoped3A_251, %dma_wait3A_313, %dma_wait3A_314] : memref<2x128x128xf32, #tpu.memory_space<vmem>> -> memref<1x128x128xf32, #tpu.memory_space<vmem>>
        %dma_wait3A_316 = tpu.memref_squeeze %dma_wait3A_315 : memref<1x128x128xf32, #tpu.memory_space<vmem>> -> memref<128x128xf32, #tpu.memory_space<vmem>>
        %dma_wait3A_317 = arith.constant 0 : i32
        %dma_wait3A_318 = tpu.memref_slice %arg5[%run_scoped3A_252, %run_scoped3A_253, %dma_wait3A_317] : memref<4x2x128xi32, #tpu.memory_space<vmem>> -> memref<1x1x128xi32, #tpu.memory_space<vmem>>
        %dma_wait3A_319 = tpu.memref_squeeze %dma_wait3A_318 : memref<1x1x128xi32, #tpu.memory_space<vmem>> -> memref<128xi32, #tpu.memory_space<vmem>>
        %dma_wait3A_320 = arith.constant 0 : i32
        %dma_wait3A_321 = arith.constant 0 : i32
        %dma_wait3A_322 = tpu.memref_slice %arg7[%dma_wait3A_320, %dma_wait3A_321] : memref<10240x128xf32, #tpu.memory_space<vmem_shared>> -> memref<10240x128xf32, #tpu.memory_space<vmem_shared>>
        tpu.wait_indirect_dma semaphore(%run_scoped3A_302 : memref<!tpu.dma_semaphore, #tpu.memory_space<semaphore_mem>>) src(%dma_wait3A_316 : memref<128x128xf32, #tpu.memory_space<vmem>>) dst(%dma_wait3A_322 : memref<10240x128xf32, #tpu.memory_space<vmem_shared>>)
        tpu.yield
      }) : () -> ()
      %add3A_254 = arith.constant 4 : i32
      %add3A_255 = arith.addi %add3A_237, %add3A_254 : i32
      %lt3A_256 = arith.constant 80 : i32
      %lt3A_257 = arith.cmpi slt, %add3A_255, %lt3A_256 : i32
      %convert_element_type3A_258 = arith.extui %lt3A_257 : i1 to i32
      %cond3A_259 = arith.constant 0 : i32
      %cond3A_260 = arith.cmpi ne, %convert_element_type3A_258, %cond3A_259 : i32
      scf.if %cond3A_260 {
        %add3A_302 = arith.constant 4 : i32
        %add3A_303 = arith.addi %add3A_237, %add3A_302 : i32
        %dma_start3A_304 = arith.constant 2 : i32
        %dma_start3A_305 = arith.constant 0 : i32
        %dma_start3A_306 = arith.constant 0 : i32
        %dma_start3A_307 = tpu.memref_slice %arg5[%dma_start3A_304, %dma_start3A_305, %dma_start3A_306] : memref<4x2x128xi32, #tpu.memory_space<vmem>> -> memref<1x2x128xi32, #tpu.memory_space<vmem>>
        %dma_start3A_308 = tpu.memref_squeeze %dma_start3A_307 : memref<1x2x128xi32, #tpu.memory_space<vmem>> -> memref<2x128xi32, #tpu.memory_space<vmem>>
        %dma_start3A_309 = arith.constant 0 : i32
        %dma_start3A_310 = arith.constant 0 : i32
        %dma_start3A_311 = tpu.memref_slice %arg3[%arg0, %arg1, %add3A_303, %dma_start3A_309, %dma_start3A_310] : memref<2x16x80x2x128xi32, #tpu.memory_space<hbm>> -> memref<1x1x1x2x128xi32, #tpu.memory_space<hbm>>
        %dma_start3A_312 = tpu.memref_squeeze %dma_start3A_311 : memref<1x1x1x2x128xi32, #tpu.memory_space<hbm>> -> memref<2x128xi32, #tpu.memory_space<hbm>>
        %dma_start3A_313 = arith.constant 0 : i32
        %dma_start3A_314 = arith.constant 0 : i32
        %dma_start3A_315 = tpu.memref_slice %arg5[%dma_start3A_304, %dma_start3A_313, %dma_start3A_314] : memref<4x2x128xi32, #tpu.memory_space<vmem>> -> memref<1x2x128xi32, #tpu.memory_space<vmem>>
        %dma_start3A_316 = tpu.memref_squeeze %dma_start3A_315 : memref<1x2x128xi32, #tpu.memory_space<vmem>> -> memref<2x128xi32, #tpu.memory_space<vmem>>
        %dma_start3A_317 = arith.constant 0 : i32
        %dma_start3A_318 = arith.constant 0 : i32
        %dma_start3A_319 = tpu.memref_slice %arg3[%arg0, %arg1, %add3A_303, %dma_start3A_317, %dma_start3A_318] : memref<2x16x80x2x128xi32, #tpu.memory_space<hbm>> -> memref<1x1x1x2x128xi32, #tpu.memory_space<hbm>>
        %dma_start3A_320 = tpu.memref_squeeze %dma_start3A_319 : memref<1x1x1x2x128xi32, #tpu.memory_space<hbm>> -> memref<2x128xi32, #tpu.memory_space<hbm>>
        tpu.enqueue_dma source(%dma_start3A_320 : memref<2x128xi32, #tpu.memory_space<hbm>>) target(%dma_start3A_316 : memref<2x128xi32, #tpu.memory_space<vmem>>) target_semaphore(%arg12 : memref<!tpu.dma_semaphore, #tpu.memory_space<semaphore_mem>>)
      } else {
      }
      %add3A_261 = arith.constant 2 : i32
      %add3A_262 = arith.addi %add3A_237, %add3A_261 : i32
      %lt3A_263 = arith.constant 80 : i32
      %lt3A_264 = arith.cmpi slt, %add3A_262, %lt3A_263 : i32
      %convert_element_type3A_265 = arith.extui %lt3A_264 : i1 to i32
      %cond3A_266 = arith.constant 0 : i32
      %cond3A_267 = arith.cmpi ne, %convert_element_type3A_265, %cond3A_266 : i32
      scf.if %cond3A_267 {
        %dma_wait3A_302 = arith.constant 0 : i32
        %dma_wait3A_303 = arith.constant 0 : i32
        %dma_wait3A_304 = arith.constant 0 : i32
        %dma_wait3A_305 = arith.constant 0 : i32
        %dma_wait3A_306 = tpu.memref_slice %arg5[%dma_wait3A_303, %dma_wait3A_304, %dma_wait3A_305] : memref<4x2x128xi32, #tpu.memory_space<vmem>> -> memref<1x2x128xi32, #tpu.memory_space<vmem>>
        %dma_wait3A_307 = tpu.memref_squeeze %dma_wait3A_306 : memref<1x2x128xi32, #tpu.memory_space<vmem>> -> memref<2x128xi32, #tpu.memory_space<vmem>>
        %dma_wait3A_308 = arith.constant 0 : i32
        %dma_wait3A_309 = arith.constant 0 : i32
        %dma_wait3A_310 = tpu.memref_slice %arg3[%arg0, %arg1, %dma_wait3A_302, %dma_wait3A_308, %dma_wait3A_309] : memref<2x16x80x2x128xi32, #tpu.memory_space<hbm>> -> memref<1x1x1x2x128xi32, #tpu.memory_space<hbm>>
        %dma_wait3A_311 = tpu.memref_squeeze %dma_wait3A_310 : memref<1x1x1x2x128xi32, #tpu.memory_space<hbm>> -> memref<2x128xi32, #tpu.memory_space<hbm>>
        %dma_wait3A_312 = arith.constant 0 : i32
        %dma_wait3A_313 = arith.constant 0 : i32
        %dma_wait3A_314 = tpu.memref_slice %arg5[%dma_wait3A_303, %dma_wait3A_312, %dma_wait3A_313] : memref<4x2x128xi32, #tpu.memory_space<vmem>> -> memref<1x2x128xi32, #tpu.memory_space<vmem>>
        %dma_wait3A_315 = tpu.memref_squeeze %dma_wait3A_314 : memref<1x2x128xi32, #tpu.memory_space<vmem>> -> memref<2x128xi32, #tpu.memory_space<vmem>>
        %dma_wait3A_316 = arith.constant 0 : i32
        %dma_wait3A_317 = arith.constant 0 : i32
        %dma_wait3A_318 = tpu.memref_slice %arg3[%arg0, %arg1, %dma_wait3A_302, %dma_wait3A_316, %dma_wait3A_317] : memref<2x16x80x2x128xi32, #tpu.memory_space<hbm>> -> memref<1x1x1x2x128xi32, #tpu.memory_space<hbm>>
        %dma_wait3A_319 = tpu.memref_squeeze %dma_wait3A_318 : memref<1x1x1x2x128xi32, #tpu.memory_space<hbm>> -> memref<2x128xi32, #tpu.memory_space<hbm>>
        tpu.wait_dma2 semaphore(%arg10 : memref<!tpu.dma_semaphore, #tpu.memory_space<semaphore_mem>>) src(%dma_wait3A_319 : memref<2x128xi32, #tpu.memory_space<hbm>>) dst(%dma_wait3A_315 : memref<2x128xi32, #tpu.memory_space<vmem>>)
        %dma_start3A_320 = arith.constant 0 : i32
        %dma_start3A_321 = arith.constant 0 : i32
        %dma_start3A_322 = arith.constant 0 : i32
        %dma_start3A_323 = arith.constant 0 : i32
        %dma_start3A_324 = arith.constant 0 : i32
        %dma_start3A_325 = tpu.memref_slice %arg6[%dma_start3A_322, %dma_start3A_323, %dma_start3A_324] : memref<2x128x128xf32, #tpu.memory_space<vmem>> -> memref<1x128x128xf32, #tpu.memory_space<vmem>>
        %dma_start3A_326 = tpu.memref_squeeze %dma_start3A_325 : memref<1x128x128xf32, #tpu.memory_space<vmem>> -> memref<128x128xf32, #tpu.memory_space<vmem>>
        %dma_start3A_327 = arith.constant 0 : i32
        %dma_start3A_328 = tpu.memref_slice %arg5[%dma_start3A_320, %dma_start3A_321, %dma_start3A_327] : memref<4x2x128xi32, #tpu.memory_space<vmem>> -> memref<1x1x128xi32, #tpu.memory_space<vmem>>
        %dma_start3A_329 = tpu.memref_squeeze %dma_start3A_328 : memref<1x1x128xi32, #tpu.memory_space<vmem>> -> memref<128xi32, #tpu.memory_space<vmem>>
        %dma_start3A_330 = arith.constant 0 : i32
        %dma_start3A_331 = arith.constant 0 : i32
        %dma_start3A_332 = tpu.memref_slice %arg2[%dma_start3A_330, %dma_start3A_331] : memref<10000x128xf32, #tpu.memory_space<hbm>> -> memref<10000x128xf32, #tpu.memory_space<hbm>>
        tpu.enqueue_indirect_dma source(%dma_start3A_332 : memref<10000x128xf32, #tpu.memory_space<hbm>>) target(%dma_start3A_326 : memref<128x128xf32, #tpu.memory_space<vmem>>) offsets(%dma_start3A_329 : memref<128xi32, #tpu.memory_space<vmem>>) semaphore(%arg8 : memref<!tpu.dma_semaphore, #tpu.memory_space<semaphore_mem>>)
      } else {
      }
      %mul3A_268 = arith.constant 4 : i32
      %mul3A_269 = arith.muli %mul3A_268, %scan3A_169 : i32
      %add3A_270 = arith.constant 3 : i32
      %add3A_271 = arith.addi %mul3A_269, %add3A_270 : i32
      %dma_wait3A_272 = arith.constant 0 : i32
      %dma_wait3A_273 = arith.constant 0 : i32
      %dma_wait3A_274 = arith.constant 1 : i32
      %dma_wait3A_275 = arith.constant 0 : i32
      %dma_wait3A_276 = arith.constant 0 : i32
      %dma_wait3A_277 = tpu.memref_slice %arg6[%dma_wait3A_274, %dma_wait3A_275, %dma_wait3A_276] : memref<2x128x128xf32, #tpu.memory_space<vmem>> -> memref<1x128x128xf32, #tpu.memory_space<vmem>>
      %dma_wait3A_278 = tpu.memref_squeeze %dma_wait3A_277 : memref<1x128x128xf32, #tpu.memory_space<vmem>> -> memref<128x128xf32, #tpu.memory_space<vmem>>
      %dma_wait3A_279 = arith.constant 0 : i32
      %dma_wait3A_280 = tpu.memref_slice %arg5[%dma_wait3A_272, %dma_wait3A_273, %dma_wait3A_279] : memref<4x2x128xi32, #tpu.memory_space<vmem>> -> memref<1x1x128xi32, #tpu.memory_space<vmem>>
      %dma_wait3A_281 = tpu.memref_squeeze %dma_wait3A_280 : memref<1x1x128xi32, #tpu.memory_space<vmem>> -> memref<128xi32, #tpu.memory_space<vmem>>
      %dma_wait3A_282 = arith.constant 0 : i32
      %dma_wait3A_283 = arith.constant 0 : i32
      %dma_wait3A_284 = tpu.memref_slice %arg2[%dma_wait3A_282, %dma_wait3A_283] : memref<10000x128xf32, #tpu.memory_space<hbm>> -> memref<10000x128xf32, #tpu.memory_space<hbm>>
      tpu.wait_indirect_dma semaphore(%arg9 : memref<!tpu.dma_semaphore, #tpu.memory_space<semaphore_mem>>) src(%dma_wait3A_284 : memref<10000x128xf32, #tpu.memory_space<hbm>>) dst(%dma_wait3A_278 : memref<128x128xf32, #tpu.memory_space<vmem>>)
      %run_scoped3A_285 = arith.constant 1 : i32
      %run_scoped3A_286 = arith.constant 3 : i32
      %run_scoped3A_287 = arith.constant 1 : i32
      "tpu.region"() ({
        %run_scoped3A_302 = tpu.sem_alloc : memref<!tpu.dma_semaphore, #tpu.memory_space<semaphore_mem>>
        %dma_start3A_303 = arith.constant 0 : i32
        %dma_start3A_304 = arith.constant 0 : i32
        %dma_start3A_305 = tpu.memref_slice %arg6[%run_scoped3A_285, %dma_start3A_303, %dma_start3A_304] : memref<2x128x128xf32, #tpu.memory_space<vmem>> -> memref<1x128x128xf32, #tpu.memory_space<vmem>>
        %dma_start3A_306 = tpu.memref_squeeze %dma_start3A_305 : memref<1x128x128xf32, #tpu.memory_space<vmem>> -> memref<128x128xf32, #tpu.memory_space<vmem>>
        %dma_start3A_307 = arith.constant 0 : i32
        %dma_start3A_308 = tpu.memref_slice %arg5[%run_scoped3A_286, %run_scoped3A_287, %dma_start3A_307] : memref<4x2x128xi32, #tpu.memory_space<vmem>> -> memref<1x1x128xi32, #tpu.memory_space<vmem>>
        %dma_start3A_309 = tpu.memref_squeeze %dma_start3A_308 : memref<1x1x128xi32, #tpu.memory_space<vmem>> -> memref<128xi32, #tpu.memory_space<vmem>>
        %dma_start3A_310 = arith.constant 0 : i32
        %dma_start3A_311 = arith.constant 0 : i32
        %dma_start3A_312 = tpu.memref_slice %arg7[%dma_start3A_310, %dma_start3A_311] : memref<10240x128xf32, #tpu.memory_space<vmem_shared>> -> memref<10240x128xf32, #tpu.memory_space<vmem_shared>>
        tpu.enqueue_indirect_dma source(%dma_start3A_306 : memref<128x128xf32, #tpu.memory_space<vmem>>) target(%dma_start3A_312 : memref<10240x128xf32, #tpu.memory_space<vmem_shared>>) offsets(%dma_start3A_309 : memref<128xi32, #tpu.memory_space<vmem>>) semaphore(%run_scoped3A_302 : memref<!tpu.dma_semaphore, #tpu.memory_space<semaphore_mem>>) {add = true}
        %dma_wait3A_313 = arith.constant 0 : i32
        %dma_wait3A_314 = arith.constant 0 : i32
        %dma_wait3A_315 = tpu.memref_slice %arg6[%run_scoped3A_285, %dma_wait3A_313, %dma_wait3A_314] : memref<2x128x128xf32, #tpu.memory_space<vmem>> -> memref<1x128x128xf32, #tpu.memory_space<vmem>>
        %dma_wait3A_316 = tpu.memref_squeeze %dma_wait3A_315 : memref<1x128x128xf32, #tpu.memory_space<vmem>> -> memref<128x128xf32, #tpu.memory_space<vmem>>
        %dma_wait3A_317 = arith.constant 0 : i32
        %dma_wait3A_318 = tpu.memref_slice %arg5[%run_scoped3A_286, %run_scoped3A_287, %dma_wait3A_317] : memref<4x2x128xi32, #tpu.memory_space<vmem>> -> memref<1x1x128xi32, #tpu.memory_space<vmem>>
        %dma_wait3A_319 = tpu.memref_squeeze %dma_wait3A_318 : memref<1x1x128xi32, #tpu.memory_space<vmem>> -> memref<128xi32, #tpu.memory_space<vmem>>
        %dma_wait3A_320 = arith.constant 0 : i32
        %dma_wait3A_321 = arith.constant 0 : i32
        %dma_wait3A_322 = tpu.memref_slice %arg7[%dma_wait3A_320, %dma_wait3A_321] : memref<10240x128xf32, #tpu.memory_space<vmem_shared>> -> memref<10240x128xf32, #tpu.memory_space<vmem_shared>>
        tpu.wait_indirect_dma semaphore(%run_scoped3A_302 : memref<!tpu.dma_semaphore, #tpu.memory_space<semaphore_mem>>) src(%dma_wait3A_316 : memref<128x128xf32, #tpu.memory_space<vmem>>) dst(%dma_wait3A_322 : memref<10240x128xf32, #tpu.memory_space<vmem_shared>>)
        tpu.yield
      }) : () -> ()
      %add3A_288 = arith.constant 4 : i32
      %add3A_289 = arith.addi %add3A_271, %add3A_288 : i32
      %lt3A_290 = arith.constant 80 : i32
      %lt3A_291 = arith.cmpi slt, %add3A_289, %lt3A_290 : i32
      %convert_element_type3A_292 = arith.extui %lt3A_291 : i1 to i32
      %cond3A_293 = arith.constant 0 : i32
      %cond3A_294 = arith.cmpi ne, %convert_element_type3A_292, %cond3A_293 : i32
      scf.if %cond3A_294 {
        %add3A_302 = arith.constant 4 : i32
        %add3A_303 = arith.addi %add3A_271, %add3A_302 : i32
        %dma_start3A_304 = arith.constant 3 : i32
        %dma_start3A_305 = arith.constant 0 : i32
        %dma_start3A_306 = arith.constant 0 : i32
        %dma_start3A_307 = tpu.memref_slice %arg5[%dma_start3A_304, %dma_start3A_305, %dma_start3A_306] : memref<4x2x128xi32, #tpu.memory_space<vmem>> -> memref<1x2x128xi32, #tpu.memory_space<vmem>>
        %dma_start3A_308 = tpu.memref_squeeze %dma_start3A_307 : memref<1x2x128xi32, #tpu.memory_space<vmem>> -> memref<2x128xi32, #tpu.memory_space<vmem>>
        %dma_start3A_309 = arith.constant 0 : i32
        %dma_start3A_310 = arith.constant 0 : i32
        %dma_start3A_311 = tpu.memref_slice %arg3[%arg0, %arg1, %add3A_303, %dma_start3A_309, %dma_start3A_310] : memref<2x16x80x2x128xi32, #tpu.memory_space<hbm>> -> memref<1x1x1x2x128xi32, #tpu.memory_space<hbm>>
        %dma_start3A_312 = tpu.memref_squeeze %dma_start3A_311 : memref<1x1x1x2x128xi32, #tpu.memory_space<hbm>> -> memref<2x128xi32, #tpu.memory_space<hbm>>
        %dma_start3A_313 = arith.constant 0 : i32
        %dma_start3A_314 = arith.constant 0 : i32
        %dma_start3A_315 = tpu.memref_slice %arg5[%dma_start3A_304, %dma_start3A_313, %dma_start3A_314] : memref<4x2x128xi32, #tpu.memory_space<vmem>> -> memref<1x2x128xi32, #tpu.memory_space<vmem>>
        %dma_start3A_316 = tpu.memref_squeeze %dma_start3A_315 : memref<1x2x128xi32, #tpu.memory_space<vmem>> -> memref<2x128xi32, #tpu.memory_space<vmem>>
        %dma_start3A_317 = arith.constant 0 : i32
        %dma_start3A_318 = arith.constant 0 : i32
        %dma_start3A_319 = tpu.memref_slice %arg3[%arg0, %arg1, %add3A_303, %dma_start3A_317, %dma_start3A_318] : memref<2x16x80x2x128xi32, #tpu.memory_space<hbm>> -> memref<1x1x1x2x128xi32, #tpu.memory_space<hbm>>
        %dma_start3A_320 = tpu.memref_squeeze %dma_start3A_319 : memref<1x1x1x2x128xi32, #tpu.memory_space<hbm>> -> memref<2x128xi32, #tpu.memory_space<hbm>>
        tpu.enqueue_dma source(%dma_start3A_320 : memref<2x128xi32, #tpu.memory_space<hbm>>) target(%dma_start3A_316 : memref<2x128xi32, #tpu.memory_space<vmem>>) target_semaphore(%arg13 : memref<!tpu.dma_semaphore, #tpu.memory_space<semaphore_mem>>)
      } else {
      }
      %add3A_295 = arith.constant 2 : i32
      %add3A_296 = arith.addi %add3A_271, %add3A_295 : i32
      %lt3A_297 = arith.constant 80 : i32
      %lt3A_298 = arith.cmpi slt, %add3A_296, %lt3A_297 : i32
      %convert_element_type3A_299 = arith.extui %lt3A_298 : i1 to i32
      %cond3A_300 = arith.constant 0 : i32
      %cond3A_301 = arith.cmpi ne, %convert_element_type3A_299, %cond3A_300 : i32
      scf.if %cond3A_301 {
        %dma_wait3A_302 = arith.constant 0 : i32
        %dma_wait3A_303 = arith.constant 1 : i32
        %dma_wait3A_304 = arith.constant 0 : i32
        %dma_wait3A_305 = arith.constant 0 : i32
        %dma_wait3A_306 = tpu.memref_slice %arg5[%dma_wait3A_303, %dma_wait3A_304, %dma_wait3A_305] : memref<4x2x128xi32, #tpu.memory_space<vmem>> -> memref<1x2x128xi32, #tpu.memory_space<vmem>>
        %dma_wait3A_307 = tpu.memref_squeeze %dma_wait3A_306 : memref<1x2x128xi32, #tpu.memory_space<vmem>> -> memref<2x128xi32, #tpu.memory_space<vmem>>
        %dma_wait3A_308 = arith.constant 0 : i32
        %dma_wait3A_309 = arith.constant 0 : i32
        %dma_wait3A_310 = tpu.memref_slice %arg3[%arg0, %arg1, %dma_wait3A_302, %dma_wait3A_308, %dma_wait3A_309] : memref<2x16x80x2x128xi32, #tpu.memory_space<hbm>> -> memref<1x1x1x2x128xi32, #tpu.memory_space<hbm>>
        %dma_wait3A_311 = tpu.memref_squeeze %dma_wait3A_310 : memref<1x1x1x2x128xi32, #tpu.memory_space<hbm>> -> memref<2x128xi32, #tpu.memory_space<hbm>>
        %dma_wait3A_312 = arith.constant 0 : i32
        %dma_wait3A_313 = arith.constant 0 : i32
        %dma_wait3A_314 = tpu.memref_slice %arg5[%dma_wait3A_303, %dma_wait3A_312, %dma_wait3A_313] : memref<4x2x128xi32, #tpu.memory_space<vmem>> -> memref<1x2x128xi32, #tpu.memory_space<vmem>>
        %dma_wait3A_315 = tpu.memref_squeeze %dma_wait3A_314 : memref<1x2x128xi32, #tpu.memory_space<vmem>> -> memref<2x128xi32, #tpu.memory_space<vmem>>
        %dma_wait3A_316 = arith.constant 0 : i32
        %dma_wait3A_317 = arith.constant 0 : i32
        %dma_wait3A_318 = tpu.memref_slice %arg3[%arg0, %arg1, %dma_wait3A_302, %dma_wait3A_316, %dma_wait3A_317] : memref<2x16x80x2x128xi32, #tpu.memory_space<hbm>> -> memref<1x1x1x2x128xi32, #tpu.memory_space<hbm>>
        %dma_wait3A_319 = tpu.memref_squeeze %dma_wait3A_318 : memref<1x1x1x2x128xi32, #tpu.memory_space<hbm>> -> memref<2x128xi32, #tpu.memory_space<hbm>>
        tpu.wait_dma2 semaphore(%arg11 : memref<!tpu.dma_semaphore, #tpu.memory_space<semaphore_mem>>) src(%dma_wait3A_319 : memref<2x128xi32, #tpu.memory_space<hbm>>) dst(%dma_wait3A_315 : memref<2x128xi32, #tpu.memory_space<vmem>>)
        %dma_start3A_320 = arith.constant 1 : i32
        %dma_start3A_321 = arith.constant 0 : i32
        %dma_start3A_322 = arith.constant 1 : i32
        %dma_start3A_323 = arith.constant 0 : i32
        %dma_start3A_324 = arith.constant 0 : i32
        %dma_start3A_325 = tpu.memref_slice %arg6[%dma_start3A_322, %dma_start3A_323, %dma_start3A_324] : memref<2x128x128xf32, #tpu.memory_space<vmem>> -> memref<1x128x128xf32, #tpu.memory_space<vmem>>
        %dma_start3A_326 = tpu.memref_squeeze %dma_start3A_325 : memref<1x128x128xf32, #tpu.memory_space<vmem>> -> memref<128x128xf32, #tpu.memory_space<vmem>>
        %dma_start3A_327 = arith.constant 0 : i32
        %dma_start3A_328 = tpu.memref_slice %arg5[%dma_start3A_320, %dma_start3A_321, %dma_start3A_327] : memref<4x2x128xi32, #tpu.memory_space<vmem>> -> memref<1x1x128xi32, #tpu.memory_space<vmem>>
        %dma_start3A_329 = tpu.memref_squeeze %dma_start3A_328 : memref<1x1x128xi32, #tpu.memory_space<vmem>> -> memref<128xi32, #tpu.memory_space<vmem>>
        %dma_start3A_330 = arith.constant 0 : i32
        %dma_start3A_331 = arith.constant 0 : i32
        %dma_start3A_332 = tpu.memref_slice %arg2[%dma_start3A_330, %dma_start3A_331] : memref<10000x128xf32, #tpu.memory_space<hbm>> -> memref<10000x128xf32, #tpu.memory_space<hbm>>
        tpu.enqueue_indirect_dma source(%dma_start3A_332 : memref<10000x128xf32, #tpu.memory_space<hbm>>) target(%dma_start3A_326 : memref<128x128xf32, #tpu.memory_space<vmem>>) offsets(%dma_start3A_329 : memref<128xi32, #tpu.memory_space<vmem>>) semaphore(%arg9 : memref<!tpu.dma_semaphore, #tpu.memory_space<semaphore_mem>>)
      } else {
      }
    }
    %scan3A_149 = arith.constant 20 : i32
    %barrier3A_150 = arith.constant 0 : index
    tpu.barrier barrier_id(%barrier3A_150)
    "tpu.trace_stop"() : () -> ()
    "tpu.trace_start"() <{level = 10 : i32, message = "sc_writeback"}> : () -> ()
    %mul3A = arith.constant 640 : i32
    %mul3A_151 = arith.muli %arg1, %mul3A : i32
    %add3A = arith.constant 0 : i32
    %add3A_152 = arith.addi %mul3A_151, %add3A : i32
    "tpu.region"() ({
      %run_scoped3A = tpu.sem_alloc : memref<!tpu.dma_semaphore, #tpu.memory_space<semaphore_mem>>
      %dma_start3A_169 = arith.constant 0 : i32
      %dma_start3A_170 = tpu.memref_slice %arg4[%arg0, %add3A_152, %dma_start3A_169] : memref<2x10240x128xf32, #tpu.memory_space<hbm>> -> memref<1x128x128xf32, #tpu.memory_space<hbm>>
      %dma_start3A_171 = tpu.memref_squeeze %dma_start3A_170 : memref<1x128x128xf32, #tpu.memory_space<hbm>> -> memref<128x128xf32, #tpu.memory_space<hbm>>
      %dma_start3A_172 = arith.constant 0 : i32
      %dma_start3A_173 = tpu.memref_slice %arg7[%add3A_152, %dma_start3A_172] : memref<10240x128xf32, #tpu.memory_space<vmem_shared>> -> memref<128x128xf32, #tpu.memory_space<vmem_shared>>
      tpu.enqueue_dma source(%dma_start3A_173 : memref<128x128xf32, #tpu.memory_space<vmem_shared>>) target(%dma_start3A_171 : memref<128x128xf32, #tpu.memory_space<hbm>>) target_semaphore(%run_scoped3A : memref<!tpu.dma_semaphore, #tpu.memory_space<semaphore_mem>>)
      %dma_wait3A_174 = arith.constant 0 : i32
      %dma_wait3A_175 = tpu.memref_slice %arg4[%arg0, %add3A_152, %dma_wait3A_174] : memref<2x10240x128xf32, #tpu.memory_space<hbm>> -> memref<1x128x128xf32, #tpu.memory_space<hbm>>
      %dma_wait3A_176 = tpu.memref_squeeze %dma_wait3A_175 : memref<1x128x128xf32, #tpu.memory_space<hbm>> -> memref<128x128xf32, #tpu.memory_space<hbm>>
      %dma_wait3A_177 = arith.constant 0 : i32
      %dma_wait3A_178 = tpu.memref_slice %arg7[%add3A_152, %dma_wait3A_177] : memref<10240x128xf32, #tpu.memory_space<vmem_shared>> -> memref<128x128xf32, #tpu.memory_space<vmem_shared>>
      tpu.wait_dma2 semaphore(%run_scoped3A : memref<!tpu.dma_semaphore, #tpu.memory_space<semaphore_mem>>) src(%dma_wait3A_178 : memref<128x128xf32, #tpu.memory_space<vmem_shared>>) dst(%dma_wait3A_176 : memref<128x128xf32, #tpu.memory_space<hbm>>)
      tpu.yield
    }) : () -> ()
    %mul3A_153 = arith.constant 640 : i32
    %mul3A_154 = arith.muli %arg1, %mul3A_153 : i32
    %add3A_155 = arith.constant 128 : i32
    %add3A_156 = arith.addi %mul3A_154, %add3A_155 : i32
    "tpu.region"() ({
      %run_scoped3A = tpu.sem_alloc : memref<!tpu.dma_semaphore, #tpu.memory_space<semaphore_mem>>
      %dma_start3A_169 = arith.constant 0 : i32
      %dma_start3A_170 = tpu.memref_slice %arg4[%arg0, %add3A_156, %dma_start3A_169] : memref<2x10240x128xf32, #tpu.memory_space<hbm>> -> memref<1x128x128xf32, #tpu.memory_space<hbm>>
      %dma_start3A_171 = tpu.memref_squeeze %dma_start3A_170 : memref<1x128x128xf32, #tpu.memory_space<hbm>> -> memref<128x128xf32, #tpu.memory_space<hbm>>
      %dma_start3A_172 = arith.constant 0 : i32
      %dma_start3A_173 = tpu.memref_slice %arg7[%add3A_156, %dma_start3A_172] : memref<10240x128xf32, #tpu.memory_space<vmem_shared>> -> memref<128x128xf32, #tpu.memory_space<vmem_shared>>
      tpu.enqueue_dma source(%dma_start3A_173 : memref<128x128xf32, #tpu.memory_space<vmem_shared>>) target(%dma_start3A_171 : memref<128x128xf32, #tpu.memory_space<hbm>>) target_semaphore(%run_scoped3A : memref<!tpu.dma_semaphore, #tpu.memory_space<semaphore_mem>>)
      %dma_wait3A_174 = arith.constant 0 : i32
      %dma_wait3A_175 = tpu.memref_slice %arg4[%arg0, %add3A_156, %dma_wait3A_174] : memref<2x10240x128xf32, #tpu.memory_space<hbm>> -> memref<1x128x128xf32, #tpu.memory_space<hbm>>
      %dma_wait3A_176 = tpu.memref_squeeze %dma_wait3A_175 : memref<1x128x128xf32, #tpu.memory_space<hbm>> -> memref<128x128xf32, #tpu.memory_space<hbm>>
      %dma_wait3A_177 = arith.constant 0 : i32
      %dma_wait3A_178 = tpu.memref_slice %arg7[%add3A_156, %dma_wait3A_177] : memref<10240x128xf32, #tpu.memory_space<vmem_shared>> -> memref<128x128xf32, #tpu.memory_space<vmem_shared>>
      tpu.wait_dma2 semaphore(%run_scoped3A : memref<!tpu.dma_semaphore, #tpu.memory_space<semaphore_mem>>) src(%dma_wait3A_178 : memref<128x128xf32, #tpu.memory_space<vmem_shared>>) dst(%dma_wait3A_176 : memref<128x128xf32, #tpu.memory_space<hbm>>)
      tpu.yield
    }) : () -> ()
    %mul3A_157 = arith.constant 640 : i32
    %mul3A_158 = arith.muli %arg1, %mul3A_157 : i32
    %add3A_159 = arith.constant 256 : i32
    %add3A_160 = arith.addi %mul3A_158, %add3A_159 : i32
    "tpu.region"() ({
      %run_scoped3A = tpu.sem_alloc : memref<!tpu.dma_semaphore, #tpu.memory_space<semaphore_mem>>
      %dma_start3A_169 = arith.constant 0 : i32
      %dma_start3A_170 = tpu.memref_slice %arg4[%arg0, %add3A_160, %dma_start3A_169] : memref<2x10240x128xf32, #tpu.memory_space<hbm>> -> memref<1x128x128xf32, #tpu.memory_space<hbm>>
      %dma_start3A_171 = tpu.memref_squeeze %dma_start3A_170 : memref<1x128x128xf32, #tpu.memory_space<hbm>> -> memref<128x128xf32, #tpu.memory_space<hbm>>
      %dma_start3A_172 = arith.constant 0 : i32
      %dma_start3A_173 = tpu.memref_slice %arg7[%add3A_160, %dma_start3A_172] : memref<10240x128xf32, #tpu.memory_space<vmem_shared>> -> memref<128x128xf32, #tpu.memory_space<vmem_shared>>
      tpu.enqueue_dma source(%dma_start3A_173 : memref<128x128xf32, #tpu.memory_space<vmem_shared>>) target(%dma_start3A_171 : memref<128x128xf32, #tpu.memory_space<hbm>>) target_semaphore(%run_scoped3A : memref<!tpu.dma_semaphore, #tpu.memory_space<semaphore_mem>>)
      %dma_wait3A_174 = arith.constant 0 : i32
      %dma_wait3A_175 = tpu.memref_slice %arg4[%arg0, %add3A_160, %dma_wait3A_174] : memref<2x10240x128xf32, #tpu.memory_space<hbm>> -> memref<1x128x128xf32, #tpu.memory_space<hbm>>
      %dma_wait3A_176 = tpu.memref_squeeze %dma_wait3A_175 : memref<1x128x128xf32, #tpu.memory_space<hbm>> -> memref<128x128xf32, #tpu.memory_space<hbm>>
      %dma_wait3A_177 = arith.constant 0 : i32
      %dma_wait3A_178 = tpu.memref_slice %arg7[%add3A_160, %dma_wait3A_177] : memref<10240x128xf32, #tpu.memory_space<vmem_shared>> -> memref<128x128xf32, #tpu.memory_space<vmem_shared>>
      tpu.wait_dma2 semaphore(%run_scoped3A : memref<!tpu.dma_semaphore, #tpu.memory_space<semaphore_mem>>) src(%dma_wait3A_178 : memref<128x128xf32, #tpu.memory_space<vmem_shared>>) dst(%dma_wait3A_176 : memref<128x128xf32, #tpu.memory_space<hbm>>)
      tpu.yield
    }) : () -> ()
    %mul3A_161 = arith.constant 640 : i32
    %mul3A_162 = arith.muli %arg1, %mul3A_161 : i32
    %add3A_163 = arith.constant 384 : i32
    %add3A_164 = arith.addi %mul3A_162, %add3A_163 : i32
    "tpu.region"() ({
      %run_scoped3A = tpu.sem_alloc : memref<!tpu.dma_semaphore, #tpu.memory_space<semaphore_mem>>
      %dma_start3A_169 = arith.constant 0 : i32
      %dma_start3A_170 = tpu.memref_slice %arg4[%arg0, %add3A_164, %dma_start3A_169] : memref<2x10240x128xf32, #tpu.memory_space<hbm>> -> memref<1x128x128xf32, #tpu.memory_space<hbm>>
      %dma_start3A_171 = tpu.memref_squeeze %dma_start3A_170 : memref<1x128x128xf32, #tpu.memory_space<hbm>> -> memref<128x128xf32, #tpu.memory_space<hbm>>
      %dma_start3A_172 = arith.constant 0 : i32
      %dma_start3A_173 = tpu.memref_slice %arg7[%add3A_164, %dma_start3A_172] : memref<10240x128xf32, #tpu.memory_space<vmem_shared>> -> memref<128x128xf32, #tpu.memory_space<vmem_shared>>
      tpu.enqueue_dma source(%dma_start3A_173 : memref<128x128xf32, #tpu.memory_space<vmem_shared>>) target(%dma_start3A_171 : memref<128x128xf32, #tpu.memory_space<hbm>>) target_semaphore(%run_scoped3A : memref<!tpu.dma_semaphore, #tpu.memory_space<semaphore_mem>>)
      %dma_wait3A_174 = arith.constant 0 : i32
      %dma_wait3A_175 = tpu.memref_slice %arg4[%arg0, %add3A_164, %dma_wait3A_174] : memref<2x10240x128xf32, #tpu.memory_space<hbm>> -> memref<1x128x128xf32, #tpu.memory_space<hbm>>
      %dma_wait3A_176 = tpu.memref_squeeze %dma_wait3A_175 : memref<1x128x128xf32, #tpu.memory_space<hbm>> -> memref<128x128xf32, #tpu.memory_space<hbm>>
      %dma_wait3A_177 = arith.constant 0 : i32
      %dma_wait3A_178 = tpu.memref_slice %arg7[%add3A_164, %dma_wait3A_177] : memref<10240x128xf32, #tpu.memory_space<vmem_shared>> -> memref<128x128xf32, #tpu.memory_space<vmem_shared>>
      tpu.wait_dma2 semaphore(%run_scoped3A : memref<!tpu.dma_semaphore, #tpu.memory_space<semaphore_mem>>) src(%dma_wait3A_178 : memref<128x128xf32, #tpu.memory_space<vmem_shared>>) dst(%dma_wait3A_176 : memref<128x128xf32, #tpu.memory_space<hbm>>)
      tpu.yield
    }) : () -> ()
    %mul3A_165 = arith.constant 640 : i32
    %mul3A_166 = arith.muli %arg1, %mul3A_165 : i32
    %add3A_167 = arith.constant 512 : i32
    %add3A_168 = arith.addi %mul3A_166, %add3A_167 : i32
    "tpu.region"() ({
      %run_scoped3A = tpu.sem_alloc : memref<!tpu.dma_semaphore, #tpu.memory_space<semaphore_mem>>
      %dma_start3A_169 = arith.constant 0 : i32
      %dma_start3A_170 = tpu.memref_slice %arg4[%arg0, %add3A_168, %dma_start3A_169] : memref<2x10240x128xf32, #tpu.memory_space<hbm>> -> memref<1x128x128xf32, #tpu.memory_space<hbm>>
      %dma_start3A_171 = tpu.memref_squeeze %dma_start3A_170 : memref<1x128x128xf32, #tpu.memory_space<hbm>> -> memref<128x128xf32, #tpu.memory_space<hbm>>
      %dma_start3A_172 = arith.constant 0 : i32
      %dma_start3A_173 = tpu.memref_slice %arg7[%add3A_168, %dma_start3A_172] : memref<10240x128xf32, #tpu.memory_space<vmem_shared>> -> memref<128x128xf32, #tpu.memory_space<vmem_shared>>
      tpu.enqueue_dma source(%dma_start3A_173 : memref<128x128xf32, #tpu.memory_space<vmem_shared>>) target(%dma_start3A_171 : memref<128x128xf32, #tpu.memory_space<hbm>>) target_semaphore(%run_scoped3A : memref<!tpu.dma_semaphore, #tpu.memory_space<semaphore_mem>>)
      %dma_wait3A_174 = arith.constant 0 : i32
      %dma_wait3A_175 = tpu.memref_slice %arg4[%arg0, %add3A_168, %dma_wait3A_174] : memref<2x10240x128xf32, #tpu.memory_space<hbm>> -> memref<1x128x128xf32, #tpu.memory_space<hbm>>
      %dma_wait3A_176 = tpu.memref_squeeze %dma_wait3A_175 : memref<1x128x128xf32, #tpu.memory_space<hbm>> -> memref<128x128xf32, #tpu.memory_space<hbm>>
      %dma_wait3A_177 = arith.constant 0 : i32
      %dma_wait3A_178 = tpu.memref_slice %arg7[%add3A_168, %dma_wait3A_177] : memref<10240x128xf32, #tpu.memory_space<vmem_shared>> -> memref<128x128xf32, #tpu.memory_space<vmem_shared>>
      tpu.wait_dma2 semaphore(%run_scoped3A : memref<!tpu.dma_semaphore, #tpu.memory_space<semaphore_mem>>) src(%dma_wait3A_178 : memref<128x128xf32, #tpu.memory_space<vmem_shared>>) dst(%dma_wait3A_176 : memref<128x128xf32, #tpu.memory_space<hbm>>)
      tpu.yield
    }) : () -> ()
    "tpu.trace_stop"() : () -> ()
    return
  }
}

module attributes {stable_mosaic.version = 14 : i64} {
  func.func @_inproj_body(%arg0: i32, %arg1: memref<2000x128xf32, #tpu.memory_space<vmem>>, %arg2: memref<128x128xf32, #tpu.memory_space<vmem>>, %arg3: memref<1x128xf32, #tpu.memory_space<vmem>>, %arg4: memref<2000x128xf32, #tpu.memory_space<vmem>>, %arg5: memref<2000x128xf32, #tpu.memory_space<vmem>>) attributes {dimension_semantics = [#tpu.dimension_semantics<arbitrary>], iteration_bounds = array<i64: 5>, scalar_prefetch = 0 : i64, scratch_operands = 0 : i64, tpu.core_type = #tpu.core_type<tc>, window_params = [{transform_indices = @transform_0, window_bounds = array<i64: 2000, 128>}, {pipeline_mode = #tpu.pipeline_mode<synchronous>, transform_indices = @transform_1, window_bounds = array<i64: 128, 128>}, {pipeline_mode = #tpu.pipeline_mode<synchronous>, transform_indices = @transform_2, window_bounds = array<i64: 1, 128>}, {transform_indices = @transform_3, window_bounds = array<i64: 2000, 128>}, {transform_indices = @transform_4, window_bounds = array<i64: 2000, 128>}]} {
    %get3A = arith.constant 0 : index
    %get3A_0 = arith.constant 0 : index
    %get3A_1 = vector.load %arg1[%get3A, %get3A_0] : memref<2000x128xf32, #tpu.memory_space<vmem>>, vector<2000x128xf32>
    %get3A_2 = arith.constant 0 : index
    %get3A_3 = arith.constant 0 : index
    %get3A_4 = vector.load %arg2[%get3A_2, %get3A_3] : memref<128x128xf32, #tpu.memory_space<vmem>>, vector<128x128xf32>
    %dot_general3A = arith.constant dense<0.000000e+00> : vector<2000x128xf32>
    %dot_general3A_5 = tpu.matmul %get3A_1, %get3A_4, %dot_general3A {dimension_numbers = #tpu.dot_dimension_numbers<[1], [0], [0], [1], [0, 0, 1, 1], [], []>, transpose_lhs_hint = false} : vector<2000x128xf32>, vector<128x128xf32>, vector<2000x128xf32> -> vector<2000x128xf32>
    %get3A_6 = arith.constant 0 : index
    %get3A_7 = arith.constant 0 : index
    %get3A_8 = vector.load %arg3[%get3A_6, %get3A_7] : memref<1x128xf32, #tpu.memory_space<vmem>>, vector<1x128xf32>
    %add3A = vector.broadcast %get3A_8 : vector<1x128xf32> to vector<2000x128xf32>
    %add3A_9 = arith.addf %dot_general3A_5, %add3A : vector<2000x128xf32>
    %logistic3A = arith.negf %add3A_9 : vector<2000x128xf32>
    %logistic3A_10 = math.exp %logistic3A : vector<2000x128xf32>
    %logistic3A_11 = arith.constant 1.000000e+00 : f32
    %logistic3A_12 = vector.broadcast %logistic3A_11 : f32 to vector<2000x128xf32>
    %logistic3A_13 = arith.addf %logistic3A_12, %logistic3A_10 : vector<2000x128xf32>
    %logistic3A_14 = arith.divf %logistic3A_12, %logistic3A_13 : vector<2000x128xf32>
    %mul3A = arith.mulf %add3A_9, %logistic3A_14 : vector<2000x128xf32>
    %swap3A = arith.constant 0 : index
    %swap3A_15 = arith.constant 0 : index
    %swap3A_16 = vector.load %arg4[%swap3A, %swap3A_15] : memref<2000x128xf32, #tpu.memory_space<vmem>>, vector<2000x128xf32>
    tpu.vector_store %arg4[%swap3A, %swap3A_15], %mul3A {strides = array<i32>} : memref<2000x128xf32, #tpu.memory_space<vmem>>, vector<2000x128xf32>,
    %max3A = arith.constant 0.000000e+00 : f32
    %max3A_17 = vector.broadcast %max3A : f32 to vector<2000x128xf32>
    %max3A_18 = arith.maximumf %mul3A, %max3A_17 : vector<2000x128xf32>
    %swap3A_19 = arith.constant 0 : index
    %swap3A_20 = arith.constant 0 : index
    %swap3A_21 = vector.load %arg5[%swap3A_19, %swap3A_20] : memref<2000x128xf32, #tpu.memory_space<vmem>>, vector<2000x128xf32>
    tpu.vector_store %arg5[%swap3A_19, %swap3A_20], %max3A_18 {strides = array<i32>} : memref<2000x128xf32, #tpu.memory_space<vmem>>, vector<2000x128xf32>,
    return
  }
  func.func @transform_0(%arg0: i32) -> (i32, i32) {
    %c0_i32 = arith.constant 0 : i32
    %c0_i32_0 = arith.constant 0 : i32
    return %arg0, %c0_i32 : i32, i32
  }
  func.func @transform_1(%arg0: i32) -> (i32, i32) {
    %c0_i32 = arith.constant 0 : i32
    %c0_i32_0 = arith.constant 0 : i32
    %c0_i32_1 = arith.constant 0 : i32
    return %c0_i32, %c0_i32_0 : i32, i32
  }
  func.func @transform_2(%arg0: i32) -> (i32, i32) {
    %c0_i32 = arith.constant 0 : i32
    %c0_i32_0 = arith.constant 0 : i32
    %c0_i32_1 = arith.constant 0 : i32
    return %c0_i32, %c0_i32_0 : i32, i32
  }
  func.func @transform_3(%arg0: i32) -> (i32, i32) {
    %c0_i32 = arith.constant 0 : i32
    %c0_i32_0 = arith.constant 0 : i32
    return %arg0, %c0_i32 : i32, i32
  }
  func.func @transform_4(%arg0: i32) -> (i32, i32) {
    %c0_i32 = arith.constant 0 : i32
    %c0_i32_0 = arith.constant 0 : i32
    return %arg0, %c0_i32 : i32, i32
  }
}

module attributes {stable_mosaic.version = 14 : i64} {
  func.func @_layer_body(%arg0: i32, %arg1: memref<2000x128xf32, #tpu.memory_space<vmem>>, %arg2: memref<2x2000x128xf32, #tpu.memory_space<vmem>>, %arg3: memref<128x128xf32, #tpu.memory_space<vmem>>, %arg4: memref<1x128xf32, #tpu.memory_space<vmem>>, %arg5: memref<1x128xf32, #tpu.memory_space<vmem>>, %arg6: memref<1x128xf32, #tpu.memory_space<vmem>>, %arg7: memref<2000x128xf32, #tpu.memory_space<vmem>>, %arg8: memref<2000x128xf32, #tpu.memory_space<vmem>>) attributes {dimension_semantics = [#tpu.dimension_semantics<arbitrary>], iteration_bounds = array<i64: 5>, scalar_prefetch = 0 : i64, scratch_operands = 0 : i64, tpu.core_type = #tpu.core_type<tc>, window_params = [{transform_indices = @transform_0, window_bounds = array<i64: 2000, 128>}, {transform_indices = @transform_1, window_bounds = array<i64: 2, 2000, 128>}, {pipeline_mode = #tpu.pipeline_mode<synchronous>, transform_indices = @transform_2, window_bounds = array<i64: 128, 128>}, {pipeline_mode = #tpu.pipeline_mode<synchronous>, transform_indices = @transform_3, window_bounds = array<i64: 1, 128>}, {pipeline_mode = #tpu.pipeline_mode<synchronous>, transform_indices = @transform_4, window_bounds = array<i64: 1, 128>}, {pipeline_mode = #tpu.pipeline_mode<synchronous>, transform_indices = @transform_5, window_bounds = array<i64: 1, 128>}, {transform_indices = @transform_6, window_bounds = array<i64: 2000, 128>}, {transform_indices = @transform_7, window_bounds = array<i64: 2000, 128>}]} {
    %get3A = arith.constant 0 : index
    %get3A_0 = arith.constant 0 : index
    %get3A_1 = vector.load %arg1[%get3A, %get3A_0] : memref<2000x128xf32, #tpu.memory_space<vmem>>, vector<2000x128xf32>
    %get3A_2 = arith.constant 0 : index
    %get3A_3 = arith.constant 0 : index
    %get3A_4 = arith.constant 0 : index
    %get3A_5 = vector.load %arg2[%get3A_2, %get3A_3, %get3A_4] : memref<2x2000x128xf32, #tpu.memory_space<vmem>>, vector<2x2000x128xf32>
    %slice3A = vector.extract_strided_slice %get3A_5 {offsets = [0, 0, 0], sizes = [1, 2000, 128], strides = [1, 1, 1]} : vector<2x2000x128xf32> to vector<1x2000x128xf32>
    %squeeze3A = vector.shape_cast %slice3A : vector<1x2000x128xf32> to vector<2000x128xf32>
    %add3A = arith.addf %get3A_1, %squeeze3A : vector<2000x128xf32>
    %slice3A_6 = vector.extract_strided_slice %get3A_5 {offsets = [1, 0, 0], sizes = [1, 2000, 128], strides = [1, 1, 1]} : vector<2x2000x128xf32> to vector<1x2000x128xf32>
    %squeeze3A_7 = vector.shape_cast %slice3A_6 : vector<1x2000x128xf32> to vector<2000x128xf32>
    %add3A_8 = arith.addf %add3A, %squeeze3A_7 : vector<2000x128xf32>
    %get3A_9 = arith.constant 0 : index
    %get3A_10 = arith.constant 0 : index
    %get3A_11 = vector.load %arg3[%get3A_9, %get3A_10] : memref<128x128xf32, #tpu.memory_space<vmem>>, vector<128x128xf32>
    %dot_general3A = arith.constant dense<0.000000e+00> : vector<2000x128xf32>
    %dot_general3A_12 = tpu.matmul %add3A_8, %get3A_11, %dot_general3A {dimension_numbers = #tpu.dot_dimension_numbers<[1], [0], [0], [1], [0, 0, 1, 1], [], []>, transpose_lhs_hint = false} : vector<2000x128xf32>, vector<128x128xf32>, vector<2000x128xf32> -> vector<2000x128xf32>
    %get3A_13 = arith.constant 0 : index
    %get3A_14 = arith.constant 0 : index
    %get3A_15 = vector.load %arg4[%get3A_13, %get3A_14] : memref<1x128xf32, #tpu.memory_space<vmem>>, vector<1x128xf32>
    %add3A_16 = vector.broadcast %get3A_15 : vector<1x128xf32> to vector<2000x128xf32>
    %add3A_17 = arith.addf %dot_general3A_12, %add3A_16 : vector<2000x128xf32>
    %reduce_sum3A = arith.constant dense<0.000000e+00> : vector<2000xf32>
    %reduce_sum3A_18 = vector.multi_reduction <add>, %add3A_17, %reduce_sum3A [1] : vector<2000x128xf32> to vector<2000xf32>
    %broadcast_in_dim3A = vector.shape_cast %reduce_sum3A_18 : vector<2000xf32> to vector<2000x1xf32>
    %div3A = arith.constant 1.280000e+02 : f32
    %div3A_19 = vector.broadcast %div3A : f32 to vector<2000x1xf32>
    %div3A_20 = arith.divf %broadcast_in_dim3A, %div3A_19 : vector<2000x1xf32>
    %sub3A = vector.broadcast %div3A_20 : vector<2000x1xf32> to vector<2000x128xf32>
    %sub3A_21 = arith.subf %add3A_17, %sub3A : vector<2000x128xf32>
    %mul3A = arith.mulf %sub3A_21, %sub3A_21 : vector<2000x128xf32>
    %reduce_sum3A_22 = arith.constant dense<0.000000e+00> : vector<2000xf32>
    %reduce_sum3A_23 = vector.multi_reduction <add>, %mul3A, %reduce_sum3A_22 [1] : vector<2000x128xf32> to vector<2000xf32>
    %broadcast_in_dim3A_24 = vector.shape_cast %reduce_sum3A_23 : vector<2000xf32> to vector<2000x1xf32>
    %div3A_25 = arith.constant 1.280000e+02 : f32
    %div3A_26 = vector.broadcast %div3A_25 : f32 to vector<2000x1xf32>
    %div3A_27 = arith.divf %broadcast_in_dim3A_24, %div3A_26 : vector<2000x1xf32>
    %add3A_28 = arith.constant 9.99999974E-6 : f32
    %add3A_29 = vector.broadcast %add3A_28 : f32 to vector<2000x1xf32>
    %add3A_30 = arith.addf %div3A_27, %add3A_29 : vector<2000x1xf32>
    %rsqrt3A = math.rsqrt %add3A_30 : vector<2000x1xf32>
    %mul3A_31 = vector.broadcast %rsqrt3A : vector<2000x1xf32> to vector<2000x128xf32>
    %mul3A_32 = arith.mulf %sub3A_21, %mul3A_31 : vector<2000x128xf32>
    %get3A_33 = arith.constant 0 : index
    %get3A_34 = arith.constant 0 : index
    %get3A_35 = vector.load %arg5[%get3A_33, %get3A_34] : memref<1x128xf32, #tpu.memory_space<vmem>>, vector<1x128xf32>
    %mul3A_36 = vector.broadcast %get3A_35 : vector<1x128xf32> to vector<2000x128xf32>
    %mul3A_37 = arith.mulf %mul3A_32, %mul3A_36 : vector<2000x128xf32>
    %get3A_38 = arith.constant 0 : index
    %get3A_39 = arith.constant 0 : index
    %get3A_40 = vector.load %arg6[%get3A_38, %get3A_39] : memref<1x128xf32, #tpu.memory_space<vmem>>, vector<1x128xf32>
    %add3A_41 = vector.broadcast %get3A_40 : vector<1x128xf32> to vector<2000x128xf32>
    %add3A_42 = arith.addf %mul3A_37, %add3A_41 : vector<2000x128xf32>
    %logistic3A = arith.negf %add3A_42 : vector<2000x128xf32>
    %logistic3A_43 = math.exp %logistic3A : vector<2000x128xf32>
    %logistic3A_44 = arith.constant 1.000000e+00 : f32
    %logistic3A_45 = vector.broadcast %logistic3A_44 : f32 to vector<2000x128xf32>
    %logistic3A_46 = arith.addf %logistic3A_45, %logistic3A_43 : vector<2000x128xf32>
    %logistic3A_47 = arith.divf %logistic3A_45, %logistic3A_46 : vector<2000x128xf32>
    %mul3A_48 = arith.mulf %add3A_42, %logistic3A_47 : vector<2000x128xf32>
    %add3A_49 = arith.addf %mul3A_48, %get3A_1 : vector<2000x128xf32>
    %swap3A = arith.constant 0 : index
    %swap3A_50 = arith.constant 0 : index
    %swap3A_51 = vector.load %arg7[%swap3A, %swap3A_50] : memref<2000x128xf32, #tpu.memory_space<vmem>>, vector<2000x128xf32>
    tpu.vector_store %arg7[%swap3A, %swap3A_50], %add3A_49 {strides = array<i32>} : memref<2000x128xf32, #tpu.memory_space<vmem>>, vector<2000x128xf32>,
    %max3A = arith.constant 0.000000e+00 : f32
    %max3A_52 = vector.broadcast %max3A : f32 to vector<2000x128xf32>
    %max3A_53 = arith.maximumf %add3A_49, %max3A_52 : vector<2000x128xf32>
    %swap3A_54 = arith.constant 0 : index
    %swap3A_55 = arith.constant 0 : index
    %swap3A_56 = vector.load %arg8[%swap3A_54, %swap3A_55] : memref<2000x128xf32, #tpu.memory_space<vmem>>, vector<2000x128xf32>
    tpu.vector_store %arg8[%swap3A_54, %swap3A_55], %max3A_53 {strides = array<i32>} : memref<2000x128xf32, #tpu.memory_space<vmem>>, vector<2000x128xf32>,
    return
  }
  func.func @transform_0(%arg0: i32) -> (i32, i32) {
    %c0_i32 = arith.constant 0 : i32
    %c0_i32_0 = arith.constant 0 : i32
    return %arg0, %c0_i32 : i32, i32
  }
  func.func @transform_1(%arg0: i32) -> (i32, i32, i32) {
    %c0_i32 = arith.constant 0 : i32
    %c0_i32_0 = arith.constant 0 : i32
    %c0_i32_1 = arith.constant 0 : i32
    return %c0_i32, %arg0, %c0_i32_0 : i32, i32, i32
  }
  func.func @transform_2(%arg0: i32) -> (i32, i32) {
    %c0_i32 = arith.constant 0 : i32
    %c0_i32_0 = arith.constant 0 : i32
    %c0_i32_1 = arith.constant 0 : i32
    return %c0_i32, %c0_i32_0 : i32, i32
  }
  func.func @transform_3(%arg0: i32) -> (i32, i32) {
    %c0_i32 = arith.constant 0 : i32
    %c0_i32_0 = arith.constant 0 : i32
    %c0_i32_1 = arith.constant 0 : i32
    return %c0_i32, %c0_i32_0 : i32, i32
  }
  func.func @transform_4(%arg0: i32) -> (i32, i32) {
    %c0_i32 = arith.constant 0 : i32
    %c0_i32_0 = arith.constant 0 : i32
    %c0_i32_1 = arith.constant 0 : i32
    return %c0_i32, %c0_i32_0 : i32, i32
  }
  func.func @transform_5(%arg0: i32) -> (i32, i32) {
    %c0_i32 = arith.constant 0 : i32
    %c0_i32_0 = arith.constant 0 : i32
    %c0_i32_1 = arith.constant 0 : i32
    return %c0_i32, %c0_i32_0 : i32, i32
  }
  func.func @transform_6(%arg0: i32) -> (i32, i32) {
    %c0_i32 = arith.constant 0 : i32
    %c0_i32_0 = arith.constant 0 : i32
    return %arg0, %c0_i32 : i32, i32
  }
  func.func @transform_7(%arg0: i32) -> (i32, i32) {
    %c0_i32 = arith.constant 0 : i32
    %c0_i32_0 = arith.constant 0 : i32
    return %arg0, %c0_i32 : i32, i32
  }
}

module attributes {stable_mosaic.version = 14 : i64} {
  func.func @_layer_pool_body(%arg0: i32, %arg1: memref<2000x128xf32, #tpu.memory_space<vmem>>, %arg2: memref<2x2000x128xf32, #tpu.memory_space<vmem>>, %arg3: memref<128x128xf32, #tpu.memory_space<vmem>>, %arg4: memref<1x128xf32, #tpu.memory_space<vmem>>, %arg5: memref<1x128xf32, #tpu.memory_space<vmem>>, %arg6: memref<1x128xf32, #tpu.memory_space<vmem>>, %arg7: memref<2000x1xi32, #tpu.memory_space<vmem>>, %arg8: memref<64x128xf32, #tpu.memory_space<vmem>>, %arg9: memref<64x128xf32, #tpu.memory_space<vmem>>, %arg10: memref<64x1xf32, #tpu.memory_space<vmem>>) attributes {dimension_semantics = [#tpu.dimension_semantics<arbitrary>], iteration_bounds = array<i64: 5>, scalar_prefetch = 0 : i64, scratch_operands = 2 : i64, tpu.core_type = #tpu.core_type<tc>, window_params = [{transform_indices = @transform_0, window_bounds = array<i64: 2000, 128>}, {transform_indices = @transform_1, window_bounds = array<i64: 2, 2000, 128>}, {pipeline_mode = #tpu.pipeline_mode<synchronous>, transform_indices = @transform_2, window_bounds = array<i64: 128, 128>}, {pipeline_mode = #tpu.pipeline_mode<synchronous>, transform_indices = @transform_3, window_bounds = array<i64: 1, 128>}, {pipeline_mode = #tpu.pipeline_mode<synchronous>, transform_indices = @transform_4, window_bounds = array<i64: 1, 128>}, {pipeline_mode = #tpu.pipeline_mode<synchronous>, transform_indices = @transform_5, window_bounds = array<i64: 1, 128>}, {transform_indices = @transform_6, window_bounds = array<i64: 2000, 1>}, {pipeline_mode = #tpu.pipeline_mode<synchronous>, transform_indices = @transform_7, window_bounds = array<i64: 64, 128>}]} {
    %get3A = arith.constant 0 : index
    %get3A_0 = arith.constant 0 : index
    %get3A_1 = vector.load %arg1[%get3A, %get3A_0] : memref<2000x128xf32, #tpu.memory_space<vmem>>, vector<2000x128xf32>
    %get3A_2 = arith.constant 0 : index
    %get3A_3 = arith.constant 0 : index
    %get3A_4 = arith.constant 0 : index
    %get3A_5 = vector.load %arg2[%get3A_2, %get3A_3, %get3A_4] : memref<2x2000x128xf32, #tpu.memory_space<vmem>>, vector<2x2000x128xf32>
    %slice3A = vector.extract_strided_slice %get3A_5 {offsets = [0, 0, 0], sizes = [1, 2000, 128], strides = [1, 1, 1]} : vector<2x2000x128xf32> to vector<1x2000x128xf32>
    %squeeze3A = vector.shape_cast %slice3A : vector<1x2000x128xf32> to vector<2000x128xf32>
    %add3A = arith.addf %get3A_1, %squeeze3A : vector<2000x128xf32>
    %slice3A_6 = vector.extract_strided_slice %get3A_5 {offsets = [1, 0, 0], sizes = [1, 2000, 128], strides = [1, 1, 1]} : vector<2x2000x128xf32> to vector<1x2000x128xf32>
    %squeeze3A_7 = vector.shape_cast %slice3A_6 : vector<1x2000x128xf32> to vector<2000x128xf32>
    %add3A_8 = arith.addf %add3A, %squeeze3A_7 : vector<2000x128xf32>
    %get3A_9 = arith.constant 0 : index
    %get3A_10 = arith.constant 0 : index
    %get3A_11 = vector.load %arg3[%get3A_9, %get3A_10] : memref<128x128xf32, #tpu.memory_space<vmem>>, vector<128x128xf32>
    %dot_general3A = arith.constant dense<0.000000e+00> : vector<2000x128xf32>
    %dot_general3A_12 = tpu.matmul %add3A_8, %get3A_11, %dot_general3A {dimension_numbers = #tpu.dot_dimension_numbers<[1], [0], [0], [1], [0, 0, 1, 1], [], []>, transpose_lhs_hint = false} : vector<2000x128xf32>, vector<128x128xf32>, vector<2000x128xf32> -> vector<2000x128xf32>
    %get3A_13 = arith.constant 0 : index
    %get3A_14 = arith.constant 0 : index
    %get3A_15 = vector.load %arg4[%get3A_13, %get3A_14] : memref<1x128xf32, #tpu.memory_space<vmem>>, vector<1x128xf32>
    %add3A_16 = vector.broadcast %get3A_15 : vector<1x128xf32> to vector<2000x128xf32>
    %add3A_17 = arith.addf %dot_general3A_12, %add3A_16 : vector<2000x128xf32>
    %reduce_sum3A = arith.constant dense<0.000000e+00> : vector<2000xf32>
    %reduce_sum3A_18 = vector.multi_reduction <add>, %add3A_17, %reduce_sum3A [1] : vector<2000x128xf32> to vector<2000xf32>
    %broadcast_in_dim3A = vector.shape_cast %reduce_sum3A_18 : vector<2000xf32> to vector<2000x1xf32>
    %div3A = arith.constant 1.280000e+02 : f32
    %div3A_19 = vector.broadcast %div3A : f32 to vector<2000x1xf32>
    %div3A_20 = arith.divf %broadcast_in_dim3A, %div3A_19 : vector<2000x1xf32>
    %sub3A = vector.broadcast %div3A_20 : vector<2000x1xf32> to vector<2000x128xf32>
    %sub3A_21 = arith.subf %add3A_17, %sub3A : vector<2000x128xf32>
    %mul3A = arith.mulf %sub3A_21, %sub3A_21 : vector<2000x128xf32>
    %reduce_sum3A_22 = arith.constant dense<0.000000e+00> : vector<2000xf32>
    %reduce_sum3A_23 = vector.multi_reduction <add>, %mul3A, %reduce_sum3A_22 [1] : vector<2000x128xf32> to vector<2000xf32>
    %broadcast_in_dim3A_24 = vector.shape_cast %reduce_sum3A_23 : vector<2000xf32> to vector<2000x1xf32>
    %div3A_25 = arith.constant 1.280000e+02 : f32
    %div3A_26 = vector.broadcast %div3A_25 : f32 to vector<2000x1xf32>
    %div3A_27 = arith.divf %broadcast_in_dim3A_24, %div3A_26 : vector<2000x1xf32>
    %add3A_28 = arith.constant 9.99999974E-6 : f32
    %add3A_29 = vector.broadcast %add3A_28 : f32 to vector<2000x1xf32>
    %add3A_30 = arith.addf %div3A_27, %add3A_29 : vector<2000x1xf32>
    %rsqrt3A = math.rsqrt %add3A_30 : vector<2000x1xf32>
    %mul3A_31 = vector.broadcast %rsqrt3A : vector<2000x1xf32> to vector<2000x128xf32>
    %mul3A_32 = arith.mulf %sub3A_21, %mul3A_31 : vector<2000x128xf32>
    %get3A_33 = arith.constant 0 : index
    %get3A_34 = arith.constant 0 : index
    %get3A_35 = vector.load %arg5[%get3A_33, %get3A_34] : memref<1x128xf32, #tpu.memory_space<vmem>>, vector<1x128xf32>
    %mul3A_36 = vector.broadcast %get3A_35 : vector<1x128xf32> to vector<2000x128xf32>
    %mul3A_37 = arith.mulf %mul3A_32, %mul3A_36 : vector<2000x128xf32>
    %get3A_38 = arith.constant 0 : index
    %get3A_39 = arith.constant 0 : index
    %get3A_40 = vector.load %arg6[%get3A_38, %get3A_39] : memref<1x128xf32, #tpu.memory_space<vmem>>, vector<1x128xf32>
    %add3A_41 = vector.broadcast %get3A_40 : vector<1x128xf32> to vector<2000x128xf32>
    %add3A_42 = arith.addf %mul3A_37, %add3A_41 : vector<2000x128xf32>
    %logistic3A = arith.negf %add3A_42 : vector<2000x128xf32>
    %logistic3A_43 = math.exp %logistic3A : vector<2000x128xf32>
    %logistic3A_44 = arith.constant 1.000000e+00 : f32
    %logistic3A_45 = vector.broadcast %logistic3A_44 : f32 to vector<2000x128xf32>
    %logistic3A_46 = arith.addf %logistic3A_45, %logistic3A_43 : vector<2000x128xf32>
    %logistic3A_47 = arith.divf %logistic3A_45, %logistic3A_46 : vector<2000x128xf32>
    %mul3A_48 = arith.mulf %add3A_42, %logistic3A_47 : vector<2000x128xf32>
    %add3A_49 = arith.addf %mul3A_48, %get3A_1 : vector<2000x128xf32>
    %iota3A = tpu.iota {dimensions = array<i32: 1>} : vector<2000x64xi32>
    %get3A_50 = arith.constant 0 : index
    %get3A_51 = arith.constant 0 : index
    %get3A_52 = vector.load %arg7[%get3A_50, %get3A_51] : memref<2000x1xi32, #tpu.memory_space<vmem>>, vector<2000x1xi32>
    %eq3A = vector.broadcast %get3A_52 : vector<2000x1xi32> to vector<2000x64xi32>
    %eq3A_53 = arith.cmpi eq, %eq3A, %iota3A : vector<2000x64xi32>
    %convert_element_type3A = arith.extui %eq3A_53 : vector<2000x64xi1> to vector<2000x64xi32>
    %convert_element_type3A_54 = arith.sitofp %convert_element_type3A : vector<2000x64xi32> to vector<2000x64xf32>
    %dot_general3A_55 = arith.constant dense<0.000000e+00> : vector<64x128xf32>
    %dot_general3A_56 = tpu.matmul %convert_element_type3A_54, %add3A_49, %dot_general3A_55 {dimension_numbers = #tpu.dot_dimension_numbers<[0], [0], [1], [1], [0, 1, 1, 1], [], []>, transpose_lhs_hint = false} : vector<2000x64xf32>, vector<2000x128xf32>, vector<64x128xf32> -> vector<64x128xf32>
    %broadcast_in_dim3A_57 = arith.constant 1.000000e+00 : f32
    %broadcast_in_dim3A_58 = vector.broadcast %broadcast_in_dim3A_57 : f32 to vector<2000x1xf32>
    %dot_general3A_59 = arith.constant dense<0.000000e+00> : vector<64x1xf32>
    %dot_general3A_60 = tpu.matmul %convert_element_type3A_54, %broadcast_in_dim3A_58, %dot_general3A_59 {dimension_numbers = #tpu.dot_dimension_numbers<[0], [0], [1], [1], [0, 1, 1, 1], [], []>, transpose_lhs_hint = false} : vector<2000x64xf32>, vector<2000x1xf32>, vector<64x1xf32> -> vector<64x1xf32>
    %eq3A_61 = arith.constant 0 : i32
    %eq3A_62 = arith.cmpi eq, %arg0, %eq3A_61 : i32
    %convert_element_type3A_63 = arith.extui %eq3A_62 : i1 to i32
    %cond3A = arith.constant 0 : i32
    %cond3A_64 = arith.cmpi ne, %convert_element_type3A_63, %cond3A : i32
    scf.if %cond3A_64 {
      %broadcast_in_dim3A_83 = arith.constant 0.000000e+00 : f32
      %broadcast_in_dim3A_84 = vector.broadcast %broadcast_in_dim3A_83 : f32 to vector<64x128xf32>
      %swap3A_85 = arith.constant 0 : index
      %swap3A_86 = arith.constant 0 : index
      %swap3A_87 = vector.load %arg9[%swap3A_85, %swap3A_86] : memref<64x128xf32, #tpu.memory_space<vmem>>, vector<64x128xf32>
      tpu.vector_store %arg9[%swap3A_85, %swap3A_86], %broadcast_in_dim3A_84 {strides = array<i32>} : memref<64x128xf32, #tpu.memory_space<vmem>>, vector<64x128xf32>,
      %broadcast_in_dim3A_88 = arith.constant 0.000000e+00 : f32
      %broadcast_in_dim3A_89 = vector.broadcast %broadcast_in_dim3A_88 : f32 to vector<64x1xf32>
      %swap3A_90 = arith.constant 0 : index
      %swap3A_91 = arith.constant 0 : index
      %swap3A_92 = vector.load %arg10[%swap3A_90, %swap3A_91] : memref<64x1xf32, #tpu.memory_space<vmem>>, vector<64x1xf32>
      tpu.vector_store %arg10[%swap3A_90, %swap3A_91], %broadcast_in_dim3A_89 {strides = array<i32>} : memref<64x1xf32, #tpu.memory_space<vmem>>, vector<64x1xf32>,
    } else {
    }
    %get3A_65 = arith.constant 0 : index
    %get3A_66 = arith.constant 0 : index
    %get3A_67 = vector.load %arg9[%get3A_65, %get3A_66] : memref<64x128xf32, #tpu.memory_space<vmem>>, vector<64x128xf32>
    %add3A_68 = arith.addf %get3A_67, %dot_general3A_56 : vector<64x128xf32>
    %swap3A = arith.constant 0 : index
    %swap3A_69 = arith.constant 0 : index
    %swap3A_70 = vector.load %arg9[%swap3A, %swap3A_69] : memref<64x128xf32, #tpu.memory_space<vmem>>, vector<64x128xf32>
    tpu.vector_store %arg9[%swap3A, %swap3A_69], %add3A_68 {strides = array<i32>} : memref<64x128xf32, #tpu.memory_space<vmem>>, vector<64x128xf32>,
    %get3A_71 = arith.constant 0 : index
    %get3A_72 = arith.constant 0 : index
    %get3A_73 = vector.load %arg10[%get3A_71, %get3A_72] : memref<64x1xf32, #tpu.memory_space<vmem>>, vector<64x1xf32>
    %add3A_74 = arith.addf %get3A_73, %dot_general3A_60 : vector<64x1xf32>
    %swap3A_75 = arith.constant 0 : index
    %swap3A_76 = arith.constant 0 : index
    %swap3A_77 = vector.load %arg10[%swap3A_75, %swap3A_76] : memref<64x1xf32, #tpu.memory_space<vmem>>, vector<64x1xf32>
    tpu.vector_store %arg10[%swap3A_75, %swap3A_76], %add3A_74 {strides = array<i32>} : memref<64x1xf32, #tpu.memory_space<vmem>>, vector<64x1xf32>,
    %eq3A_78 = arith.constant 4 : i32
    %eq3A_79 = arith.cmpi eq, %arg0, %eq3A_78 : i32
    %convert_element_type3A_80 = arith.extui %eq3A_79 : i1 to i32
    %cond3A_81 = arith.constant 0 : i32
    %cond3A_82 = arith.cmpi ne, %convert_element_type3A_80, %cond3A_81 : i32
    scf.if %cond3A_82 {
      %get3A_83 = arith.constant 0 : index
      %get3A_84 = arith.constant 0 : index
      %get3A_85 = vector.load %arg9[%get3A_83, %get3A_84] : memref<64x128xf32, #tpu.memory_space<vmem>>, vector<64x128xf32>
      %get3A_86 = arith.constant 0 : index
      %get3A_87 = arith.constant 0 : index
      %get3A_88 = vector.load %arg10[%get3A_86, %get3A_87] : memref<64x1xf32, #tpu.memory_space<vmem>>, vector<64x1xf32>
      %max3A = arith.constant 1.000000e+00 : f32
      %max3A_89 = vector.broadcast %max3A : f32 to vector<64x1xf32>
      %max3A_90 = arith.maximumf %get3A_88, %max3A_89 : vector<64x1xf32>
      %div3A_91 = vector.broadcast %max3A_90 : vector<64x1xf32> to vector<64x128xf32>
      %div3A_92 = arith.divf %get3A_85, %div3A_91 : vector<64x128xf32>
      %swap3A_93 = arith.constant 0 : index
      %swap3A_94 = arith.constant 0 : index
      %swap3A_95 = vector.load %arg8[%swap3A_93, %swap3A_94] : memref<64x128xf32, #tpu.memory_space<vmem>>, vector<64x128xf32>
      tpu.vector_store %arg8[%swap3A_93, %swap3A_94], %div3A_92 {strides = array<i32>} : memref<64x128xf32, #tpu.memory_space<vmem>>, vector<64x128xf32>,
    } else {
    }
    return
  }
  func.func @transform_0(%arg0: i32) -> (i32, i32) {
    %c0_i32 = arith.constant 0 : i32
    %c0_i32_0 = arith.constant 0 : i32
    return %arg0, %c0_i32 : i32, i32
  }
  func.func @transform_1(%arg0: i32) -> (i32, i32, i32) {
    %c0_i32 = arith.constant 0 : i32
    %c0_i32_0 = arith.constant 0 : i32
    %c0_i32_1 = arith.constant 0 : i32
    return %c0_i32, %arg0, %c0_i32_0 : i32, i32, i32
  }
  func.func @transform_2(%arg0: i32) -> (i32, i32) {
    %c0_i32 = arith.constant 0 : i32
    %c0_i32_0 = arith.constant 0 : i32
    %c0_i32_1 = arith.constant 0 : i32
    return %c0_i32, %c0_i32_0 : i32, i32
  }
  func.func @transform_3(%arg0: i32) -> (i32, i32) {
    %c0_i32 = arith.constant 0 : i32
    %c0_i32_0 = arith.constant 0 : i32
    %c0_i32_1 = arith.constant 0 : i32
    return %c0_i32, %c0_i32_0 : i32, i32
  }
  func.func @transform_4(%arg0: i32) -> (i32, i32) {
    %c0_i32 = arith.constant 0 : i32
    %c0_i32_0 = arith.constant 0 : i32
    %c0_i32_1 = arith.constant 0 : i32
    return %c0_i32, %c0_i32_0 : i32, i32
  }
  func.func @transform_5(%arg0: i32) -> (i32, i32) {
    %c0_i32 = arith.constant 0 : i32
    %c0_i32_0 = arith.constant 0 : i32
    %c0_i32_1 = arith.constant 0 : i32
    return %c0_i32, %c0_i32_0 : i32, i32
  }
  func.func @transform_6(%arg0: i32) -> (i32, i32) {
    %c0_i32 = arith.constant 0 : i32
    %c0_i32_0 = arith.constant 0 : i32
    return %arg0, %c0_i32 : i32, i32
  }
  func.func @transform_7(%arg0: i32) -> (i32, i32) {
    %c0_i32 = arith.constant 0 : i32
    %c0_i32_0 = arith.constant 0 : i32
    %c0_i32_1 = arith.constant 0 : i32
    return %c0_i32, %c0_i32_0 : i32, i32
  }
}

</mosaic_0001>

<sc_bundles>
// kernel: kernel.12.cloned.1.call-start
scs
__scs_entry_jumppad:
0x0: {  	(pc) =	sbr.rel $0x88, $3  }
0x1: {  	(tag) =	ssettag $0x0;
	lr =	simm.s32 $0x1  }
0x2: {  	[smem:$0x3F98] =	sst lr;
	_ =	strace $0xD0000000  }
0x3: {  	_ = 	snop  }
0x4: {  	_ = 	snop  }
0x5: {  	_ = 	snop  }
0x6: {  	_ = 	snop  }
0x7: {  	_ = 	snop  }
__scs_overlays_trampoline_lowered:
0x8: {  	[smem:$0x3FA7] =	sst s0  }
0x9: {  	[smem:$0x3FA8] =	sst s1  }
0xa: {  	[smem:$0x3FA9] =	sst s2  }
0xb: {  	[smem:$0x3FAA] =	sst s3  }
0xc: {  	[smem:$0x3FAB] =	sst s4  }
0xd: {  	[smem:$0x3FAC] =	sst s5  }
0xe: {  	[smem:$0x3FAD] =	sst s6  }
0xf: {  	[smem:$0x3FAE] =	sst s7  }
0x10: {  	[smem:$0x3FAF] =	sst s8  }
0x11: {  	[smem:$0x3FB0] =	sst s9;
	s0 =	simm.s32 @!p0 $0x0  }
0x12: {  	s1 =	sld [smem:$0x3F96];
	s0 =	simm.s32 @p0 $0x1  }
0x13: {  	[smem:$0x3FB1] =	sst s0;
	s0 =	simm.s32 @!p1 $0x0  }
0x14: {  	s2 =	sld [smem:$0x3F95];
	s0 =	simm.s32 @p1 $0x1  }
0x15: {  	[smem:$0x3FB2] =	sst s0;
	s0 =	simm.s32 @!p2 $0x0  }
0x16: {  	s3 =	sld [smem:$0x3FDB];
	s0 =	simm.s32 @p2 $0x1  }
0x17: {  	s4 =	simm.s32 $0x1BF5;
	[smem:$0x3FB4] =	sst s0  }
0x18: {  	s0 =	sld [smem:$0x3F97];
	_ =	swait.ge [sflag:s4], $0x0  }
0x19: {  	s7 =	sld [smem:$0x3F98]  }
0x1a: {  	s8 =	sadd.s32 $0xFFFFE003, lr  }
0x1b: {  	s9 =	sadd.s32 $0xFFFFFEF7, lr;
	s5 =	simm.s32 $0xFFFFFFFF;
	p2 =	slt.u32 s8, $0xFFFFF086  }
0x1c: {  	p1 =	slt.u32 s9, $0xF7A;
	s5 =	simm.s32 @!p2 $0x0  }
0x1d: {  	s5 =	simm.s32 @p1 $0x1;
	p0 =	seq.s32 s7, s2  }
0x1e: {  	s7 =	smul.u32 @!p0 $0xF7A, s2;
	p2 =	seq.s32 @!p0 s5, $0x0  }
0x1f: {  	s9 =	smul.u32 $0xF7A, s1;
	s8 =	simm.s32 @!p0 $0x1BF5;
	p2 =	por !p2, p0  }
0x20: {  	[sflag:s8] =	ssyncset.s32 @!p0 $0xFFFFF086;
	s6 =	sadd.s32 @!p0 s3, s7;
	s7 =	simm.s32 @!p0 $0x108  }
0x21: {  	s3 =	sadd.s32 s3, s9;
	s6 =	sadd.s32 @!p0 $0x88, s6;
	s7 =	simm.s32 @p2 $0x1082  }
0x22: {  	[simem:s7], [sflag:s8] =	dma.local @!p0 [hbm:s6], $0xF7A  }
0x23: {  	s9 =	sor.u32 $0xD0000000, s2;
	s6 =	simm.s32 $0x108;
	_ =	swait.ge @!p0 [sflag:s8], $0x0  }
0x24: {  	s3 =	sadd.s32 $0x88, s3;
	s6 =	simm.s32 @!p1 $0x1082;
	[sflag:s4] =	ssyncset.s32 $0xFFFFF086  }
0x25: {  	[simem:s6], [sflag:s4] =	dma.local [hbm:s3], $0xF7A  }
0x26: {  	[smem:$0x3F98] =	sst s1;
	(tag) =	ssettag s2;
	_ =	strace s9  }
0x27: {  	s1 =	sld [smem:$0x3FA8]  }
0x28: {  	s2 =	sld [smem:$0x3FA9]  }
0x29: {  	s4 =	sld [smem:$0x3FAB]  }
0x2a: {  	p0 =	seq.s32 s5, $0x0;
	s5 =	sld [smem:$0x3FAC]  }
0x2b: {  	s6 =	sld [smem:$0x3FAD]  }
0x2c: {  	s7 =	sld [smem:$0x3FAE]  }
0x2d: {  	s3 =	simm.s32 $0x108;
	s8 =	sld [smem:$0x3FAF]  }
0x2e: {  	s3 =	simm.s32 @!p0 $0x1082;
	s9 =	sld [smem:$0x3FB0]  }
0x2f: {  	lr =	sadd.s32 s0, s3;
	s0 =	sld [smem:$0x3FA7]  }
0x30: {  	s3 =	sld [smem:$0x3FAA]  }
0x31: {  	[smem:$0x3FB3] =	sst s10  }
0x32: {  	s10 =	sld [smem:$0x3FB1];
	_ =	sdelay $0x3  }
0x33: {  	p0 =	seq.s32 s10, $0x1;
	s10 =	sld [smem:$0x3FB3];
	_ =	sdelay $0x3  }
0x34: {  	[smem:$0x3FB3] =	sst s10  }
0x35: {  	s10 =	sld [smem:$0x3FB2];
	_ =	sdelay $0x3  }
0x36: {  	p1 =	seq.s32 s10, $0x1;
	s10 =	sld [smem:$0x3FB3];
	_ =	sdelay $0x3  }
0x37: {  	[smem:$0x3FB3] =	sst s10  }
0x38: {  	s10 =	sld [smem:$0x3FB4]  }
0x39: {  	_ = 	snop;
	(pc) =	sbr.ind lr, $3  }
0x3a: {  	_ = 	snop  }
0x3b: {  	_ = 	snop  }
0x3c: {  	p2 =	seq.s32 s10, $0x1;
	s10 =	sld [smem:$0x3FB3]  }
0x3d: {  	_ =	shalt  }
0x3e: {  	_ =	shalt  }
0x3f: {  	_ =	shalt  }
0x40: {  	_ =	shalt  }
0x41: {  	_ =	shalt  }
0x42: {  	_ =	shalt  }
0x43: {  	_ =	shalt  }
0x44: {  	_ =	shalt  }
0x45: {  	_ =	shalt  }
0x46: {  	_ =	shalt  }
0x47: {  	_ =	shalt  }
0x48: {  	_ =	shalt  }
0x49: {  	_ =	shalt  }
0x4a: {  	_ =	shalt  }
0x4b: {  	_ =	shalt  }
0x4c: {  	_ =	shalt  }
0x4d: {  	_ =	shalt  }
0x4e: {  	_ =	shalt  }
0x4f: {  	_ =	shalt  }
0x50: {  	_ =	shalt  }
0x51: {  	_ =	shalt  }
0x52: {  	_ =	shalt  }
0x53: {  	_ =	shalt  }
0x54: {  	_ =	shalt  }
0x55: {  	_ =	shalt  }
0x56: {  	_ =	shalt  }
0x57: {  	_ =	shalt  }
0x58: {  	_ =	shalt  }
0x59: {  	_ =	shalt  }
0x5a: {  	_ =	shalt  }
0x5b: {  	_ =	shalt  }
0x5c: {  	_ =	shalt  }
0x5d: {  	_ =	shalt  }
0x5e: {  	_ =	shalt  }
0x5f: {  	_ =	shalt  }
0x60: {  	_ =	shalt  }
0x61: {  	_ =	shalt  }
0x62: {  	_ =	shalt  }
0x63: {  	_ =	shalt  }
0x64: {  	_ =	shalt  }
0x65: {  	_ =	shalt  }
0x66: {  	_ =	shalt  }
0x67: {  	_ =	shalt  }
0x68: {  	_ =	shalt  }
0x69: {  	_ =	shalt  }
0x6a: {  	_ =	shalt  }
0x6b: {  	_ =	shalt  }
0x6c: {  	_ =	shalt  }
0x6d: {  	_ =	shalt  }
0x6e: {  	_ =	shalt  }
0x6f: {  	_ =	shalt  }
0x70: {  	_ =	shalt  }
0x71: {  	_ =	shalt  }
0x72: {  	_ =	shalt  }
0x73: {  	_ =	shalt  }
0x74: {  	_ =	shalt  }
0x75: {  	_ =	shalt  }
0x76: {  	_ =	shalt  }
0x77: {  	_ =	shalt  }
0x78: {  	_ =	shalt  }
0x79: {  	_ =	shalt  }
0x7a: {  	_ =	shalt  }
0x7b: {  	_ =	shalt  }
0x7c: {  	_ =	shalt  }
0x7d: {  	_ =	shalt  }
0x7e: {  	_ =	shalt  }
0x7f: {  	_ =	shalt  }
0x80: {  	_ =	shalt  }
0x81: {  	_ =	shalt  }
0x82: {  	_ =	shalt  }
0x83: {  	_ =	shalt  }
0x84: {  	_ =	shalt  }
0x85: {  	_ =	shalt  }
0x86: {  	_ =	shalt  }
0x87: {  	_ =	shalt  }
.Lfunc_end0:
.L_simem_size_0:
called_computation.1_lowered:
.L_overlay_start_0:
0x88: {  	s2 =	sld [smem:$0x3FD9]  }
0x89: {  	s3 =	sld [smem:$0x3FFE];
	_ =	sdelay $0x1  }
0x8a: {  	s1 =	srdreg.scid  }
0x8b: {  	s0 =	sand.u32 $0x1, s1  }
0x8c: {  	s16 =	sshll.u32 s0, $0xA;
	s2 =	sadd.s32 s3, s2  }
0x8d: {  	s2 =	sadd.s32 s2, s16  }
0x8e: {  	[smem:$0x3FBF] =	sst s2  }
0x8f: {  	_ = 	snop  }
0x90: {  	(tm) =	ssettm $0x1  }
0x91: {  	s17 =	sld [smem:$0x3FFB];
	_ =	sdelay $0x3  }
0x92: {  	_ =	strace s17  }
0x93: {  	s2 =	sld [smem:$0x3FFC];
	_ =	sdelay $0x3  }
0x94: {  	_ =	strace s2  }
0x95: {  	s2 =	sld [smem:$0x3FFD];
	_ =	sdelay $0x3  }
0x96: {  	_ =	strace s2  }
0x97: {  	_ =	strace $0x8FFFFFFF  }
0x98: {  	s18 =	sld [smem:$0x3FDB];
	_ =	sdelay $0x1  }
0x99: {  	s19 =	simm.s32 $_scs_section_size  }
0x9a: {  	s4 =	simm.s32 $_size__tile_overlayer_lowered;
	s5 =	simm.s32 $_tile_overlayer_lowered  }
0x9b: {  	s22 =	simm.s32 $0x1BFF;
	s21 =	sshll.u32 s5, $0x1;
	s2 =	sadd.s32 s19, s18  }
0x9c: {  	s6 =	simm.s32 $0x0;
	s20 =	sshll.u32 s4, $0x1;
	s4 =	sadd.s32 s21, s2  }
0x9d: {  	[timem:s6], [sflag:s22] =	dma.local [hbm:s4], s20  }
0x9e: {  	_ =	swait.ge [sflag:s22], s20  }
0x9f: {  	s3 =	ssub.s32 $0x0, s20;
	[sflag:s22] =	ssyncset.done $0x0  }
0xa0: {  	[sflag:s22] =	ssyncadd.s32 s3;
	_ =	sdelay $0x1  }
0xa1: {  	s23 =	simm.s32 $0x1B8B  }
0xa2: {  	_ =	swait.ge [sflag:s23], $0x1  }
0xa3: {  	[sflag:s23] =	ssyncset.done $0x0  }
0xa4: {  	s25 =	simm.s32 $0x1B8E;
	s24 =	sld [smem:$0x3FFE];
	[sflag:s23] =	ssyncadd.s32 $0xFFFFFFFF  }
0xa5: {  	s26 =	simm.s32 $execute0_lowered;
	[smem:$0x3FD2] =	sst s25  }
0xa6: {  	s4 =	sshll.u32 s26, $0x1;
	_ =	strace $0x8000004C;
	[dreg:$0x1] =	wrdreg $0xFFFFFFFF  }
0xa7: {  	s28 =	simm.s32 $_size_execute0_lowered;
	s2 =	sadd.s32 s2, s4;
	[dreg:$0x0] =	wrdreg $0x0  }
0xa8: {  	s4 =	sshll.u32 s28, $0x1;
	[dreg:$0x2] =	wrdreg s2  }
0xa9: {  	[dreg:$0x3] =	wrdreg s4  }
0xaa: {  	[dreg:$0x4] =	wrdreg $0xC0  }
0xab: {  	_ =	task [dreg:s6], $0x5FFFF  }
0xac: {  	[dreg:$0x1] =	wrdreg $0xFFFFFFFF  }
0xad: {  	[dreg:$0x0] =	wrdreg $0x60  }
0xae: {  	[dreg:$0x2] =	wrdreg s24  }
0xaf: {  	[dreg:$0x3] =	wrdreg $0x84000  }
0xb0: {  	[dreg:$0x4] =	wrdreg $0x9  }
0xb1: {  	_ =	task.clear_ibuf [dreg:s6], $0x5FFFF;
	_ =	strace $0x9000004C  }
0xb2: {  	s29 =	simm.s32 $0x9;
	_ =	strace $0x80000051  }
0xb3: {  	_ =	swait.ge [sflag:s29], $0x1  }
0xb4: {  	[sflag:s29] =	ssyncadd.s32 $0xFFFFFFFF  }
0xb5: {  	_ =	strace $0x90000051  }
0xb6: {  	_ =	sfence  }
0xb7: {  	s30 =	sld [smem:$0x0];
	_ =	sdelay $0x2  }
0xb8: {  	s31 =	sshll.u32 s1, $0xD;
	s1 =	sshrl.u32 s1, $0x2  }
0xb9: {  	s3 =	sand.u32 $0x4000, s31;
	s1 =	sadd.s32 s1, s30  }
0xba: {  	s0 =	sor.u32 s3, s0;
	s1 =	sshll.u32 s1, $0x11  }
0xbb: {  	s0 =	sor.u32 s1, s0  }
0xbc: {  	s0 =	sadd.s32 $0x8F2B, s0  }
0xbd: {  	[sflag:s0] =	ssyncadd.remote.s32 $0x1  }
0xbe: {  	_ =	sfence.sel $0xFFFF  }
0xbf: {  	[dreg:$0x0] =	wrdreg $0xFFFFFFFF;
	(pc) =	sbr.abs _section_cstart, $3  }
0xc0: {  	[dreg:$0x1] =	wrdreg $0xFFFFFFFF  }
0xc1: {  	_ =	task.clear_ibuf [dreg:s6], $0x2FFFF;
	_ =	strace $0x9FFFFFFF  }
0xc2: {  	(tm) =	ssettm $0x7FFFFFFF  }
0xc3: {  	_ =	shalt  }
tec
execute0_lowered:
.L_overlay_start_1:
0x0: {  	(tag) =	ssettag $0x1  }
0x1: {  	s0 =	rddreg [dreg:$0x0]  }
0x2: {  	s1 =	rddreg [dreg:$0x1];
	s3 =	simm.s32 $0x0  }
0x3: {  	s2 =	srdreg.scid;
	s11 =	stileid.u32;
	s29 =	simm.s32 $0x400  }
0x4: {  	s30 =	simm.s32 $0x7;
	s31 =	simm.s32 $0x100;
	s6 =	smul.u32 $0x5000, s11  }
0x5: {  	[smem:$0x7FF] =	sst s3;
	s2 =	sand.u32 $0x1, s2;
	s9 =	smul.u32 $0x50000, s11  }
0x6: {  	s4 =	sadd.s32 $0x17800, s0;
	s7 =	sadd.s32 $0x3800, s0;
	s18 =	smul.u32 $0x14000, s11  }
0x7: {  	s0 =	sadd.s32 $0x3EA00, s0;
	s5 =	smul.u32 $0x50000, s2;
	s8 =	ssub.s32 $0x2, s2  }
0x8: {  	_ =	strace $0x8000004D;
	s2 =	smul.u32 $0x140000, s2;
	s17 =	sshrl.u32 s8, $0x1  }
0x9: {  	s9 =	sshrl.u32 s9, $0x2;
	s11 =	sadd.s32 $0x4000, s18;
	s24 =	sadd.s32 $0x8000, s18  }
0xa: {  	s13 =	sadd.s32 $0xC000, s18;
	s5 =	sadd.s32 s6, s5;
	s8 =	ssub.s32 s8, s17  }
0xb: {  	s6 =	sadd.s32 s9, s1;
	s21 =	sadd.s32 s18, s2;
	s22 =	sadd.s32 s2, s11  }
0xc: {  	s25 =	sadd.s32 s2, s24;
	s11 =	sadd.s32 s11, s1;
	s14 =	sadd.s32 s2, s13  }
0xd: {  	s10 =	sshrl.u32 s5, $0x3;
	s9 =	sshrl.u32 s21, $0x3;
	s23 =	sshrl.u32 s22, $0x3  }
0xe: {  	s26 =	sshrl.u32 s14, $0x3;
	s14 =	sadd.s32 s13, s1;
	s15 =	sor.u32 $0x700, s5  }
0xf: {  	s8 =	smax.u32 s8, $0x1;
	s21 =	sor.u32 $0x600, s5;
	s22 =	sor.u32 $0x500, s5  }
0x10: {  	s5 =	sor.u32 $0x400, s5;
	s28 =	sadd.s32 $0x10000, s6;
	s13 =	simm.s32 $0x180  }
0x11: {  	s12 =	sadd.s32 s7, s10;
	s9 =	sadd.s32 s0, s9;
	[dreg:$0xc] =	wrdreg s8  }
0x12: {  	s10 =	sadd.s32 $0x10000, s18;
	s8 =	sshrl.u32 s22, $0x3;
	[dreg:$0x3] =	wrdreg s12  }
0x13: {  	s5 =	sshrl.u32 s5, $0x3;
	s19 =	sadd.s32 $0x20, s12;
	[dreg:$0x7] =	wrdreg s9  }
0x14: {  	s20 =	sadd.s32 $0x40, s12;
	s12 =	sadd.s32 $0x60, s12;
	[dreg:$0x4] =	wrdreg s19  }
0x15: {  	s9 =	sadd.s32 s0, s23;
	s2 =	sadd.s32 s2, s10;
	[dreg:$0x5] =	wrdreg s20  }
0x16: {  	s16 =	sadd.s32 s10, s1;
	s23 =	sadd.s32 $0x8000, s6;
	[dreg:$0x6] =	wrdreg s12  }
0x17: {  	s10 =	simm.s32 $0x4400;
	[dreg:$0x8] =	wrdreg s9;
	s9 =	sshrl.u32 s25, $0x3  }
0x18: {  	s12 =	sadd.s32 s24, s1;
	s2 =	sshrl.u32 s2, $0x3;
	s19 =	sshrl.u32 s15, $0x3  }
0x19: {  	s20 =	sadd.s32 $0x4000, s6;
	[dreg:$0xe] =	wrdreg s23;
	s24 =	sshrl.u32 s11, $0x3  }
0x1a: {  	s11 =	simm.s32 $0x1;
	s15 =	simm.s32 $0x280;
	s9 =	sadd.s32 s0, s9  }
0x1b: {  	[dreg:$0xd] =	wrdreg s20;
	s17 =	sadd.s32 s19, s7;
	s19 =	sadd.s32 s8, s7  }
0x1c: {  	s20 =	sadd.s32 s5, s7;
	[dreg:$0xf] =	wrdreg s24;
	s25 =	sshrl.u32 s12, $0x3  }
0x1d: {  	s8 =	simm.s32 $0x80;
	s12 =	simm.s32 $0x5;
	s5 =	simm.s32 $0x2  }
0x1e: {  	[dreg:$0x9] =	wrdreg s9;
	s9 =	sadd.s32 s0, s26;
	s0 =	sadd.s32 s0, s2  }
0x1f: {  	s2 =	sshrl.u32 s21, $0x3;
	[dreg:$0x10] =	wrdreg s25;
	s26 =	sshrl.u32 s14, $0x3  }
.Ltmp0:
0x20: {  	s14 =	simm.s32 $0x6;
	[dreg:$0xa] =	wrdreg s9;
	(pc) =	sbr.rel .LBB2_1-.Ltmp0, $4  }
0x21: {  	s21 =	simm.s32 $0x0;
	[dreg:$0xb] =	wrdreg s0;
	s18 =	sadd.s32 s2, s7  }
0x22: {  	[dreg:$0x11] =	wrdreg s26;
	s0 =	sshrl.u32 s16, $0x3;
	s26 =	sadd.s32 $0xC000, s6  }
0x23: {  	s2 =	simm.s32 $0x300;
	s7 =	simm.s32 $0x3;
	s9 =	simm.s32 $0x4  }
0x24: {  	v0 =	vimm.f32 $0.0e+00;
	s16 =	simm.s32 $0x380;
	[dreg:$0x12] =	wrdreg s0;
	s0 =	simm.s32 $0x200  }
.LBB2_6:
0x25: {  	_ =	swait.ge [sflag:s5], $0x4000  }
0x26: {  	[sflag:s5] =	ssyncset.done $0x0  }
0x27: {  	[sflag:s5] =	ssyncadd.s32 $0xFFFFC000  }
0x28: {  	[spmem:s1] =	stream.indirect.scatter.add.f32 [tilespmem:s10], [sflag:$0x7], $0x80, s16, s8, $0x2000b8;
	[tilespmem:$0x1C400] =	vst v63  }
0x29: {  	_ =	swait.ge [sflag:s30], $0x4000  }
0x2a: {  	[sflag:s30] =	ssyncset.done $0x0  }
0x2b: {  	[sflag:s30] =	ssyncadd.s32 $0xFFFFC000  }
0x2c: {  	[bflag:$0x0] =	sbarrier.arrive $0xFFFF  }
0x2d: {  	s22 =	stileid.u32;
	_ =	strace $0x9000004F  }
0x2e: {  	s22 =	sshll.u32 s22, $0x6;
	_ =	strace $0x80000050  }
0x2f: {  	s23 =	sshrl.u32 s6, $0x3;
	s22 =	sor.u32 $0x1C07, s22;
	s24 =	rddreg [dreg:$0x7]  }
0x30: {  	[hbm:s24], [sflag:s22] =	dma.local [spmem:s23], $0x800  }
0x31: {  	_ =	swait.ge [sflag:s30], $0x800  }
0x32: {  	[sflag:s30] =	ssyncset.done $0x0;
	s24 =	rddreg [dreg:$0x8]  }
0x33: {  	s25 =	rddreg [dreg:$0xf];
	[sflag:s30] =	ssyncadd.s32 $0xFFFFF800  }
0x34: {  	[hbm:s24], [sflag:s22] =	dma.local [spmem:s25], $0x800  }
0x35: {  	_ =	swait.ge [sflag:s30], $0x800  }
0x36: {  	[sflag:s30] =	ssyncset.done $0x0;
	s24 =	rddreg [dreg:$0x9]  }
0x37: {  	s25 =	rddreg [dreg:$0x10];
	[sflag:s30] =	ssyncadd.s32 $0xFFFFF800  }
0x38: {  	[hbm:s24], [sflag:s22] =	dma.local [spmem:s25], $0x800  }
0x39: {  	_ =	swait.ge [sflag:s30], $0x800  }
0x3a: {  	[sflag:s30] =	ssyncset.done $0x0;
	s24 =	rddreg [dreg:$0xa]  }
0x3b: {  	s25 =	rddreg [dreg:$0x11];
	[sflag:s30] =	ssyncadd.s32 $0xFFFFF800  }
0x3c: {  	[hbm:s24], [sflag:s22] =	dma.local [spmem:s25], $0x800  }
0x3d: {  	_ =	swait.ge [sflag:s30], $0x800  }
0x3e: {  	[sflag:s30] =	ssyncset.done $0x0;
	s24 =	rddreg [dreg:$0xb]  }
0x3f: {  	s25 =	rddreg [dreg:$0x12];
	[sflag:s30] =	ssyncadd.s32 $0xFFFFF800  }
0x40: {  	[hbm:s24], [sflag:s22] =	dma.local [spmem:s25], $0x800  }
0x41: {  	_ =	swait.ge [sflag:s30], $0x800  }
0x42: {  	s21 =	sadd.s32 $0x1, s21;
	s25 =	rddreg [dreg:$0xc]  }
0x43: {  	p0 =	sne.s32 s21, s25  }
.Ltmp1:
0x44: {  	_ = 	snop;
	(pc) =	sbr.rel @!p0 .LBB2_7-.Ltmp1, $4  }
0x45: {  	_ = 	snop  }
0x46: {  	[sflag:s30] =	ssyncset.done $0x0  }
0x47: {  	[sflag:s30] =	ssyncadd.s32 $0xFFFFF800  }
0x48: {  	_ =	strace $0x90000050  }
.LBB2_1:
0x49: {  	_ =	strace $0x8000004E;
	s22 =	simm.s32 $0x0;
	s23 =	simm.s32 $0x200  }
.LBB2_2:
0x4a: {  	p0 =	seq.s32 s23, $0xFE00;
	[tilespmem:s22+$0x470] =	vst v0  }
0x4b: {  	[tilespmem:s22+$0x400] =	vst v0  }
0x4c: {  	[tilespmem:s22+$0x410] =	vst v0  }
.Ltmp2:
0x4d: {  	[tilespmem:s22+$0x420] =	vst v0;
	(pc) =	sbr.rel @!p0 .LBB2_2-.Ltmp2, $4  }
0x4e: {  	[tilespmem:s22+$0x430] =	vst v0  }
0x4f: {  	[tilespmem:s22+$0x440] =	vst v0  }
0x50: {  	[tilespmem:s22+$0x450] =	vst v0  }
0x51: {  	[tilespmem:s22+$0x460] =	vst v0;
	s22 =	sshra.s32 s23, $0x2;
	s23 =	sadd.s32 $0x200, s23  }
0x52: {  	[tilespmem:s22+$0x470] =	vst v0  }
0x53: {  	[tilespmem:s22+$0x400] =	vst v0  }
0x54: {  	[tilespmem:s22+$0x410] =	vst v0  }
0x55: {  	[tilespmem:s22+$0x420] =	vst v0  }
0x56: {  	[tilespmem:s22+$0x430] =	vst v0  }
0x57: {  	[tilespmem:s22+$0x440] =	vst v0  }
0x58: {  	[tilespmem:s22+$0x450] =	vst v0  }
0x59: {  	[tilespmem:s22+$0x460] =	vst v0  }
0x5a: {  	[spmem:s6] =	stream.linear.scatter [tilespmem:s29], [sflag:$0x7], $0x4000, $0x200038;
	[tilespmem:$0x1C400] =	vst v63  }
0x5b: {  	_ =	swait.ge [sflag:s30], $0x4000  }
0x5c: {  	[sflag:s30] =	ssyncset.done $0x0  }
0x5d: {  	s23 =	rddreg [dreg:$0xd];
	[sflag:s30] =	ssyncadd.s32 $0xFFFFC000  }
0x5e: {  	[spmem:s23] =	stream.linear.scatter [tilespmem:s29], [sflag:$0x7], $0x4000, $0x200038;
	[tilespmem:$0x1C400] =	vst v63  }
0x5f: {  	_ =	swait.ge [sflag:s30], $0x4000  }
0x60: {  	[sflag:s30] =	ssyncset.done $0x0  }
0x61: {  	s24 =	rddreg [dreg:$0xe];
	[sflag:s30] =	ssyncadd.s32 $0xFFFFC000  }
0x62: {  	[spmem:s24] =	stream.linear.scatter [tilespmem:s29], [sflag:$0x7], $0x4000, $0x200038;
	[tilespmem:$0x1C400] =	vst v63  }
0x63: {  	_ =	swait.ge [sflag:s30], $0x4000  }
0x64: {  	[sflag:s30] =	ssyncset.done $0x0  }
0x65: {  	[sflag:s30] =	ssyncadd.s32 $0xFFFFC000  }
0x66: {  	[spmem:s26] =	stream.linear.scatter [tilespmem:s29], [sflag:$0x7], $0x4000, $0x200038;
	[tilespmem:$0x1C400] =	vst v63  }
0x67: {  	_ =	swait.ge [sflag:s30], $0x4000  }
0x68: {  	[sflag:s30] =	ssyncset.done $0x0  }
0x69: {  	[sflag:s30] =	ssyncadd.s32 $0xFFFFC000  }
0x6a: {  	[spmem:s28] =	stream.linear.scatter [tilespmem:s29], [sflag:$0x7], $0x4000, $0x200038;
	[tilespmem:$0x1C400] =	vst v63  }
0x6b: {  	_ =	swait.ge [sflag:s30], $0x4000  }
0x6c: {  	[sflag:s30] =	ssyncset.done $0x0  }
0x6d: {  	[sflag:s30] =	ssyncadd.s32 $0xFFFFC000  }
0x6e: {  	[bflag:$0x0] =	sbarrier.arrive $0xFFFF  }
0x6f: {  	_ =	strace $0x9000004E  }
0x70: {  	_ =	strace $0x8000004F  }
0x71: {  	s22 =	simm.s32 $0x0;
	s23 =	rddreg [dreg:$0x3]  }
0x72: {  	[tilespmem:s22], [sflag:$0x3] =	stream.linear.gather [hbm4b:s23+s22], $0x100, $0x200038;
	[tilespmem:$0x1C400] =	vst v63  }
0x73: {  	s25 =	rddreg [dreg:$0x4]  }
0x74: {  	[tilespmem:s31], [sflag:$0x4] =	stream.linear.gather [hbm4b:s25+s22], $0x100, $0x200038;
	[tilespmem:$0x1C400] =	vst v63  }
0x75: {  	s24 =	rddreg [dreg:$0x5]  }
0x76: {  	[tilespmem:s0], [sflag:$0x5] =	stream.linear.gather [hbm4b:s24+s22], $0x100, $0x200038;
	[tilespmem:$0x1C400] =	vst v63  }
0x77: {  	s25 =	rddreg [dreg:$0x6]  }
0x78: {  	[tilespmem:s2], [sflag:$0x6] =	stream.linear.gather [hbm4b:s25+s22], $0x100, $0x200038;
	[tilespmem:$0x1C400] =	vst v63  }
0x79: {  	_ =	swait.ge [sflag:s7], $0x100  }
0x7a: {  	[sflag:s7] =	ssyncset.done $0x0  }
0x7b: {  	[sflag:s7] =	ssyncadd.s32 $0xFFFFFF00  }
0x7c: {  	[tilespmem:s29], [sflag:$0x1] =	stream.indirect.gather [hbm4b:s4+s8], $0x80, s22, s8, $0x2000b8;
	[tilespmem:$0x1C400] =	vst v63  }
0x7d: {  	_ =	swait.ge [sflag:s9], $0x100  }
0x7e: {  	[sflag:s9] =	ssyncset.done $0x0  }
0x7f: {  	[sflag:s9] =	ssyncadd.s32 $0xFFFFFF00  }
0x80: {  	[tilespmem:s10], [sflag:$0x2] =	stream.indirect.gather [hbm4b:s4+s8], $0x80, s31, s8, $0x2000b8;
	[tilespmem:$0x1C400] =	vst v63  }
.LBB2_4:
0x81: {  	_ =	swait.ge [sflag:s11], $0x4000  }
0x82: {  	[sflag:s11] =	ssyncset.done $0x0  }
0x83: {  	[sflag:s11] =	ssyncadd.s32 $0xFFFFC000  }
0x84: {  	[spmem:s1] =	stream.indirect.scatter.add.f32 [tilespmem:s29], [sflag:$0x7], $0x80, s8, s8, $0x2000b8;
	[tilespmem:$0x1C400] =	vst v63  }
0x85: {  	_ =	swait.ge [sflag:s30], $0x4000  }
0x86: {  	p0 =	seq.s32 s22, $0x980;
	[sflag:s30] =	ssyncset.done $0x0  }
0x87: {  	s23 =	sadd.s32 @!p0 s22, s20;
	s24 =	simm.s32 @!p0 $0x0;
	[sflag:s30] =	ssyncadd.s32 $0xFFFFC000  }
0x88: {  	[tilespmem:s24], [sflag:$0x3] =	stream.linear.gather @!p0 [hbm4b:s23+s24], $0x100, $0x200038;
	[tilespmem:$0x1C400] =	vst v63  }
0x89: {  	_ =	swait.ge [sflag:s12], $0x100  }
0x8a: {  	[sflag:s12] =	ssyncset.done $0x0  }
0x8b: {  	[sflag:s12] =	ssyncadd.s32 $0xFFFFFF00  }
0x8c: {  	[tilespmem:s29], [sflag:$0x1] =	stream.indirect.gather [hbm4b:s4+s8], $0x80, s0, s8, $0x2000b8;
	[tilespmem:$0x1C400] =	vst v63  }
0x8d: {  	_ =	swait.ge [sflag:s5], $0x4000  }
0x8e: {  	[sflag:s5] =	ssyncset.done $0x0  }
0x8f: {  	[sflag:s5] =	ssyncadd.s32 $0xFFFFC000  }
0x90: {  	[spmem:s1] =	stream.indirect.scatter.add.f32 [tilespmem:s10], [sflag:$0x7], $0x80, s13, s8, $0x2000b8;
	[tilespmem:$0x1C400] =	vst v63  }
0x91: {  	_ =	swait.ge [sflag:s30], $0x4000  }
0x92: {  	[sflag:s30] =	ssyncset.done $0x0  }
0x93: {  	s25 =	simm.s32 @!p0 $0x100;
	s23 =	sadd.s32 @!p0 s22, s19;
	[sflag:s30] =	ssyncadd.s32 $0xFFFFC000  }
0x94: {  	[tilespmem:s25], [sflag:$0x4] =	stream.linear.gather @!p0 [hbm4b:s23+s24], $0x100, $0x200038;
	[tilespmem:$0x1C400] =	vst v63  }
0x95: {  	_ =	swait.ge [sflag:s14], $0x100  }
0x96: {  	[sflag:s14] =	ssyncset.done $0x0  }
0x97: {  	[sflag:s14] =	ssyncadd.s32 $0xFFFFFF00  }
0x98: {  	[tilespmem:s10], [sflag:$0x2] =	stream.indirect.gather [hbm4b:s4+s8], $0x80, s2, s8, $0x2000b8;
	[tilespmem:$0x1C400] =	vst v63  }
0x99: {  	_ =	swait.ge [sflag:s11], $0x4000  }
0x9a: {  	[sflag:s11] =	ssyncset.done $0x0  }
.Ltmp3:
0x9b: {  	[sflag:s11] =	ssyncadd.s32 $0xFFFFC000;
	(pc) =	sbr.rel @p0 .LBB2_6-.Ltmp3, $4  }
0x9c: {  	[spmem:s1] =	stream.indirect.scatter.add.f32 [tilespmem:s29], [sflag:$0x7], $0x80, s15, s8, $0x2000b8;
	[tilespmem:$0x1C400] =	vst v63  }
0x9d: {  	_ =	swait.ge [sflag:s30], $0x4000  }
0x9e: {  	[sflag:s30] =	ssyncset.done $0x0  }
0x9f: {  	[sflag:s30] =	ssyncadd.s32 $0xFFFFC000  }
0xa0: {  	s23 =	sadd.s32 s22, s18  }
0xa1: {  	[tilespmem:s0], [sflag:$0x5] =	stream.linear.gather [hbm4b:s23+s3], $0x100, $0x200038;
	[tilespmem:$0x1C400] =	vst v63  }
0xa2: {  	_ =	swait.ge [sflag:s7], $0x100  }
0xa3: {  	[sflag:s7] =	ssyncset.done $0x0  }
0xa4: {  	[sflag:s7] =	ssyncadd.s32 $0xFFFFFF00  }
0xa5: {  	[tilespmem:s29], [sflag:$0x1] =	stream.indirect.gather [hbm4b:s4+s8], $0x80, s3, s8, $0x2000b8;
	[tilespmem:$0x1C400] =	vst v63  }
0xa6: {  	_ =	swait.ge [sflag:s5], $0x4000  }
0xa7: {  	[sflag:s5] =	ssyncset.done $0x0  }
0xa8: {  	[sflag:s5] =	ssyncadd.s32 $0xFFFFC000  }
0xa9: {  	[spmem:s1] =	stream.indirect.scatter.add.f32 [tilespmem:s10], [sflag:$0x7], $0x80, s16, s8, $0x2000b8;
	[tilespmem:$0x1C400] =	vst v63  }
0xaa: {  	_ =	swait.ge [sflag:s30], $0x4000  }
0xab: {  	[sflag:s30] =	ssyncset.done $0x0  }
0xac: {  	s25 =	sadd.s32 s22, s17;
	[sflag:s30] =	ssyncadd.s32 $0xFFFFC000  }
0xad: {  	[tilespmem:s2], [sflag:$0x6] =	stream.linear.gather [hbm4b:s25+s3], $0x100, $0x200038;
	[tilespmem:$0x1C400] =	vst v63  }
.Ltmp4:
0xae: {  	_ = 	snop;
	(pc) =	sbr.rel .LBB2_4-.Ltmp4, $4  }
0xaf: {  	_ =	swait.ge [sflag:s9], $0x100  }
0xb0: {  	[sflag:s9] =	ssyncset.done $0x0  }
0xb1: {  	s22 =	sadd.s32 $0x80, s22;
	[sflag:s9] =	ssyncadd.s32 $0xFFFFFF00  }
0xb2: {  	[tilespmem:s10], [sflag:$0x2] =	stream.indirect.gather [hbm4b:s4+s8], $0x80, s31, s8, $0x2000b8;
	[tilespmem:$0x1C400] =	vst v63  }
.LBB2_7:
0xb3: {  	_ =	sfence.sel $0x180000  }
0xb4: {  	[bflag:$0x0] =	sbarrier.arrive $0xFFFF  }
0xb5: {  	_ =	strace $0x9000004D  }
0xb6: {  	s0 =	stileid.u32;
	[bflag:$0x2] =	sbarrier.arrive $0xFFFF  }
0xb7: {  	p0 =	sne.s32 s0, $0x0;
	s0 =	rddreg [dreg:$0x2]  }
0xb8: {  	s0 =	sadd.s32 @!p0 $0x100000, s0  }
0xb9: {  	[sflag:s0] =	ssyncadd.tile.s32 @!p0 $0x1;
	_ =	shalt  }
.Lfunc_end2:
_tile_overlayer_lowered:
.L_overlay_start_2:
0xba: {  	(tag) =	ssettag $0x2  }
0xbb: {  	s0 =	rddreg [dreg:$0x0];
	s2 =	stileid.u32  }
0xbc: {  	s1 =	rddreg [dreg:$0x1];
	p0 =	sne.s32 s2, $0x0  }
0xbd: {  	s3 =	rddreg [dreg:$0x2];
	[bflag:$0x3] =	sbarrier.arrive $0xFFFF;
	s2 =	simm.s32 @!p0 $0x1C07  }
0xbe: {  	[timem:s3], [sflag:s2] =	dma.local @!p0 [hbm:s0], s1  }
0xbf: {  	s0 =	simm.s32 @!p0 $0x7  }
0xc0: {  	_ =	swait.ge @!p0 [sflag:s0], s1  }
0xc1: {  	s1 =	ssub.s32 @!p0 $0x0, s1;
	[sflag:s0] =	ssyncset.done @!p0 $0x0  }
0xc2: {  	[sflag:s0] =	ssyncadd.s32 @!p0 s1  }
0xc3: {  	[bflag:$0x3] =	sbarrier.arrive $0xFFFF  }
0xc4: {  	_ =	shalt  }

// kernel: kernel.15.cloned.1.call-start
scs
__scs_entry_jumppad:
0x0: {  	(pc) =	sbr.rel $0x88, $3  }
0x1: {  	(tag) =	ssettag $0x0;
	lr =	simm.s32 $0x1  }
0x2: {  	[smem:$0x3F98] =	sst lr;
	_ =	strace $0xD0000000  }
0x3: {  	_ = 	snop  }
0x4: {  	_ = 	snop  }
0x5: {  	_ = 	snop  }
0x6: {  	_ = 	snop  }
0x7: {  	_ = 	snop  }
__scs_overlays_trampoline_lowered:
0x8: {  	[smem:$0x3FA7] =	sst s0  }
0x9: {  	[smem:$0x3FA8] =	sst s1  }
0xa: {  	[smem:$0x3FA9] =	sst s2  }
0xb: {  	[smem:$0x3FAA] =	sst s3  }
0xc: {  	[smem:$0x3FAB] =	sst s4  }
0xd: {  	[smem:$0x3FAC] =	sst s5  }
0xe: {  	[smem:$0x3FAD] =	sst s6  }
0xf: {  	[smem:$0x3FAE] =	sst s7  }
0x10: {  	[smem:$0x3FAF] =	sst s8  }
0x11: {  	[smem:$0x3FB0] =	sst s9;
	s0 =	simm.s32 @!p0 $0x0  }
0x12: {  	s1 =	sld [smem:$0x3F96];
	s0 =	simm.s32 @p0 $0x1  }
0x13: {  	[smem:$0x3FB1] =	sst s0;
	s0 =	simm.s32 @!p1 $0x0  }
0x14: {  	s2 =	sld [smem:$0x3F95];
	s0 =	simm.s32 @p1 $0x1  }
0x15: {  	[smem:$0x3FB2] =	sst s0;
	s0 =	simm.s32 @!p2 $0x0  }
0x16: {  	s3 =	sld [smem:$0x3FDB];
	s0 =	simm.s32 @p2 $0x1  }
0x17: {  	s4 =	simm.s32 $0x1BF5;
	[smem:$0x3FB4] =	sst s0  }
0x18: {  	s0 =	sld [smem:$0x3F97];
	_ =	swait.ge [sflag:s4], $0x0  }
0x19: {  	s7 =	sld [smem:$0x3F98]  }
0x1a: {  	s8 =	sadd.s32 $0xFFFFE003, lr  }
0x1b: {  	s9 =	sadd.s32 $0xFFFFFEF7, lr;
	s5 =	simm.s32 $0xFFFFFFFF;
	p2 =	slt.u32 s8, $0xFFFFF086  }
0x1c: {  	p1 =	slt.u32 s9, $0xF7A;
	s5 =	simm.s32 @!p2 $0x0  }
0x1d: {  	s5 =	simm.s32 @p1 $0x1;
	p0 =	seq.s32 s7, s2  }
0x1e: {  	s7 =	smul.u32 @!p0 $0xF7A, s2;
	p2 =	seq.s32 @!p0 s5, $0x0  }
0x1f: {  	s9 =	smul.u32 $0xF7A, s1;
	s8 =	simm.s32 @!p0 $0x1BF5;
	p2 =	por !p2, p0  }
0x20: {  	[sflag:s8] =	ssyncset.s32 @!p0 $0xFFFFF086;
	s6 =	sadd.s32 @!p0 s3, s7;
	s7 =	simm.s32 @!p0 $0x108  }
0x21: {  	s3 =	sadd.s32 s3, s9;
	s6 =	sadd.s32 @!p0 $0x88, s6;
	s7 =	simm.s32 @p2 $0x1082  }
0x22: {  	[simem:s7], [sflag:s8] =	dma.local @!p0 [hbm:s6], $0xF7A  }
0x23: {  	s9 =	sor.u32 $0xD0000000, s2;
	s6 =	simm.s32 $0x108;
	_ =	swait.ge @!p0 [sflag:s8], $0x0  }
0x24: {  	s3 =	sadd.s32 $0x88, s3;
	s6 =	simm.s32 @!p1 $0x1082;
	[sflag:s4] =	ssyncset.s32 $0xFFFFF086  }
0x25: {  	[simem:s6], [sflag:s4] =	dma.local [hbm:s3], $0xF7A  }
0x26: {  	[smem:$0x3F98] =	sst s1;
	(tag) =	ssettag s2;
	_ =	strace s9  }
0x27: {  	s1 =	sld [smem:$0x3FA8]  }
0x28: {  	s2 =	sld [smem:$0x3FA9]  }
0x29: {  	s4 =	sld [smem:$0x3FAB]  }
0x2a: {  	p0 =	seq.s32 s5, $0x0;
	s5 =	sld [smem:$0x3FAC]  }
0x2b: {  	s6 =	sld [smem:$0x3FAD]  }
0x2c: {  	s7 =	sld [smem:$0x3FAE]  }
0x2d: {  	s3 =	simm.s32 $0x108;
	s8 =	sld [smem:$0x3FAF]  }
0x2e: {  	s3 =	simm.s32 @!p0 $0x1082;
	s9 =	sld [smem:$0x3FB0]  }
0x2f: {  	lr =	sadd.s32 s0, s3;
	s0 =	sld [smem:$0x3FA7]  }
0x30: {  	s3 =	sld [smem:$0x3FAA]  }
0x31: {  	[smem:$0x3FB3] =	sst s10  }
0x32: {  	s10 =	sld [smem:$0x3FB1];
	_ =	sdelay $0x3  }
0x33: {  	p0 =	seq.s32 s10, $0x1;
	s10 =	sld [smem:$0x3FB3];
	_ =	sdelay $0x3  }
0x34: {  	[smem:$0x3FB3] =	sst s10  }
0x35: {  	s10 =	sld [smem:$0x3FB2];
	_ =	sdelay $0x3  }
0x36: {  	p1 =	seq.s32 s10, $0x1;
	s10 =	sld [smem:$0x3FB3];
	_ =	sdelay $0x3  }
0x37: {  	[smem:$0x3FB3] =	sst s10  }
0x38: {  	s10 =	sld [smem:$0x3FB4]  }
0x39: {  	_ = 	snop;
	(pc) =	sbr.ind lr, $3  }
0x3a: {  	_ = 	snop  }
0x3b: {  	_ = 	snop  }
0x3c: {  	p2 =	seq.s32 s10, $0x1;
	s10 =	sld [smem:$0x3FB3]  }
0x3d: {  	_ =	shalt  }
0x3e: {  	_ =	shalt  }
0x3f: {  	_ =	shalt  }
0x40: {  	_ =	shalt  }
0x41: {  	_ =	shalt  }
0x42: {  	_ =	shalt  }
0x43: {  	_ =	shalt  }
0x44: {  	_ =	shalt  }
0x45: {  	_ =	shalt  }
0x46: {  	_ =	shalt  }
0x47: {  	_ =	shalt  }
0x48: {  	_ =	shalt  }
0x49: {  	_ =	shalt  }
0x4a: {  	_ =	shalt  }
0x4b: {  	_ =	shalt  }
0x4c: {  	_ =	shalt  }
0x4d: {  	_ =	shalt  }
0x4e: {  	_ =	shalt  }
0x4f: {  	_ =	shalt  }
0x50: {  	_ =	shalt  }
0x51: {  	_ =	shalt  }
0x52: {  	_ =	shalt  }
0x53: {  	_ =	shalt  }
0x54: {  	_ =	shalt  }
0x55: {  	_ =	shalt  }
0x56: {  	_ =	shalt  }
0x57: {  	_ =	shalt  }
0x58: {  	_ =	shalt  }
0x59: {  	_ =	shalt  }
0x5a: {  	_ =	shalt  }
0x5b: {  	_ =	shalt  }
0x5c: {  	_ =	shalt  }
0x5d: {  	_ =	shalt  }
0x5e: {  	_ =	shalt  }
0x5f: {  	_ =	shalt  }
0x60: {  	_ =	shalt  }
0x61: {  	_ =	shalt  }
0x62: {  	_ =	shalt  }
0x63: {  	_ =	shalt  }
0x64: {  	_ =	shalt  }
0x65: {  	_ =	shalt  }
0x66: {  	_ =	shalt  }
0x67: {  	_ =	shalt  }
0x68: {  	_ =	shalt  }
0x69: {  	_ =	shalt  }
0x6a: {  	_ =	shalt  }
0x6b: {  	_ =	shalt  }
0x6c: {  	_ =	shalt  }
0x6d: {  	_ =	shalt  }
0x6e: {  	_ =	shalt  }
0x6f: {  	_ =	shalt  }
0x70: {  	_ =	shalt  }
0x71: {  	_ =	shalt  }
0x72: {  	_ =	shalt  }
0x73: {  	_ =	shalt  }
0x74: {  	_ =	shalt  }
0x75: {  	_ =	shalt  }
0x76: {  	_ =	shalt  }
0x77: {  	_ =	shalt  }
0x78: {  	_ =	shalt  }
0x79: {  	_ =	shalt  }
0x7a: {  	_ =	shalt  }
0x7b: {  	_ =	shalt  }
0x7c: {  	_ =	shalt  }
0x7d: {  	_ =	shalt  }
0x7e: {  	_ =	shalt  }
0x7f: {  	_ =	shalt  }
0x80: {  	_ =	shalt  }
0x81: {  	_ =	shalt  }
0x82: {  	_ =	shalt  }
0x83: {  	_ =	shalt  }
0x84: {  	_ =	shalt  }
0x85: {  	_ =	shalt  }
0x86: {  	_ =	shalt  }
0x87: {  	_ =	shalt  }
.Lfunc_end0:
.L_simem_size_0:
called_computation.2_lowered:
.L_overlay_start_0:
0x88: {  	s2 =	sld [smem:$0x3FD9]  }
0x89: {  	s3 =	sld [smem:$0x3FFE];
	_ =	sdelay $0x1  }
0x8a: {  	s1 =	srdreg.scid  }
0x8b: {  	s0 =	sand.u32 $0x1, s1  }
0x8c: {  	s16 =	sshll.u32 s0, $0xA;
	s2 =	sadd.s32 s3, s2  }
0x8d: {  	s2 =	sadd.s32 s2, s16  }
0x8e: {  	[smem:$0x3FBF] =	sst s2  }
0x8f: {  	_ = 	snop  }
0x90: {  	(tm) =	ssettm $0x1  }
0x91: {  	s17 =	sld [smem:$0x3FFB];
	_ =	sdelay $0x3  }
0x92: {  	_ =	strace s17  }
0x93: {  	s2 =	sld [smem:$0x3FFC];
	_ =	sdelay $0x3  }
0x94: {  	_ =	strace s2  }
0x95: {  	s2 =	sld [smem:$0x3FFD];
	_ =	sdelay $0x3  }
0x96: {  	_ =	strace s2  }
0x97: {  	_ =	strace $0x8FFFFFFF  }
0x98: {  	s18 =	sld [smem:$0x3FDB];
	_ =	sdelay $0x1  }
0x99: {  	s19 =	simm.s32 $_scs_section_size  }
0x9a: {  	s4 =	simm.s32 $_size__tile_overlayer_lowered;
	s5 =	simm.s32 $_tile_overlayer_lowered  }
0x9b: {  	s22 =	simm.s32 $0x1BFF;
	s21 =	sshll.u32 s5, $0x1;
	s2 =	sadd.s32 s19, s18  }
0x9c: {  	s6 =	simm.s32 $0x0;
	s20 =	sshll.u32 s4, $0x1;
	s4 =	sadd.s32 s21, s2  }
0x9d: {  	[timem:s6], [sflag:s22] =	dma.local [hbm:s4], s20  }
0x9e: {  	_ =	swait.ge [sflag:s22], s20  }
0x9f: {  	s3 =	ssub.s32 $0x0, s20;
	[sflag:s22] =	ssyncset.done $0x0  }
0xa0: {  	[sflag:s22] =	ssyncadd.s32 s3;
	_ =	sdelay $0x1  }
0xa1: {  	s23 =	simm.s32 $0x1B8B  }
0xa2: {  	_ =	swait.ge [sflag:s23], $0x1  }
0xa3: {  	[sflag:s23] =	ssyncset.done $0x0  }
0xa4: {  	s25 =	simm.s32 $0x1B8E;
	s24 =	sld [smem:$0x3FFE];
	[sflag:s23] =	ssyncadd.s32 $0xFFFFFFFF  }
0xa5: {  	s26 =	simm.s32 $execute0_lowered;
	[smem:$0x3FD2] =	sst s25  }
0xa6: {  	s4 =	sshll.u32 s26, $0x1;
	_ =	strace $0x80000052;
	[dreg:$0x1] =	wrdreg $0xFFFFFFFF  }
0xa7: {  	s28 =	simm.s32 $_size_execute0_lowered;
	s2 =	sadd.s32 s2, s4;
	[dreg:$0x0] =	wrdreg $0x0  }
0xa8: {  	s4 =	sshll.u32 s28, $0x1;
	[dreg:$0x2] =	wrdreg s2  }
0xa9: {  	[dreg:$0x3] =	wrdreg s4  }
0xaa: {  	[dreg:$0x4] =	wrdreg $0xC0  }
0xab: {  	_ =	task [dreg:s6], $0x5FFFF  }
0xac: {  	[dreg:$0x1] =	wrdreg $0xFFFFFFFF  }
0xad: {  	[dreg:$0x0] =	wrdreg $0x60  }
0xae: {  	[dreg:$0x2] =	wrdreg s24  }
0xaf: {  	[dreg:$0x3] =	wrdreg $0x84000  }
0xb0: {  	[dreg:$0x4] =	wrdreg $0x9  }
0xb1: {  	_ =	task.clear_ibuf [dreg:s6], $0x5FFFF;
	_ =	strace $0x90000052  }
0xb2: {  	s29 =	simm.s32 $0x9;
	_ =	strace $0x80000057  }
0xb3: {  	_ =	swait.ge [sflag:s29], $0x1  }
0xb4: {  	[sflag:s29] =	ssyncadd.s32 $0xFFFFFFFF  }
0xb5: {  	_ =	strace $0x90000057  }
0xb6: {  	_ =	sfence  }
0xb7: {  	s30 =	sld [smem:$0x0];
	_ =	sdelay $0x2  }
0xb8: {  	s31 =	sshll.u32 s1, $0xD;
	s1 =	sshrl.u32 s1, $0x2  }
0xb9: {  	s3 =	sand.u32 $0x4000, s31;
	s1 =	sadd.s32 s1, s30  }
0xba: {  	s0 =	sor.u32 s3, s0;
	s1 =	sshll.u32 s1, $0x11  }
0xbb: {  	s0 =	sor.u32 s1, s0  }
0xbc: {  	s0 =	sadd.s32 $0x8F2B, s0  }
0xbd: {  	[sflag:s0] =	ssyncadd.remote.s32 $0x1  }
0xbe: {  	_ =	sfence.sel $0xFFFF  }
0xbf: {  	[dreg:$0x0] =	wrdreg $0xFFFFFFFF;
	(pc) =	sbr.abs _section_cstart, $3  }
0xc0: {  	[dreg:$0x1] =	wrdreg $0xFFFFFFFF  }
0xc1: {  	_ =	task.clear_ibuf [dreg:s6], $0x2FFFF;
	_ =	strace $0x9FFFFFFF  }
0xc2: {  	(tm) =	ssettm $0x7FFFFFFF  }
0xc3: {  	_ =	shalt  }
tec
execute0_lowered:
.L_overlay_start_1:
0x0: {  	(tag) =	ssettag $0x1  }
0x1: {  	s0 =	rddreg [dreg:$0x0]  }
0x2: {  	s1 =	rddreg [dreg:$0x1];
	s3 =	simm.s32 $0x0  }
0x3: {  	s2 =	srdreg.scid;
	s11 =	stileid.u32;
	s29 =	simm.s32 $0x400  }
0x4: {  	s30 =	simm.s32 $0x7;
	s31 =	simm.s32 $0x100;
	s6 =	smul.u32 $0x5000, s11  }
0x5: {  	[smem:$0x7FF] =	sst s3;
	s2 =	sand.u32 $0x1, s2;
	s9 =	smul.u32 $0x50000, s11  }
0x6: {  	s4 =	sadd.s32 $0x17800, s0;
	s7 =	sadd.s32 $0x3800, s0;
	s18 =	smul.u32 $0x14000, s11  }
0x7: {  	s0 =	sadd.s32 $0x3EA00, s0;
	s5 =	smul.u32 $0x50000, s2;
	s8 =	ssub.s32 $0x2, s2  }
0x8: {  	_ =	strace $0x80000053;
	s2 =	smul.u32 $0x140000, s2;
	s17 =	sshrl.u32 s8, $0x1  }
0x9: {  	s9 =	sshrl.u32 s9, $0x2;
	s11 =	sadd.s32 $0x4000, s18;
	s24 =	sadd.s32 $0x8000, s18  }
0xa: {  	s13 =	sadd.s32 $0xC000, s18;
	s5 =	sadd.s32 s6, s5;
	s8 =	ssub.s32 s8, s17  }
0xb: {  	s6 =	sadd.s32 s9, s1;
	s21 =	sadd.s32 s18, s2;
	s22 =	sadd.s32 s2, s11  }
0xc: {  	s25 =	sadd.s32 s2, s24;
	s11 =	sadd.s32 s11, s1;
	s14 =	sadd.s32 s2, s13  }
0xd: {  	s10 =	sshrl.u32 s5, $0x3;
	s9 =	sshrl.u32 s21, $0x3;
	s23 =	sshrl.u32 s22, $0x3  }
0xe: {  	s26 =	sshrl.u32 s14, $0x3;
	s14 =	sadd.s32 s13, s1;
	s15 =	sor.u32 $0x700, s5  }
0xf: {  	s8 =	smax.u32 s8, $0x1;
	s21 =	sor.u32 $0x600, s5;
	s22 =	sor.u32 $0x500, s5  }
0x10: {  	s5 =	sor.u32 $0x400, s5;
	s28 =	sadd.s32 $0x10000, s6;
	s13 =	simm.s32 $0x180  }
0x11: {  	s12 =	sadd.s32 s7, s10;
	s9 =	sadd.s32 s0, s9;
	[dreg:$0xc] =	wrdreg s8  }
0x12: {  	s10 =	sadd.s32 $0x10000, s18;
	s8 =	sshrl.u32 s22, $0x3;
	[dreg:$0x3] =	wrdreg s12  }
0x13: {  	s5 =	sshrl.u32 s5, $0x3;
	s19 =	sadd.s32 $0x20, s12;
	[dreg:$0x7] =	wrdreg s9  }
0x14: {  	s20 =	sadd.s32 $0x40, s12;
	s12 =	sadd.s32 $0x60, s12;
	[dreg:$0x4] =	wrdreg s19  }
0x15: {  	s9 =	sadd.s32 s0, s23;
	s2 =	sadd.s32 s2, s10;
	[dreg:$0x5] =	wrdreg s20  }
0x16: {  	s16 =	sadd.s32 s10, s1;
	s23 =	sadd.s32 $0x8000, s6;
	[dreg:$0x6] =	wrdreg s12  }
0x17: {  	s10 =	simm.s32 $0x4400;
	[dreg:$0x8] =	wrdreg s9;
	s9 =	sshrl.u32 s25, $0x3  }
0x18: {  	s12 =	sadd.s32 s24, s1;
	s2 =	sshrl.u32 s2, $0x3;
	s19 =	sshrl.u32 s15, $0x3  }
0x19: {  	s20 =	sadd.s32 $0x4000, s6;
	[dreg:$0xe] =	wrdreg s23;
	s24 =	sshrl.u32 s11, $0x3  }
0x1a: {  	s11 =	simm.s32 $0x1;
	s15 =	simm.s32 $0x280;
	s9 =	sadd.s32 s0, s9  }
0x1b: {  	[dreg:$0xd] =	wrdreg s20;
	s17 =	sadd.s32 s19, s7;
	s19 =	sadd.s32 s8, s7  }
0x1c: {  	s20 =	sadd.s32 s5, s7;
	[dreg:$0xf] =	wrdreg s24;
	s25 =	sshrl.u32 s12, $0x3  }
0x1d: {  	s8 =	simm.s32 $0x80;
	s12 =	simm.s32 $0x5;
	s5 =	simm.s32 $0x2  }
0x1e: {  	[dreg:$0x9] =	wrdreg s9;
	s9 =	sadd.s32 s0, s26;
	s0 =	sadd.s32 s0, s2  }
0x1f: {  	s2 =	sshrl.u32 s21, $0x3;
	[dreg:$0x10] =	wrdreg s25;
	s26 =	sshrl.u32 s14, $0x3  }
.Ltmp0:
0x20: {  	s14 =	simm.s32 $0x6;
	[dreg:$0xa] =	wrdreg s9;
	(pc) =	sbr.rel .LBB2_1-.Ltmp0, $4  }
0x21: {  	s21 =	simm.s32 $0x0;
	[dreg:$0xb] =	wrdreg s0;
	s18 =	sadd.s32 s2, s7  }
0x22: {  	[dreg:$0x11] =	wrdreg s26;
	s0 =	sshrl.u32 s16, $0x3;
	s26 =	sadd.s32 $0xC000, s6  }
0x23: {  	s2 =	simm.s32 $0x300;
	s7 =	simm.s32 $0x3;
	s9 =	simm.s32 $0x4  }
0x24: {  	v0 =	vimm.f32 $0.0e+00;
	s16 =	simm.s32 $0x380;
	[dreg:$0x12] =	wrdreg s0;
	s0 =	simm.s32 $0x200  }
.LBB2_6:
0x25: {  	_ =	swait.ge [sflag:s5], $0x4000  }
0x26: {  	[sflag:s5] =	ssyncset.done $0x0  }
0x27: {  	[sflag:s5] =	ssyncadd.s32 $0xFFFFC000  }
0x28: {  	[spmem:s1] =	stream.indirect.scatter.add.f32 [tilespmem:s10], [sflag:$0x7], $0x80, s16, s8, $0x2000b8;
	[tilespmem:$0x1C400] =	vst v63  }
0x29: {  	_ =	swait.ge [sflag:s30], $0x4000  }
0x2a: {  	[sflag:s30] =	ssyncset.done $0x0  }
0x2b: {  	[sflag:s30] =	ssyncadd.s32 $0xFFFFC000  }
0x2c: {  	[bflag:$0x0] =	sbarrier.arrive $0xFFFF  }
0x2d: {  	s22 =	stileid.u32;
	_ =	strace $0x90000055  }
0x2e: {  	s22 =	sshll.u32 s22, $0x6;
	_ =	strace $0x80000056  }
0x2f: {  	s23 =	sshrl.u32 s6, $0x3;
	s22 =	sor.u32 $0x1C07, s22;
	s24 =	rddreg [dreg:$0x7]  }
0x30: {  	[hbm:s24], [sflag:s22] =	dma.local [spmem:s23], $0x800  }
0x31: {  	_ =	swait.ge [sflag:s30], $0x800  }
0x32: {  	[sflag:s30] =	ssyncset.done $0x0;
	s24 =	rddreg [dreg:$0x8]  }
0x33: {  	s25 =	rddreg [dreg:$0xf];
	[sflag:s30] =	ssyncadd.s32 $0xFFFFF800  }
0x34: {  	[hbm:s24], [sflag:s22] =	dma.local [spmem:s25], $0x800  }
0x35: {  	_ =	swait.ge [sflag:s30], $0x800  }
0x36: {  	[sflag:s30] =	ssyncset.done $0x0;
	s24 =	rddreg [dreg:$0x9]  }
0x37: {  	s25 =	rddreg [dreg:$0x10];
	[sflag:s30] =	ssyncadd.s32 $0xFFFFF800  }
0x38: {  	[hbm:s24], [sflag:s22] =	dma.local [spmem:s25], $0x800  }
0x39: {  	_ =	swait.ge [sflag:s30], $0x800  }
0x3a: {  	[sflag:s30] =	ssyncset.done $0x0;
	s24 =	rddreg [dreg:$0xa]  }
0x3b: {  	s25 =	rddreg [dreg:$0x11];
	[sflag:s30] =	ssyncadd.s32 $0xFFFFF800  }
0x3c: {  	[hbm:s24], [sflag:s22] =	dma.local [spmem:s25], $0x800  }
0x3d: {  	_ =	swait.ge [sflag:s30], $0x800  }
0x3e: {  	[sflag:s30] =	ssyncset.done $0x0;
	s24 =	rddreg [dreg:$0xb]  }
0x3f: {  	s25 =	rddreg [dreg:$0x12];
	[sflag:s30] =	ssyncadd.s32 $0xFFFFF800  }
0x40: {  	[hbm:s24], [sflag:s22] =	dma.local [spmem:s25], $0x800  }
0x41: {  	_ =	swait.ge [sflag:s30], $0x800  }
0x42: {  	s21 =	sadd.s32 $0x1, s21;
	s25 =	rddreg [dreg:$0xc]  }
0x43: {  	p0 =	sne.s32 s21, s25  }
.Ltmp1:
0x44: {  	_ = 	snop;
	(pc) =	sbr.rel @!p0 .LBB2_7-.Ltmp1, $4  }
0x45: {  	_ = 	snop  }
0x46: {  	[sflag:s30] =	ssyncset.done $0x0  }
0x47: {  	[sflag:s30] =	ssyncadd.s32 $0xFFFFF800  }
0x48: {  	_ =	strace $0x90000056  }
.LBB2_1:
0x49: {  	_ =	strace $0x80000054;
	s22 =	simm.s32 $0x0;
	s23 =	simm.s32 $0x200  }
.LBB2_2:
0x4a: {  	p0 =	seq.s32 s23, $0xFE00;
	[tilespmem:s22+$0x470] =	vst v0  }
0x4b: {  	[tilespmem:s22+$0x400] =	vst v0  }
0x4c: {  	[tilespmem:s22+$0x410] =	vst v0  }
.Ltmp2:
0x4d: {  	[tilespmem:s22+$0x420] =	vst v0;
	(pc) =	sbr.rel @!p0 .LBB2_2-.Ltmp2, $4  }
0x4e: {  	[tilespmem:s22+$0x430] =	vst v0  }
0x4f: {  	[tilespmem:s22+$0x440] =	vst v0  }
0x50: {  	[tilespmem:s22+$0x450] =	vst v0  }
0x51: {  	[tilespmem:s22+$0x460] =	vst v0;
	s22 =	sshra.s32 s23, $0x2;
	s23 =	sadd.s32 $0x200, s23  }
0x52: {  	[tilespmem:s22+$0x470] =	vst v0  }
0x53: {  	[tilespmem:s22+$0x400] =	vst v0  }
0x54: {  	[tilespmem:s22+$0x410] =	vst v0  }
0x55: {  	[tilespmem:s22+$0x420] =	vst v0  }
0x56: {  	[tilespmem:s22+$0x430] =	vst v0  }
0x57: {  	[tilespmem:s22+$0x440] =	vst v0  }
0x58: {  	[tilespmem:s22+$0x450] =	vst v0  }
0x59: {  	[tilespmem:s22+$0x460] =	vst v0  }
0x5a: {  	[spmem:s6] =	stream.linear.scatter [tilespmem:s29], [sflag:$0x7], $0x4000, $0x200038;
	[tilespmem:$0x1C400] =	vst v63  }
0x5b: {  	_ =	swait.ge [sflag:s30], $0x4000  }
0x5c: {  	[sflag:s30] =	ssyncset.done $0x0  }
0x5d: {  	s23 =	rddreg [dreg:$0xd];
	[sflag:s30] =	ssyncadd.s32 $0xFFFFC000  }
0x5e: {  	[spmem:s23] =	stream.linear.scatter [tilespmem:s29], [sflag:$0x7], $0x4000, $0x200038;
	[tilespmem:$0x1C400] =	vst v63  }
0x5f: {  	_ =	swait.ge [sflag:s30], $0x4000  }
0x60: {  	[sflag:s30] =	ssyncset.done $0x0  }
0x61: {  	s24 =	rddreg [dreg:$0xe];
	[sflag:s30] =	ssyncadd.s32 $0xFFFFC000  }
0x62: {  	[spmem:s24] =	stream.linear.scatter [tilespmem:s29], [sflag:$0x7], $0x4000, $0x200038;
	[tilespmem:$0x1C400] =	vst v63  }
0x63: {  	_ =	swait.ge [sflag:s30], $0x4000  }
0x64: {  	[sflag:s30] =	ssyncset.done $0x0  }
0x65: {  	[sflag:s30] =	ssyncadd.s32 $0xFFFFC000  }
0x66: {  	[spmem:s26] =	stream.linear.scatter [tilespmem:s29], [sflag:$0x7], $0x4000, $0x200038;
	[tilespmem:$0x1C400] =	vst v63  }
0x67: {  	_ =	swait.ge [sflag:s30], $0x4000  }
0x68: {  	[sflag:s30] =	ssyncset.done $0x0  }
0x69: {  	[sflag:s30] =	ssyncadd.s32 $0xFFFFC000  }
0x6a: {  	[spmem:s28] =	stream.linear.scatter [tilespmem:s29], [sflag:$0x7], $0x4000, $0x200038;
	[tilespmem:$0x1C400] =	vst v63  }
0x6b: {  	_ =	swait.ge [sflag:s30], $0x4000  }
0x6c: {  	[sflag:s30] =	ssyncset.done $0x0  }
0x6d: {  	[sflag:s30] =	ssyncadd.s32 $0xFFFFC000  }
0x6e: {  	[bflag:$0x0] =	sbarrier.arrive $0xFFFF  }
0x6f: {  	_ =	strace $0x90000054  }
0x70: {  	_ =	strace $0x80000055  }
0x71: {  	s22 =	simm.s32 $0x0;
	s23 =	rddreg [dreg:$0x3]  }
0x72: {  	[tilespmem:s22], [sflag:$0x3] =	stream.linear.gather [hbm4b:s23+s22], $0x100, $0x200038;
	[tilespmem:$0x1C400] =	vst v63  }
0x73: {  	s25 =	rddreg [dreg:$0x4]  }
0x74: {  	[tilespmem:s31], [sflag:$0x4] =	stream.linear.gather [hbm4b:s25+s22], $0x100, $0x200038;
	[tilespmem:$0x1C400] =	vst v63  }
0x75: {  	s24 =	rddreg [dreg:$0x5]  }
0x76: {  	[tilespmem:s0], [sflag:$0x5] =	stream.linear.gather [hbm4b:s24+s22], $0x100, $0x200038;
	[tilespmem:$0x1C400] =	vst v63  }
0x77: {  	s25 =	rddreg [dreg:$0x6]  }
0x78: {  	[tilespmem:s2], [sflag:$0x6] =	stream.linear.gather [hbm4b:s25+s22], $0x100, $0x200038;
	[tilespmem:$0x1C400] =	vst v63  }
0x79: {  	_ =	swait.ge [sflag:s7], $0x100  }
0x7a: {  	[sflag:s7] =	ssyncset.done $0x0  }
0x7b: {  	[sflag:s7] =	ssyncadd.s32 $0xFFFFFF00  }
0x7c: {  	[tilespmem:s29], [sflag:$0x1] =	stream.indirect.gather [hbm4b:s4+s8], $0x80, s22, s8, $0x2000b8;
	[tilespmem:$0x1C400] =	vst v63  }
0x7d: {  	_ =	swait.ge [sflag:s9], $0x100  }
0x7e: {  	[sflag:s9] =	ssyncset.done $0x0  }
0x7f: {  	[sflag:s9] =	ssyncadd.s32 $0xFFFFFF00  }
0x80: {  	[tilespmem:s10], [sflag:$0x2] =	stream.indirect.gather [hbm4b:s4+s8], $0x80, s31, s8, $0x2000b8;
	[tilespmem:$0x1C400] =	vst v63  }
.LBB2_4:
0x81: {  	_ =	swait.ge [sflag:s11], $0x4000  }
0x82: {  	[sflag:s11] =	ssyncset.done $0x0  }
0x83: {  	[sflag:s11] =	ssyncadd.s32 $0xFFFFC000  }
0x84: {  	[spmem:s1] =	stream.indirect.scatter.add.f32 [tilespmem:s29], [sflag:$0x7], $0x80, s8, s8, $0x2000b8;
	[tilespmem:$0x1C400] =	vst v63  }
0x85: {  	_ =	swait.ge [sflag:s30], $0x4000  }
0x86: {  	p0 =	seq.s32 s22, $0x980;
	[sflag:s30] =	ssyncset.done $0x0  }
0x87: {  	s23 =	sadd.s32 @!p0 s22, s20;
	s24 =	simm.s32 @!p0 $0x0;
	[sflag:s30] =	ssyncadd.s32 $0xFFFFC000  }
0x88: {  	[tilespmem:s24], [sflag:$0x3] =	stream.linear.gather @!p0 [hbm4b:s23+s24], $0x100, $0x200038;
	[tilespmem:$0x1C400] =	vst v63  }
0x89: {  	_ =	swait.ge [sflag:s12], $0x100  }
0x8a: {  	[sflag:s12] =	ssyncset.done $0x0  }
0x8b: {  	[sflag:s12] =	ssyncadd.s32 $0xFFFFFF00  }
0x8c: {  	[tilespmem:s29], [sflag:$0x1] =	stream.indirect.gather [hbm4b:s4+s8], $0x80, s0, s8, $0x2000b8;
	[tilespmem:$0x1C400] =	vst v63  }
0x8d: {  	_ =	swait.ge [sflag:s5], $0x4000  }
0x8e: {  	[sflag:s5] =	ssyncset.done $0x0  }
0x8f: {  	[sflag:s5] =	ssyncadd.s32 $0xFFFFC000  }
0x90: {  	[spmem:s1] =	stream.indirect.scatter.add.f32 [tilespmem:s10], [sflag:$0x7], $0x80, s13, s8, $0x2000b8;
	[tilespmem:$0x1C400] =	vst v63  }
0x91: {  	_ =	swait.ge [sflag:s30], $0x4000  }
0x92: {  	[sflag:s30] =	ssyncset.done $0x0  }
0x93: {  	s25 =	simm.s32 @!p0 $0x100;
	s23 =	sadd.s32 @!p0 s22, s19;
	[sflag:s30] =	ssyncadd.s32 $0xFFFFC000  }
0x94: {  	[tilespmem:s25], [sflag:$0x4] =	stream.linear.gather @!p0 [hbm4b:s23+s24], $0x100, $0x200038;
	[tilespmem:$0x1C400] =	vst v63  }
0x95: {  	_ =	swait.ge [sflag:s14], $0x100  }
0x96: {  	[sflag:s14] =	ssyncset.done $0x0  }
0x97: {  	[sflag:s14] =	ssyncadd.s32 $0xFFFFFF00  }
0x98: {  	[tilespmem:s10], [sflag:$0x2] =	stream.indirect.gather [hbm4b:s4+s8], $0x80, s2, s8, $0x2000b8;
	[tilespmem:$0x1C400] =	vst v63  }
0x99: {  	_ =	swait.ge [sflag:s11], $0x4000  }
0x9a: {  	[sflag:s11] =	ssyncset.done $0x0  }
.Ltmp3:
0x9b: {  	[sflag:s11] =	ssyncadd.s32 $0xFFFFC000;
	(pc) =	sbr.rel @p0 .LBB2_6-.Ltmp3, $4  }
0x9c: {  	[spmem:s1] =	stream.indirect.scatter.add.f32 [tilespmem:s29], [sflag:$0x7], $0x80, s15, s8, $0x2000b8;
	[tilespmem:$0x1C400] =	vst v63  }
0x9d: {  	_ =	swait.ge [sflag:s30], $0x4000  }
0x9e: {  	[sflag:s30] =	ssyncset.done $0x0  }
0x9f: {  	[sflag:s30] =	ssyncadd.s32 $0xFFFFC000  }
0xa0: {  	s23 =	sadd.s32 s22, s18  }
0xa1: {  	[tilespmem:s0], [sflag:$0x5] =	stream.linear.gather [hbm4b:s23+s3], $0x100, $0x200038;
	[tilespmem:$0x1C400] =	vst v63  }
0xa2: {  	_ =	swait.ge [sflag:s7], $0x100  }
0xa3: {  	[sflag:s7] =	ssyncset.done $0x0  }
0xa4: {  	[sflag:s7] =	ssyncadd.s32 $0xFFFFFF00  }
0xa5: {  	[tilespmem:s29], [sflag:$0x1] =	stream.indirect.gather [hbm4b:s4+s8], $0x80, s3, s8, $0x2000b8;
	[tilespmem:$0x1C400] =	vst v63  }
0xa6: {  	_ =	swait.ge [sflag:s5], $0x4000  }
0xa7: {  	[sflag:s5] =	ssyncset.done $0x0  }
0xa8: {  	[sflag:s5] =	ssyncadd.s32 $0xFFFFC000  }
0xa9: {  	[spmem:s1] =	stream.indirect.scatter.add.f32 [tilespmem:s10], [sflag:$0x7], $0x80, s16, s8, $0x2000b8;
	[tilespmem:$0x1C400] =	vst v63  }
0xaa: {  	_ =	swait.ge [sflag:s30], $0x4000  }
0xab: {  	[sflag:s30] =	ssyncset.done $0x0  }
0xac: {  	s25 =	sadd.s32 s22, s17;
	[sflag:s30] =	ssyncadd.s32 $0xFFFFC000  }
0xad: {  	[tilespmem:s2], [sflag:$0x6] =	stream.linear.gather [hbm4b:s25+s3], $0x100, $0x200038;
	[tilespmem:$0x1C400] =	vst v63  }
.Ltmp4:
0xae: {  	_ = 	snop;
	(pc) =	sbr.rel .LBB2_4-.Ltmp4, $4  }
0xaf: {  	_ =	swait.ge [sflag:s9], $0x100  }
0xb0: {  	[sflag:s9] =	ssyncset.done $0x0  }
0xb1: {  	s22 =	sadd.s32 $0x80, s22;
	[sflag:s9] =	ssyncadd.s32 $0xFFFFFF00  }
0xb2: {  	[tilespmem:s10], [sflag:$0x2] =	stream.indirect.gather [hbm4b:s4+s8], $0x80, s31, s8, $0x2000b8;
	[tilespmem:$0x1C400] =	vst v63  }
.LBB2_7:
0xb3: {  	_ =	sfence.sel $0x180000  }
0xb4: {  	[bflag:$0x0] =	sbarrier.arrive $0xFFFF  }
0xb5: {  	_ =	strace $0x90000053  }
0xb6: {  	s0 =	stileid.u32;
	[bflag:$0x2] =	sbarrier.arrive $0xFFFF  }
0xb7: {  	p0 =	sne.s32 s0, $0x0;
	s0 =	rddreg [dreg:$0x2]  }
0xb8: {  	s0 =	sadd.s32 @!p0 $0x100000, s0  }
0xb9: {  	[sflag:s0] =	ssyncadd.tile.s32 @!p0 $0x1;
	_ =	shalt  }
.Lfunc_end2:
_tile_overlayer_lowered:
.L_overlay_start_2:
0xba: {  	(tag) =	ssettag $0x2  }
0xbb: {  	s0 =	rddreg [dreg:$0x0];
	s2 =	stileid.u32  }
0xbc: {  	s1 =	rddreg [dreg:$0x1];
	p0 =	sne.s32 s2, $0x0  }
0xbd: {  	s3 =	rddreg [dreg:$0x2];
	[bflag:$0x3] =	sbarrier.arrive $0xFFFF;
	s2 =	simm.s32 @!p0 $0x1C07  }
0xbe: {  	[timem:s3], [sflag:s2] =	dma.local @!p0 [hbm:s0], s1  }
0xbf: {  	s0 =	simm.s32 @!p0 $0x7  }
0xc0: {  	_ =	swait.ge @!p0 [sflag:s0], s1  }
0xc1: {  	s1 =	ssub.s32 @!p0 $0x0, s1;
	[sflag:s0] =	ssyncset.done @!p0 $0x0  }
0xc2: {  	[sflag:s0] =	ssyncadd.s32 @!p0 s1  }
0xc3: {  	[bflag:$0x3] =	sbarrier.arrive $0xFFFF  }
0xc4: {  	_ =	shalt  }

// kernel: kernel.9.cloned.1.call-start
scs
__scs_entry_jumppad:
0x0: {  	(pc) =	sbr.rel $0x88, $3  }
0x1: {  	(tag) =	ssettag $0x0;
	lr =	simm.s32 $0x1  }
0x2: {  	[smem:$0x3F98] =	sst lr;
	_ =	strace $0xD0000000  }
0x3: {  	_ = 	snop  }
0x4: {  	_ = 	snop  }
0x5: {  	_ = 	snop  }
0x6: {  	_ = 	snop  }
0x7: {  	_ = 	snop  }
__scs_overlays_trampoline_lowered:
0x8: {  	[smem:$0x3FA7] =	sst s0  }
0x9: {  	[smem:$0x3FA8] =	sst s1  }
0xa: {  	[smem:$0x3FA9] =	sst s2  }
0xb: {  	[smem:$0x3FAA] =	sst s3  }
0xc: {  	[smem:$0x3FAB] =	sst s4  }
0xd: {  	[smem:$0x3FAC] =	sst s5  }
0xe: {  	[smem:$0x3FAD] =	sst s6  }
0xf: {  	[smem:$0x3FAE] =	sst s7  }
0x10: {  	[smem:$0x3FAF] =	sst s8  }
0x11: {  	[smem:$0x3FB0] =	sst s9;
	s0 =	simm.s32 @!p0 $0x0  }
0x12: {  	s1 =	sld [smem:$0x3F96];
	s0 =	simm.s32 @p0 $0x1  }
0x13: {  	[smem:$0x3FB1] =	sst s0;
	s0 =	simm.s32 @!p1 $0x0  }
0x14: {  	s2 =	sld [smem:$0x3F95];
	s0 =	simm.s32 @p1 $0x1  }
0x15: {  	[smem:$0x3FB2] =	sst s0;
	s0 =	simm.s32 @!p2 $0x0  }
0x16: {  	s3 =	sld [smem:$0x3FDB];
	s0 =	simm.s32 @p2 $0x1  }
0x17: {  	s4 =	simm.s32 $0x1BF5;
	[smem:$0x3FB4] =	sst s0  }
0x18: {  	s0 =	sld [smem:$0x3F97];
	_ =	swait.ge [sflag:s4], $0x0  }
0x19: {  	s7 =	sld [smem:$0x3F98]  }
0x1a: {  	s8 =	sadd.s32 $0xFFFFE003, lr  }
0x1b: {  	s9 =	sadd.s32 $0xFFFFFEF7, lr;
	s5 =	simm.s32 $0xFFFFFFFF;
	p2 =	slt.u32 s8, $0xFFFFF086  }
0x1c: {  	p1 =	slt.u32 s9, $0xF7A;
	s5 =	simm.s32 @!p2 $0x0  }
0x1d: {  	s5 =	simm.s32 @p1 $0x1;
	p0 =	seq.s32 s7, s2  }
0x1e: {  	s7 =	smul.u32 @!p0 $0xF7A, s2;
	p2 =	seq.s32 @!p0 s5, $0x0  }
0x1f: {  	s9 =	smul.u32 $0xF7A, s1;
	s8 =	simm.s32 @!p0 $0x1BF5;
	p2 =	por !p2, p0  }
0x20: {  	[sflag:s8] =	ssyncset.s32 @!p0 $0xFFFFF086;
	s6 =	sadd.s32 @!p0 s3, s7;
	s7 =	simm.s32 @!p0 $0x108  }
0x21: {  	s3 =	sadd.s32 s3, s9;
	s6 =	sadd.s32 @!p0 $0x88, s6;
	s7 =	simm.s32 @p2 $0x1082  }
0x22: {  	[simem:s7], [sflag:s8] =	dma.local @!p0 [hbm:s6], $0xF7A  }
0x23: {  	s9 =	sor.u32 $0xD0000000, s2;
	s6 =	simm.s32 $0x108;
	_ =	swait.ge @!p0 [sflag:s8], $0x0  }
0x24: {  	s3 =	sadd.s32 $0x88, s3;
	s6 =	simm.s32 @!p1 $0x1082;
	[sflag:s4] =	ssyncset.s32 $0xFFFFF086  }
0x25: {  	[simem:s6], [sflag:s4] =	dma.local [hbm:s3], $0xF7A  }
0x26: {  	[smem:$0x3F98] =	sst s1;
	(tag) =	ssettag s2;
	_ =	strace s9  }
0x27: {  	s1 =	sld [smem:$0x3FA8]  }
0x28: {  	s2 =	sld [smem:$0x3FA9]  }
0x29: {  	s4 =	sld [smem:$0x3FAB]  }
0x2a: {  	p0 =	seq.s32 s5, $0x0;
	s5 =	sld [smem:$0x3FAC]  }
0x2b: {  	s6 =	sld [smem:$0x3FAD]  }
0x2c: {  	s7 =	sld [smem:$0x3FAE]  }
0x2d: {  	s3 =	simm.s32 $0x108;
	s8 =	sld [smem:$0x3FAF]  }
0x2e: {  	s3 =	simm.s32 @!p0 $0x1082;
	s9 =	sld [smem:$0x3FB0]  }
0x2f: {  	lr =	sadd.s32 s0, s3;
	s0 =	sld [smem:$0x3FA7]  }
0x30: {  	s3 =	sld [smem:$0x3FAA]  }
0x31: {  	[smem:$0x3FB3] =	sst s10  }
0x32: {  	s10 =	sld [smem:$0x3FB1];
	_ =	sdelay $0x3  }
0x33: {  	p0 =	seq.s32 s10, $0x1;
	s10 =	sld [smem:$0x3FB3];
	_ =	sdelay $0x3  }
0x34: {  	[smem:$0x3FB3] =	sst s10  }
0x35: {  	s10 =	sld [smem:$0x3FB2];
	_ =	sdelay $0x3  }
0x36: {  	p1 =	seq.s32 s10, $0x1;
	s10 =	sld [smem:$0x3FB3];
	_ =	sdelay $0x3  }
0x37: {  	[smem:$0x3FB3] =	sst s10  }
0x38: {  	s10 =	sld [smem:$0x3FB4]  }
0x39: {  	_ = 	snop;
	(pc) =	sbr.ind lr, $3  }
0x3a: {  	_ = 	snop  }
0x3b: {  	_ = 	snop  }
0x3c: {  	p2 =	seq.s32 s10, $0x1;
	s10 =	sld [smem:$0x3FB3]  }
0x3d: {  	_ =	shalt  }
0x3e: {  	_ =	shalt  }
0x3f: {  	_ =	shalt  }
0x40: {  	_ =	shalt  }
0x41: {  	_ =	shalt  }
0x42: {  	_ =	shalt  }
0x43: {  	_ =	shalt  }
0x44: {  	_ =	shalt  }
0x45: {  	_ =	shalt  }
0x46: {  	_ =	shalt  }
0x47: {  	_ =	shalt  }
0x48: {  	_ =	shalt  }
0x49: {  	_ =	shalt  }
0x4a: {  	_ =	shalt  }
0x4b: {  	_ =	shalt  }
0x4c: {  	_ =	shalt  }
0x4d: {  	_ =	shalt  }
0x4e: {  	_ =	shalt  }
0x4f: {  	_ =	shalt  }
0x50: {  	_ =	shalt  }
0x51: {  	_ =	shalt  }
0x52: {  	_ =	shalt  }
0x53: {  	_ =	shalt  }
0x54: {  	_ =	shalt  }
0x55: {  	_ =	shalt  }
0x56: {  	_ =	shalt  }
0x57: {  	_ =	shalt  }
0x58: {  	_ =	shalt  }
0x59: {  	_ =	shalt  }
0x5a: {  	_ =	shalt  }
0x5b: {  	_ =	shalt  }
0x5c: {  	_ =	shalt  }
0x5d: {  	_ =	shalt  }
0x5e: {  	_ =	shalt  }
0x5f: {  	_ =	shalt  }
0x60: {  	_ =	shalt  }
0x61: {  	_ =	shalt  }
0x62: {  	_ =	shalt  }
0x63: {  	_ =	shalt  }
0x64: {  	_ =	shalt  }
0x65: {  	_ =	shalt  }
0x66: {  	_ =	shalt  }
0x67: {  	_ =	shalt  }
0x68: {  	_ =	shalt  }
0x69: {  	_ =	shalt  }
0x6a: {  	_ =	shalt  }
0x6b: {  	_ =	shalt  }
0x6c: {  	_ =	shalt  }
0x6d: {  	_ =	shalt  }
0x6e: {  	_ =	shalt  }
0x6f: {  	_ =	shalt  }
0x70: {  	_ =	shalt  }
0x71: {  	_ =	shalt  }
0x72: {  	_ =	shalt  }
0x73: {  	_ =	shalt  }
0x74: {  	_ =	shalt  }
0x75: {  	_ =	shalt  }
0x76: {  	_ =	shalt  }
0x77: {  	_ =	shalt  }
0x78: {  	_ =	shalt  }
0x79: {  	_ =	shalt  }
0x7a: {  	_ =	shalt  }
0x7b: {  	_ =	shalt  }
0x7c: {  	_ =	shalt  }
0x7d: {  	_ =	shalt  }
0x7e: {  	_ =	shalt  }
0x7f: {  	_ =	shalt  }
0x80: {  	_ =	shalt  }
0x81: {  	_ =	shalt  }
0x82: {  	_ =	shalt  }
0x83: {  	_ =	shalt  }
0x84: {  	_ =	shalt  }
0x85: {  	_ =	shalt  }
0x86: {  	_ =	shalt  }
0x87: {  	_ =	shalt  }
.Lfunc_end0:
.L_simem_size_0:
called_computation_lowered:
.L_overlay_start_0:
0x88: {  	s2 =	sld [smem:$0x3FD9]  }
0x89: {  	s3 =	sld [smem:$0x3FFE];
	_ =	sdelay $0x1  }
0x8a: {  	s1 =	srdreg.scid  }
0x8b: {  	s0 =	sand.u32 $0x1, s1  }
0x8c: {  	s16 =	sshll.u32 s0, $0xA;
	s2 =	sadd.s32 s3, s2  }
0x8d: {  	s2 =	sadd.s32 s2, s16  }
0x8e: {  	[smem:$0x3FBF] =	sst s2  }
0x8f: {  	_ = 	snop  }
0x90: {  	(tm) =	ssettm $0x1  }
0x91: {  	s17 =	sld [smem:$0x3FFB];
	_ =	sdelay $0x3  }
0x92: {  	_ =	strace s17  }
0x93: {  	s2 =	sld [smem:$0x3FFC];
	_ =	sdelay $0x3  }
0x94: {  	_ =	strace s2  }
0x95: {  	s2 =	sld [smem:$0x3FFD];
	_ =	sdelay $0x3  }
0x96: {  	_ =	strace s2  }
0x97: {  	_ =	strace $0x8FFFFFFF  }
0x98: {  	s18 =	sld [smem:$0x3FDB];
	_ =	sdelay $0x1  }
0x99: {  	s19 =	simm.s32 $_scs_section_size  }
0x9a: {  	s4 =	simm.s32 $_size__tile_overlayer_lowered;
	s5 =	simm.s32 $_tile_overlayer_lowered  }
0x9b: {  	s22 =	simm.s32 $0x1BFF;
	s21 =	sshll.u32 s5, $0x1;
	s2 =	sadd.s32 s19, s18  }
0x9c: {  	s6 =	simm.s32 $0x0;
	s20 =	sshll.u32 s4, $0x1;
	s4 =	sadd.s32 s21, s2  }
0x9d: {  	[timem:s6], [sflag:s22] =	dma.local [hbm:s4], s20  }
0x9e: {  	_ =	swait.ge [sflag:s22], s20  }
0x9f: {  	s3 =	ssub.s32 $0x0, s20;
	[sflag:s22] =	ssyncset.done $0x0  }
0xa0: {  	[sflag:s22] =	ssyncadd.s32 s3;
	_ =	sdelay $0x1  }
0xa1: {  	s23 =	simm.s32 $0x1B8B  }
0xa2: {  	_ =	swait.ge [sflag:s23], $0x1  }
0xa3: {  	[sflag:s23] =	ssyncset.done $0x0  }
0xa4: {  	s25 =	simm.s32 $0x1B8E;
	s24 =	sld [smem:$0x3FFE];
	[sflag:s23] =	ssyncadd.s32 $0xFFFFFFFF  }
0xa5: {  	s26 =	simm.s32 $execute0_lowered;
	[smem:$0x3FD2] =	sst s25  }
0xa6: {  	s4 =	sshll.u32 s26, $0x1;
	_ =	strace $0x80000046;
	[dreg:$0x1] =	wrdreg $0xFFFFFFFF  }
0xa7: {  	s28 =	simm.s32 $_size_execute0_lowered;
	s2 =	sadd.s32 s2, s4;
	[dreg:$0x0] =	wrdreg $0x0  }
0xa8: {  	s4 =	sshll.u32 s28, $0x1;
	[dreg:$0x2] =	wrdreg s2  }
0xa9: {  	[dreg:$0x3] =	wrdreg s4  }
0xaa: {  	[dreg:$0x4] =	wrdreg $0xC0  }
0xab: {  	_ =	task [dreg:s6], $0x5FFFF  }
0xac: {  	[dreg:$0x1] =	wrdreg $0xFFFFFFFF  }
0xad: {  	[dreg:$0x0] =	wrdreg $0x60  }
0xae: {  	[dreg:$0x2] =	wrdreg s24  }
0xaf: {  	[dreg:$0x3] =	wrdreg $0x84000  }
0xb0: {  	[dreg:$0x4] =	wrdreg $0x9  }
0xb1: {  	_ =	task.clear_ibuf [dreg:s6], $0x5FFFF;
	_ =	strace $0x90000046  }
0xb2: {  	s29 =	simm.s32 $0x9;
	_ =	strace $0x8000004B  }
0xb3: {  	_ =	swait.ge [sflag:s29], $0x1  }
0xb4: {  	[sflag:s29] =	ssyncadd.s32 $0xFFFFFFFF  }
0xb5: {  	_ =	strace $0x9000004B  }
0xb6: {  	_ =	sfence  }
0xb7: {  	s30 =	sld [smem:$0x0];
	_ =	sdelay $0x2  }
0xb8: {  	s31 =	sshll.u32 s1, $0xD;
	s1 =	sshrl.u32 s1, $0x2  }
0xb9: {  	s3 =	sand.u32 $0x4000, s31;
	s1 =	sadd.s32 s1, s30  }
0xba: {  	s0 =	sor.u32 s3, s0;
	s1 =	sshll.u32 s1, $0x11  }
0xbb: {  	s0 =	sor.u32 s1, s0  }
0xbc: {  	s0 =	sadd.s32 $0x8F2B, s0  }
0xbd: {  	[sflag:s0] =	ssyncadd.remote.s32 $0x1  }
0xbe: {  	_ =	sfence.sel $0xFFFF  }
0xbf: {  	[dreg:$0x0] =	wrdreg $0xFFFFFFFF;
	(pc) =	sbr.abs _section_cstart, $3  }
0xc0: {  	[dreg:$0x1] =	wrdreg $0xFFFFFFFF  }
0xc1: {  	_ =	task.clear_ibuf [dreg:s6], $0x2FFFF;
	_ =	strace $0x9FFFFFFF  }
0xc2: {  	(tm) =	ssettm $0x7FFFFFFF  }
0xc3: {  	_ =	shalt  }
tec
execute0_lowered:
.L_overlay_start_1:
0x0: {  	(tag) =	ssettag $0x1  }
0x1: {  	s0 =	rddreg [dreg:$0x0]  }
0x2: {  	s1 =	rddreg [dreg:$0x1];
	s3 =	simm.s32 $0x0  }
0x3: {  	s2 =	srdreg.scid;
	s11 =	stileid.u32;
	s29 =	simm.s32 $0x400  }
0x4: {  	s30 =	simm.s32 $0x7;
	s31 =	simm.s32 $0x100;
	s6 =	smul.u32 $0x5000, s11  }
0x5: {  	[smem:$0x7FF] =	sst s3;
	s2 =	sand.u32 $0x1, s2;
	s9 =	smul.u32 $0x50000, s11  }
0x6: {  	s4 =	sadd.s32 $0x17800, s0;
	s7 =	sadd.s32 $0x3800, s0;
	s18 =	smul.u32 $0x14000, s11  }
0x7: {  	s0 =	sadd.s32 $0x3EA00, s0;
	s5 =	smul.u32 $0x50000, s2;
	s8 =	ssub.s32 $0x2, s2  }
0x8: {  	_ =	strace $0x80000047;
	s2 =	smul.u32 $0x140000, s2;
	s17 =	sshrl.u32 s8, $0x1  }
0x9: {  	s9 =	sshrl.u32 s9, $0x2;
	s11 =	sadd.s32 $0x4000, s18;
	s24 =	sadd.s32 $0x8000, s18  }
0xa: {  	s13 =	sadd.s32 $0xC000, s18;
	s5 =	sadd.s32 s6, s5;
	s8 =	ssub.s32 s8, s17  }
0xb: {  	s6 =	sadd.s32 s9, s1;
	s21 =	sadd.s32 s18, s2;
	s22 =	sadd.s32 s2, s11  }
0xc: {  	s25 =	sadd.s32 s2, s24;
	s11 =	sadd.s32 s11, s1;
	s14 =	sadd.s32 s2, s13  }
0xd: {  	s10 =	sshrl.u32 s5, $0x3;
	s9 =	sshrl.u32 s21, $0x3;
	s23 =	sshrl.u32 s22, $0x3  }
0xe: {  	s26 =	sshrl.u32 s14, $0x3;
	s14 =	sadd.s32 s13, s1;
	s15 =	sor.u32 $0x700, s5  }
0xf: {  	s8 =	smax.u32 s8, $0x1;
	s21 =	sor.u32 $0x600, s5;
	s22 =	sor.u32 $0x500, s5  }
0x10: {  	s5 =	sor.u32 $0x400, s5;
	s28 =	sadd.s32 $0x10000, s6;
	s13 =	simm.s32 $0x180  }
0x11: {  	s12 =	sadd.s32 s7, s10;
	s9 =	sadd.s32 s0, s9;
	[dreg:$0xc] =	wrdreg s8  }
0x12: {  	s10 =	sadd.s32 $0x10000, s18;
	s8 =	sshrl.u32 s22, $0x3;
	[dreg:$0x3] =	wrdreg s12  }
0x13: {  	s5 =	sshrl.u32 s5, $0x3;
	s19 =	sadd.s32 $0x20, s12;
	[dreg:$0x7] =	wrdreg s9  }
0x14: {  	s20 =	sadd.s32 $0x40, s12;
	s12 =	sadd.s32 $0x60, s12;
	[dreg:$0x4] =	wrdreg s19  }
0x15: {  	s9 =	sadd.s32 s0, s23;
	s2 =	sadd.s32 s2, s10;
	[dreg:$0x5] =	wrdreg s20  }
0x16: {  	s16 =	sadd.s32 s10, s1;
	s23 =	sadd.s32 $0x8000, s6;
	[dreg:$0x6] =	wrdreg s12  }
0x17: {  	s10 =	simm.s32 $0x4400;
	[dreg:$0x8] =	wrdreg s9;
	s9 =	sshrl.u32 s25, $0x3  }
0x18: {  	s12 =	sadd.s32 s24, s1;
	s2 =	sshrl.u32 s2, $0x3;
	s19 =	sshrl.u32 s15, $0x3  }
0x19: {  	s20 =	sadd.s32 $0x4000, s6;
	[dreg:$0xe] =	wrdreg s23;
	s24 =	sshrl.u32 s11, $0x3  }
0x1a: {  	s11 =	simm.s32 $0x1;
	s15 =	simm.s32 $0x280;
	s9 =	sadd.s32 s0, s9  }
0x1b: {  	[dreg:$0xd] =	wrdreg s20;
	s17 =	sadd.s32 s19, s7;
	s19 =	sadd.s32 s8, s7  }
0x1c: {  	s20 =	sadd.s32 s5, s7;
	[dreg:$0xf] =	wrdreg s24;
	s25 =	sshrl.u32 s12, $0x3  }
0x1d: {  	s8 =	simm.s32 $0x80;
	s12 =	simm.s32 $0x5;
	s5 =	simm.s32 $0x2  }
0x1e: {  	[dreg:$0x9] =	wrdreg s9;
	s9 =	sadd.s32 s0, s26;
	s0 =	sadd.s32 s0, s2  }
0x1f: {  	s2 =	sshrl.u32 s21, $0x3;
	[dreg:$0x10] =	wrdreg s25;
	s26 =	sshrl.u32 s14, $0x3  }
.Ltmp0:
0x20: {  	s14 =	simm.s32 $0x6;
	[dreg:$0xa] =	wrdreg s9;
	(pc) =	sbr.rel .LBB2_1-.Ltmp0, $4  }
0x21: {  	s21 =	simm.s32 $0x0;
	[dreg:$0xb] =	wrdreg s0;
	s18 =	sadd.s32 s2, s7  }
0x22: {  	[dreg:$0x11] =	wrdreg s26;
	s0 =	sshrl.u32 s16, $0x3;
	s26 =	sadd.s32 $0xC000, s6  }
0x23: {  	s2 =	simm.s32 $0x300;
	s7 =	simm.s32 $0x3;
	s9 =	simm.s32 $0x4  }
0x24: {  	v0 =	vimm.f32 $0.0e+00;
	s16 =	simm.s32 $0x380;
	[dreg:$0x12] =	wrdreg s0;
	s0 =	simm.s32 $0x200  }
.LBB2_6:
0x25: {  	_ =	swait.ge [sflag:s5], $0x4000  }
0x26: {  	[sflag:s5] =	ssyncset.done $0x0  }
0x27: {  	[sflag:s5] =	ssyncadd.s32 $0xFFFFC000  }
0x28: {  	[spmem:s1] =	stream.indirect.scatter.add.f32 [tilespmem:s10], [sflag:$0x7], $0x80, s16, s8, $0x2000b8;
	[tilespmem:$0x1C400] =	vst v63  }
0x29: {  	_ =	swait.ge [sflag:s30], $0x4000  }
0x2a: {  	[sflag:s30] =	ssyncset.done $0x0  }
0x2b: {  	[sflag:s30] =	ssyncadd.s32 $0xFFFFC000  }
0x2c: {  	[bflag:$0x0] =	sbarrier.arrive $0xFFFF  }
0x2d: {  	s22 =	stileid.u32;
	_ =	strace $0x90000049  }
0x2e: {  	s22 =	sshll.u32 s22, $0x6;
	_ =	strace $0x8000004A  }
0x2f: {  	s23 =	sshrl.u32 s6, $0x3;
	s22 =	sor.u32 $0x1C07, s22;
	s24 =	rddreg [dreg:$0x7]  }
0x30: {  	[hbm:s24], [sflag:s22] =	dma.local [spmem:s23], $0x800  }
0x31: {  	_ =	swait.ge [sflag:s30], $0x800  }
0x32: {  	[sflag:s30] =	ssyncset.done $0x0;
	s24 =	rddreg [dreg:$0x8]  }
0x33: {  	s25 =	rddreg [dreg:$0xf];
	[sflag:s30] =	ssyncadd.s32 $0xFFFFF800  }
0x34: {  	[hbm:s24], [sflag:s22] =	dma.local [spmem:s25], $0x800  }
0x35: {  	_ =	swait.ge [sflag:s30], $0x800  }
0x36: {  	[sflag:s30] =	ssyncset.done $0x0;
	s24 =	rddreg [dreg:$0x9]  }
0x37: {  	s25 =	rddreg [dreg:$0x10];
	[sflag:s30] =	ssyncadd.s32 $0xFFFFF800  }
0x38: {  	[hbm:s24], [sflag:s22] =	dma.local [spmem:s25], $0x800  }
0x39: {  	_ =	swait.ge [sflag:s30], $0x800  }
0x3a: {  	[sflag:s30] =	ssyncset.done $0x0;
	s24 =	rddreg [dreg:$0xa]  }
0x3b: {  	s25 =	rddreg [dreg:$0x11];
	[sflag:s30] =	ssyncadd.s32 $0xFFFFF800  }
0x3c: {  	[hbm:s24], [sflag:s22] =	dma.local [spmem:s25], $0x800  }
0x3d: {  	_ =	swait.ge [sflag:s30], $0x800  }
0x3e: {  	[sflag:s30] =	ssyncset.done $0x0;
	s24 =	rddreg [dreg:$0xb]  }
0x3f: {  	s25 =	rddreg [dreg:$0x12];
	[sflag:s30] =	ssyncadd.s32 $0xFFFFF800  }
0x40: {  	[hbm:s24], [sflag:s22] =	dma.local [spmem:s25], $0x800  }
0x41: {  	_ =	swait.ge [sflag:s30], $0x800  }
0x42: {  	s21 =	sadd.s32 $0x1, s21;
	s25 =	rddreg [dreg:$0xc]  }
0x43: {  	p0 =	sne.s32 s21, s25  }
.Ltmp1:
0x44: {  	_ = 	snop;
	(pc) =	sbr.rel @!p0 .LBB2_7-.Ltmp1, $4  }
0x45: {  	_ = 	snop  }
0x46: {  	[sflag:s30] =	ssyncset.done $0x0  }
0x47: {  	[sflag:s30] =	ssyncadd.s32 $0xFFFFF800  }
0x48: {  	_ =	strace $0x9000004A  }
.LBB2_1:
0x49: {  	_ =	strace $0x80000048;
	s22 =	simm.s32 $0x0;
	s23 =	simm.s32 $0x200  }
.LBB2_2:
0x4a: {  	p0 =	seq.s32 s23, $0xFE00;
	[tilespmem:s22+$0x470] =	vst v0  }
0x4b: {  	[tilespmem:s22+$0x400] =	vst v0  }
0x4c: {  	[tilespmem:s22+$0x410] =	vst v0  }
.Ltmp2:
0x4d: {  	[tilespmem:s22+$0x420] =	vst v0;
	(pc) =	sbr.rel @!p0 .LBB2_2-.Ltmp2, $4  }
0x4e: {  	[tilespmem:s22+$0x430] =	vst v0  }
0x4f: {  	[tilespmem:s22+$0x440] =	vst v0  }
0x50: {  	[tilespmem:s22+$0x450] =	vst v0  }
0x51: {  	[tilespmem:s22+$0x460] =	vst v0;
	s22 =	sshra.s32 s23, $0x2;
	s23 =	sadd.s32 $0x200, s23  }
0x52: {  	[tilespmem:s22+$0x470] =	vst v0  }
0x53: {  	[tilespmem:s22+$0x400] =	vst v0  }
0x54: {  	[tilespmem:s22+$0x410] =	vst v0  }
0x55: {  	[tilespmem:s22+$0x420] =	vst v0  }
0x56: {  	[tilespmem:s22+$0x430] =	vst v0  }
0x57: {  	[tilespmem:s22+$0x440] =	vst v0  }
0x58: {  	[tilespmem:s22+$0x450] =	vst v0  }
0x59: {  	[tilespmem:s22+$0x460] =	vst v0  }
0x5a: {  	[spmem:s6] =	stream.linear.scatter [tilespmem:s29], [sflag:$0x7], $0x4000, $0x200038;
	[tilespmem:$0x1C400] =	vst v63  }
0x5b: {  	_ =	swait.ge [sflag:s30], $0x4000  }
0x5c: {  	[sflag:s30] =	ssyncset.done $0x0  }
0x5d: {  	s23 =	rddreg [dreg:$0xd];
	[sflag:s30] =	ssyncadd.s32 $0xFFFFC000  }
0x5e: {  	[spmem:s23] =	stream.linear.scatter [tilespmem:s29], [sflag:$0x7], $0x4000, $0x200038;
	[tilespmem:$0x1C400] =	vst v63  }
0x5f: {  	_ =	swait.ge [sflag:s30], $0x4000  }
0x60: {  	[sflag:s30] =	ssyncset.done $0x0  }
0x61: {  	s24 =	rddreg [dreg:$0xe];
	[sflag:s30] =	ssyncadd.s32 $0xFFFFC000  }
0x62: {  	[spmem:s24] =	stream.linear.scatter [tilespmem:s29], [sflag:$0x7], $0x4000, $0x200038;
	[tilespmem:$0x1C400] =	vst v63  }
0x63: {  	_ =	swait.ge [sflag:s30], $0x4000  }
0x64: {  	[sflag:s30] =	ssyncset.done $0x0  }
0x65: {  	[sflag:s30] =	ssyncadd.s32 $0xFFFFC000  }
0x66: {  	[spmem:s26] =	stream.linear.scatter [tilespmem:s29], [sflag:$0x7], $0x4000, $0x200038;
	[tilespmem:$0x1C400] =	vst v63  }
0x67: {  	_ =	swait.ge [sflag:s30], $0x4000  }
0x68: {  	[sflag:s30] =	ssyncset.done $0x0  }
0x69: {  	[sflag:s30] =	ssyncadd.s32 $0xFFFFC000  }
0x6a: {  	[spmem:s28] =	stream.linear.scatter [tilespmem:s29], [sflag:$0x7], $0x4000, $0x200038;
	[tilespmem:$0x1C400] =	vst v63  }
0x6b: {  	_ =	swait.ge [sflag:s30], $0x4000  }
0x6c: {  	[sflag:s30] =	ssyncset.done $0x0  }
0x6d: {  	[sflag:s30] =	ssyncadd.s32 $0xFFFFC000  }
0x6e: {  	[bflag:$0x0] =	sbarrier.arrive $0xFFFF  }
0x6f: {  	_ =	strace $0x90000048  }
0x70: {  	_ =	strace $0x80000049  }
0x71: {  	s22 =	simm.s32 $0x0;
	s23 =	rddreg [dreg:$0x3]  }
0x72: {  	[tilespmem:s22], [sflag:$0x3] =	stream.linear.gather [hbm4b:s23+s22], $0x100, $0x200038;
	[tilespmem:$0x1C400] =	vst v63  }
0x73: {  	s25 =	rddreg [dreg:$0x4]  }
0x74: {  	[tilespmem:s31], [sflag:$0x4] =	stream.linear.gather [hbm4b:s25+s22], $0x100, $0x200038;
	[tilespmem:$0x1C400] =	vst v63  }
0x75: {  	s24 =	rddreg [dreg:$0x5]  }
0x76: {  	[tilespmem:s0], [sflag:$0x5] =	stream.linear.gather [hbm4b:s24+s22], $0x100, $0x200038;
	[tilespmem:$0x1C400] =	vst v63  }
0x77: {  	s25 =	rddreg [dreg:$0x6]  }
0x78: {  	[tilespmem:s2], [sflag:$0x6] =	stream.linear.gather [hbm4b:s25+s22], $0x100, $0x200038;
	[tilespmem:$0x1C400] =	vst v63  }
0x79: {  	_ =	swait.ge [sflag:s7], $0x100  }
0x7a: {  	[sflag:s7] =	ssyncset.done $0x0  }
0x7b: {  	[sflag:s7] =	ssyncadd.s32 $0xFFFFFF00  }
0x7c: {  	[tilespmem:s29], [sflag:$0x1] =	stream.indirect.gather [hbm4b:s4+s8], $0x80, s22, s8, $0x2000b8;
	[tilespmem:$0x1C400] =	vst v63  }
0x7d: {  	_ =	swait.ge [sflag:s9], $0x100  }
0x7e: {  	[sflag:s9] =	ssyncset.done $0x0  }
0x7f: {  	[sflag:s9] =	ssyncadd.s32 $0xFFFFFF00  }
0x80: {  	[tilespmem:s10], [sflag:$0x2] =	stream.indirect.gather [hbm4b:s4+s8], $0x80, s31, s8, $0x2000b8;
	[tilespmem:$0x1C400] =	vst v63  }
.LBB2_4:
0x81: {  	_ =	swait.ge [sflag:s11], $0x4000  }
0x82: {  	[sflag:s11] =	ssyncset.done $0x0  }
0x83: {  	[sflag:s11] =	ssyncadd.s32 $0xFFFFC000  }
0x84: {  	[spmem:s1] =	stream.indirect.scatter.add.f32 [tilespmem:s29], [sflag:$0x7], $0x80, s8, s8, $0x2000b8;
	[tilespmem:$0x1C400] =	vst v63  }
0x85: {  	_ =	swait.ge [sflag:s30], $0x4000  }
0x86: {  	p0 =	seq.s32 s22, $0x980;
	[sflag:s30] =	ssyncset.done $0x0  }
0x87: {  	s23 =	sadd.s32 @!p0 s22, s20;
	s24 =	simm.s32 @!p0 $0x0;
	[sflag:s30] =	ssyncadd.s32 $0xFFFFC000  }
0x88: {  	[tilespmem:s24], [sflag:$0x3] =	stream.linear.gather @!p0 [hbm4b:s23+s24], $0x100, $0x200038;
	[tilespmem:$0x1C400] =	vst v63  }
0x89: {  	_ =	swait.ge [sflag:s12], $0x100  }
0x8a: {  	[sflag:s12] =	ssyncset.done $0x0  }
0x8b: {  	[sflag:s12] =	ssyncadd.s32 $0xFFFFFF00  }
0x8c: {  	[tilespmem:s29], [sflag:$0x1] =	stream.indirect.gather [hbm4b:s4+s8], $0x80, s0, s8, $0x2000b8;
	[tilespmem:$0x1C400] =	vst v63  }
0x8d: {  	_ =	swait.ge [sflag:s5], $0x4000  }
0x8e: {  	[sflag:s5] =	ssyncset.done $0x0  }
0x8f: {  	[sflag:s5] =	ssyncadd.s32 $0xFFFFC000  }
0x90: {  	[spmem:s1] =	stream.indirect.scatter.add.f32 [tilespmem:s10], [sflag:$0x7], $0x80, s13, s8, $0x2000b8;
	[tilespmem:$0x1C400] =	vst v63  }
0x91: {  	_ =	swait.ge [sflag:s30], $0x4000  }
0x92: {  	[sflag:s30] =	ssyncset.done $0x0  }
0x93: {  	s25 =	simm.s32 @!p0 $0x100;
	s23 =	sadd.s32 @!p0 s22, s19;
	[sflag:s30] =	ssyncadd.s32 $0xFFFFC000  }
0x94: {  	[tilespmem:s25], [sflag:$0x4] =	stream.linear.gather @!p0 [hbm4b:s23+s24], $0x100, $0x200038;
	[tilespmem:$0x1C400] =	vst v63  }
0x95: {  	_ =	swait.ge [sflag:s14], $0x100  }
0x96: {  	[sflag:s14] =	ssyncset.done $0x0  }
0x97: {  	[sflag:s14] =	ssyncadd.s32 $0xFFFFFF00  }
0x98: {  	[tilespmem:s10], [sflag:$0x2] =	stream.indirect.gather [hbm4b:s4+s8], $0x80, s2, s8, $0x2000b8;
	[tilespmem:$0x1C400] =	vst v63  }
0x99: {  	_ =	swait.ge [sflag:s11], $0x4000  }
0x9a: {  	[sflag:s11] =	ssyncset.done $0x0  }
.Ltmp3:
0x9b: {  	[sflag:s11] =	ssyncadd.s32 $0xFFFFC000;
	(pc) =	sbr.rel @p0 .LBB2_6-.Ltmp3, $4  }
0x9c: {  	[spmem:s1] =	stream.indirect.scatter.add.f32 [tilespmem:s29], [sflag:$0x7], $0x80, s15, s8, $0x2000b8;
	[tilespmem:$0x1C400] =	vst v63  }
0x9d: {  	_ =	swait.ge [sflag:s30], $0x4000  }
0x9e: {  	[sflag:s30] =	ssyncset.done $0x0  }
0x9f: {  	[sflag:s30] =	ssyncadd.s32 $0xFFFFC000  }
0xa0: {  	s23 =	sadd.s32 s22, s18  }
0xa1: {  	[tilespmem:s0], [sflag:$0x5] =	stream.linear.gather [hbm4b:s23+s3], $0x100, $0x200038;
	[tilespmem:$0x1C400] =	vst v63  }
0xa2: {  	_ =	swait.ge [sflag:s7], $0x100  }
0xa3: {  	[sflag:s7] =	ssyncset.done $0x0  }
0xa4: {  	[sflag:s7] =	ssyncadd.s32 $0xFFFFFF00  }
0xa5: {  	[tilespmem:s29], [sflag:$0x1] =	stream.indirect.gather [hbm4b:s4+s8], $0x80, s3, s8, $0x2000b8;
	[tilespmem:$0x1C400] =	vst v63  }
0xa6: {  	_ =	swait.ge [sflag:s5], $0x4000  }
0xa7: {  	[sflag:s5] =	ssyncset.done $0x0  }
0xa8: {  	[sflag:s5] =	ssyncadd.s32 $0xFFFFC000  }
0xa9: {  	[spmem:s1] =	stream.indirect.scatter.add.f32 [tilespmem:s10], [sflag:$0x7], $0x80, s16, s8, $0x2000b8;
	[tilespmem:$0x1C400] =	vst v63  }
0xaa: {  	_ =	swait.ge [sflag:s30], $0x4000  }
0xab: {  	[sflag:s30] =	ssyncset.done $0x0  }
0xac: {  	s25 =	sadd.s32 s22, s17;
	[sflag:s30] =	ssyncadd.s32 $0xFFFFC000  }
0xad: {  	[tilespmem:s2], [sflag:$0x6] =	stream.linear.gather [hbm4b:s25+s3], $0x100, $0x200038;
	[tilespmem:$0x1C400] =	vst v63  }
.Ltmp4:
0xae: {  	_ = 	snop;
	(pc) =	sbr.rel .LBB2_4-.Ltmp4, $4  }
0xaf: {  	_ =	swait.ge [sflag:s9], $0x100  }
0xb0: {  	[sflag:s9] =	ssyncset.done $0x0  }
0xb1: {  	s22 =	sadd.s32 $0x80, s22;
	[sflag:s9] =	ssyncadd.s32 $0xFFFFFF00  }
0xb2: {  	[tilespmem:s10], [sflag:$0x2] =	stream.indirect.gather [hbm4b:s4+s8], $0x80, s31, s8, $0x2000b8;
	[tilespmem:$0x1C400] =	vst v63  }
.LBB2_7:
0xb3: {  	_ =	sfence.sel $0x180000  }
0xb4: {  	[bflag:$0x0] =	sbarrier.arrive $0xFFFF  }
0xb5: {  	_ =	strace $0x90000047  }
0xb6: {  	s0 =	stileid.u32;
	[bflag:$0x2] =	sbarrier.arrive $0xFFFF  }
0xb7: {  	p0 =	sne.s32 s0, $0x0;
	s0 =	rddreg [dreg:$0x2]  }
0xb8: {  	s0 =	sadd.s32 @!p0 $0x100000, s0  }
0xb9: {  	[sflag:s0] =	ssyncadd.tile.s32 @!p0 $0x1;
	_ =	shalt  }
.Lfunc_end2:
_tile_overlayer_lowered:
.L_overlay_start_2:
0xba: {  	(tag) =	ssettag $0x2  }
0xbb: {  	s0 =	rddreg [dreg:$0x0];
	s2 =	stileid.u32  }
0xbc: {  	s1 =	rddreg [dreg:$0x1];
	p0 =	sne.s32 s2, $0x0  }
0xbd: {  	s3 =	rddreg [dreg:$0x2];
	[bflag:$0x3] =	sbarrier.arrive $0xFFFF;
	s2 =	simm.s32 @!p0 $0x1C07  }
0xbe: {  	[timem:s3], [sflag:s2] =	dma.local @!p0 [hbm:s0], s1  }
0xbf: {  	s0 =	simm.s32 @!p0 $0x7  }
0xc0: {  	_ =	swait.ge @!p0 [sflag:s0], s1  }
0xc1: {  	s1 =	ssub.s32 @!p0 $0x0, s1;
	[sflag:s0] =	ssyncset.done @!p0 $0x0  }
0xc2: {  	[sflag:s0] =	ssyncadd.s32 @!p0 s1  }
0xc3: {  	[bflag:$0x3] =	sbarrier.arrive $0xFFFF  }
0xc4: {  	_ =	shalt  }

</sc_bundles>
